<compile_context>
chip_gen: v7x
topology: tpu7x:2x2x1
jax: 0.10.2.dev20260603
libtpu: 0.0.44.dev20260713+nightly
codegen_flags: <defaults>
</compile_context>

<pallas_src>
import functools

import jax
import jax.numpy as jnp
from jax import lax
from jax.experimental import pallas as pl
from jax.experimental.pallas import tpu as pltpu
from jax.experimental.pallas import tpu_sc as plsc

B_ROWS = 16384
NJ = 20
DIM = 64
NC = 2
NS = 16
NW = NC * NS

BLK = 256
T_PER_J = B_ROWS // BLK
BLOCKS = NJ * T_PER_J
BLK_PER_W = BLOCKS // NW

_mesh = plsc.VectorSubcoreMesh(core_axis_name="c", subcore_axis_name="s")


@functools.partial(
    pl.kernel,
    out_type=jax.ShapeDtypeStruct((NJ, DIM // 8, B_ROWS // 128, 8, 128), jnp.float32),
    mesh=_mesh,
    scratch_types=[
        pltpu.VMEM((4, 2, 128), jnp.int32),
        pltpu.VMEM((4, BLK, DIM), jnp.float32),
        pltpu.VMEM((2, 8, BLK // 128, 12, 129), jnp.float32),
        pltpu.SemaphoreType.DMA,
        pltpu.SemaphoreType.DMA,
        pltpu.SemaphoreType.DMA,
        pltpu.SemaphoreType.DMA,
        pltpu.SemaphoreType.DMA,
        pltpu.SemaphoreType.DMA,
    ],
    compiler_params=pltpu.CompilerParams(
        use_tc_tiling_on_sc=False, needs_layout_passes=False
    ),
)
def _embed(
    x_hbm, table_hbm, out_hbm, idx_v, rows_v, tp_v,
    gsem0, gsem1, gsem2, gsem3, wsem0, wsem1,
):
    wid = lax.axis_index("s") * NC + lax.axis_index("c")
    gsems = (gsem0, gsem1, gsem2, gsem3)
    wsems = (wsem0, wsem1)
    iota16 = lax.iota(jnp.int32, 16)

    def fire(k, db):
        b = wid * BLK_PER_W + k
        j = b // T_PER_J
        t = b % T_PER_J
        pltpu.sync_copy(
            x_hbm.at[j // 8, pl.ds(2 * t, 2), j % 8], idx_v.at[db]
        )
        for c in range(2):
            pltpu.async_copy(
                table_hbm.at[idx_v.at[db, c]],
                rows_v.at[db, pl.ds(128 * c, 128)],
                gsems[db],
            )

    s_vec = iota16 & 7
    ts_vecs = [(iota16 >> 3) + 2 * k for k in range(4)]

    def transpose_block(db, tb):
        tbv = jnp.full((16,), tb, jnp.int32)

        @plsc.parallel_loop(0, 128, unroll=4)
        def _(i0):
            lv = jnp.full((16,), i0, jnp.int32)
            for tlq in range(BLK // 128):
                row = i0 + 128 * tlq
                tv = jnp.full((16,), tlq, jnp.int32)
                for k in range(4):
                    vals = rows_v[db, row, pl.ds(16 * k, 16)]
                    plsc.store_scatter(
                        tp_v, [tbv, ts_vecs[k], tv, s_vec, lv], vals
                    )

    def run_block(k, db):
        for _ in range(2):
            pltpu.make_async_copy(
                table_hbm.at[idx_v.at[db, 0]],
                rows_v.at[db, pl.ds(0, 128)],
                gsems[db],
            ).wait()

        @pl.when(k + 2 < BLK_PER_W)
        def _():
            fire(k + 2, (db + 2) % 4)

        tb = db % 2
        @pl.when(k >= 2)
        def _():
            pltpu.make_async_copy(
                tp_v.at[tb, :, :, pl.ds(0, 8), pl.ds(0, 128)], out_hbm.at[0, :, pl.ds(0, 2)], wsems[tb]
            ).wait()

        transpose_block(db, tb)

        b = wid * BLK_PER_W + k
        j = b // T_PER_J
        t = b % T_PER_J
        pltpu.async_copy(
            tp_v.at[tb, :, :, pl.ds(0, 8), pl.ds(0, 128)],
            out_hbm.at[j, :, pl.ds(2 * t, 2)],
            wsems[tb],
        )

    fire(0, 0)
    fire(1, 1)

    def quad(i, carry):
        for db in range(4):
            run_block(i * 4 + db, db)
        return carry

    lax.fori_loop(0, BLK_PER_W // 4, quad, 0)

    for tb in range(2):
        pltpu.make_async_copy(
            tp_v.at[tb, :, :, pl.ds(0, 8), pl.ds(0, 128)], out_hbm.at[0, :, pl.ds(0, 2)], wsems[tb]
        ).wait()


def kernel(x, table):
    xp = jnp.pad(x.astype(jnp.int32) * 2, ((0, 0), (0, 4)))
    xi = xp.T.reshape(3, 8, B_ROWS // 128, 128).transpose(0, 2, 1, 3)
    tp = jnp.pad(table, ((0, 0), (0, 128 - DIM))).reshape(2 * 1000000, DIM)
    out5 = _embed(xi, tp)
    return out5.transpose(2, 4, 0, 1, 3).reshape(B_ROWS, NJ, DIM)

# --- scband reference (transcript-rebuilt; emitter-appended) ---
"""Pipeline reference for scband-embedder-53541062311936 (READ-ONLY COPY).

The authoritative reference and input builder live on the scoring server;
editing this copy changes nothing except your own understanding.
"""

import jax, jax.numpy as jnp
import numpy as np

VOCAB = 1000000
DIM = 64

def setup_inputs(seed: int = 0) -> dict:
    key = jax.random.key(seed)
    k1, k2 = jax.random.split(key)
    x = jax.random.randint(k1, (16384, 20), 0, VOCAB, dtype=jnp.int64 if jax.config.jax_enable_x64 else jnp.int32)
    table = jax.random.normal(k2, (VOCAB, DIM), dtype=jnp.float32) * 0.02
    return {"x": x, "table": table}

def reference(x, table):
    # nn.Embedding forward: row gather from the embedding table
    return jnp.take(table, x, axis=0)

if __name__ == "__main__":
    import jax
    _d = setup_inputs()
    print(jax.jit(kernel)(*tuple(_d.values())))

</pallas_src>

<mosaic_0001>
#map = affine_map<(d0, d1) -> (0, 0, 0, 0)>
#map1 = affine_map<(d0, d1) -> (0, 0)>
#map2 = affine_map<(d0, d1) -> (0, 0, 0, 0, 0)>
module attributes {stable_mosaic.version = 14 : i64} {
  func.func @_embed(%arg0: i32, %arg1: i32, %arg2: memref<3x128x8x128xi32, #tpu.memory_space<hbm>>, %arg3: memref<2000000x64xf32, #tpu.memory_space<hbm>>, %arg4: memref<20x8x128x8x128xf32, #tpu.memory_space<hbm>>, %arg5: memref<4x2x128xi32, #tpu.memory_space<vmem>>, %arg6: memref<4x256x64xf32, #tpu.memory_space<vmem>>, %arg7: memref<2x8x2x12x129xf32, #tpu.memory_space<vmem>>, %arg8: memref<!tpu.dma_semaphore, #tpu.memory_space<semaphore_mem>>, %arg9: memref<!tpu.dma_semaphore, #tpu.memory_space<semaphore_mem>>, %arg10: memref<!tpu.dma_semaphore, #tpu.memory_space<semaphore_mem>>, %arg11: memref<!tpu.dma_semaphore, #tpu.memory_space<semaphore_mem>>, %arg12: memref<!tpu.dma_semaphore, #tpu.memory_space<semaphore_mem>>, %arg13: memref<!tpu.dma_semaphore, #tpu.memory_space<semaphore_mem>>) attributes {dimension_semantics = [#tpu.dimension_semantics<core_parallel>, #tpu.dimension_semantics<subcore_parallel>], iteration_bounds = array<i64: 2, 16>, scalar_prefetch = 0 : i64, scratch_operands = 9 : i64, tpu.core_type = #tpu.core_type<sc_vector_subcore>, window_params = [{transform_indices = #map}, {transform_indices = #map1}, {transform_indices = #map2}]} {
    %mul3A = arith.constant 2 : i32
    %mul3A_0 = arith.muli %arg1, %mul3A : i32
    %add3A = arith.addi %mul3A_0, %arg0 : i32
    %iota3A = tpu.iota {dimensions = array<i32: 0>} : vector<16xi32>
    %and3A = arith.constant 7 : i32
    %and3A_1 = vector.broadcast %and3A : i32 to vector<16xi32>
    %and3A_2 = arith.andi %iota3A, %and3A_1 : vector<16xi32>
    %shift_right_arithmetic3A = arith.constant 3 : i32
    %shift_right_arithmetic3A_3 = vector.broadcast %shift_right_arithmetic3A : i32 to vector<16xi32>
    %shift_right_arithmetic3A_4 = arith.shrsi %iota3A, %shift_right_arithmetic3A_3 : vector<16xi32>
    %add3A_5 = arith.constant 0 : i32
    %add3A_6 = vector.broadcast %add3A_5 : i32 to vector<16xi32>
    %add3A_7 = arith.addi %shift_right_arithmetic3A_4, %add3A_6 : vector<16xi32>
    %shift_right_arithmetic3A_8 = arith.constant 3 : i32
    %shift_right_arithmetic3A_9 = vector.broadcast %shift_right_arithmetic3A_8 : i32 to vector<16xi32>
    %shift_right_arithmetic3A_10 = arith.shrsi %iota3A, %shift_right_arithmetic3A_9 : vector<16xi32>
    %add3A_11 = arith.constant 2 : i32
    %add3A_12 = vector.broadcast %add3A_11 : i32 to vector<16xi32>
    %add3A_13 = arith.addi %shift_right_arithmetic3A_10, %add3A_12 : vector<16xi32>
    %shift_right_arithmetic3A_14 = arith.constant 3 : i32
    %shift_right_arithmetic3A_15 = vector.broadcast %shift_right_arithmetic3A_14 : i32 to vector<16xi32>
    %shift_right_arithmetic3A_16 = arith.shrsi %iota3A, %shift_right_arithmetic3A_15 : vector<16xi32>
    %add3A_17 = arith.constant 4 : i32
    %add3A_18 = vector.broadcast %add3A_17 : i32 to vector<16xi32>
    %add3A_19 = arith.addi %shift_right_arithmetic3A_16, %add3A_18 : vector<16xi32>
    %shift_right_arithmetic3A_20 = arith.constant 3 : i32
    %shift_right_arithmetic3A_21 = vector.broadcast %shift_right_arithmetic3A_20 : i32 to vector<16xi32>
    %shift_right_arithmetic3A_22 = arith.shrsi %iota3A, %shift_right_arithmetic3A_21 : vector<16xi32>
    %add3A_23 = arith.constant 6 : i32
    %add3A_24 = vector.broadcast %add3A_23 : i32 to vector<16xi32>
    %add3A_25 = arith.addi %shift_right_arithmetic3A_22, %add3A_24 : vector<16xi32>
    %mul3A_26 = arith.constant 40 : i32
    %mul3A_27 = arith.muli %add3A, %mul3A_26 : i32
    %add3A_28 = arith.constant 0 : i32
    %add3A_29 = arith.addi %mul3A_27, %add3A_28 : i32
    %jit3A = arith.constant 64 : i32
    %div3A = arith.divsi %add3A_29, %jit3A : i32
    %sign3A = arith.constant 0 : i32
    %sign3A_30 = arith.cmpi sgt, %add3A_29, %sign3A : i32
    %sign3A_31 = arith.extui %sign3A_30 : i1 to i32
    %sign3A_32 = arith.constant 0 : i32
    %sign3A_33 = arith.cmpi slt, %add3A_29, %sign3A_32 : i32
    %sign3A_34 = arith.extui %sign3A_33 : i1 to i32
    %sign3A_35 = arith.subi %sign3A_31, %sign3A_34 : i32
    %sign3A_36 = arith.constant 0 : i32
    %sign3A_37 = arith.cmpi sgt, %jit3A, %sign3A_36 : i32
    %sign3A_38 = arith.extui %sign3A_37 : i1 to i32
    %sign3A_39 = arith.constant 0 : i32
    %sign3A_40 = arith.cmpi slt, %jit3A, %sign3A_39 : i32
    %sign3A_41 = arith.extui %sign3A_40 : i1 to i32
    %sign3A_42 = arith.subi %sign3A_38, %sign3A_41 : i32
    %ne3A = arith.cmpi ne, %sign3A_35, %sign3A_42 : i32
    %rem3A = arith.remsi %add3A_29, %jit3A : i32
    %ne3A_43 = arith.constant 0 : i32
    %ne3A_44 = arith.cmpi ne, %rem3A, %ne3A_43 : i32
    %and3A_45 = arith.andi %ne3A, %ne3A_44 : i1
    %sub3A = arith.constant 1 : i32
    %sub3A_46 = arith.subi %div3A, %sub3A : i32
    %select_n3A = arith.select %and3A_45, %sub3A_46, %div3A : i32
    %jit3A_47 = arith.constant 64 : i32
    %eq3A = arith.constant 0 : i32
    %eq3A_48 = arith.cmpi eq, %jit3A_47, %eq3A : i32
    %jit3A_49 = arith.constant 1 : i32
    %select_n3A_50 = arith.select %eq3A_48, %jit3A_49, %jit3A_47 : i32
    %rem3A_51 = arith.remsi %add3A_29, %select_n3A_50 : i32
    %ne3A_52 = arith.constant 0 : i32
    %ne3A_53 = arith.cmpi ne, %rem3A_51, %ne3A_52 : i32
    %lt3A = arith.constant 0 : i32
    %lt3A_54 = arith.cmpi slt, %rem3A_51, %lt3A : i32
    %lt3A_55 = arith.constant 0 : i32
    %lt3A_56 = arith.cmpi slt, %select_n3A_50, %lt3A_55 : i32
    %ne3A_57 = arith.xori %lt3A_54, %lt3A_56 : i1
    %and3A_58 = arith.andi %ne3A_57, %ne3A_53 : i1
    %add3A_59 = arith.addi %rem3A_51, %select_n3A_50 : i32
    %select_n3A_60 = arith.select %and3A_58, %add3A_59, %rem3A_51 : i32
    %jit3A_61 = arith.constant 8 : i32
    %div3A_62 = arith.divsi %select_n3A, %jit3A_61 : i32
    %sign3A_63 = arith.constant 0 : i32
    %sign3A_64 = arith.cmpi sgt, %select_n3A, %sign3A_63 : i32
    %sign3A_65 = arith.extui %sign3A_64 : i1 to i32
    %sign3A_66 = arith.constant 0 : i32
    %sign3A_67 = arith.cmpi slt, %select_n3A, %sign3A_66 : i32
    %sign3A_68 = arith.extui %sign3A_67 : i1 to i32
    %sign3A_69 = arith.subi %sign3A_65, %sign3A_68 : i32
    %sign3A_70 = arith.constant 0 : i32
    %sign3A_71 = arith.cmpi sgt, %jit3A_61, %sign3A_70 : i32
    %sign3A_72 = arith.extui %sign3A_71 : i1 to i32
    %sign3A_73 = arith.constant 0 : i32
    %sign3A_74 = arith.cmpi slt, %jit3A_61, %sign3A_73 : i32
    %sign3A_75 = arith.extui %sign3A_74 : i1 to i32
    %sign3A_76 = arith.subi %sign3A_72, %sign3A_75 : i32
    %ne3A_77 = arith.cmpi ne, %sign3A_69, %sign3A_76 : i32
    %rem3A_78 = arith.remsi %select_n3A, %jit3A_61 : i32
    %ne3A_79 = arith.constant 0 : i32
    %ne3A_80 = arith.cmpi ne, %rem3A_78, %ne3A_79 : i32
    %and3A_81 = arith.andi %ne3A_77, %ne3A_80 : i1
    %sub3A_82 = arith.constant 1 : i32
    %sub3A_83 = arith.subi %div3A_62, %sub3A_82 : i32
    %select_n3A_84 = arith.select %and3A_81, %sub3A_83, %div3A_62 : i32
    %mul3A_85 = arith.constant 2 : i32
    %mul3A_86 = arith.muli %mul3A_85, %select_n3A_60 : i32
    %jit3A_87 = arith.constant 8 : i32
    %eq3A_88 = arith.constant 0 : i32
    %eq3A_89 = arith.cmpi eq, %jit3A_87, %eq3A_88 : i32
    %jit3A_90 = arith.constant 1 : i32
    %select_n3A_91 = arith.select %eq3A_89, %jit3A_90, %jit3A_87 : i32
    %rem3A_92 = arith.remsi %select_n3A, %select_n3A_91 : i32
    %ne3A_93 = arith.constant 0 : i32
    %ne3A_94 = arith.cmpi ne, %rem3A_92, %ne3A_93 : i32
    %lt3A_95 = arith.constant 0 : i32
    %lt3A_96 = arith.cmpi slt, %rem3A_92, %lt3A_95 : i32
    %lt3A_97 = arith.constant 0 : i32
    %lt3A_98 = arith.cmpi slt, %select_n3A_91, %lt3A_97 : i32
    %ne3A_99 = arith.xori %lt3A_96, %lt3A_98 : i1
    %and3A_100 = arith.andi %ne3A_99, %ne3A_94 : i1
    %add3A_101 = arith.addi %rem3A_92, %select_n3A_91 : i32
    %select_n3A_102 = arith.select %and3A_100, %add3A_101, %rem3A_92 : i32
    %run_scoped3A = arith.constant 0 : i32
    "tpu.region"() ({
      %run_scoped3A_297 = tpu.sem_alloc : memref<!tpu.dma_semaphore, #tpu.memory_space<semaphore_mem>>
      %dma_start3A_298 = arith.constant 0 : i32
      %dma_start3A_299 = arith.constant 0 : i32
      %dma_start3A_300 = tpu.memref_slice %arg5[%run_scoped3A, %dma_start3A_298, %dma_start3A_299] : memref<4x2x128xi32, #tpu.memory_space<vmem>> -> memref<1x2x128xi32, #tpu.memory_space<vmem>>
      %dma_start3A_301 = tpu.memref_squeeze %dma_start3A_300 : memref<1x2x128xi32, #tpu.memory_space<vmem>> -> memref<2x128xi32, #tpu.memory_space<vmem>>
      %dma_start3A_302 = arith.constant 0 : i32
      %dma_start3A_303 = tpu.memref_slice %arg2[%select_n3A_84, %mul3A_86, %select_n3A_102, %dma_start3A_302] : memref<3x128x8x128xi32, #tpu.memory_space<hbm>> -> memref<1x2x1x128xi32, #tpu.memory_space<hbm>>
      %dma_start3A_304 = tpu.memref_squeeze %dma_start3A_303 : memref<1x2x1x128xi32, #tpu.memory_space<hbm>> -> memref<2x128xi32, #tpu.memory_space<hbm>>
      %dma_start3A_305 = arith.constant 0 : i32
      %dma_start3A_306 = arith.constant 0 : i32
      %dma_start3A_307 = tpu.memref_slice %arg5[%run_scoped3A, %dma_start3A_305, %dma_start3A_306] : memref<4x2x128xi32, #tpu.memory_space<vmem>> -> memref<1x2x128xi32, #tpu.memory_space<vmem>>
      %dma_start3A_308 = tpu.memref_squeeze %dma_start3A_307 : memref<1x2x128xi32, #tpu.memory_space<vmem>> -> memref<2x128xi32, #tpu.memory_space<vmem>>
      %dma_start3A_309 = arith.constant 0 : i32
      %dma_start3A_310 = tpu.memref_slice %arg2[%select_n3A_84, %mul3A_86, %select_n3A_102, %dma_start3A_309] : memref<3x128x8x128xi32, #tpu.memory_space<hbm>> -> memref<1x2x1x128xi32, #tpu.memory_space<hbm>>
      %dma_start3A_311 = tpu.memref_squeeze %dma_start3A_310 : memref<1x2x1x128xi32, #tpu.memory_space<hbm>> -> memref<2x128xi32, #tpu.memory_space<hbm>>
      tpu.enqueue_dma source(%dma_start3A_311 : memref<2x128xi32, #tpu.memory_space<hbm>>) target(%dma_start3A_308 : memref<2x128xi32, #tpu.memory_space<vmem>>) target_semaphore(%run_scoped3A_297 : memref<!tpu.dma_semaphore, #tpu.memory_space<semaphore_mem>>)
      %dma_wait3A_312 = arith.constant 0 : i32
      %dma_wait3A_313 = arith.constant 0 : i32
      %dma_wait3A_314 = tpu.memref_slice %arg5[%run_scoped3A, %dma_wait3A_312, %dma_wait3A_313] : memref<4x2x128xi32, #tpu.memory_space<vmem>> -> memref<1x2x128xi32, #tpu.memory_space<vmem>>
      %dma_wait3A_315 = tpu.memref_squeeze %dma_wait3A_314 : memref<1x2x128xi32, #tpu.memory_space<vmem>> -> memref<2x128xi32, #tpu.memory_space<vmem>>
      %dma_wait3A_316 = arith.constant 0 : i32
      %dma_wait3A_317 = tpu.memref_slice %arg2[%select_n3A_84, %mul3A_86, %select_n3A_102, %dma_wait3A_316] : memref<3x128x8x128xi32, #tpu.memory_space<hbm>> -> memref<1x2x1x128xi32, #tpu.memory_space<hbm>>
      %dma_wait3A_318 = tpu.memref_squeeze %dma_wait3A_317 : memref<1x2x1x128xi32, #tpu.memory_space<hbm>> -> memref<2x128xi32, #tpu.memory_space<hbm>>
      %dma_wait3A_319 = arith.constant 0 : i32
      %dma_wait3A_320 = arith.constant 0 : i32
      %dma_wait3A_321 = tpu.memref_slice %arg5[%run_scoped3A, %dma_wait3A_319, %dma_wait3A_320] : memref<4x2x128xi32, #tpu.memory_space<vmem>> -> memref<1x2x128xi32, #tpu.memory_space<vmem>>
      %dma_wait3A_322 = tpu.memref_squeeze %dma_wait3A_321 : memref<1x2x128xi32, #tpu.memory_space<vmem>> -> memref<2x128xi32, #tpu.memory_space<vmem>>
      %dma_wait3A_323 = arith.constant 0 : i32
      %dma_wait3A_324 = tpu.memref_slice %arg2[%select_n3A_84, %mul3A_86, %select_n3A_102, %dma_wait3A_323] : memref<3x128x8x128xi32, #tpu.memory_space<hbm>> -> memref<1x2x1x128xi32, #tpu.memory_space<hbm>>
      %dma_wait3A_325 = tpu.memref_squeeze %dma_wait3A_324 : memref<1x2x1x128xi32, #tpu.memory_space<hbm>> -> memref<2x128xi32, #tpu.memory_space<hbm>>
      tpu.wait_dma2 semaphore(%run_scoped3A_297 : memref<!tpu.dma_semaphore, #tpu.memory_space<semaphore_mem>>) src(%dma_wait3A_325 : memref<2x128xi32, #tpu.memory_space<hbm>>) dst(%dma_wait3A_322 : memref<2x128xi32, #tpu.memory_space<vmem>>)
      tpu.yield
    }) : () -> ()
    %dma_start3A = arith.constant 0 : i32
    %dma_start3A_103 = arith.constant 0 : i32
    %dma_start3A_104 = arith.constant 0 : i32
    %dma_start3A_105 = arith.constant 0 : i32
    %dma_start3A_106 = arith.constant 0 : i32
    %dma_start3A_107 = tpu.memref_slice %arg6[%dma_start3A_104, %dma_start3A_105, %dma_start3A_106] : memref<4x256x64xf32, #tpu.memory_space<vmem>> -> memref<1x128x64xf32, #tpu.memory_space<vmem>>
    %dma_start3A_108 = tpu.memref_squeeze %dma_start3A_107 : memref<1x128x64xf32, #tpu.memory_space<vmem>> -> memref<128x64xf32, #tpu.memory_space<vmem>>
    %dma_start3A_109 = arith.constant 0 : i32
    %dma_start3A_110 = tpu.memref_slice %arg5[%dma_start3A, %dma_start3A_103, %dma_start3A_109] : memref<4x2x128xi32, #tpu.memory_space<vmem>> -> memref<1x1x128xi32, #tpu.memory_space<vmem>>
    %dma_start3A_111 = tpu.memref_squeeze %dma_start3A_110 : memref<1x1x128xi32, #tpu.memory_space<vmem>> -> memref<128xi32, #tpu.memory_space<vmem>>
    %dma_start3A_112 = arith.constant 0 : i32
    %dma_start3A_113 = arith.constant 0 : i32
    %dma_start3A_114 = tpu.memref_slice %arg3[%dma_start3A_112, %dma_start3A_113] : memref<2000000x64xf32, #tpu.memory_space<hbm>> -> memref<2000000x64xf32, #tpu.memory_space<hbm>>
    tpu.enqueue_indirect_dma source(%dma_start3A_114 : memref<2000000x64xf32, #tpu.memory_space<hbm>>) target(%dma_start3A_108 : memref<128x64xf32, #tpu.memory_space<vmem>>) offsets(%dma_start3A_111 : memref<128xi32, #tpu.memory_space<vmem>>) semaphore(%arg8 : memref<!tpu.dma_semaphore, #tpu.memory_space<semaphore_mem>>)
    %dma_start3A_115 = arith.constant 0 : i32
    %dma_start3A_116 = arith.constant 1 : i32
    %dma_start3A_117 = arith.constant 0 : i32
    %dma_start3A_118 = arith.constant 128 : i32
    %dma_start3A_119 = arith.constant 0 : i32
    %dma_start3A_120 = tpu.memref_slice %arg6[%dma_start3A_117, %dma_start3A_118, %dma_start3A_119] : memref<4x256x64xf32, #tpu.memory_space<vmem>> -> memref<1x128x64xf32, #tpu.memory_space<vmem>>
    %dma_start3A_121 = tpu.memref_squeeze %dma_start3A_120 : memref<1x128x64xf32, #tpu.memory_space<vmem>> -> memref<128x64xf32, #tpu.memory_space<vmem>>
    %dma_start3A_122 = arith.constant 0 : i32
    %dma_start3A_123 = tpu.memref_slice %arg5[%dma_start3A_115, %dma_start3A_116, %dma_start3A_122] : memref<4x2x128xi32, #tpu.memory_space<vmem>> -> memref<1x1x128xi32, #tpu.memory_space<vmem>>
    %dma_start3A_124 = tpu.memref_squeeze %dma_start3A_123 : memref<1x1x128xi32, #tpu.memory_space<vmem>> -> memref<128xi32, #tpu.memory_space<vmem>>
    %dma_start3A_125 = arith.constant 0 : i32
    %dma_start3A_126 = arith.constant 0 : i32
    %dma_start3A_127 = tpu.memref_slice %arg3[%dma_start3A_125, %dma_start3A_126] : memref<2000000x64xf32, #tpu.memory_space<hbm>> -> memref<2000000x64xf32, #tpu.memory_space<hbm>>
    tpu.enqueue_indirect_dma source(%dma_start3A_127 : memref<2000000x64xf32, #tpu.memory_space<hbm>>) target(%dma_start3A_121 : memref<128x64xf32, #tpu.memory_space<vmem>>) offsets(%dma_start3A_124 : memref<128xi32, #tpu.memory_space<vmem>>) semaphore(%arg8 : memref<!tpu.dma_semaphore, #tpu.memory_space<semaphore_mem>>)
    %mul3A_128 = arith.constant 40 : i32
    %mul3A_129 = arith.muli %add3A, %mul3A_128 : i32
    %add3A_130 = arith.constant 1 : i32
    %add3A_131 = arith.addi %mul3A_129, %add3A_130 : i32
    %jit3A_132 = arith.constant 64 : i32
    %div3A_133 = arith.divsi %add3A_131, %jit3A_132 : i32
    %sign3A_134 = arith.constant 0 : i32
    %sign3A_135 = arith.cmpi sgt, %add3A_131, %sign3A_134 : i32
    %sign3A_136 = arith.extui %sign3A_135 : i1 to i32
    %sign3A_137 = arith.constant 0 : i32
    %sign3A_138 = arith.cmpi slt, %add3A_131, %sign3A_137 : i32
    %sign3A_139 = arith.extui %sign3A_138 : i1 to i32
    %sign3A_140 = arith.subi %sign3A_136, %sign3A_139 : i32
    %sign3A_141 = arith.constant 0 : i32
    %sign3A_142 = arith.cmpi sgt, %jit3A_132, %sign3A_141 : i32
    %sign3A_143 = arith.extui %sign3A_142 : i1 to i32
    %sign3A_144 = arith.constant 0 : i32
    %sign3A_145 = arith.cmpi slt, %jit3A_132, %sign3A_144 : i32
    %sign3A_146 = arith.extui %sign3A_145 : i1 to i32
    %sign3A_147 = arith.subi %sign3A_143, %sign3A_146 : i32
    %ne3A_148 = arith.cmpi ne, %sign3A_140, %sign3A_147 : i32
    %rem3A_149 = arith.remsi %add3A_131, %jit3A_132 : i32
    %ne3A_150 = arith.constant 0 : i32
    %ne3A_151 = arith.cmpi ne, %rem3A_149, %ne3A_150 : i32
    %and3A_152 = arith.andi %ne3A_148, %ne3A_151 : i1
    %sub3A_153 = arith.constant 1 : i32
    %sub3A_154 = arith.subi %div3A_133, %sub3A_153 : i32
    %select_n3A_155 = arith.select %and3A_152, %sub3A_154, %div3A_133 : i32
    %jit3A_156 = arith.constant 64 : i32
    %eq3A_157 = arith.constant 0 : i32
    %eq3A_158 = arith.cmpi eq, %jit3A_156, %eq3A_157 : i32
    %jit3A_159 = arith.constant 1 : i32
    %select_n3A_160 = arith.select %eq3A_158, %jit3A_159, %jit3A_156 : i32
    %rem3A_161 = arith.remsi %add3A_131, %select_n3A_160 : i32
    %ne3A_162 = arith.constant 0 : i32
    %ne3A_163 = arith.cmpi ne, %rem3A_161, %ne3A_162 : i32
    %lt3A_164 = arith.constant 0 : i32
    %lt3A_165 = arith.cmpi slt, %rem3A_161, %lt3A_164 : i32
    %lt3A_166 = arith.constant 0 : i32
    %lt3A_167 = arith.cmpi slt, %select_n3A_160, %lt3A_166 : i32
    %ne3A_168 = arith.xori %lt3A_165, %lt3A_167 : i1
    %and3A_169 = arith.andi %ne3A_168, %ne3A_163 : i1
    %add3A_170 = arith.addi %rem3A_161, %select_n3A_160 : i32
    %select_n3A_171 = arith.select %and3A_169, %add3A_170, %rem3A_161 : i32
    %jit3A_172 = arith.constant 8 : i32
    %div3A_173 = arith.divsi %select_n3A_155, %jit3A_172 : i32
    %sign3A_174 = arith.constant 0 : i32
    %sign3A_175 = arith.cmpi sgt, %select_n3A_155, %sign3A_174 : i32
    %sign3A_176 = arith.extui %sign3A_175 : i1 to i32
    %sign3A_177 = arith.constant 0 : i32
    %sign3A_178 = arith.cmpi slt, %select_n3A_155, %sign3A_177 : i32
    %sign3A_179 = arith.extui %sign3A_178 : i1 to i32
    %sign3A_180 = arith.subi %sign3A_176, %sign3A_179 : i32
    %sign3A_181 = arith.constant 0 : i32
    %sign3A_182 = arith.cmpi sgt, %jit3A_172, %sign3A_181 : i32
    %sign3A_183 = arith.extui %sign3A_182 : i1 to i32
    %sign3A_184 = arith.constant 0 : i32
    %sign3A_185 = arith.cmpi slt, %jit3A_172, %sign3A_184 : i32
    %sign3A_186 = arith.extui %sign3A_185 : i1 to i32
    %sign3A_187 = arith.subi %sign3A_183, %sign3A_186 : i32
    %ne3A_188 = arith.cmpi ne, %sign3A_180, %sign3A_187 : i32
    %rem3A_189 = arith.remsi %select_n3A_155, %jit3A_172 : i32
    %ne3A_190 = arith.constant 0 : i32
    %ne3A_191 = arith.cmpi ne, %rem3A_189, %ne3A_190 : i32
    %and3A_192 = arith.andi %ne3A_188, %ne3A_191 : i1
    %sub3A_193 = arith.constant 1 : i32
    %sub3A_194 = arith.subi %div3A_173, %sub3A_193 : i32
    %select_n3A_195 = arith.select %and3A_192, %sub3A_194, %div3A_173 : i32
    %mul3A_196 = arith.constant 2 : i32
    %mul3A_197 = arith.muli %mul3A_196, %select_n3A_171 : i32
    %jit3A_198 = arith.constant 8 : i32
    %eq3A_199 = arith.constant 0 : i32
    %eq3A_200 = arith.cmpi eq, %jit3A_198, %eq3A_199 : i32
    %jit3A_201 = arith.constant 1 : i32
    %select_n3A_202 = arith.select %eq3A_200, %jit3A_201, %jit3A_198 : i32
    %rem3A_203 = arith.remsi %select_n3A_155, %select_n3A_202 : i32
    %ne3A_204 = arith.constant 0 : i32
    %ne3A_205 = arith.cmpi ne, %rem3A_203, %ne3A_204 : i32
    %lt3A_206 = arith.constant 0 : i32
    %lt3A_207 = arith.cmpi slt, %rem3A_203, %lt3A_206 : i32
    %lt3A_208 = arith.constant 0 : i32
    %lt3A_209 = arith.cmpi slt, %select_n3A_202, %lt3A_208 : i32
    %ne3A_210 = arith.xori %lt3A_207, %lt3A_209 : i1
    %and3A_211 = arith.andi %ne3A_210, %ne3A_205 : i1
    %add3A_212 = arith.addi %rem3A_203, %select_n3A_202 : i32
    %select_n3A_213 = arith.select %and3A_211, %add3A_212, %rem3A_203 : i32
    %run_scoped3A_214 = arith.constant 1 : i32
    "tpu.region"() ({
      %run_scoped3A_297 = tpu.sem_alloc : memref<!tpu.dma_semaphore, #tpu.memory_space<semaphore_mem>>
      %dma_start3A_298 = arith.constant 0 : i32
      %dma_start3A_299 = arith.constant 0 : i32
      %dma_start3A_300 = tpu.memref_slice %arg5[%run_scoped3A_214, %dma_start3A_298, %dma_start3A_299] : memref<4x2x128xi32, #tpu.memory_space<vmem>> -> memref<1x2x128xi32, #tpu.memory_space<vmem>>
      %dma_start3A_301 = tpu.memref_squeeze %dma_start3A_300 : memref<1x2x128xi32, #tpu.memory_space<vmem>> -> memref<2x128xi32, #tpu.memory_space<vmem>>
      %dma_start3A_302 = arith.constant 0 : i32
      %dma_start3A_303 = tpu.memref_slice %arg2[%select_n3A_195, %mul3A_197, %select_n3A_213, %dma_start3A_302] : memref<3x128x8x128xi32, #tpu.memory_space<hbm>> -> memref<1x2x1x128xi32, #tpu.memory_space<hbm>>
      %dma_start3A_304 = tpu.memref_squeeze %dma_start3A_303 : memref<1x2x1x128xi32, #tpu.memory_space<hbm>> -> memref<2x128xi32, #tpu.memory_space<hbm>>
      %dma_start3A_305 = arith.constant 0 : i32
      %dma_start3A_306 = arith.constant 0 : i32
      %dma_start3A_307 = tpu.memref_slice %arg5[%run_scoped3A_214, %dma_start3A_305, %dma_start3A_306] : memref<4x2x128xi32, #tpu.memory_space<vmem>> -> memref<1x2x128xi32, #tpu.memory_space<vmem>>
      %dma_start3A_308 = tpu.memref_squeeze %dma_start3A_307 : memref<1x2x128xi32, #tpu.memory_space<vmem>> -> memref<2x128xi32, #tpu.memory_space<vmem>>
      %dma_start3A_309 = arith.constant 0 : i32
      %dma_start3A_310 = tpu.memref_slice %arg2[%select_n3A_195, %mul3A_197, %select_n3A_213, %dma_start3A_309] : memref<3x128x8x128xi32, #tpu.memory_space<hbm>> -> memref<1x2x1x128xi32, #tpu.memory_space<hbm>>
      %dma_start3A_311 = tpu.memref_squeeze %dma_start3A_310 : memref<1x2x1x128xi32, #tpu.memory_space<hbm>> -> memref<2x128xi32, #tpu.memory_space<hbm>>
      tpu.enqueue_dma source(%dma_start3A_311 : memref<2x128xi32, #tpu.memory_space<hbm>>) target(%dma_start3A_308 : memref<2x128xi32, #tpu.memory_space<vmem>>) target_semaphore(%run_scoped3A_297 : memref<!tpu.dma_semaphore, #tpu.memory_space<semaphore_mem>>)
      %dma_wait3A_312 = arith.constant 0 : i32
      %dma_wait3A_313 = arith.constant 0 : i32
      %dma_wait3A_314 = tpu.memref_slice %arg5[%run_scoped3A_214, %dma_wait3A_312, %dma_wait3A_313] : memref<4x2x128xi32, #tpu.memory_space<vmem>> -> memref<1x2x128xi32, #tpu.memory_space<vmem>>
      %dma_wait3A_315 = tpu.memref_squeeze %dma_wait3A_314 : memref<1x2x128xi32, #tpu.memory_space<vmem>> -> memref<2x128xi32, #tpu.memory_space<vmem>>
      %dma_wait3A_316 = arith.constant 0 : i32
      %dma_wait3A_317 = tpu.memref_slice %arg2[%select_n3A_195, %mul3A_197, %select_n3A_213, %dma_wait3A_316] : memref<3x128x8x128xi32, #tpu.memory_space<hbm>> -> memref<1x2x1x128xi32, #tpu.memory_space<hbm>>
      %dma_wait3A_318 = tpu.memref_squeeze %dma_wait3A_317 : memref<1x2x1x128xi32, #tpu.memory_space<hbm>> -> memref<2x128xi32, #tpu.memory_space<hbm>>
      %dma_wait3A_319 = arith.constant 0 : i32
      %dma_wait3A_320 = arith.constant 0 : i32
      %dma_wait3A_321 = tpu.memref_slice %arg5[%run_scoped3A_214, %dma_wait3A_319, %dma_wait3A_320] : memref<4x2x128xi32, #tpu.memory_space<vmem>> -> memref<1x2x128xi32, #tpu.memory_space<vmem>>
      %dma_wait3A_322 = tpu.memref_squeeze %dma_wait3A_321 : memref<1x2x128xi32, #tpu.memory_space<vmem>> -> memref<2x128xi32, #tpu.memory_space<vmem>>
      %dma_wait3A_323 = arith.constant 0 : i32
      %dma_wait3A_324 = tpu.memref_slice %arg2[%select_n3A_195, %mul3A_197, %select_n3A_213, %dma_wait3A_323] : memref<3x128x8x128xi32, #tpu.memory_space<hbm>> -> memref<1x2x1x128xi32, #tpu.memory_space<hbm>>
      %dma_wait3A_325 = tpu.memref_squeeze %dma_wait3A_324 : memref<1x2x1x128xi32, #tpu.memory_space<hbm>> -> memref<2x128xi32, #tpu.memory_space<hbm>>
      tpu.wait_dma2 semaphore(%run_scoped3A_297 : memref<!tpu.dma_semaphore, #tpu.memory_space<semaphore_mem>>) src(%dma_wait3A_325 : memref<2x128xi32, #tpu.memory_space<hbm>>) dst(%dma_wait3A_322 : memref<2x128xi32, #tpu.memory_space<vmem>>)
      tpu.yield
    }) : () -> ()
    %dma_start3A_215 = arith.constant 1 : i32
    %dma_start3A_216 = arith.constant 0 : i32
    %dma_start3A_217 = arith.constant 1 : i32
    %dma_start3A_218 = arith.constant 0 : i32
    %dma_start3A_219 = arith.constant 0 : i32
    %dma_start3A_220 = tpu.memref_slice %arg6[%dma_start3A_217, %dma_start3A_218, %dma_start3A_219] : memref<4x256x64xf32, #tpu.memory_space<vmem>> -> memref<1x128x64xf32, #tpu.memory_space<vmem>>
    %dma_start3A_221 = tpu.memref_squeeze %dma_start3A_220 : memref<1x128x64xf32, #tpu.memory_space<vmem>> -> memref<128x64xf32, #tpu.memory_space<vmem>>
    %dma_start3A_222 = arith.constant 0 : i32
    %dma_start3A_223 = tpu.memref_slice %arg5[%dma_start3A_215, %dma_start3A_216, %dma_start3A_222] : memref<4x2x128xi32, #tpu.memory_space<vmem>> -> memref<1x1x128xi32, #tpu.memory_space<vmem>>
    %dma_start3A_224 = tpu.memref_squeeze %dma_start3A_223 : memref<1x1x128xi32, #tpu.memory_space<vmem>> -> memref<128xi32, #tpu.memory_space<vmem>>
    %dma_start3A_225 = arith.constant 0 : i32
    %dma_start3A_226 = arith.constant 0 : i32
    %dma_start3A_227 = tpu.memref_slice %arg3[%dma_start3A_225, %dma_start3A_226] : memref<2000000x64xf32, #tpu.memory_space<hbm>> -> memref<2000000x64xf32, #tpu.memory_space<hbm>>
    tpu.enqueue_indirect_dma source(%dma_start3A_227 : memref<2000000x64xf32, #tpu.memory_space<hbm>>) target(%dma_start3A_221 : memref<128x64xf32, #tpu.memory_space<vmem>>) offsets(%dma_start3A_224 : memref<128xi32, #tpu.memory_space<vmem>>) semaphore(%arg9 : memref<!tpu.dma_semaphore, #tpu.memory_space<semaphore_mem>>)
    %dma_start3A_228 = arith.constant 1 : i32
    %dma_start3A_229 = arith.constant 1 : i32
    %dma_start3A_230 = arith.constant 1 : i32
    %dma_start3A_231 = arith.constant 128 : i32
    %dma_start3A_232 = arith.constant 0 : i32
    %dma_start3A_233 = tpu.memref_slice %arg6[%dma_start3A_230, %dma_start3A_231, %dma_start3A_232] : memref<4x256x64xf32, #tpu.memory_space<vmem>> -> memref<1x128x64xf32, #tpu.memory_space<vmem>>
    %dma_start3A_234 = tpu.memref_squeeze %dma_start3A_233 : memref<1x128x64xf32, #tpu.memory_space<vmem>> -> memref<128x64xf32, #tpu.memory_space<vmem>>
    %dma_start3A_235 = arith.constant 0 : i32
    %dma_start3A_236 = tpu.memref_slice %arg5[%dma_start3A_228, %dma_start3A_229, %dma_start3A_235] : memref<4x2x128xi32, #tpu.memory_space<vmem>> -> memref<1x1x128xi32, #tpu.memory_space<vmem>>
    %dma_start3A_237 = tpu.memref_squeeze %dma_start3A_236 : memref<1x1x128xi32, #tpu.memory_space<vmem>> -> memref<128xi32, #tpu.memory_space<vmem>>
    %dma_start3A_238 = arith.constant 0 : i32
    %dma_start3A_239 = arith.constant 0 : i32
    %dma_start3A_240 = tpu.memref_slice %arg3[%dma_start3A_238, %dma_start3A_239] : memref<2000000x64xf32, #tpu.memory_space<hbm>> -> memref<2000000x64xf32, #tpu.memory_space<hbm>>
    tpu.enqueue_indirect_dma source(%dma_start3A_240 : memref<2000000x64xf32, #tpu.memory_space<hbm>>) target(%dma_start3A_234 : memref<128x64xf32, #tpu.memory_space<vmem>>) offsets(%dma_start3A_237 : memref<128xi32, #tpu.memory_space<vmem>>) semaphore(%arg9 : memref<!tpu.dma_semaphore, #tpu.memory_space<semaphore_mem>>)
    %scan3A = arith.constant 0 : i32
    %scan3A_241 = arith.constant 0 : i32
    %scan3A_242 = arith.constant 10 : i32
    %scan3A_243 = arith.addi %scan3A_241, %scan3A_242 : i32
    %scan3A_244 = arith.constant 1 : i32
    scf.for %scan3A_297 = %scan3A_241 to %scan3A_243 step %scan3A_244  : i32 {
      %mul3A_298 = arith.constant 4 : i32
      %mul3A_299 = arith.muli %scan3A_297, %mul3A_298 : i32
      %add3A_300 = arith.constant 0 : i32
      %add3A_301 = arith.addi %mul3A_299, %add3A_300 : i32
      %dma_wait3A_302 = arith.constant 0 : i32
      %dma_wait3A_303 = arith.constant 0 : i32
      %dma_wait3A_304 = arith.constant 0 : i32
      %dma_wait3A_305 = arith.constant 0 : i32
      %dma_wait3A_306 = arith.constant 0 : i32
      %dma_wait3A_307 = tpu.memref_slice %arg6[%dma_wait3A_304, %dma_wait3A_305, %dma_wait3A_306] : memref<4x256x64xf32, #tpu.memory_space<vmem>> -> memref<1x128x64xf32, #tpu.memory_space<vmem>>
      %dma_wait3A_308 = tpu.memref_squeeze %dma_wait3A_307 : memref<1x128x64xf32, #tpu.memory_space<vmem>> -> memref<128x64xf32, #tpu.memory_space<vmem>>
      %dma_wait3A_309 = arith.constant 0 : i32
      %dma_wait3A_310 = tpu.memref_slice %arg5[%dma_wait3A_302, %dma_wait3A_303, %dma_wait3A_309] : memref<4x2x128xi32, #tpu.memory_space<vmem>> -> memref<1x1x128xi32, #tpu.memory_space<vmem>>
      %dma_wait3A_311 = tpu.memref_squeeze %dma_wait3A_310 : memref<1x1x128xi32, #tpu.memory_space<vmem>> -> memref<128xi32, #tpu.memory_space<vmem>>
      %dma_wait3A_312 = arith.constant 0 : i32
      %dma_wait3A_313 = arith.constant 0 : i32
      %dma_wait3A_314 = tpu.memref_slice %arg3[%dma_wait3A_312, %dma_wait3A_313] : memref<2000000x64xf32, #tpu.memory_space<hbm>> -> memref<2000000x64xf32, #tpu.memory_space<hbm>>
      tpu.wait_indirect_dma semaphore(%arg8 : memref<!tpu.dma_semaphore, #tpu.memory_space<semaphore_mem>>) src(%dma_wait3A_314 : memref<2000000x64xf32, #tpu.memory_space<hbm>>) dst(%dma_wait3A_308 : memref<128x64xf32, #tpu.memory_space<vmem>>)
      %dma_wait3A_315 = arith.constant 0 : i32
      %dma_wait3A_316 = arith.constant 0 : i32
      %dma_wait3A_317 = arith.constant 0 : i32
      %dma_wait3A_318 = arith.constant 0 : i32
      %dma_wait3A_319 = arith.constant 0 : i32
      %dma_wait3A_320 = tpu.memref_slice %arg6[%dma_wait3A_317, %dma_wait3A_318, %dma_wait3A_319] : memref<4x256x64xf32, #tpu.memory_space<vmem>> -> memref<1x128x64xf32, #tpu.memory_space<vmem>>
      %dma_wait3A_321 = tpu.memref_squeeze %dma_wait3A_320 : memref<1x128x64xf32, #tpu.memory_space<vmem>> -> memref<128x64xf32, #tpu.memory_space<vmem>>
      %dma_wait3A_322 = arith.constant 0 : i32
      %dma_wait3A_323 = tpu.memref_slice %arg5[%dma_wait3A_315, %dma_wait3A_316, %dma_wait3A_322] : memref<4x2x128xi32, #tpu.memory_space<vmem>> -> memref<1x1x128xi32, #tpu.memory_space<vmem>>
      %dma_wait3A_324 = tpu.memref_squeeze %dma_wait3A_323 : memref<1x1x128xi32, #tpu.memory_space<vmem>> -> memref<128xi32, #tpu.memory_space<vmem>>
      %dma_wait3A_325 = arith.constant 0 : i32
      %dma_wait3A_326 = arith.constant 0 : i32
      %dma_wait3A_327 = tpu.memref_slice %arg3[%dma_wait3A_325, %dma_wait3A_326] : memref<2000000x64xf32, #tpu.memory_space<hbm>> -> memref<2000000x64xf32, #tpu.memory_space<hbm>>
      tpu.wait_indirect_dma semaphore(%arg8 : memref<!tpu.dma_semaphore, #tpu.memory_space<semaphore_mem>>) src(%dma_wait3A_327 : memref<2000000x64xf32, #tpu.memory_space<hbm>>) dst(%dma_wait3A_321 : memref<128x64xf32, #tpu.memory_space<vmem>>)
      %add3A_328 = arith.constant 2 : i32
      %add3A_329 = arith.addi %add3A_301, %add3A_328 : i32
      %lt3A_330 = arith.constant 40 : i32
      %lt3A_331 = arith.cmpi slt, %add3A_329, %lt3A_330 : i32
      %convert_element_type3A = arith.extui %lt3A_331 : i1 to i32
      %cond3A = arith.constant 0 : i32
      %cond3A_332 = arith.cmpi ne, %convert_element_type3A, %cond3A : i32
      scf.if %cond3A_332 {
        %add3A_753 = arith.constant 2 : i32
        %add3A_754 = arith.addi %add3A_301, %add3A_753 : i32
        %mul3A_755 = arith.constant 40 : i32
        %mul3A_756 = arith.muli %add3A, %mul3A_755 : i32
        %add3A_757 = arith.addi %mul3A_756, %add3A_754 : i32
        %jit3A_758 = arith.constant 64 : i32
        %div3A_759 = arith.divsi %add3A_757, %jit3A_758 : i32
        %sign3A_760 = arith.constant 0 : i32
        %sign3A_761 = arith.cmpi sgt, %add3A_757, %sign3A_760 : i32
        %sign3A_762 = arith.extui %sign3A_761 : i1 to i32
        %sign3A_763 = arith.constant 0 : i32
        %sign3A_764 = arith.cmpi slt, %add3A_757, %sign3A_763 : i32
        %sign3A_765 = arith.extui %sign3A_764 : i1 to i32
        %sign3A_766 = arith.subi %sign3A_762, %sign3A_765 : i32
        %sign3A_767 = arith.constant 0 : i32
        %sign3A_768 = arith.cmpi sgt, %jit3A_758, %sign3A_767 : i32
        %sign3A_769 = arith.extui %sign3A_768 : i1 to i32
        %sign3A_770 = arith.constant 0 : i32
        %sign3A_771 = arith.cmpi slt, %jit3A_758, %sign3A_770 : i32
        %sign3A_772 = arith.extui %sign3A_771 : i1 to i32
        %sign3A_773 = arith.subi %sign3A_769, %sign3A_772 : i32
        %ne3A_774 = arith.cmpi ne, %sign3A_766, %sign3A_773 : i32
        %rem3A_775 = arith.remsi %add3A_757, %jit3A_758 : i32
        %ne3A_776 = arith.constant 0 : i32
        %ne3A_777 = arith.cmpi ne, %rem3A_775, %ne3A_776 : i32
        %and3A_778 = arith.andi %ne3A_774, %ne3A_777 : i1
        %sub3A_779 = arith.constant 1 : i32
        %sub3A_780 = arith.subi %div3A_759, %sub3A_779 : i32
        %select_n3A_781 = arith.select %and3A_778, %sub3A_780, %div3A_759 : i32
        %jit3A_782 = arith.constant 64 : i32
        %eq3A_783 = arith.constant 0 : i32
        %eq3A_784 = arith.cmpi eq, %jit3A_782, %eq3A_783 : i32
        %jit3A_785 = arith.constant 1 : i32
        %select_n3A_786 = arith.select %eq3A_784, %jit3A_785, %jit3A_782 : i32
        %rem3A_787 = arith.remsi %add3A_757, %select_n3A_786 : i32
        %ne3A_788 = arith.constant 0 : i32
        %ne3A_789 = arith.cmpi ne, %rem3A_787, %ne3A_788 : i32
        %lt3A_790 = arith.constant 0 : i32
        %lt3A_791 = arith.cmpi slt, %rem3A_787, %lt3A_790 : i32
        %lt3A_792 = arith.constant 0 : i32
        %lt3A_793 = arith.cmpi slt, %select_n3A_786, %lt3A_792 : i32
        %ne3A_794 = arith.xori %lt3A_791, %lt3A_793 : i1
        %and3A_795 = arith.andi %ne3A_794, %ne3A_789 : i1
        %add3A_796 = arith.addi %rem3A_787, %select_n3A_786 : i32
        %select_n3A_797 = arith.select %and3A_795, %add3A_796, %rem3A_787 : i32
        %jit3A_798 = arith.constant 8 : i32
        %div3A_799 = arith.divsi %select_n3A_781, %jit3A_798 : i32
        %sign3A_800 = arith.constant 0 : i32
        %sign3A_801 = arith.cmpi sgt, %select_n3A_781, %sign3A_800 : i32
        %sign3A_802 = arith.extui %sign3A_801 : i1 to i32
        %sign3A_803 = arith.constant 0 : i32
        %sign3A_804 = arith.cmpi slt, %select_n3A_781, %sign3A_803 : i32
        %sign3A_805 = arith.extui %sign3A_804 : i1 to i32
        %sign3A_806 = arith.subi %sign3A_802, %sign3A_805 : i32
        %sign3A_807 = arith.constant 0 : i32
        %sign3A_808 = arith.cmpi sgt, %jit3A_798, %sign3A_807 : i32
        %sign3A_809 = arith.extui %sign3A_808 : i1 to i32
        %sign3A_810 = arith.constant 0 : i32
        %sign3A_811 = arith.cmpi slt, %jit3A_798, %sign3A_810 : i32
        %sign3A_812 = arith.extui %sign3A_811 : i1 to i32
        %sign3A_813 = arith.subi %sign3A_809, %sign3A_812 : i32
        %ne3A_814 = arith.cmpi ne, %sign3A_806, %sign3A_813 : i32
        %rem3A_815 = arith.remsi %select_n3A_781, %jit3A_798 : i32
        %ne3A_816 = arith.constant 0 : i32
        %ne3A_817 = arith.cmpi ne, %rem3A_815, %ne3A_816 : i32
        %and3A_818 = arith.andi %ne3A_814, %ne3A_817 : i1
        %sub3A_819 = arith.constant 1 : i32
        %sub3A_820 = arith.subi %div3A_799, %sub3A_819 : i32
        %select_n3A_821 = arith.select %and3A_818, %sub3A_820, %div3A_799 : i32
        %mul3A_822 = arith.constant 2 : i32
        %mul3A_823 = arith.muli %mul3A_822, %select_n3A_797 : i32
        %jit3A_824 = arith.constant 8 : i32
        %eq3A_825 = arith.constant 0 : i32
        %eq3A_826 = arith.cmpi eq, %jit3A_824, %eq3A_825 : i32
        %jit3A_827 = arith.constant 1 : i32
        %select_n3A_828 = arith.select %eq3A_826, %jit3A_827, %jit3A_824 : i32
        %rem3A_829 = arith.remsi %select_n3A_781, %select_n3A_828 : i32
        %ne3A_830 = arith.constant 0 : i32
        %ne3A_831 = arith.cmpi ne, %rem3A_829, %ne3A_830 : i32
        %lt3A_832 = arith.constant 0 : i32
        %lt3A_833 = arith.cmpi slt, %rem3A_829, %lt3A_832 : i32
        %lt3A_834 = arith.constant 0 : i32
        %lt3A_835 = arith.cmpi slt, %select_n3A_828, %lt3A_834 : i32
        %ne3A_836 = arith.xori %lt3A_833, %lt3A_835 : i1
        %and3A_837 = arith.andi %ne3A_836, %ne3A_831 : i1
        %add3A_838 = arith.addi %rem3A_829, %select_n3A_828 : i32
        %select_n3A_839 = arith.select %and3A_837, %add3A_838, %rem3A_829 : i32
        %run_scoped3A_840 = arith.constant 2 : i32
        "tpu.region"() ({
          %run_scoped3A_867 = tpu.sem_alloc : memref<!tpu.dma_semaphore, #tpu.memory_space<semaphore_mem>>
          %dma_start3A_868 = arith.constant 0 : i32
          %dma_start3A_869 = arith.constant 0 : i32
          %dma_start3A_870 = tpu.memref_slice %arg5[%run_scoped3A_840, %dma_start3A_868, %dma_start3A_869] : memref<4x2x128xi32, #tpu.memory_space<vmem>> -> memref<1x2x128xi32, #tpu.memory_space<vmem>>
          %dma_start3A_871 = tpu.memref_squeeze %dma_start3A_870 : memref<1x2x128xi32, #tpu.memory_space<vmem>> -> memref<2x128xi32, #tpu.memory_space<vmem>>
          %dma_start3A_872 = arith.constant 0 : i32
          %dma_start3A_873 = tpu.memref_slice %arg2[%select_n3A_821, %mul3A_823, %select_n3A_839, %dma_start3A_872] : memref<3x128x8x128xi32, #tpu.memory_space<hbm>> -> memref<1x2x1x128xi32, #tpu.memory_space<hbm>>
          %dma_start3A_874 = tpu.memref_squeeze %dma_start3A_873 : memref<1x2x1x128xi32, #tpu.memory_space<hbm>> -> memref<2x128xi32, #tpu.memory_space<hbm>>
          %dma_start3A_875 = arith.constant 0 : i32
          %dma_start3A_876 = arith.constant 0 : i32
          %dma_start3A_877 = tpu.memref_slice %arg5[%run_scoped3A_840, %dma_start3A_875, %dma_start3A_876] : memref<4x2x128xi32, #tpu.memory_space<vmem>> -> memref<1x2x128xi32, #tpu.memory_space<vmem>>
          %dma_start3A_878 = tpu.memref_squeeze %dma_start3A_877 : memref<1x2x128xi32, #tpu.memory_space<vmem>> -> memref<2x128xi32, #tpu.memory_space<vmem>>
          %dma_start3A_879 = arith.constant 0 : i32
          %dma_start3A_880 = tpu.memref_slice %arg2[%select_n3A_821, %mul3A_823, %select_n3A_839, %dma_start3A_879] : memref<3x128x8x128xi32, #tpu.memory_space<hbm>> -> memref<1x2x1x128xi32, #tpu.memory_space<hbm>>
          %dma_start3A_881 = tpu.memref_squeeze %dma_start3A_880 : memref<1x2x1x128xi32, #tpu.memory_space<hbm>> -> memref<2x128xi32, #tpu.memory_space<hbm>>
          tpu.enqueue_dma source(%dma_start3A_881 : memref<2x128xi32, #tpu.memory_space<hbm>>) target(%dma_start3A_878 : memref<2x128xi32, #tpu.memory_space<vmem>>) target_semaphore(%run_scoped3A_867 : memref<!tpu.dma_semaphore, #tpu.memory_space<semaphore_mem>>)
          %dma_wait3A_882 = arith.constant 0 : i32
          %dma_wait3A_883 = arith.constant 0 : i32
          %dma_wait3A_884 = tpu.memref_slice %arg5[%run_scoped3A_840, %dma_wait3A_882, %dma_wait3A_883] : memref<4x2x128xi32, #tpu.memory_space<vmem>> -> memref<1x2x128xi32, #tpu.memory_space<vmem>>
          %dma_wait3A_885 = tpu.memref_squeeze %dma_wait3A_884 : memref<1x2x128xi32, #tpu.memory_space<vmem>> -> memref<2x128xi32, #tpu.memory_space<vmem>>
          %dma_wait3A_886 = arith.constant 0 : i32
          %dma_wait3A_887 = tpu.memref_slice %arg2[%select_n3A_821, %mul3A_823, %select_n3A_839, %dma_wait3A_886] : memref<3x128x8x128xi32, #tpu.memory_space<hbm>> -> memref<1x2x1x128xi32, #tpu.memory_space<hbm>>
          %dma_wait3A_888 = tpu.memref_squeeze %dma_wait3A_887 : memref<1x2x1x128xi32, #tpu.memory_space<hbm>> -> memref<2x128xi32, #tpu.memory_space<hbm>>
          %dma_wait3A_889 = arith.constant 0 : i32
          %dma_wait3A_890 = arith.constant 0 : i32
          %dma_wait3A_891 = tpu.memref_slice %arg5[%run_scoped3A_840, %dma_wait3A_889, %dma_wait3A_890] : memref<4x2x128xi32, #tpu.memory_space<vmem>> -> memref<1x2x128xi32, #tpu.memory_space<vmem>>
          %dma_wait3A_892 = tpu.memref_squeeze %dma_wait3A_891 : memref<1x2x128xi32, #tpu.memory_space<vmem>> -> memref<2x128xi32, #tpu.memory_space<vmem>>
          %dma_wait3A_893 = arith.constant 0 : i32
          %dma_wait3A_894 = tpu.memref_slice %arg2[%select_n3A_821, %mul3A_823, %select_n3A_839, %dma_wait3A_893] : memref<3x128x8x128xi32, #tpu.memory_space<hbm>> -> memref<1x2x1x128xi32, #tpu.memory_space<hbm>>
          %dma_wait3A_895 = tpu.memref_squeeze %dma_wait3A_894 : memref<1x2x1x128xi32, #tpu.memory_space<hbm>> -> memref<2x128xi32, #tpu.memory_space<hbm>>
          tpu.wait_dma2 semaphore(%run_scoped3A_867 : memref<!tpu.dma_semaphore, #tpu.memory_space<semaphore_mem>>) src(%dma_wait3A_895 : memref<2x128xi32, #tpu.memory_space<hbm>>) dst(%dma_wait3A_892 : memref<2x128xi32, #tpu.memory_space<vmem>>)
          tpu.yield
        }) : () -> ()
        %dma_start3A_841 = arith.constant 2 : i32
        %dma_start3A_842 = arith.constant 0 : i32
        %dma_start3A_843 = arith.constant 2 : i32
        %dma_start3A_844 = arith.constant 0 : i32
        %dma_start3A_845 = arith.constant 0 : i32
        %dma_start3A_846 = tpu.memref_slice %arg6[%dma_start3A_843, %dma_start3A_844, %dma_start3A_845] : memref<4x256x64xf32, #tpu.memory_space<vmem>> -> memref<1x128x64xf32, #tpu.memory_space<vmem>>
        %dma_start3A_847 = tpu.memref_squeeze %dma_start3A_846 : memref<1x128x64xf32, #tpu.memory_space<vmem>> -> memref<128x64xf32, #tpu.memory_space<vmem>>
        %dma_start3A_848 = arith.constant 0 : i32
        %dma_start3A_849 = tpu.memref_slice %arg5[%dma_start3A_841, %dma_start3A_842, %dma_start3A_848] : memref<4x2x128xi32, #tpu.memory_space<vmem>> -> memref<1x1x128xi32, #tpu.memory_space<vmem>>
        %dma_start3A_850 = tpu.memref_squeeze %dma_start3A_849 : memref<1x1x128xi32, #tpu.memory_space<vmem>> -> memref<128xi32, #tpu.memory_space<vmem>>
        %dma_start3A_851 = arith.constant 0 : i32
        %dma_start3A_852 = arith.constant 0 : i32
        %dma_start3A_853 = tpu.memref_slice %arg3[%dma_start3A_851, %dma_start3A_852] : memref<2000000x64xf32, #tpu.memory_space<hbm>> -> memref<2000000x64xf32, #tpu.memory_space<hbm>>
        tpu.enqueue_indirect_dma source(%dma_start3A_853 : memref<2000000x64xf32, #tpu.memory_space<hbm>>) target(%dma_start3A_847 : memref<128x64xf32, #tpu.memory_space<vmem>>) offsets(%dma_start3A_850 : memref<128xi32, #tpu.memory_space<vmem>>) semaphore(%arg10 : memref<!tpu.dma_semaphore, #tpu.memory_space<semaphore_mem>>)
        %dma_start3A_854 = arith.constant 2 : i32
        %dma_start3A_855 = arith.constant 1 : i32
        %dma_start3A_856 = arith.constant 2 : i32
        %dma_start3A_857 = arith.constant 128 : i32
        %dma_start3A_858 = arith.constant 0 : i32
        %dma_start3A_859 = tpu.memref_slice %arg6[%dma_start3A_856, %dma_start3A_857, %dma_start3A_858] : memref<4x256x64xf32, #tpu.memory_space<vmem>> -> memref<1x128x64xf32, #tpu.memory_space<vmem>>
        %dma_start3A_860 = tpu.memref_squeeze %dma_start3A_859 : memref<1x128x64xf32, #tpu.memory_space<vmem>> -> memref<128x64xf32, #tpu.memory_space<vmem>>
        %dma_start3A_861 = arith.constant 0 : i32
        %dma_start3A_862 = tpu.memref_slice %arg5[%dma_start3A_854, %dma_start3A_855, %dma_start3A_861] : memref<4x2x128xi32, #tpu.memory_space<vmem>> -> memref<1x1x128xi32, #tpu.memory_space<vmem>>
        %dma_start3A_863 = tpu.memref_squeeze %dma_start3A_862 : memref<1x1x128xi32, #tpu.memory_space<vmem>> -> memref<128xi32, #tpu.memory_space<vmem>>
        %dma_start3A_864 = arith.constant 0 : i32
        %dma_start3A_865 = arith.constant 0 : i32
        %dma_start3A_866 = tpu.memref_slice %arg3[%dma_start3A_864, %dma_start3A_865] : memref<2000000x64xf32, #tpu.memory_space<hbm>> -> memref<2000000x64xf32, #tpu.memory_space<hbm>>
        tpu.enqueue_indirect_dma source(%dma_start3A_866 : memref<2000000x64xf32, #tpu.memory_space<hbm>>) target(%dma_start3A_860 : memref<128x64xf32, #tpu.memory_space<vmem>>) offsets(%dma_start3A_863 : memref<128xi32, #tpu.memory_space<vmem>>) semaphore(%arg10 : memref<!tpu.dma_semaphore, #tpu.memory_space<semaphore_mem>>)
      } else {
      }
      %ge3A = arith.constant 2 : i32
      %ge3A_333 = arith.cmpi sge, %add3A_301, %ge3A : i32
      %convert_element_type3A_334 = arith.extui %ge3A_333 : i1 to i32
      %cond3A_335 = arith.constant 0 : i32
      %cond3A_336 = arith.cmpi ne, %convert_element_type3A_334, %cond3A_335 : i32
      scf.if %cond3A_336 {
        %dma_wait3A_753 = arith.constant 0 : i32
        %dma_wait3A_754 = arith.constant 0 : i32
        %dma_wait3A_755 = arith.constant 0 : i32
        %dma_wait3A_756 = arith.constant 0 : i32
        %dma_wait3A_757 = arith.constant 0 : i32
        %dma_wait3A_758 = arith.constant 0 : i32
        %dma_wait3A_759 = tpu.memref_slice %arg7[%dma_wait3A_753, %dma_wait3A_755, %dma_wait3A_756, %dma_wait3A_757, %dma_wait3A_758] : memref<2x8x2x12x129xf32, #tpu.memory_space<vmem>> -> memref<1x8x2x8x128xf32, #tpu.memory_space<vmem>>
        %dma_wait3A_760 = tpu.memref_squeeze %dma_wait3A_759 : memref<1x8x2x8x128xf32, #tpu.memory_space<vmem>> -> memref<8x2x8x128xf32, #tpu.memory_space<vmem>>
        %dma_wait3A_761 = arith.constant 0 : i32
        %dma_wait3A_762 = arith.constant 0 : i32
        %dma_wait3A_763 = arith.constant 0 : i32
        %dma_wait3A_764 = arith.constant 0 : i32
        %dma_wait3A_765 = tpu.memref_slice %arg4[%dma_wait3A_754, %dma_wait3A_761, %dma_wait3A_762, %dma_wait3A_763, %dma_wait3A_764] : memref<20x8x128x8x128xf32, #tpu.memory_space<hbm>> -> memref<1x8x2x8x128xf32, #tpu.memory_space<hbm>>
        %dma_wait3A_766 = tpu.memref_squeeze %dma_wait3A_765 : memref<1x8x2x8x128xf32, #tpu.memory_space<hbm>> -> memref<8x2x8x128xf32, #tpu.memory_space<hbm>>
        %dma_wait3A_767 = arith.constant 0 : i32
        %dma_wait3A_768 = arith.constant 0 : i32
        %dma_wait3A_769 = arith.constant 0 : i32
        %dma_wait3A_770 = arith.constant 0 : i32
        %dma_wait3A_771 = tpu.memref_slice %arg4[%dma_wait3A_754, %dma_wait3A_767, %dma_wait3A_768, %dma_wait3A_769, %dma_wait3A_770] : memref<20x8x128x8x128xf32, #tpu.memory_space<hbm>> -> memref<1x8x2x8x128xf32, #tpu.memory_space<hbm>>
        %dma_wait3A_772 = tpu.memref_squeeze %dma_wait3A_771 : memref<1x8x2x8x128xf32, #tpu.memory_space<hbm>> -> memref<8x2x8x128xf32, #tpu.memory_space<hbm>>
        %dma_wait3A_773 = arith.constant 0 : i32
        %dma_wait3A_774 = arith.constant 0 : i32
        %dma_wait3A_775 = arith.constant 0 : i32
        %dma_wait3A_776 = arith.constant 0 : i32
        %dma_wait3A_777 = tpu.memref_slice %arg7[%dma_wait3A_753, %dma_wait3A_773, %dma_wait3A_774, %dma_wait3A_775, %dma_wait3A_776] : memref<2x8x2x12x129xf32, #tpu.memory_space<vmem>> -> memref<1x8x2x8x128xf32, #tpu.memory_space<vmem>>
        %dma_wait3A_778 = tpu.memref_squeeze %dma_wait3A_777 : memref<1x8x2x8x128xf32, #tpu.memory_space<vmem>> -> memref<8x2x8x128xf32, #tpu.memory_space<vmem>>
        tpu.wait_dma2 semaphore(%arg12 : memref<!tpu.dma_semaphore, #tpu.memory_space<semaphore_mem>>) src(%dma_wait3A_778 : memref<8x2x8x128xf32, #tpu.memory_space<vmem>>) dst(%dma_wait3A_772 : memref<8x2x8x128xf32, #tpu.memory_space<hbm>>)
      } else {
      }
      %broadcast_in_dim3A = arith.constant 0 : i32
      %broadcast_in_dim3A_337 = vector.broadcast %broadcast_in_dim3A : i32 to vector<16xi32>
      %parallel_loop3A = arith.constant 0 : i32
      %parallel_loop3A_338 = arith.constant 128 : i32
      %parallel_loop3A_339 = arith.constant 1 : i32
      scf.for %parallel_loop3A_753 = %parallel_loop3A to %parallel_loop3A_338 step %parallel_loop3A_339  : i32 {
        %parallel_loop3A_754 = vector.broadcast %parallel_loop3A_753 : i32 to vector<16xi32>
        %parallel_loop3A_755 = arith.constant 0 : i32
        %parallel_loop3A_756 = arith.addi %parallel_loop3A_753, %parallel_loop3A_755 : i32
        %parallel_loop3A_757 = arith.constant 0 : i32
        %parallel_loop3A_758 = vector.broadcast %parallel_loop3A_757 : i32 to vector<16xi32>
        %parallel_loop3A_759 = arith.constant 0 : i32
        %parallel_loop3A_760 = arith.index_cast %parallel_loop3A_759 : i32 to index
        %parallel_loop3A_761 = arith.index_cast %parallel_loop3A_756 : i32 to index
        %parallel_loop3A_762 = arith.constant 0 : index
        %parallel_loop3A_763 = tpu.vector_load %arg6[%parallel_loop3A_760, %parallel_loop3A_761, %parallel_loop3A_762] {strides = array<i32>} : memref<4x256x64xf32, #tpu.memory_space<vmem>>, vector<16xf32>,
        tpu.vector_store_idx %arg7[%broadcast_in_dim3A_337, %add3A_7, %parallel_loop3A_758, %and3A_2, %parallel_loop3A_754], %parallel_loop3A_763 : memref<2x8x2x12x129xf32, #tpu.memory_space<vmem>>[vector<16xi32>, vector<16xi32>, vector<16xi32>, vector<16xi32>, vector<16xi32>], vector<16xf32>,
        %parallel_loop3A_764 = arith.constant 0 : i32
        %parallel_loop3A_765 = arith.index_cast %parallel_loop3A_764 : i32 to index
        %parallel_loop3A_766 = arith.index_cast %parallel_loop3A_756 : i32 to index
        %parallel_loop3A_767 = arith.constant 16 : index
        %parallel_loop3A_768 = tpu.vector_load %arg6[%parallel_loop3A_765, %parallel_loop3A_766, %parallel_loop3A_767] {strides = array<i32>} : memref<4x256x64xf32, #tpu.memory_space<vmem>>, vector<16xf32>,
        tpu.vector_store_idx %arg7[%broadcast_in_dim3A_337, %add3A_13, %parallel_loop3A_758, %and3A_2, %parallel_loop3A_754], %parallel_loop3A_768 : memref<2x8x2x12x129xf32, #tpu.memory_space<vmem>>[vector<16xi32>, vector<16xi32>, vector<16xi32>, vector<16xi32>, vector<16xi32>], vector<16xf32>,
        %parallel_loop3A_769 = arith.constant 0 : i32
        %parallel_loop3A_770 = arith.index_cast %parallel_loop3A_769 : i32 to index
        %parallel_loop3A_771 = arith.index_cast %parallel_loop3A_756 : i32 to index
        %parallel_loop3A_772 = arith.constant 32 : index
        %parallel_loop3A_773 = tpu.vector_load %arg6[%parallel_loop3A_770, %parallel_loop3A_771, %parallel_loop3A_772] {strides = array<i32>} : memref<4x256x64xf32, #tpu.memory_space<vmem>>, vector<16xf32>,
        tpu.vector_store_idx %arg7[%broadcast_in_dim3A_337, %add3A_19, %parallel_loop3A_758, %and3A_2, %parallel_loop3A_754], %parallel_loop3A_773 : memref<2x8x2x12x129xf32, #tpu.memory_space<vmem>>[vector<16xi32>, vector<16xi32>, vector<16xi32>, vector<16xi32>, vector<16xi32>], vector<16xf32>,
        %parallel_loop3A_774 = arith.constant 0 : i32
        %parallel_loop3A_775 = arith.index_cast %parallel_loop3A_774 : i32 to index
        %parallel_loop3A_776 = arith.index_cast %parallel_loop3A_756 : i32 to index
        %parallel_loop3A_777 = arith.constant 48 : index
        %parallel_loop3A_778 = tpu.vector_load %arg6[%parallel_loop3A_775, %parallel_loop3A_776, %parallel_loop3A_777] {strides = array<i32>} : memref<4x256x64xf32, #tpu.memory_space<vmem>>, vector<16xf32>,
        tpu.vector_store_idx %arg7[%broadcast_in_dim3A_337, %add3A_25, %parallel_loop3A_758, %and3A_2, %parallel_loop3A_754], %parallel_loop3A_778 : memref<2x8x2x12x129xf32, #tpu.memory_space<vmem>>[vector<16xi32>, vector<16xi32>, vector<16xi32>, vector<16xi32>, vector<16xi32>], vector<16xf32>,
        %parallel_loop3A_779 = arith.constant 128 : i32
        %parallel_loop3A_780 = arith.addi %parallel_loop3A_753, %parallel_loop3A_779 : i32
        %parallel_loop3A_781 = arith.constant 1 : i32
        %parallel_loop3A_782 = vector.broadcast %parallel_loop3A_781 : i32 to vector<16xi32>
        %parallel_loop3A_783 = arith.constant 0 : i32
        %parallel_loop3A_784 = arith.index_cast %parallel_loop3A_783 : i32 to index
        %parallel_loop3A_785 = arith.index_cast %parallel_loop3A_780 : i32 to index
        %parallel_loop3A_786 = arith.constant 0 : index
        %parallel_loop3A_787 = tpu.vector_load %arg6[%parallel_loop3A_784, %parallel_loop3A_785, %parallel_loop3A_786] {strides = array<i32>} : memref<4x256x64xf32, #tpu.memory_space<vmem>>, vector<16xf32>,
        tpu.vector_store_idx %arg7[%broadcast_in_dim3A_337, %add3A_7, %parallel_loop3A_782, %and3A_2, %parallel_loop3A_754], %parallel_loop3A_787 : memref<2x8x2x12x129xf32, #tpu.memory_space<vmem>>[vector<16xi32>, vector<16xi32>, vector<16xi32>, vector<16xi32>, vector<16xi32>], vector<16xf32>,
        %parallel_loop3A_788 = arith.constant 0 : i32
        %parallel_loop3A_789 = arith.index_cast %parallel_loop3A_788 : i32 to index
        %parallel_loop3A_790 = arith.index_cast %parallel_loop3A_780 : i32 to index
        %parallel_loop3A_791 = arith.constant 16 : index
        %parallel_loop3A_792 = tpu.vector_load %arg6[%parallel_loop3A_789, %parallel_loop3A_790, %parallel_loop3A_791] {strides = array<i32>} : memref<4x256x64xf32, #tpu.memory_space<vmem>>, vector<16xf32>,
        tpu.vector_store_idx %arg7[%broadcast_in_dim3A_337, %add3A_13, %parallel_loop3A_782, %and3A_2, %parallel_loop3A_754], %parallel_loop3A_792 : memref<2x8x2x12x129xf32, #tpu.memory_space<vmem>>[vector<16xi32>, vector<16xi32>, vector<16xi32>, vector<16xi32>, vector<16xi32>], vector<16xf32>,
        %parallel_loop3A_793 = arith.constant 0 : i32
        %parallel_loop3A_794 = arith.index_cast %parallel_loop3A_793 : i32 to index
        %parallel_loop3A_795 = arith.index_cast %parallel_loop3A_780 : i32 to index
        %parallel_loop3A_796 = arith.constant 32 : index
        %parallel_loop3A_797 = tpu.vector_load %arg6[%parallel_loop3A_794, %parallel_loop3A_795, %parallel_loop3A_796] {strides = array<i32>} : memref<4x256x64xf32, #tpu.memory_space<vmem>>, vector<16xf32>,
        tpu.vector_store_idx %arg7[%broadcast_in_dim3A_337, %add3A_19, %parallel_loop3A_782, %and3A_2, %parallel_loop3A_754], %parallel_loop3A_797 : memref<2x8x2x12x129xf32, #tpu.memory_space<vmem>>[vector<16xi32>, vector<16xi32>, vector<16xi32>, vector<16xi32>, vector<16xi32>], vector<16xf32>,
        %parallel_loop3A_798 = arith.constant 0 : i32
        %parallel_loop3A_799 = arith.index_cast %parallel_loop3A_798 : i32 to index
        %parallel_loop3A_800 = arith.index_cast %parallel_loop3A_780 : i32 to index
        %parallel_loop3A_801 = arith.constant 48 : index
        %parallel_loop3A_802 = tpu.vector_load %arg6[%parallel_loop3A_799, %parallel_loop3A_800, %parallel_loop3A_801] {strides = array<i32>} : memref<4x256x64xf32, #tpu.memory_space<vmem>>, vector<16xf32>,
        tpu.vector_store_idx %arg7[%broadcast_in_dim3A_337, %add3A_25, %parallel_loop3A_782, %and3A_2, %parallel_loop3A_754], %parallel_loop3A_802 : memref<2x8x2x12x129xf32, #tpu.memory_space<vmem>>[vector<16xi32>, vector<16xi32>, vector<16xi32>, vector<16xi32>, vector<16xi32>], vector<16xf32>,
      } {sc.loop_unroll_factor = 4 : i64, sc.parallel_access}
      %mul3A_340 = arith.constant 40 : i32
      %mul3A_341 = arith.muli %add3A, %mul3A_340 : i32
      %add3A_342 = arith.addi %mul3A_341, %add3A_301 : i32
      %jit3A_343 = arith.constant 64 : i32
      %div3A_344 = arith.divsi %add3A_342, %jit3A_343 : i32
      %sign3A_345 = arith.constant 0 : i32
      %sign3A_346 = arith.cmpi sgt, %add3A_342, %sign3A_345 : i32
      %sign3A_347 = arith.extui %sign3A_346 : i1 to i32
      %sign3A_348 = arith.constant 0 : i32
      %sign3A_349 = arith.cmpi slt, %add3A_342, %sign3A_348 : i32
      %sign3A_350 = arith.extui %sign3A_349 : i1 to i32
      %sign3A_351 = arith.subi %sign3A_347, %sign3A_350 : i32
      %sign3A_352 = arith.constant 0 : i32
      %sign3A_353 = arith.cmpi sgt, %jit3A_343, %sign3A_352 : i32
      %sign3A_354 = arith.extui %sign3A_353 : i1 to i32
      %sign3A_355 = arith.constant 0 : i32
      %sign3A_356 = arith.cmpi slt, %jit3A_343, %sign3A_355 : i32
      %sign3A_357 = arith.extui %sign3A_356 : i1 to i32
      %sign3A_358 = arith.subi %sign3A_354, %sign3A_357 : i32
      %ne3A_359 = arith.cmpi ne, %sign3A_351, %sign3A_358 : i32
      %rem3A_360 = arith.remsi %add3A_342, %jit3A_343 : i32
      %ne3A_361 = arith.constant 0 : i32
      %ne3A_362 = arith.cmpi ne, %rem3A_360, %ne3A_361 : i32
      %and3A_363 = arith.andi %ne3A_359, %ne3A_362 : i1
      %sub3A_364 = arith.constant 1 : i32
      %sub3A_365 = arith.subi %div3A_344, %sub3A_364 : i32
      %select_n3A_366 = arith.select %and3A_363, %sub3A_365, %div3A_344 : i32
      %jit3A_367 = arith.constant 64 : i32
      %eq3A_368 = arith.constant 0 : i32
      %eq3A_369 = arith.cmpi eq, %jit3A_367, %eq3A_368 : i32
      %jit3A_370 = arith.constant 1 : i32
      %select_n3A_371 = arith.select %eq3A_369, %jit3A_370, %jit3A_367 : i32
      %rem3A_372 = arith.remsi %add3A_342, %select_n3A_371 : i32
      %ne3A_373 = arith.constant 0 : i32
      %ne3A_374 = arith.cmpi ne, %rem3A_372, %ne3A_373 : i32
      %lt3A_375 = arith.constant 0 : i32
      %lt3A_376 = arith.cmpi slt, %rem3A_372, %lt3A_375 : i32
      %lt3A_377 = arith.constant 0 : i32
      %lt3A_378 = arith.cmpi slt, %select_n3A_371, %lt3A_377 : i32
      %ne3A_379 = arith.xori %lt3A_376, %lt3A_378 : i1
      %and3A_380 = arith.andi %ne3A_379, %ne3A_374 : i1
      %add3A_381 = arith.addi %rem3A_372, %select_n3A_371 : i32
      %select_n3A_382 = arith.select %and3A_380, %add3A_381, %rem3A_372 : i32
      %mul3A_383 = arith.constant 2 : i32
      %mul3A_384 = arith.muli %mul3A_383, %select_n3A_382 : i32
      %dma_start3A_385 = arith.constant 0 : i32
      %dma_start3A_386 = arith.constant 0 : i32
      %dma_start3A_387 = arith.constant 0 : i32
      %dma_start3A_388 = arith.constant 0 : i32
      %dma_start3A_389 = arith.constant 0 : i32
      %dma_start3A_390 = tpu.memref_slice %arg7[%dma_start3A_385, %dma_start3A_386, %dma_start3A_387, %dma_start3A_388, %dma_start3A_389] : memref<2x8x2x12x129xf32, #tpu.memory_space<vmem>> -> memref<1x8x2x8x128xf32, #tpu.memory_space<vmem>>
      %dma_start3A_391 = tpu.memref_squeeze %dma_start3A_390 : memref<1x8x2x8x128xf32, #tpu.memory_space<vmem>> -> memref<8x2x8x128xf32, #tpu.memory_space<vmem>>
      %dma_start3A_392 = arith.constant 0 : i32
      %dma_start3A_393 = arith.constant 0 : i32
      %dma_start3A_394 = arith.constant 0 : i32
      %dma_start3A_395 = tpu.memref_slice %arg4[%select_n3A_366, %dma_start3A_392, %mul3A_384, %dma_start3A_393, %dma_start3A_394] : memref<20x8x128x8x128xf32, #tpu.memory_space<hbm>> -> memref<1x8x2x8x128xf32, #tpu.memory_space<hbm>>
      %dma_start3A_396 = tpu.memref_squeeze %dma_start3A_395 : memref<1x8x2x8x128xf32, #tpu.memory_space<hbm>> -> memref<8x2x8x128xf32, #tpu.memory_space<hbm>>
      %dma_start3A_397 = arith.constant 0 : i32
      %dma_start3A_398 = arith.constant 0 : i32
      %dma_start3A_399 = arith.constant 0 : i32
      %dma_start3A_400 = tpu.memref_slice %arg4[%select_n3A_366, %dma_start3A_397, %mul3A_384, %dma_start3A_398, %dma_start3A_399] : memref<20x8x128x8x128xf32, #tpu.memory_space<hbm>> -> memref<1x8x2x8x128xf32, #tpu.memory_space<hbm>>
      %dma_start3A_401 = tpu.memref_squeeze %dma_start3A_400 : memref<1x8x2x8x128xf32, #tpu.memory_space<hbm>> -> memref<8x2x8x128xf32, #tpu.memory_space<hbm>>
      %dma_start3A_402 = arith.constant 0 : i32
      %dma_start3A_403 = arith.constant 0 : i32
      %dma_start3A_404 = arith.constant 0 : i32
      %dma_start3A_405 = arith.constant 0 : i32
      %dma_start3A_406 = tpu.memref_slice %arg7[%dma_start3A_385, %dma_start3A_402, %dma_start3A_403, %dma_start3A_404, %dma_start3A_405] : memref<2x8x2x12x129xf32, #tpu.memory_space<vmem>> -> memref<1x8x2x8x128xf32, #tpu.memory_space<vmem>>
      %dma_start3A_407 = tpu.memref_squeeze %dma_start3A_406 : memref<1x8x2x8x128xf32, #tpu.memory_space<vmem>> -> memref<8x2x8x128xf32, #tpu.memory_space<vmem>>
      tpu.enqueue_dma source(%dma_start3A_407 : memref<8x2x8x128xf32, #tpu.memory_space<vmem>>) target(%dma_start3A_401 : memref<8x2x8x128xf32, #tpu.memory_space<hbm>>) target_semaphore(%arg12 : memref<!tpu.dma_semaphore, #tpu.memory_space<semaphore_mem>>)
      %mul3A_408 = arith.constant 4 : i32
      %mul3A_409 = arith.muli %scan3A_297, %mul3A_408 : i32
      %add3A_410 = arith.constant 1 : i32
      %add3A_411 = arith.addi %mul3A_409, %add3A_410 : i32
      %dma_wait3A_412 = arith.constant 1 : i32
      %dma_wait3A_413 = arith.constant 0 : i32
      %dma_wait3A_414 = arith.constant 1 : i32
      %dma_wait3A_415 = arith.constant 0 : i32
      %dma_wait3A_416 = arith.constant 0 : i32
      %dma_wait3A_417 = tpu.memref_slice %arg6[%dma_wait3A_414, %dma_wait3A_415, %dma_wait3A_416] : memref<4x256x64xf32, #tpu.memory_space<vmem>> -> memref<1x128x64xf32, #tpu.memory_space<vmem>>
      %dma_wait3A_418 = tpu.memref_squeeze %dma_wait3A_417 : memref<1x128x64xf32, #tpu.memory_space<vmem>> -> memref<128x64xf32, #tpu.memory_space<vmem>>
      %dma_wait3A_419 = arith.constant 0 : i32
      %dma_wait3A_420 = tpu.memref_slice %arg5[%dma_wait3A_412, %dma_wait3A_413, %dma_wait3A_419] : memref<4x2x128xi32, #tpu.memory_space<vmem>> -> memref<1x1x128xi32, #tpu.memory_space<vmem>>
      %dma_wait3A_421 = tpu.memref_squeeze %dma_wait3A_420 : memref<1x1x128xi32, #tpu.memory_space<vmem>> -> memref<128xi32, #tpu.memory_space<vmem>>
      %dma_wait3A_422 = arith.constant 0 : i32
      %dma_wait3A_423 = arith.constant 0 : i32
      %dma_wait3A_424 = tpu.memref_slice %arg3[%dma_wait3A_422, %dma_wait3A_423] : memref<2000000x64xf32, #tpu.memory_space<hbm>> -> memref<2000000x64xf32, #tpu.memory_space<hbm>>
      tpu.wait_indirect_dma semaphore(%arg9 : memref<!tpu.dma_semaphore, #tpu.memory_space<semaphore_mem>>) src(%dma_wait3A_424 : memref<2000000x64xf32, #tpu.memory_space<hbm>>) dst(%dma_wait3A_418 : memref<128x64xf32, #tpu.memory_space<vmem>>)
      %dma_wait3A_425 = arith.constant 1 : i32
      %dma_wait3A_426 = arith.constant 0 : i32
      %dma_wait3A_427 = arith.constant 1 : i32
      %dma_wait3A_428 = arith.constant 0 : i32
      %dma_wait3A_429 = arith.constant 0 : i32
      %dma_wait3A_430 = tpu.memref_slice %arg6[%dma_wait3A_427, %dma_wait3A_428, %dma_wait3A_429] : memref<4x256x64xf32, #tpu.memory_space<vmem>> -> memref<1x128x64xf32, #tpu.memory_space<vmem>>
      %dma_wait3A_431 = tpu.memref_squeeze %dma_wait3A_430 : memref<1x128x64xf32, #tpu.memory_space<vmem>> -> memref<128x64xf32, #tpu.memory_space<vmem>>
      %dma_wait3A_432 = arith.constant 0 : i32
      %dma_wait3A_433 = tpu.memref_slice %arg5[%dma_wait3A_425, %dma_wait3A_426, %dma_wait3A_432] : memref<4x2x128xi32, #tpu.memory_space<vmem>> -> memref<1x1x128xi32, #tpu.memory_space<vmem>>
      %dma_wait3A_434 = tpu.memref_squeeze %dma_wait3A_433 : memref<1x1x128xi32, #tpu.memory_space<vmem>> -> memref<128xi32, #tpu.memory_space<vmem>>
      %dma_wait3A_435 = arith.constant 0 : i32
      %dma_wait3A_436 = arith.constant 0 : i32
      %dma_wait3A_437 = tpu.memref_slice %arg3[%dma_wait3A_435, %dma_wait3A_436] : memref<2000000x64xf32, #tpu.memory_space<hbm>> -> memref<2000000x64xf32, #tpu.memory_space<hbm>>
      tpu.wait_indirect_dma semaphore(%arg9 : memref<!tpu.dma_semaphore, #tpu.memory_space<semaphore_mem>>) src(%dma_wait3A_437 : memref<2000000x64xf32, #tpu.memory_space<hbm>>) dst(%dma_wait3A_431 : memref<128x64xf32, #tpu.memory_space<vmem>>)
      %add3A_438 = arith.constant 2 : i32
      %add3A_439 = arith.addi %add3A_411, %add3A_438 : i32
      %lt3A_440 = arith.constant 40 : i32
      %lt3A_441 = arith.cmpi slt, %add3A_439, %lt3A_440 : i32
      %convert_element_type3A_442 = arith.extui %lt3A_441 : i1 to i32
      %cond3A_443 = arith.constant 0 : i32
      %cond3A_444 = arith.cmpi ne, %convert_element_type3A_442, %cond3A_443 : i32
      scf.if %cond3A_444 {
        %add3A_753 = arith.constant 2 : i32
        %add3A_754 = arith.addi %add3A_411, %add3A_753 : i32
        %mul3A_755 = arith.constant 40 : i32
        %mul3A_756 = arith.muli %add3A, %mul3A_755 : i32
        %add3A_757 = arith.addi %mul3A_756, %add3A_754 : i32
        %jit3A_758 = arith.constant 64 : i32
        %div3A_759 = arith.divsi %add3A_757, %jit3A_758 : i32
        %sign3A_760 = arith.constant 0 : i32
        %sign3A_761 = arith.cmpi sgt, %add3A_757, %sign3A_760 : i32
        %sign3A_762 = arith.extui %sign3A_761 : i1 to i32
        %sign3A_763 = arith.constant 0 : i32
        %sign3A_764 = arith.cmpi slt, %add3A_757, %sign3A_763 : i32
        %sign3A_765 = arith.extui %sign3A_764 : i1 to i32
        %sign3A_766 = arith.subi %sign3A_762, %sign3A_765 : i32
        %sign3A_767 = arith.constant 0 : i32
        %sign3A_768 = arith.cmpi sgt, %jit3A_758, %sign3A_767 : i32
        %sign3A_769 = arith.extui %sign3A_768 : i1 to i32
        %sign3A_770 = arith.constant 0 : i32
        %sign3A_771 = arith.cmpi slt, %jit3A_758, %sign3A_770 : i32
        %sign3A_772 = arith.extui %sign3A_771 : i1 to i32
        %sign3A_773 = arith.subi %sign3A_769, %sign3A_772 : i32
        %ne3A_774 = arith.cmpi ne, %sign3A_766, %sign3A_773 : i32
        %rem3A_775 = arith.remsi %add3A_757, %jit3A_758 : i32
        %ne3A_776 = arith.constant 0 : i32
        %ne3A_777 = arith.cmpi ne, %rem3A_775, %ne3A_776 : i32
        %and3A_778 = arith.andi %ne3A_774, %ne3A_777 : i1
        %sub3A_779 = arith.constant 1 : i32
        %sub3A_780 = arith.subi %div3A_759, %sub3A_779 : i32
        %select_n3A_781 = arith.select %and3A_778, %sub3A_780, %div3A_759 : i32
        %jit3A_782 = arith.constant 64 : i32
        %eq3A_783 = arith.constant 0 : i32
        %eq3A_784 = arith.cmpi eq, %jit3A_782, %eq3A_783 : i32
        %jit3A_785 = arith.constant 1 : i32
        %select_n3A_786 = arith.select %eq3A_784, %jit3A_785, %jit3A_782 : i32
        %rem3A_787 = arith.remsi %add3A_757, %select_n3A_786 : i32
        %ne3A_788 = arith.constant 0 : i32
        %ne3A_789 = arith.cmpi ne, %rem3A_787, %ne3A_788 : i32
        %lt3A_790 = arith.constant 0 : i32
        %lt3A_791 = arith.cmpi slt, %rem3A_787, %lt3A_790 : i32
        %lt3A_792 = arith.constant 0 : i32
        %lt3A_793 = arith.cmpi slt, %select_n3A_786, %lt3A_792 : i32
        %ne3A_794 = arith.xori %lt3A_791, %lt3A_793 : i1
        %and3A_795 = arith.andi %ne3A_794, %ne3A_789 : i1
        %add3A_796 = arith.addi %rem3A_787, %select_n3A_786 : i32
        %select_n3A_797 = arith.select %and3A_795, %add3A_796, %rem3A_787 : i32
        %jit3A_798 = arith.constant 8 : i32
        %div3A_799 = arith.divsi %select_n3A_781, %jit3A_798 : i32
        %sign3A_800 = arith.constant 0 : i32
        %sign3A_801 = arith.cmpi sgt, %select_n3A_781, %sign3A_800 : i32
        %sign3A_802 = arith.extui %sign3A_801 : i1 to i32
        %sign3A_803 = arith.constant 0 : i32
        %sign3A_804 = arith.cmpi slt, %select_n3A_781, %sign3A_803 : i32
        %sign3A_805 = arith.extui %sign3A_804 : i1 to i32
        %sign3A_806 = arith.subi %sign3A_802, %sign3A_805 : i32
        %sign3A_807 = arith.constant 0 : i32
        %sign3A_808 = arith.cmpi sgt, %jit3A_798, %sign3A_807 : i32
        %sign3A_809 = arith.extui %sign3A_808 : i1 to i32
        %sign3A_810 = arith.constant 0 : i32
        %sign3A_811 = arith.cmpi slt, %jit3A_798, %sign3A_810 : i32
        %sign3A_812 = arith.extui %sign3A_811 : i1 to i32
        %sign3A_813 = arith.subi %sign3A_809, %sign3A_812 : i32
        %ne3A_814 = arith.cmpi ne, %sign3A_806, %sign3A_813 : i32
        %rem3A_815 = arith.remsi %select_n3A_781, %jit3A_798 : i32
        %ne3A_816 = arith.constant 0 : i32
        %ne3A_817 = arith.cmpi ne, %rem3A_815, %ne3A_816 : i32
        %and3A_818 = arith.andi %ne3A_814, %ne3A_817 : i1
        %sub3A_819 = arith.constant 1 : i32
        %sub3A_820 = arith.subi %div3A_799, %sub3A_819 : i32
        %select_n3A_821 = arith.select %and3A_818, %sub3A_820, %div3A_799 : i32
        %mul3A_822 = arith.constant 2 : i32
        %mul3A_823 = arith.muli %mul3A_822, %select_n3A_797 : i32
        %jit3A_824 = arith.constant 8 : i32
        %eq3A_825 = arith.constant 0 : i32
        %eq3A_826 = arith.cmpi eq, %jit3A_824, %eq3A_825 : i32
        %jit3A_827 = arith.constant 1 : i32
        %select_n3A_828 = arith.select %eq3A_826, %jit3A_827, %jit3A_824 : i32
        %rem3A_829 = arith.remsi %select_n3A_781, %select_n3A_828 : i32
        %ne3A_830 = arith.constant 0 : i32
        %ne3A_831 = arith.cmpi ne, %rem3A_829, %ne3A_830 : i32
        %lt3A_832 = arith.constant 0 : i32
        %lt3A_833 = arith.cmpi slt, %rem3A_829, %lt3A_832 : i32
        %lt3A_834 = arith.constant 0 : i32
        %lt3A_835 = arith.cmpi slt, %select_n3A_828, %lt3A_834 : i32
        %ne3A_836 = arith.xori %lt3A_833, %lt3A_835 : i1
        %and3A_837 = arith.andi %ne3A_836, %ne3A_831 : i1
        %add3A_838 = arith.addi %rem3A_829, %select_n3A_828 : i32
        %select_n3A_839 = arith.select %and3A_837, %add3A_838, %rem3A_829 : i32
        %run_scoped3A_840 = arith.constant 3 : i32
        "tpu.region"() ({
          %run_scoped3A_867 = tpu.sem_alloc : memref<!tpu.dma_semaphore, #tpu.memory_space<semaphore_mem>>
          %dma_start3A_868 = arith.constant 0 : i32
          %dma_start3A_869 = arith.constant 0 : i32
          %dma_start3A_870 = tpu.memref_slice %arg5[%run_scoped3A_840, %dma_start3A_868, %dma_start3A_869] : memref<4x2x128xi32, #tpu.memory_space<vmem>> -> memref<1x2x128xi32, #tpu.memory_space<vmem>>
          %dma_start3A_871 = tpu.memref_squeeze %dma_start3A_870 : memref<1x2x128xi32, #tpu.memory_space<vmem>> -> memref<2x128xi32, #tpu.memory_space<vmem>>
          %dma_start3A_872 = arith.constant 0 : i32
          %dma_start3A_873 = tpu.memref_slice %arg2[%select_n3A_821, %mul3A_823, %select_n3A_839, %dma_start3A_872] : memref<3x128x8x128xi32, #tpu.memory_space<hbm>> -> memref<1x2x1x128xi32, #tpu.memory_space<hbm>>
          %dma_start3A_874 = tpu.memref_squeeze %dma_start3A_873 : memref<1x2x1x128xi32, #tpu.memory_space<hbm>> -> memref<2x128xi32, #tpu.memory_space<hbm>>
          %dma_start3A_875 = arith.constant 0 : i32
          %dma_start3A_876 = arith.constant 0 : i32
          %dma_start3A_877 = tpu.memref_slice %arg5[%run_scoped3A_840, %dma_start3A_875, %dma_start3A_876] : memref<4x2x128xi32, #tpu.memory_space<vmem>> -> memref<1x2x128xi32, #tpu.memory_space<vmem>>
          %dma_start3A_878 = tpu.memref_squeeze %dma_start3A_877 : memref<1x2x128xi32, #tpu.memory_space<vmem>> -> memref<2x128xi32, #tpu.memory_space<vmem>>
          %dma_start3A_879 = arith.constant 0 : i32
          %dma_start3A_880 = tpu.memref_slice %arg2[%select_n3A_821, %mul3A_823, %select_n3A_839, %dma_start3A_879] : memref<3x128x8x128xi32, #tpu.memory_space<hbm>> -> memref<1x2x1x128xi32, #tpu.memory_space<hbm>>
          %dma_start3A_881 = tpu.memref_squeeze %dma_start3A_880 : memref<1x2x1x128xi32, #tpu.memory_space<hbm>> -> memref<2x128xi32, #tpu.memory_space<hbm>>
          tpu.enqueue_dma source(%dma_start3A_881 : memref<2x128xi32, #tpu.memory_space<hbm>>) target(%dma_start3A_878 : memref<2x128xi32, #tpu.memory_space<vmem>>) target_semaphore(%run_scoped3A_867 : memref<!tpu.dma_semaphore, #tpu.memory_space<semaphore_mem>>)
          %dma_wait3A_882 = arith.constant 0 : i32
          %dma_wait3A_883 = arith.constant 0 : i32
          %dma_wait3A_884 = tpu.memref_slice %arg5[%run_scoped3A_840, %dma_wait3A_882, %dma_wait3A_883] : memref<4x2x128xi32, #tpu.memory_space<vmem>> -> memref<1x2x128xi32, #tpu.memory_space<vmem>>
          %dma_wait3A_885 = tpu.memref_squeeze %dma_wait3A_884 : memref<1x2x128xi32, #tpu.memory_space<vmem>> -> memref<2x128xi32, #tpu.memory_space<vmem>>
          %dma_wait3A_886 = arith.constant 0 : i32
          %dma_wait3A_887 = tpu.memref_slice %arg2[%select_n3A_821, %mul3A_823, %select_n3A_839, %dma_wait3A_886] : memref<3x128x8x128xi32, #tpu.memory_space<hbm>> -> memref<1x2x1x128xi32, #tpu.memory_space<hbm>>
          %dma_wait3A_888 = tpu.memref_squeeze %dma_wait3A_887 : memref<1x2x1x128xi32, #tpu.memory_space<hbm>> -> memref<2x128xi32, #tpu.memory_space<hbm>>
          %dma_wait3A_889 = arith.constant 0 : i32
          %dma_wait3A_890 = arith.constant 0 : i32
          %dma_wait3A_891 = tpu.memref_slice %arg5[%run_scoped3A_840, %dma_wait3A_889, %dma_wait3A_890] : memref<4x2x128xi32, #tpu.memory_space<vmem>> -> memref<1x2x128xi32, #tpu.memory_space<vmem>>
          %dma_wait3A_892 = tpu.memref_squeeze %dma_wait3A_891 : memref<1x2x128xi32, #tpu.memory_space<vmem>> -> memref<2x128xi32, #tpu.memory_space<vmem>>
          %dma_wait3A_893 = arith.constant 0 : i32
          %dma_wait3A_894 = tpu.memref_slice %arg2[%select_n3A_821, %mul3A_823, %select_n3A_839, %dma_wait3A_893] : memref<3x128x8x128xi32, #tpu.memory_space<hbm>> -> memref<1x2x1x128xi32, #tpu.memory_space<hbm>>
          %dma_wait3A_895 = tpu.memref_squeeze %dma_wait3A_894 : memref<1x2x1x128xi32, #tpu.memory_space<hbm>> -> memref<2x128xi32, #tpu.memory_space<hbm>>
          tpu.wait_dma2 semaphore(%run_scoped3A_867 : memref<!tpu.dma_semaphore, #tpu.memory_space<semaphore_mem>>) src(%dma_wait3A_895 : memref<2x128xi32, #tpu.memory_space<hbm>>) dst(%dma_wait3A_892 : memref<2x128xi32, #tpu.memory_space<vmem>>)
          tpu.yield
        }) : () -> ()
        %dma_start3A_841 = arith.constant 3 : i32
        %dma_start3A_842 = arith.constant 0 : i32
        %dma_start3A_843 = arith.constant 3 : i32
        %dma_start3A_844 = arith.constant 0 : i32
        %dma_start3A_845 = arith.constant 0 : i32
        %dma_start3A_846 = tpu.memref_slice %arg6[%dma_start3A_843, %dma_start3A_844, %dma_start3A_845] : memref<4x256x64xf32, #tpu.memory_space<vmem>> -> memref<1x128x64xf32, #tpu.memory_space<vmem>>
        %dma_start3A_847 = tpu.memref_squeeze %dma_start3A_846 : memref<1x128x64xf32, #tpu.memory_space<vmem>> -> memref<128x64xf32, #tpu.memory_space<vmem>>
        %dma_start3A_848 = arith.constant 0 : i32
        %dma_start3A_849 = tpu.memref_slice %arg5[%dma_start3A_841, %dma_start3A_842, %dma_start3A_848] : memref<4x2x128xi32, #tpu.memory_space<vmem>> -> memref<1x1x128xi32, #tpu.memory_space<vmem>>
        %dma_start3A_850 = tpu.memref_squeeze %dma_start3A_849 : memref<1x1x128xi32, #tpu.memory_space<vmem>> -> memref<128xi32, #tpu.memory_space<vmem>>
        %dma_start3A_851 = arith.constant 0 : i32
        %dma_start3A_852 = arith.constant 0 : i32
        %dma_start3A_853 = tpu.memref_slice %arg3[%dma_start3A_851, %dma_start3A_852] : memref<2000000x64xf32, #tpu.memory_space<hbm>> -> memref<2000000x64xf32, #tpu.memory_space<hbm>>
        tpu.enqueue_indirect_dma source(%dma_start3A_853 : memref<2000000x64xf32, #tpu.memory_space<hbm>>) target(%dma_start3A_847 : memref<128x64xf32, #tpu.memory_space<vmem>>) offsets(%dma_start3A_850 : memref<128xi32, #tpu.memory_space<vmem>>) semaphore(%arg11 : memref<!tpu.dma_semaphore, #tpu.memory_space<semaphore_mem>>)
        %dma_start3A_854 = arith.constant 3 : i32
        %dma_start3A_855 = arith.constant 1 : i32
        %dma_start3A_856 = arith.constant 3 : i32
        %dma_start3A_857 = arith.constant 128 : i32
        %dma_start3A_858 = arith.constant 0 : i32
        %dma_start3A_859 = tpu.memref_slice %arg6[%dma_start3A_856, %dma_start3A_857, %dma_start3A_858] : memref<4x256x64xf32, #tpu.memory_space<vmem>> -> memref<1x128x64xf32, #tpu.memory_space<vmem>>
        %dma_start3A_860 = tpu.memref_squeeze %dma_start3A_859 : memref<1x128x64xf32, #tpu.memory_space<vmem>> -> memref<128x64xf32, #tpu.memory_space<vmem>>
        %dma_start3A_861 = arith.constant 0 : i32
        %dma_start3A_862 = tpu.memref_slice %arg5[%dma_start3A_854, %dma_start3A_855, %dma_start3A_861] : memref<4x2x128xi32, #tpu.memory_space<vmem>> -> memref<1x1x128xi32, #tpu.memory_space<vmem>>
        %dma_start3A_863 = tpu.memref_squeeze %dma_start3A_862 : memref<1x1x128xi32, #tpu.memory_space<vmem>> -> memref<128xi32, #tpu.memory_space<vmem>>
        %dma_start3A_864 = arith.constant 0 : i32
        %dma_start3A_865 = arith.constant 0 : i32
        %dma_start3A_866 = tpu.memref_slice %arg3[%dma_start3A_864, %dma_start3A_865] : memref<2000000x64xf32, #tpu.memory_space<hbm>> -> memref<2000000x64xf32, #tpu.memory_space<hbm>>
        tpu.enqueue_indirect_dma source(%dma_start3A_866 : memref<2000000x64xf32, #tpu.memory_space<hbm>>) target(%dma_start3A_860 : memref<128x64xf32, #tpu.memory_space<vmem>>) offsets(%dma_start3A_863 : memref<128xi32, #tpu.memory_space<vmem>>) semaphore(%arg11 : memref<!tpu.dma_semaphore, #tpu.memory_space<semaphore_mem>>)
      } else {
      }
      %ge3A_445 = arith.constant 2 : i32
      %ge3A_446 = arith.cmpi sge, %add3A_411, %ge3A_445 : i32
      %convert_element_type3A_447 = arith.extui %ge3A_446 : i1 to i32
      %cond3A_448 = arith.constant 0 : i32
      %cond3A_449 = arith.cmpi ne, %convert_element_type3A_447, %cond3A_448 : i32
      scf.if %cond3A_449 {
        %dma_wait3A_753 = arith.constant 1 : i32
        %dma_wait3A_754 = arith.constant 0 : i32
        %dma_wait3A_755 = arith.constant 0 : i32
        %dma_wait3A_756 = arith.constant 0 : i32
        %dma_wait3A_757 = arith.constant 0 : i32
        %dma_wait3A_758 = arith.constant 0 : i32
        %dma_wait3A_759 = tpu.memref_slice %arg7[%dma_wait3A_753, %dma_wait3A_755, %dma_wait3A_756, %dma_wait3A_757, %dma_wait3A_758] : memref<2x8x2x12x129xf32, #tpu.memory_space<vmem>> -> memref<1x8x2x8x128xf32, #tpu.memory_space<vmem>>
        %dma_wait3A_760 = tpu.memref_squeeze %dma_wait3A_759 : memref<1x8x2x8x128xf32, #tpu.memory_space<vmem>> -> memref<8x2x8x128xf32, #tpu.memory_space<vmem>>
        %dma_wait3A_761 = arith.constant 0 : i32
        %dma_wait3A_762 = arith.constant 0 : i32
        %dma_wait3A_763 = arith.constant 0 : i32
        %dma_wait3A_764 = arith.constant 0 : i32
        %dma_wait3A_765 = tpu.memref_slice %arg4[%dma_wait3A_754, %dma_wait3A_761, %dma_wait3A_762, %dma_wait3A_763, %dma_wait3A_764] : memref<20x8x128x8x128xf32, #tpu.memory_space<hbm>> -> memref<1x8x2x8x128xf32, #tpu.memory_space<hbm>>
        %dma_wait3A_766 = tpu.memref_squeeze %dma_wait3A_765 : memref<1x8x2x8x128xf32, #tpu.memory_space<hbm>> -> memref<8x2x8x128xf32, #tpu.memory_space<hbm>>
        %dma_wait3A_767 = arith.constant 0 : i32
        %dma_wait3A_768 = arith.constant 0 : i32
        %dma_wait3A_769 = arith.constant 0 : i32
        %dma_wait3A_770 = arith.constant 0 : i32
        %dma_wait3A_771 = tpu.memref_slice %arg4[%dma_wait3A_754, %dma_wait3A_767, %dma_wait3A_768, %dma_wait3A_769, %dma_wait3A_770] : memref<20x8x128x8x128xf32, #tpu.memory_space<hbm>> -> memref<1x8x2x8x128xf32, #tpu.memory_space<hbm>>
        %dma_wait3A_772 = tpu.memref_squeeze %dma_wait3A_771 : memref<1x8x2x8x128xf32, #tpu.memory_space<hbm>> -> memref<8x2x8x128xf32, #tpu.memory_space<hbm>>
        %dma_wait3A_773 = arith.constant 0 : i32
        %dma_wait3A_774 = arith.constant 0 : i32
        %dma_wait3A_775 = arith.constant 0 : i32
        %dma_wait3A_776 = arith.constant 0 : i32
        %dma_wait3A_777 = tpu.memref_slice %arg7[%dma_wait3A_753, %dma_wait3A_773, %dma_wait3A_774, %dma_wait3A_775, %dma_wait3A_776] : memref<2x8x2x12x129xf32, #tpu.memory_space<vmem>> -> memref<1x8x2x8x128xf32, #tpu.memory_space<vmem>>
        %dma_wait3A_778 = tpu.memref_squeeze %dma_wait3A_777 : memref<1x8x2x8x128xf32, #tpu.memory_space<vmem>> -> memref<8x2x8x128xf32, #tpu.memory_space<vmem>>
        tpu.wait_dma2 semaphore(%arg13 : memref<!tpu.dma_semaphore, #tpu.memory_space<semaphore_mem>>) src(%dma_wait3A_778 : memref<8x2x8x128xf32, #tpu.memory_space<vmem>>) dst(%dma_wait3A_772 : memref<8x2x8x128xf32, #tpu.memory_space<hbm>>)
      } else {
      }
      %broadcast_in_dim3A_450 = arith.constant 1 : i32
      %broadcast_in_dim3A_451 = vector.broadcast %broadcast_in_dim3A_450 : i32 to vector<16xi32>
      %parallel_loop3A_452 = arith.constant 0 : i32
      %parallel_loop3A_453 = arith.constant 128 : i32
      %parallel_loop3A_454 = arith.constant 1 : i32
      scf.for %parallel_loop3A_753 = %parallel_loop3A_452 to %parallel_loop3A_453 step %parallel_loop3A_454  : i32 {
        %parallel_loop3A_754 = vector.broadcast %parallel_loop3A_753 : i32 to vector<16xi32>
        %parallel_loop3A_755 = arith.constant 0 : i32
        %parallel_loop3A_756 = arith.addi %parallel_loop3A_753, %parallel_loop3A_755 : i32
        %parallel_loop3A_757 = arith.constant 0 : i32
        %parallel_loop3A_758 = vector.broadcast %parallel_loop3A_757 : i32 to vector<16xi32>
        %parallel_loop3A_759 = arith.constant 1 : i32
        %parallel_loop3A_760 = arith.index_cast %parallel_loop3A_759 : i32 to index
        %parallel_loop3A_761 = arith.index_cast %parallel_loop3A_756 : i32 to index
        %parallel_loop3A_762 = arith.constant 0 : index
        %parallel_loop3A_763 = tpu.vector_load %arg6[%parallel_loop3A_760, %parallel_loop3A_761, %parallel_loop3A_762] {strides = array<i32>} : memref<4x256x64xf32, #tpu.memory_space<vmem>>, vector<16xf32>,
        tpu.vector_store_idx %arg7[%broadcast_in_dim3A_451, %add3A_7, %parallel_loop3A_758, %and3A_2, %parallel_loop3A_754], %parallel_loop3A_763 : memref<2x8x2x12x129xf32, #tpu.memory_space<vmem>>[vector<16xi32>, vector<16xi32>, vector<16xi32>, vector<16xi32>, vector<16xi32>], vector<16xf32>,
        %parallel_loop3A_764 = arith.constant 1 : i32
        %parallel_loop3A_765 = arith.index_cast %parallel_loop3A_764 : i32 to index
        %parallel_loop3A_766 = arith.index_cast %parallel_loop3A_756 : i32 to index
        %parallel_loop3A_767 = arith.constant 16 : index
        %parallel_loop3A_768 = tpu.vector_load %arg6[%parallel_loop3A_765, %parallel_loop3A_766, %parallel_loop3A_767] {strides = array<i32>} : memref<4x256x64xf32, #tpu.memory_space<vmem>>, vector<16xf32>,
        tpu.vector_store_idx %arg7[%broadcast_in_dim3A_451, %add3A_13, %parallel_loop3A_758, %and3A_2, %parallel_loop3A_754], %parallel_loop3A_768 : memref<2x8x2x12x129xf32, #tpu.memory_space<vmem>>[vector<16xi32>, vector<16xi32>, vector<16xi32>, vector<16xi32>, vector<16xi32>], vector<16xf32>,
        %parallel_loop3A_769 = arith.constant 1 : i32
        %parallel_loop3A_770 = arith.index_cast %parallel_loop3A_769 : i32 to index
        %parallel_loop3A_771 = arith.index_cast %parallel_loop3A_756 : i32 to index
        %parallel_loop3A_772 = arith.constant 32 : index
        %parallel_loop3A_773 = tpu.vector_load %arg6[%parallel_loop3A_770, %parallel_loop3A_771, %parallel_loop3A_772] {strides = array<i32>} : memref<4x256x64xf32, #tpu.memory_space<vmem>>, vector<16xf32>,
        tpu.vector_store_idx %arg7[%broadcast_in_dim3A_451, %add3A_19, %parallel_loop3A_758, %and3A_2, %parallel_loop3A_754], %parallel_loop3A_773 : memref<2x8x2x12x129xf32, #tpu.memory_space<vmem>>[vector<16xi32>, vector<16xi32>, vector<16xi32>, vector<16xi32>, vector<16xi32>], vector<16xf32>,
        %parallel_loop3A_774 = arith.constant 1 : i32
        %parallel_loop3A_775 = arith.index_cast %parallel_loop3A_774 : i32 to index
        %parallel_loop3A_776 = arith.index_cast %parallel_loop3A_756 : i32 to index
        %parallel_loop3A_777 = arith.constant 48 : index
        %parallel_loop3A_778 = tpu.vector_load %arg6[%parallel_loop3A_775, %parallel_loop3A_776, %parallel_loop3A_777] {strides = array<i32>} : memref<4x256x64xf32, #tpu.memory_space<vmem>>, vector<16xf32>,
        tpu.vector_store_idx %arg7[%broadcast_in_dim3A_451, %add3A_25, %parallel_loop3A_758, %and3A_2, %parallel_loop3A_754], %parallel_loop3A_778 : memref<2x8x2x12x129xf32, #tpu.memory_space<vmem>>[vector<16xi32>, vector<16xi32>, vector<16xi32>, vector<16xi32>, vector<16xi32>], vector<16xf32>,
        %parallel_loop3A_779 = arith.constant 128 : i32
        %parallel_loop3A_780 = arith.addi %parallel_loop3A_753, %parallel_loop3A_779 : i32
        %parallel_loop3A_781 = arith.constant 1 : i32
        %parallel_loop3A_782 = vector.broadcast %parallel_loop3A_781 : i32 to vector<16xi32>
        %parallel_loop3A_783 = arith.constant 1 : i32
        %parallel_loop3A_784 = arith.index_cast %parallel_loop3A_783 : i32 to index
        %parallel_loop3A_785 = arith.index_cast %parallel_loop3A_780 : i32 to index
        %parallel_loop3A_786 = arith.constant 0 : index
        %parallel_loop3A_787 = tpu.vector_load %arg6[%parallel_loop3A_784, %parallel_loop3A_785, %parallel_loop3A_786] {strides = array<i32>} : memref<4x256x64xf32, #tpu.memory_space<vmem>>, vector<16xf32>,
        tpu.vector_store_idx %arg7[%broadcast_in_dim3A_451, %add3A_7, %parallel_loop3A_782, %and3A_2, %parallel_loop3A_754], %parallel_loop3A_787 : memref<2x8x2x12x129xf32, #tpu.memory_space<vmem>>[vector<16xi32>, vector<16xi32>, vector<16xi32>, vector<16xi32>, vector<16xi32>], vector<16xf32>,
        %parallel_loop3A_788 = arith.constant 1 : i32
        %parallel_loop3A_789 = arith.index_cast %parallel_loop3A_788 : i32 to index
        %parallel_loop3A_790 = arith.index_cast %parallel_loop3A_780 : i32 to index
        %parallel_loop3A_791 = arith.constant 16 : index
        %parallel_loop3A_792 = tpu.vector_load %arg6[%parallel_loop3A_789, %parallel_loop3A_790, %parallel_loop3A_791] {strides = array<i32>} : memref<4x256x64xf32, #tpu.memory_space<vmem>>, vector<16xf32>,
        tpu.vector_store_idx %arg7[%broadcast_in_dim3A_451, %add3A_13, %parallel_loop3A_782, %and3A_2, %parallel_loop3A_754], %parallel_loop3A_792 : memref<2x8x2x12x129xf32, #tpu.memory_space<vmem>>[vector<16xi32>, vector<16xi32>, vector<16xi32>, vector<16xi32>, vector<16xi32>], vector<16xf32>,
        %parallel_loop3A_793 = arith.constant 1 : i32
        %parallel_loop3A_794 = arith.index_cast %parallel_loop3A_793 : i32 to index
        %parallel_loop3A_795 = arith.index_cast %parallel_loop3A_780 : i32 to index
        %parallel_loop3A_796 = arith.constant 32 : index
        %parallel_loop3A_797 = tpu.vector_load %arg6[%parallel_loop3A_794, %parallel_loop3A_795, %parallel_loop3A_796] {strides = array<i32>} : memref<4x256x64xf32, #tpu.memory_space<vmem>>, vector<16xf32>,
        tpu.vector_store_idx %arg7[%broadcast_in_dim3A_451, %add3A_19, %parallel_loop3A_782, %and3A_2, %parallel_loop3A_754], %parallel_loop3A_797 : memref<2x8x2x12x129xf32, #tpu.memory_space<vmem>>[vector<16xi32>, vector<16xi32>, vector<16xi32>, vector<16xi32>, vector<16xi32>], vector<16xf32>,
        %parallel_loop3A_798 = arith.constant 1 : i32
        %parallel_loop3A_799 = arith.index_cast %parallel_loop3A_798 : i32 to index
        %parallel_loop3A_800 = arith.index_cast %parallel_loop3A_780 : i32 to index
        %parallel_loop3A_801 = arith.constant 48 : index
        %parallel_loop3A_802 = tpu.vector_load %arg6[%parallel_loop3A_799, %parallel_loop3A_800, %parallel_loop3A_801] {strides = array<i32>} : memref<4x256x64xf32, #tpu.memory_space<vmem>>, vector<16xf32>,
        tpu.vector_store_idx %arg7[%broadcast_in_dim3A_451, %add3A_25, %parallel_loop3A_782, %and3A_2, %parallel_loop3A_754], %parallel_loop3A_802 : memref<2x8x2x12x129xf32, #tpu.memory_space<vmem>>[vector<16xi32>, vector<16xi32>, vector<16xi32>, vector<16xi32>, vector<16xi32>], vector<16xf32>,
      } {sc.loop_unroll_factor = 4 : i64, sc.parallel_access}
      %mul3A_455 = arith.constant 40 : i32
      %mul3A_456 = arith.muli %add3A, %mul3A_455 : i32
      %add3A_457 = arith.addi %mul3A_456, %add3A_411 : i32
      %jit3A_458 = arith.constant 64 : i32
      %div3A_459 = arith.divsi %add3A_457, %jit3A_458 : i32
      %sign3A_460 = arith.constant 0 : i32
      %sign3A_461 = arith.cmpi sgt, %add3A_457, %sign3A_460 : i32
      %sign3A_462 = arith.extui %sign3A_461 : i1 to i32
      %sign3A_463 = arith.constant 0 : i32
      %sign3A_464 = arith.cmpi slt, %add3A_457, %sign3A_463 : i32
      %sign3A_465 = arith.extui %sign3A_464 : i1 to i32
      %sign3A_466 = arith.subi %sign3A_462, %sign3A_465 : i32
      %sign3A_467 = arith.constant 0 : i32
      %sign3A_468 = arith.cmpi sgt, %jit3A_458, %sign3A_467 : i32
      %sign3A_469 = arith.extui %sign3A_468 : i1 to i32
      %sign3A_470 = arith.constant 0 : i32
      %sign3A_471 = arith.cmpi slt, %jit3A_458, %sign3A_470 : i32
      %sign3A_472 = arith.extui %sign3A_471 : i1 to i32
      %sign3A_473 = arith.subi %sign3A_469, %sign3A_472 : i32
      %ne3A_474 = arith.cmpi ne, %sign3A_466, %sign3A_473 : i32
      %rem3A_475 = arith.remsi %add3A_457, %jit3A_458 : i32
      %ne3A_476 = arith.constant 0 : i32
      %ne3A_477 = arith.cmpi ne, %rem3A_475, %ne3A_476 : i32
      %and3A_478 = arith.andi %ne3A_474, %ne3A_477 : i1
      %sub3A_479 = arith.constant 1 : i32
      %sub3A_480 = arith.subi %div3A_459, %sub3A_479 : i32
      %select_n3A_481 = arith.select %and3A_478, %sub3A_480, %div3A_459 : i32
      %jit3A_482 = arith.constant 64 : i32
      %eq3A_483 = arith.constant 0 : i32
      %eq3A_484 = arith.cmpi eq, %jit3A_482, %eq3A_483 : i32
      %jit3A_485 = arith.constant 1 : i32
      %select_n3A_486 = arith.select %eq3A_484, %jit3A_485, %jit3A_482 : i32
      %rem3A_487 = arith.remsi %add3A_457, %select_n3A_486 : i32
      %ne3A_488 = arith.constant 0 : i32
      %ne3A_489 = arith.cmpi ne, %rem3A_487, %ne3A_488 : i32
      %lt3A_490 = arith.constant 0 : i32
      %lt3A_491 = arith.cmpi slt, %rem3A_487, %lt3A_490 : i32
      %lt3A_492 = arith.constant 0 : i32
      %lt3A_493 = arith.cmpi slt, %select_n3A_486, %lt3A_492 : i32
      %ne3A_494 = arith.xori %lt3A_491, %lt3A_493 : i1
      %and3A_495 = arith.andi %ne3A_494, %ne3A_489 : i1
      %add3A_496 = arith.addi %rem3A_487, %select_n3A_486 : i32
      %select_n3A_497 = arith.select %and3A_495, %add3A_496, %rem3A_487 : i32
      %mul3A_498 = arith.constant 2 : i32
      %mul3A_499 = arith.muli %mul3A_498, %select_n3A_497 : i32
      %dma_start3A_500 = arith.constant 1 : i32
      %dma_start3A_501 = arith.constant 0 : i32
      %dma_start3A_502 = arith.constant 0 : i32
      %dma_start3A_503 = arith.constant 0 : i32
      %dma_start3A_504 = arith.constant 0 : i32
      %dma_start3A_505 = tpu.memref_slice %arg7[%dma_start3A_500, %dma_start3A_501, %dma_start3A_502, %dma_start3A_503, %dma_start3A_504] : memref<2x8x2x12x129xf32, #tpu.memory_space<vmem>> -> memref<1x8x2x8x128xf32, #tpu.memory_space<vmem>>
      %dma_start3A_506 = tpu.memref_squeeze %dma_start3A_505 : memref<1x8x2x8x128xf32, #tpu.memory_space<vmem>> -> memref<8x2x8x128xf32, #tpu.memory_space<vmem>>
      %dma_start3A_507 = arith.constant 0 : i32
      %dma_start3A_508 = arith.constant 0 : i32
      %dma_start3A_509 = arith.constant 0 : i32
      %dma_start3A_510 = tpu.memref_slice %arg4[%select_n3A_481, %dma_start3A_507, %mul3A_499, %dma_start3A_508, %dma_start3A_509] : memref<20x8x128x8x128xf32, #tpu.memory_space<hbm>> -> memref<1x8x2x8x128xf32, #tpu.memory_space<hbm>>
      %dma_start3A_511 = tpu.memref_squeeze %dma_start3A_510 : memref<1x8x2x8x128xf32, #tpu.memory_space<hbm>> -> memref<8x2x8x128xf32, #tpu.memory_space<hbm>>
      %dma_start3A_512 = arith.constant 0 : i32
      %dma_start3A_513 = arith.constant 0 : i32
      %dma_start3A_514 = arith.constant 0 : i32
      %dma_start3A_515 = tpu.memref_slice %arg4[%select_n3A_481, %dma_start3A_512, %mul3A_499, %dma_start3A_513, %dma_start3A_514] : memref<20x8x128x8x128xf32, #tpu.memory_space<hbm>> -> memref<1x8x2x8x128xf32, #tpu.memory_space<hbm>>
      %dma_start3A_516 = tpu.memref_squeeze %dma_start3A_515 : memref<1x8x2x8x128xf32, #tpu.memory_space<hbm>> -> memref<8x2x8x128xf32, #tpu.memory_space<hbm>>
      %dma_start3A_517 = arith.constant 0 : i32
      %dma_start3A_518 = arith.constant 0 : i32
      %dma_start3A_519 = arith.constant 0 : i32
      %dma_start3A_520 = arith.constant 0 : i32
      %dma_start3A_521 = tpu.memref_slice %arg7[%dma_start3A_500, %dma_start3A_517, %dma_start3A_518, %dma_start3A_519, %dma_start3A_520] : memref<2x8x2x12x129xf32, #tpu.memory_space<vmem>> -> memref<1x8x2x8x128xf32, #tpu.memory_space<vmem>>
      %dma_start3A_522 = tpu.memref_squeeze %dma_start3A_521 : memref<1x8x2x8x128xf32, #tpu.memory_space<vmem>> -> memref<8x2x8x128xf32, #tpu.memory_space<vmem>>
      tpu.enqueue_dma source(%dma_start3A_522 : memref<8x2x8x128xf32, #tpu.memory_space<vmem>>) target(%dma_start3A_516 : memref<8x2x8x128xf32, #tpu.memory_space<hbm>>) target_semaphore(%arg13 : memref<!tpu.dma_semaphore, #tpu.memory_space<semaphore_mem>>)
      %mul3A_523 = arith.constant 4 : i32
      %mul3A_524 = arith.muli %scan3A_297, %mul3A_523 : i32
      %add3A_525 = arith.constant 2 : i32
      %add3A_526 = arith.addi %mul3A_524, %add3A_525 : i32
      %dma_wait3A_527 = arith.constant 2 : i32
      %dma_wait3A_528 = arith.constant 0 : i32
      %dma_wait3A_529 = arith.constant 2 : i32
      %dma_wait3A_530 = arith.constant 0 : i32
      %dma_wait3A_531 = arith.constant 0 : i32
      %dma_wait3A_532 = tpu.memref_slice %arg6[%dma_wait3A_529, %dma_wait3A_530, %dma_wait3A_531] : memref<4x256x64xf32, #tpu.memory_space<vmem>> -> memref<1x128x64xf32, #tpu.memory_space<vmem>>
      %dma_wait3A_533 = tpu.memref_squeeze %dma_wait3A_532 : memref<1x128x64xf32, #tpu.memory_space<vmem>> -> memref<128x64xf32, #tpu.memory_space<vmem>>
      %dma_wait3A_534 = arith.constant 0 : i32
      %dma_wait3A_535 = tpu.memref_slice %arg5[%dma_wait3A_527, %dma_wait3A_528, %dma_wait3A_534] : memref<4x2x128xi32, #tpu.memory_space<vmem>> -> memref<1x1x128xi32, #tpu.memory_space<vmem>>
      %dma_wait3A_536 = tpu.memref_squeeze %dma_wait3A_535 : memref<1x1x128xi32, #tpu.memory_space<vmem>> -> memref<128xi32, #tpu.memory_space<vmem>>
      %dma_wait3A_537 = arith.constant 0 : i32
      %dma_wait3A_538 = arith.constant 0 : i32
      %dma_wait3A_539 = tpu.memref_slice %arg3[%dma_wait3A_537, %dma_wait3A_538] : memref<2000000x64xf32, #tpu.memory_space<hbm>> -> memref<2000000x64xf32, #tpu.memory_space<hbm>>
      tpu.wait_indirect_dma semaphore(%arg10 : memref<!tpu.dma_semaphore, #tpu.memory_space<semaphore_mem>>) src(%dma_wait3A_539 : memref<2000000x64xf32, #tpu.memory_space<hbm>>) dst(%dma_wait3A_533 : memref<128x64xf32, #tpu.memory_space<vmem>>)
      %dma_wait3A_540 = arith.constant 2 : i32
      %dma_wait3A_541 = arith.constant 0 : i32
      %dma_wait3A_542 = arith.constant 2 : i32
      %dma_wait3A_543 = arith.constant 0 : i32
      %dma_wait3A_544 = arith.constant 0 : i32
      %dma_wait3A_545 = tpu.memref_slice %arg6[%dma_wait3A_542, %dma_wait3A_543, %dma_wait3A_544] : memref<4x256x64xf32, #tpu.memory_space<vmem>> -> memref<1x128x64xf32, #tpu.memory_space<vmem>>
      %dma_wait3A_546 = tpu.memref_squeeze %dma_wait3A_545 : memref<1x128x64xf32, #tpu.memory_space<vmem>> -> memref<128x64xf32, #tpu.memory_space<vmem>>
      %dma_wait3A_547 = arith.constant 0 : i32
      %dma_wait3A_548 = tpu.memref_slice %arg5[%dma_wait3A_540, %dma_wait3A_541, %dma_wait3A_547] : memref<4x2x128xi32, #tpu.memory_space<vmem>> -> memref<1x1x128xi32, #tpu.memory_space<vmem>>
      %dma_wait3A_549 = tpu.memref_squeeze %dma_wait3A_548 : memref<1x1x128xi32, #tpu.memory_space<vmem>> -> memref<128xi32, #tpu.memory_space<vmem>>
      %dma_wait3A_550 = arith.constant 0 : i32
      %dma_wait3A_551 = arith.constant 0 : i32
      %dma_wait3A_552 = tpu.memref_slice %arg3[%dma_wait3A_550, %dma_wait3A_551] : memref<2000000x64xf32, #tpu.memory_space<hbm>> -> memref<2000000x64xf32, #tpu.memory_space<hbm>>
      tpu.wait_indirect_dma semaphore(%arg10 : memref<!tpu.dma_semaphore, #tpu.memory_space<semaphore_mem>>) src(%dma_wait3A_552 : memref<2000000x64xf32, #tpu.memory_space<hbm>>) dst(%dma_wait3A_546 : memref<128x64xf32, #tpu.memory_space<vmem>>)
      %add3A_553 = arith.constant 2 : i32
      %add3A_554 = arith.addi %add3A_526, %add3A_553 : i32
      %lt3A_555 = arith.constant 40 : i32
      %lt3A_556 = arith.cmpi slt, %add3A_554, %lt3A_555 : i32
      %convert_element_type3A_557 = arith.extui %lt3A_556 : i1 to i32
      %cond3A_558 = arith.constant 0 : i32
      %cond3A_559 = arith.cmpi ne, %convert_element_type3A_557, %cond3A_558 : i32
      scf.if %cond3A_559 {
        %add3A_753 = arith.constant 2 : i32
        %add3A_754 = arith.addi %add3A_526, %add3A_753 : i32
        %mul3A_755 = arith.constant 40 : i32
        %mul3A_756 = arith.muli %add3A, %mul3A_755 : i32
        %add3A_757 = arith.addi %mul3A_756, %add3A_754 : i32
        %jit3A_758 = arith.constant 64 : i32
        %div3A_759 = arith.divsi %add3A_757, %jit3A_758 : i32
        %sign3A_760 = arith.constant 0 : i32
        %sign3A_761 = arith.cmpi sgt, %add3A_757, %sign3A_760 : i32
        %sign3A_762 = arith.extui %sign3A_761 : i1 to i32
        %sign3A_763 = arith.constant 0 : i32
        %sign3A_764 = arith.cmpi slt, %add3A_757, %sign3A_763 : i32
        %sign3A_765 = arith.extui %sign3A_764 : i1 to i32
        %sign3A_766 = arith.subi %sign3A_762, %sign3A_765 : i32
        %sign3A_767 = arith.constant 0 : i32
        %sign3A_768 = arith.cmpi sgt, %jit3A_758, %sign3A_767 : i32
        %sign3A_769 = arith.extui %sign3A_768 : i1 to i32
        %sign3A_770 = arith.constant 0 : i32
        %sign3A_771 = arith.cmpi slt, %jit3A_758, %sign3A_770 : i32
        %sign3A_772 = arith.extui %sign3A_771 : i1 to i32
        %sign3A_773 = arith.subi %sign3A_769, %sign3A_772 : i32
        %ne3A_774 = arith.cmpi ne, %sign3A_766, %sign3A_773 : i32
        %rem3A_775 = arith.remsi %add3A_757, %jit3A_758 : i32
        %ne3A_776 = arith.constant 0 : i32
        %ne3A_777 = arith.cmpi ne, %rem3A_775, %ne3A_776 : i32
        %and3A_778 = arith.andi %ne3A_774, %ne3A_777 : i1
        %sub3A_779 = arith.constant 1 : i32
        %sub3A_780 = arith.subi %div3A_759, %sub3A_779 : i32
        %select_n3A_781 = arith.select %and3A_778, %sub3A_780, %div3A_759 : i32
        %jit3A_782 = arith.constant 64 : i32
        %eq3A_783 = arith.constant 0 : i32
        %eq3A_784 = arith.cmpi eq, %jit3A_782, %eq3A_783 : i32
        %jit3A_785 = arith.constant 1 : i32
        %select_n3A_786 = arith.select %eq3A_784, %jit3A_785, %jit3A_782 : i32
        %rem3A_787 = arith.remsi %add3A_757, %select_n3A_786 : i32
        %ne3A_788 = arith.constant 0 : i32
        %ne3A_789 = arith.cmpi ne, %rem3A_787, %ne3A_788 : i32
        %lt3A_790 = arith.constant 0 : i32
        %lt3A_791 = arith.cmpi slt, %rem3A_787, %lt3A_790 : i32
        %lt3A_792 = arith.constant 0 : i32
        %lt3A_793 = arith.cmpi slt, %select_n3A_786, %lt3A_792 : i32
        %ne3A_794 = arith.xori %lt3A_791, %lt3A_793 : i1
        %and3A_795 = arith.andi %ne3A_794, %ne3A_789 : i1
        %add3A_796 = arith.addi %rem3A_787, %select_n3A_786 : i32
        %select_n3A_797 = arith.select %and3A_795, %add3A_796, %rem3A_787 : i32
        %jit3A_798 = arith.constant 8 : i32
        %div3A_799 = arith.divsi %select_n3A_781, %jit3A_798 : i32
        %sign3A_800 = arith.constant 0 : i32
        %sign3A_801 = arith.cmpi sgt, %select_n3A_781, %sign3A_800 : i32
        %sign3A_802 = arith.extui %sign3A_801 : i1 to i32
        %sign3A_803 = arith.constant 0 : i32
        %sign3A_804 = arith.cmpi slt, %select_n3A_781, %sign3A_803 : i32
        %sign3A_805 = arith.extui %sign3A_804 : i1 to i32
        %sign3A_806 = arith.subi %sign3A_802, %sign3A_805 : i32
        %sign3A_807 = arith.constant 0 : i32
        %sign3A_808 = arith.cmpi sgt, %jit3A_798, %sign3A_807 : i32
        %sign3A_809 = arith.extui %sign3A_808 : i1 to i32
        %sign3A_810 = arith.constant 0 : i32
        %sign3A_811 = arith.cmpi slt, %jit3A_798, %sign3A_810 : i32
        %sign3A_812 = arith.extui %sign3A_811 : i1 to i32
        %sign3A_813 = arith.subi %sign3A_809, %sign3A_812 : i32
        %ne3A_814 = arith.cmpi ne, %sign3A_806, %sign3A_813 : i32
        %rem3A_815 = arith.remsi %select_n3A_781, %jit3A_798 : i32
        %ne3A_816 = arith.constant 0 : i32
        %ne3A_817 = arith.cmpi ne, %rem3A_815, %ne3A_816 : i32
        %and3A_818 = arith.andi %ne3A_814, %ne3A_817 : i1
        %sub3A_819 = arith.constant 1 : i32
        %sub3A_820 = arith.subi %div3A_799, %sub3A_819 : i32
        %select_n3A_821 = arith.select %and3A_818, %sub3A_820, %div3A_799 : i32
        %mul3A_822 = arith.constant 2 : i32
        %mul3A_823 = arith.muli %mul3A_822, %select_n3A_797 : i32
        %jit3A_824 = arith.constant 8 : i32
        %eq3A_825 = arith.constant 0 : i32
        %eq3A_826 = arith.cmpi eq, %jit3A_824, %eq3A_825 : i32
        %jit3A_827 = arith.constant 1 : i32
        %select_n3A_828 = arith.select %eq3A_826, %jit3A_827, %jit3A_824 : i32
        %rem3A_829 = arith.remsi %select_n3A_781, %select_n3A_828 : i32
        %ne3A_830 = arith.constant 0 : i32
        %ne3A_831 = arith.cmpi ne, %rem3A_829, %ne3A_830 : i32
        %lt3A_832 = arith.constant 0 : i32
        %lt3A_833 = arith.cmpi slt, %rem3A_829, %lt3A_832 : i32
        %lt3A_834 = arith.constant 0 : i32
        %lt3A_835 = arith.cmpi slt, %select_n3A_828, %lt3A_834 : i32
        %ne3A_836 = arith.xori %lt3A_833, %lt3A_835 : i1
        %and3A_837 = arith.andi %ne3A_836, %ne3A_831 : i1
        %add3A_838 = arith.addi %rem3A_829, %select_n3A_828 : i32
        %select_n3A_839 = arith.select %and3A_837, %add3A_838, %rem3A_829 : i32
        %run_scoped3A_840 = arith.constant 0 : i32
        "tpu.region"() ({
          %run_scoped3A_867 = tpu.sem_alloc : memref<!tpu.dma_semaphore, #tpu.memory_space<semaphore_mem>>
          %dma_start3A_868 = arith.constant 0 : i32
          %dma_start3A_869 = arith.constant 0 : i32
          %dma_start3A_870 = tpu.memref_slice %arg5[%run_scoped3A_840, %dma_start3A_868, %dma_start3A_869] : memref<4x2x128xi32, #tpu.memory_space<vmem>> -> memref<1x2x128xi32, #tpu.memory_space<vmem>>
          %dma_start3A_871 = tpu.memref_squeeze %dma_start3A_870 : memref<1x2x128xi32, #tpu.memory_space<vmem>> -> memref<2x128xi32, #tpu.memory_space<vmem>>
          %dma_start3A_872 = arith.constant 0 : i32
          %dma_start3A_873 = tpu.memref_slice %arg2[%select_n3A_821, %mul3A_823, %select_n3A_839, %dma_start3A_872] : memref<3x128x8x128xi32, #tpu.memory_space<hbm>> -> memref<1x2x1x128xi32, #tpu.memory_space<hbm>>
          %dma_start3A_874 = tpu.memref_squeeze %dma_start3A_873 : memref<1x2x1x128xi32, #tpu.memory_space<hbm>> -> memref<2x128xi32, #tpu.memory_space<hbm>>
          %dma_start3A_875 = arith.constant 0 : i32
          %dma_start3A_876 = arith.constant 0 : i32
          %dma_start3A_877 = tpu.memref_slice %arg5[%run_scoped3A_840, %dma_start3A_875, %dma_start3A_876] : memref<4x2x128xi32, #tpu.memory_space<vmem>> -> memref<1x2x128xi32, #tpu.memory_space<vmem>>
          %dma_start3A_878 = tpu.memref_squeeze %dma_start3A_877 : memref<1x2x128xi32, #tpu.memory_space<vmem>> -> memref<2x128xi32, #tpu.memory_space<vmem>>
          %dma_start3A_879 = arith.constant 0 : i32
          %dma_start3A_880 = tpu.memref_slice %arg2[%select_n3A_821, %mul3A_823, %select_n3A_839, %dma_start3A_879] : memref<3x128x8x128xi32, #tpu.memory_space<hbm>> -> memref<1x2x1x128xi32, #tpu.memory_space<hbm>>
          %dma_start3A_881 = tpu.memref_squeeze %dma_start3A_880 : memref<1x2x1x128xi32, #tpu.memory_space<hbm>> -> memref<2x128xi32, #tpu.memory_space<hbm>>
          tpu.enqueue_dma source(%dma_start3A_881 : memref<2x128xi32, #tpu.memory_space<hbm>>) target(%dma_start3A_878 : memref<2x128xi32, #tpu.memory_space<vmem>>) target_semaphore(%run_scoped3A_867 : memref<!tpu.dma_semaphore, #tpu.memory_space<semaphore_mem>>)
          %dma_wait3A_882 = arith.constant 0 : i32
          %dma_wait3A_883 = arith.constant 0 : i32
          %dma_wait3A_884 = tpu.memref_slice %arg5[%run_scoped3A_840, %dma_wait3A_882, %dma_wait3A_883] : memref<4x2x128xi32, #tpu.memory_space<vmem>> -> memref<1x2x128xi32, #tpu.memory_space<vmem>>
          %dma_wait3A_885 = tpu.memref_squeeze %dma_wait3A_884 : memref<1x2x128xi32, #tpu.memory_space<vmem>> -> memref<2x128xi32, #tpu.memory_space<vmem>>
          %dma_wait3A_886 = arith.constant 0 : i32
          %dma_wait3A_887 = tpu.memref_slice %arg2[%select_n3A_821, %mul3A_823, %select_n3A_839, %dma_wait3A_886] : memref<3x128x8x128xi32, #tpu.memory_space<hbm>> -> memref<1x2x1x128xi32, #tpu.memory_space<hbm>>
          %dma_wait3A_888 = tpu.memref_squeeze %dma_wait3A_887 : memref<1x2x1x128xi32, #tpu.memory_space<hbm>> -> memref<2x128xi32, #tpu.memory_space<hbm>>
          %dma_wait3A_889 = arith.constant 0 : i32
          %dma_wait3A_890 = arith.constant 0 : i32
          %dma_wait3A_891 = tpu.memref_slice %arg5[%run_scoped3A_840, %dma_wait3A_889, %dma_wait3A_890] : memref<4x2x128xi32, #tpu.memory_space<vmem>> -> memref<1x2x128xi32, #tpu.memory_space<vmem>>
          %dma_wait3A_892 = tpu.memref_squeeze %dma_wait3A_891 : memref<1x2x128xi32, #tpu.memory_space<vmem>> -> memref<2x128xi32, #tpu.memory_space<vmem>>
          %dma_wait3A_893 = arith.constant 0 : i32
          %dma_wait3A_894 = tpu.memref_slice %arg2[%select_n3A_821, %mul3A_823, %select_n3A_839, %dma_wait3A_893] : memref<3x128x8x128xi32, #tpu.memory_space<hbm>> -> memref<1x2x1x128xi32, #tpu.memory_space<hbm>>
          %dma_wait3A_895 = tpu.memref_squeeze %dma_wait3A_894 : memref<1x2x1x128xi32, #tpu.memory_space<hbm>> -> memref<2x128xi32, #tpu.memory_space<hbm>>
          tpu.wait_dma2 semaphore(%run_scoped3A_867 : memref<!tpu.dma_semaphore, #tpu.memory_space<semaphore_mem>>) src(%dma_wait3A_895 : memref<2x128xi32, #tpu.memory_space<hbm>>) dst(%dma_wait3A_892 : memref<2x128xi32, #tpu.memory_space<vmem>>)
          tpu.yield
        }) : () -> ()
        %dma_start3A_841 = arith.constant 0 : i32
        %dma_start3A_842 = arith.constant 0 : i32
        %dma_start3A_843 = arith.constant 0 : i32
        %dma_start3A_844 = arith.constant 0 : i32
        %dma_start3A_845 = arith.constant 0 : i32
        %dma_start3A_846 = tpu.memref_slice %arg6[%dma_start3A_843, %dma_start3A_844, %dma_start3A_845] : memref<4x256x64xf32, #tpu.memory_space<vmem>> -> memref<1x128x64xf32, #tpu.memory_space<vmem>>
        %dma_start3A_847 = tpu.memref_squeeze %dma_start3A_846 : memref<1x128x64xf32, #tpu.memory_space<vmem>> -> memref<128x64xf32, #tpu.memory_space<vmem>>
        %dma_start3A_848 = arith.constant 0 : i32
        %dma_start3A_849 = tpu.memref_slice %arg5[%dma_start3A_841, %dma_start3A_842, %dma_start3A_848] : memref<4x2x128xi32, #tpu.memory_space<vmem>> -> memref<1x1x128xi32, #tpu.memory_space<vmem>>
        %dma_start3A_850 = tpu.memref_squeeze %dma_start3A_849 : memref<1x1x128xi32, #tpu.memory_space<vmem>> -> memref<128xi32, #tpu.memory_space<vmem>>
        %dma_start3A_851 = arith.constant 0 : i32
        %dma_start3A_852 = arith.constant 0 : i32
        %dma_start3A_853 = tpu.memref_slice %arg3[%dma_start3A_851, %dma_start3A_852] : memref<2000000x64xf32, #tpu.memory_space<hbm>> -> memref<2000000x64xf32, #tpu.memory_space<hbm>>
        tpu.enqueue_indirect_dma source(%dma_start3A_853 : memref<2000000x64xf32, #tpu.memory_space<hbm>>) target(%dma_start3A_847 : memref<128x64xf32, #tpu.memory_space<vmem>>) offsets(%dma_start3A_850 : memref<128xi32, #tpu.memory_space<vmem>>) semaphore(%arg8 : memref<!tpu.dma_semaphore, #tpu.memory_space<semaphore_mem>>)
        %dma_start3A_854 = arith.constant 0 : i32
        %dma_start3A_855 = arith.constant 1 : i32
        %dma_start3A_856 = arith.constant 0 : i32
        %dma_start3A_857 = arith.constant 128 : i32
        %dma_start3A_858 = arith.constant 0 : i32
        %dma_start3A_859 = tpu.memref_slice %arg6[%dma_start3A_856, %dma_start3A_857, %dma_start3A_858] : memref<4x256x64xf32, #tpu.memory_space<vmem>> -> memref<1x128x64xf32, #tpu.memory_space<vmem>>
        %dma_start3A_860 = tpu.memref_squeeze %dma_start3A_859 : memref<1x128x64xf32, #tpu.memory_space<vmem>> -> memref<128x64xf32, #tpu.memory_space<vmem>>
        %dma_start3A_861 = arith.constant 0 : i32
        %dma_start3A_862 = tpu.memref_slice %arg5[%dma_start3A_854, %dma_start3A_855, %dma_start3A_861] : memref<4x2x128xi32, #tpu.memory_space<vmem>> -> memref<1x1x128xi32, #tpu.memory_space<vmem>>
        %dma_start3A_863 = tpu.memref_squeeze %dma_start3A_862 : memref<1x1x128xi32, #tpu.memory_space<vmem>> -> memref<128xi32, #tpu.memory_space<vmem>>
        %dma_start3A_864 = arith.constant 0 : i32
        %dma_start3A_865 = arith.constant 0 : i32
        %dma_start3A_866 = tpu.memref_slice %arg3[%dma_start3A_864, %dma_start3A_865] : memref<2000000x64xf32, #tpu.memory_space<hbm>> -> memref<2000000x64xf32, #tpu.memory_space<hbm>>
        tpu.enqueue_indirect_dma source(%dma_start3A_866 : memref<2000000x64xf32, #tpu.memory_space<hbm>>) target(%dma_start3A_860 : memref<128x64xf32, #tpu.memory_space<vmem>>) offsets(%dma_start3A_863 : memref<128xi32, #tpu.memory_space<vmem>>) semaphore(%arg8 : memref<!tpu.dma_semaphore, #tpu.memory_space<semaphore_mem>>)
      } else {
      }
      %ge3A_560 = arith.constant 2 : i32
      %ge3A_561 = arith.cmpi sge, %add3A_526, %ge3A_560 : i32
      %convert_element_type3A_562 = arith.extui %ge3A_561 : i1 to i32
      %cond3A_563 = arith.constant 0 : i32
      %cond3A_564 = arith.cmpi ne, %convert_element_type3A_562, %cond3A_563 : i32
      scf.if %cond3A_564 {
        %dma_wait3A_753 = arith.constant 0 : i32
        %dma_wait3A_754 = arith.constant 0 : i32
        %dma_wait3A_755 = arith.constant 0 : i32
        %dma_wait3A_756 = arith.constant 0 : i32
        %dma_wait3A_757 = arith.constant 0 : i32
        %dma_wait3A_758 = arith.constant 0 : i32
        %dma_wait3A_759 = tpu.memref_slice %arg7[%dma_wait3A_753, %dma_wait3A_755, %dma_wait3A_756, %dma_wait3A_757, %dma_wait3A_758] : memref<2x8x2x12x129xf32, #tpu.memory_space<vmem>> -> memref<1x8x2x8x128xf32, #tpu.memory_space<vmem>>
        %dma_wait3A_760 = tpu.memref_squeeze %dma_wait3A_759 : memref<1x8x2x8x128xf32, #tpu.memory_space<vmem>> -> memref<8x2x8x128xf32, #tpu.memory_space<vmem>>
        %dma_wait3A_761 = arith.constant 0 : i32
        %dma_wait3A_762 = arith.constant 0 : i32
        %dma_wait3A_763 = arith.constant 0 : i32
        %dma_wait3A_764 = arith.constant 0 : i32
        %dma_wait3A_765 = tpu.memref_slice %arg4[%dma_wait3A_754, %dma_wait3A_761, %dma_wait3A_762, %dma_wait3A_763, %dma_wait3A_764] : memref<20x8x128x8x128xf32, #tpu.memory_space<hbm>> -> memref<1x8x2x8x128xf32, #tpu.memory_space<hbm>>
        %dma_wait3A_766 = tpu.memref_squeeze %dma_wait3A_765 : memref<1x8x2x8x128xf32, #tpu.memory_space<hbm>> -> memref<8x2x8x128xf32, #tpu.memory_space<hbm>>
        %dma_wait3A_767 = arith.constant 0 : i32
        %dma_wait3A_768 = arith.constant 0 : i32
        %dma_wait3A_769 = arith.constant 0 : i32
        %dma_wait3A_770 = arith.constant 0 : i32
        %dma_wait3A_771 = tpu.memref_slice %arg4[%dma_wait3A_754, %dma_wait3A_767, %dma_wait3A_768, %dma_wait3A_769, %dma_wait3A_770] : memref<20x8x128x8x128xf32, #tpu.memory_space<hbm>> -> memref<1x8x2x8x128xf32, #tpu.memory_space<hbm>>
        %dma_wait3A_772 = tpu.memref_squeeze %dma_wait3A_771 : memref<1x8x2x8x128xf32, #tpu.memory_space<hbm>> -> memref<8x2x8x128xf32, #tpu.memory_space<hbm>>
        %dma_wait3A_773 = arith.constant 0 : i32
        %dma_wait3A_774 = arith.constant 0 : i32
        %dma_wait3A_775 = arith.constant 0 : i32
        %dma_wait3A_776 = arith.constant 0 : i32
        %dma_wait3A_777 = tpu.memref_slice %arg7[%dma_wait3A_753, %dma_wait3A_773, %dma_wait3A_774, %dma_wait3A_775, %dma_wait3A_776] : memref<2x8x2x12x129xf32, #tpu.memory_space<vmem>> -> memref<1x8x2x8x128xf32, #tpu.memory_space<vmem>>
        %dma_wait3A_778 = tpu.memref_squeeze %dma_wait3A_777 : memref<1x8x2x8x128xf32, #tpu.memory_space<vmem>> -> memref<8x2x8x128xf32, #tpu.memory_space<vmem>>
        tpu.wait_dma2 semaphore(%arg12 : memref<!tpu.dma_semaphore, #tpu.memory_space<semaphore_mem>>) src(%dma_wait3A_778 : memref<8x2x8x128xf32, #tpu.memory_space<vmem>>) dst(%dma_wait3A_772 : memref<8x2x8x128xf32, #tpu.memory_space<hbm>>)
      } else {
      }
      %broadcast_in_dim3A_565 = arith.constant 0 : i32
      %broadcast_in_dim3A_566 = vector.broadcast %broadcast_in_dim3A_565 : i32 to vector<16xi32>
      %parallel_loop3A_567 = arith.constant 0 : i32
      %parallel_loop3A_568 = arith.constant 128 : i32
      %parallel_loop3A_569 = arith.constant 1 : i32
      scf.for %parallel_loop3A_753 = %parallel_loop3A_567 to %parallel_loop3A_568 step %parallel_loop3A_569  : i32 {
        %parallel_loop3A_754 = vector.broadcast %parallel_loop3A_753 : i32 to vector<16xi32>
        %parallel_loop3A_755 = arith.constant 0 : i32
        %parallel_loop3A_756 = arith.addi %parallel_loop3A_753, %parallel_loop3A_755 : i32
        %parallel_loop3A_757 = arith.constant 0 : i32
        %parallel_loop3A_758 = vector.broadcast %parallel_loop3A_757 : i32 to vector<16xi32>
        %parallel_loop3A_759 = arith.constant 2 : i32
        %parallel_loop3A_760 = arith.index_cast %parallel_loop3A_759 : i32 to index
        %parallel_loop3A_761 = arith.index_cast %parallel_loop3A_756 : i32 to index
        %parallel_loop3A_762 = arith.constant 0 : index
        %parallel_loop3A_763 = tpu.vector_load %arg6[%parallel_loop3A_760, %parallel_loop3A_761, %parallel_loop3A_762] {strides = array<i32>} : memref<4x256x64xf32, #tpu.memory_space<vmem>>, vector<16xf32>,
        tpu.vector_store_idx %arg7[%broadcast_in_dim3A_566, %add3A_7, %parallel_loop3A_758, %and3A_2, %parallel_loop3A_754], %parallel_loop3A_763 : memref<2x8x2x12x129xf32, #tpu.memory_space<vmem>>[vector<16xi32>, vector<16xi32>, vector<16xi32>, vector<16xi32>, vector<16xi32>], vector<16xf32>,
        %parallel_loop3A_764 = arith.constant 2 : i32
        %parallel_loop3A_765 = arith.index_cast %parallel_loop3A_764 : i32 to index
        %parallel_loop3A_766 = arith.index_cast %parallel_loop3A_756 : i32 to index
        %parallel_loop3A_767 = arith.constant 16 : index
        %parallel_loop3A_768 = tpu.vector_load %arg6[%parallel_loop3A_765, %parallel_loop3A_766, %parallel_loop3A_767] {strides = array<i32>} : memref<4x256x64xf32, #tpu.memory_space<vmem>>, vector<16xf32>,
        tpu.vector_store_idx %arg7[%broadcast_in_dim3A_566, %add3A_13, %parallel_loop3A_758, %and3A_2, %parallel_loop3A_754], %parallel_loop3A_768 : memref<2x8x2x12x129xf32, #tpu.memory_space<vmem>>[vector<16xi32>, vector<16xi32>, vector<16xi32>, vector<16xi32>, vector<16xi32>], vector<16xf32>,
        %parallel_loop3A_769 = arith.constant 2 : i32
        %parallel_loop3A_770 = arith.index_cast %parallel_loop3A_769 : i32 to index
        %parallel_loop3A_771 = arith.index_cast %parallel_loop3A_756 : i32 to index
        %parallel_loop3A_772 = arith.constant 32 : index
        %parallel_loop3A_773 = tpu.vector_load %arg6[%parallel_loop3A_770, %parallel_loop3A_771, %parallel_loop3A_772] {strides = array<i32>} : memref<4x256x64xf32, #tpu.memory_space<vmem>>, vector<16xf32>,
        tpu.vector_store_idx %arg7[%broadcast_in_dim3A_566, %add3A_19, %parallel_loop3A_758, %and3A_2, %parallel_loop3A_754], %parallel_loop3A_773 : memref<2x8x2x12x129xf32, #tpu.memory_space<vmem>>[vector<16xi32>, vector<16xi32>, vector<16xi32>, vector<16xi32>, vector<16xi32>], vector<16xf32>,
        %parallel_loop3A_774 = arith.constant 2 : i32
        %parallel_loop3A_775 = arith.index_cast %parallel_loop3A_774 : i32 to index
        %parallel_loop3A_776 = arith.index_cast %parallel_loop3A_756 : i32 to index
        %parallel_loop3A_777 = arith.constant 48 : index
        %parallel_loop3A_778 = tpu.vector_load %arg6[%parallel_loop3A_775, %parallel_loop3A_776, %parallel_loop3A_777] {strides = array<i32>} : memref<4x256x64xf32, #tpu.memory_space<vmem>>, vector<16xf32>,
        tpu.vector_store_idx %arg7[%broadcast_in_dim3A_566, %add3A_25, %parallel_loop3A_758, %and3A_2, %parallel_loop3A_754], %parallel_loop3A_778 : memref<2x8x2x12x129xf32, #tpu.memory_space<vmem>>[vector<16xi32>, vector<16xi32>, vector<16xi32>, vector<16xi32>, vector<16xi32>], vector<16xf32>,
        %parallel_loop3A_779 = arith.constant 128 : i32
        %parallel_loop3A_780 = arith.addi %parallel_loop3A_753, %parallel_loop3A_779 : i32
        %parallel_loop3A_781 = arith.constant 1 : i32
        %parallel_loop3A_782 = vector.broadcast %parallel_loop3A_781 : i32 to vector<16xi32>
        %parallel_loop3A_783 = arith.constant 2 : i32
        %parallel_loop3A_784 = arith.index_cast %parallel_loop3A_783 : i32 to index
        %parallel_loop3A_785 = arith.index_cast %parallel_loop3A_780 : i32 to index
        %parallel_loop3A_786 = arith.constant 0 : index
        %parallel_loop3A_787 = tpu.vector_load %arg6[%parallel_loop3A_784, %parallel_loop3A_785, %parallel_loop3A_786] {strides = array<i32>} : memref<4x256x64xf32, #tpu.memory_space<vmem>>, vector<16xf32>,
        tpu.vector_store_idx %arg7[%broadcast_in_dim3A_566, %add3A_7, %parallel_loop3A_782, %and3A_2, %parallel_loop3A_754], %parallel_loop3A_787 : memref<2x8x2x12x129xf32, #tpu.memory_space<vmem>>[vector<16xi32>, vector<16xi32>, vector<16xi32>, vector<16xi32>, vector<16xi32>], vector<16xf32>,
        %parallel_loop3A_788 = arith.constant 2 : i32
        %parallel_loop3A_789 = arith.index_cast %parallel_loop3A_788 : i32 to index
        %parallel_loop3A_790 = arith.index_cast %parallel_loop3A_780 : i32 to index
        %parallel_loop3A_791 = arith.constant 16 : index
        %parallel_loop3A_792 = tpu.vector_load %arg6[%parallel_loop3A_789, %parallel_loop3A_790, %parallel_loop3A_791] {strides = array<i32>} : memref<4x256x64xf32, #tpu.memory_space<vmem>>, vector<16xf32>,
        tpu.vector_store_idx %arg7[%broadcast_in_dim3A_566, %add3A_13, %parallel_loop3A_782, %and3A_2, %parallel_loop3A_754], %parallel_loop3A_792 : memref<2x8x2x12x129xf32, #tpu.memory_space<vmem>>[vector<16xi32>, vector<16xi32>, vector<16xi32>, vector<16xi32>, vector<16xi32>], vector<16xf32>,
        %parallel_loop3A_793 = arith.constant 2 : i32
        %parallel_loop3A_794 = arith.index_cast %parallel_loop3A_793 : i32 to index
        %parallel_loop3A_795 = arith.index_cast %parallel_loop3A_780 : i32 to index
        %parallel_loop3A_796 = arith.constant 32 : index
        %parallel_loop3A_797 = tpu.vector_load %arg6[%parallel_loop3A_794, %parallel_loop3A_795, %parallel_loop3A_796] {strides = array<i32>} : memref<4x256x64xf32, #tpu.memory_space<vmem>>, vector<16xf32>,
        tpu.vector_store_idx %arg7[%broadcast_in_dim3A_566, %add3A_19, %parallel_loop3A_782, %and3A_2, %parallel_loop3A_754], %parallel_loop3A_797 : memref<2x8x2x12x129xf32, #tpu.memory_space<vmem>>[vector<16xi32>, vector<16xi32>, vector<16xi32>, vector<16xi32>, vector<16xi32>], vector<16xf32>,
        %parallel_loop3A_798 = arith.constant 2 : i32
        %parallel_loop3A_799 = arith.index_cast %parallel_loop3A_798 : i32 to index
        %parallel_loop3A_800 = arith.index_cast %parallel_loop3A_780 : i32 to index
        %parallel_loop3A_801 = arith.constant 48 : index
        %parallel_loop3A_802 = tpu.vector_load %arg6[%parallel_loop3A_799, %parallel_loop3A_800, %parallel_loop3A_801] {strides = array<i32>} : memref<4x256x64xf32, #tpu.memory_space<vmem>>, vector<16xf32>,
        tpu.vector_store_idx %arg7[%broadcast_in_dim3A_566, %add3A_25, %parallel_loop3A_782, %and3A_2, %parallel_loop3A_754], %parallel_loop3A_802 : memref<2x8x2x12x129xf32, #tpu.memory_space<vmem>>[vector<16xi32>, vector<16xi32>, vector<16xi32>, vector<16xi32>, vector<16xi32>], vector<16xf32>,
      } {sc.loop_unroll_factor = 4 : i64, sc.parallel_access}
      %mul3A_570 = arith.constant 40 : i32
      %mul3A_571 = arith.muli %add3A, %mul3A_570 : i32
      %add3A_572 = arith.addi %mul3A_571, %add3A_526 : i32
      %jit3A_573 = arith.constant 64 : i32
      %div3A_574 = arith.divsi %add3A_572, %jit3A_573 : i32
      %sign3A_575 = arith.constant 0 : i32
      %sign3A_576 = arith.cmpi sgt, %add3A_572, %sign3A_575 : i32
      %sign3A_577 = arith.extui %sign3A_576 : i1 to i32
      %sign3A_578 = arith.constant 0 : i32
      %sign3A_579 = arith.cmpi slt, %add3A_572, %sign3A_578 : i32
      %sign3A_580 = arith.extui %sign3A_579 : i1 to i32
      %sign3A_581 = arith.subi %sign3A_577, %sign3A_580 : i32
      %sign3A_582 = arith.constant 0 : i32
      %sign3A_583 = arith.cmpi sgt, %jit3A_573, %sign3A_582 : i32
      %sign3A_584 = arith.extui %sign3A_583 : i1 to i32
      %sign3A_585 = arith.constant 0 : i32
      %sign3A_586 = arith.cmpi slt, %jit3A_573, %sign3A_585 : i32
      %sign3A_587 = arith.extui %sign3A_586 : i1 to i32
      %sign3A_588 = arith.subi %sign3A_584, %sign3A_587 : i32
      %ne3A_589 = arith.cmpi ne, %sign3A_581, %sign3A_588 : i32
      %rem3A_590 = arith.remsi %add3A_572, %jit3A_573 : i32
      %ne3A_591 = arith.constant 0 : i32
      %ne3A_592 = arith.cmpi ne, %rem3A_590, %ne3A_591 : i32
      %and3A_593 = arith.andi %ne3A_589, %ne3A_592 : i1
      %sub3A_594 = arith.constant 1 : i32
      %sub3A_595 = arith.subi %div3A_574, %sub3A_594 : i32
      %select_n3A_596 = arith.select %and3A_593, %sub3A_595, %div3A_574 : i32
      %jit3A_597 = arith.constant 64 : i32
      %eq3A_598 = arith.constant 0 : i32
      %eq3A_599 = arith.cmpi eq, %jit3A_597, %eq3A_598 : i32
      %jit3A_600 = arith.constant 1 : i32
      %select_n3A_601 = arith.select %eq3A_599, %jit3A_600, %jit3A_597 : i32
      %rem3A_602 = arith.remsi %add3A_572, %select_n3A_601 : i32
      %ne3A_603 = arith.constant 0 : i32
      %ne3A_604 = arith.cmpi ne, %rem3A_602, %ne3A_603 : i32
      %lt3A_605 = arith.constant 0 : i32
      %lt3A_606 = arith.cmpi slt, %rem3A_602, %lt3A_605 : i32
      %lt3A_607 = arith.constant 0 : i32
      %lt3A_608 = arith.cmpi slt, %select_n3A_601, %lt3A_607 : i32
      %ne3A_609 = arith.xori %lt3A_606, %lt3A_608 : i1
      %and3A_610 = arith.andi %ne3A_609, %ne3A_604 : i1
      %add3A_611 = arith.addi %rem3A_602, %select_n3A_601 : i32
      %select_n3A_612 = arith.select %and3A_610, %add3A_611, %rem3A_602 : i32
      %mul3A_613 = arith.constant 2 : i32
      %mul3A_614 = arith.muli %mul3A_613, %select_n3A_612 : i32
      %dma_start3A_615 = arith.constant 0 : i32
      %dma_start3A_616 = arith.constant 0 : i32
      %dma_start3A_617 = arith.constant 0 : i32
      %dma_start3A_618 = arith.constant 0 : i32
      %dma_start3A_619 = arith.constant 0 : i32
      %dma_start3A_620 = tpu.memref_slice %arg7[%dma_start3A_615, %dma_start3A_616, %dma_start3A_617, %dma_start3A_618, %dma_start3A_619] : memref<2x8x2x12x129xf32, #tpu.memory_space<vmem>> -> memref<1x8x2x8x128xf32, #tpu.memory_space<vmem>>
      %dma_start3A_621 = tpu.memref_squeeze %dma_start3A_620 : memref<1x8x2x8x128xf32, #tpu.memory_space<vmem>> -> memref<8x2x8x128xf32, #tpu.memory_space<vmem>>
      %dma_start3A_622 = arith.constant 0 : i32
      %dma_start3A_623 = arith.constant 0 : i32
      %dma_start3A_624 = arith.constant 0 : i32
      %dma_start3A_625 = tpu.memref_slice %arg4[%select_n3A_596, %dma_start3A_622, %mul3A_614, %dma_start3A_623, %dma_start3A_624] : memref<20x8x128x8x128xf32, #tpu.memory_space<hbm>> -> memref<1x8x2x8x128xf32, #tpu.memory_space<hbm>>
      %dma_start3A_626 = tpu.memref_squeeze %dma_start3A_625 : memref<1x8x2x8x128xf32, #tpu.memory_space<hbm>> -> memref<8x2x8x128xf32, #tpu.memory_space<hbm>>
      %dma_start3A_627 = arith.constant 0 : i32
      %dma_start3A_628 = arith.constant 0 : i32
      %dma_start3A_629 = arith.constant 0 : i32
      %dma_start3A_630 = tpu.memref_slice %arg4[%select_n3A_596, %dma_start3A_627, %mul3A_614, %dma_start3A_628, %dma_start3A_629] : memref<20x8x128x8x128xf32, #tpu.memory_space<hbm>> -> memref<1x8x2x8x128xf32, #tpu.memory_space<hbm>>
      %dma_start3A_631 = tpu.memref_squeeze %dma_start3A_630 : memref<1x8x2x8x128xf32, #tpu.memory_space<hbm>> -> memref<8x2x8x128xf32, #tpu.memory_space<hbm>>
      %dma_start3A_632 = arith.constant 0 : i32
      %dma_start3A_633 = arith.constant 0 : i32
      %dma_start3A_634 = arith.constant 0 : i32
      %dma_start3A_635 = arith.constant 0 : i32
      %dma_start3A_636 = tpu.memref_slice %arg7[%dma_start3A_615, %dma_start3A_632, %dma_start3A_633, %dma_start3A_634, %dma_start3A_635] : memref<2x8x2x12x129xf32, #tpu.memory_space<vmem>> -> memref<1x8x2x8x128xf32, #tpu.memory_space<vmem>>
      %dma_start3A_637 = tpu.memref_squeeze %dma_start3A_636 : memref<1x8x2x8x128xf32, #tpu.memory_space<vmem>> -> memref<8x2x8x128xf32, #tpu.memory_space<vmem>>
      tpu.enqueue_dma source(%dma_start3A_637 : memref<8x2x8x128xf32, #tpu.memory_space<vmem>>) target(%dma_start3A_631 : memref<8x2x8x128xf32, #tpu.memory_space<hbm>>) target_semaphore(%arg12 : memref<!tpu.dma_semaphore, #tpu.memory_space<semaphore_mem>>)
      %mul3A_638 = arith.constant 4 : i32
      %mul3A_639 = arith.muli %scan3A_297, %mul3A_638 : i32
      %add3A_640 = arith.constant 3 : i32
      %add3A_641 = arith.addi %mul3A_639, %add3A_640 : i32
      %dma_wait3A_642 = arith.constant 3 : i32
      %dma_wait3A_643 = arith.constant 0 : i32
      %dma_wait3A_644 = arith.constant 3 : i32
      %dma_wait3A_645 = arith.constant 0 : i32
      %dma_wait3A_646 = arith.constant 0 : i32
      %dma_wait3A_647 = tpu.memref_slice %arg6[%dma_wait3A_644, %dma_wait3A_645, %dma_wait3A_646] : memref<4x256x64xf32, #tpu.memory_space<vmem>> -> memref<1x128x64xf32, #tpu.memory_space<vmem>>
      %dma_wait3A_648 = tpu.memref_squeeze %dma_wait3A_647 : memref<1x128x64xf32, #tpu.memory_space<vmem>> -> memref<128x64xf32, #tpu.memory_space<vmem>>
      %dma_wait3A_649 = arith.constant 0 : i32
      %dma_wait3A_650 = tpu.memref_slice %arg5[%dma_wait3A_642, %dma_wait3A_643, %dma_wait3A_649] : memref<4x2x128xi32, #tpu.memory_space<vmem>> -> memref<1x1x128xi32, #tpu.memory_space<vmem>>
      %dma_wait3A_651 = tpu.memref_squeeze %dma_wait3A_650 : memref<1x1x128xi32, #tpu.memory_space<vmem>> -> memref<128xi32, #tpu.memory_space<vmem>>
      %dma_wait3A_652 = arith.constant 0 : i32
      %dma_wait3A_653 = arith.constant 0 : i32
      %dma_wait3A_654 = tpu.memref_slice %arg3[%dma_wait3A_652, %dma_wait3A_653] : memref<2000000x64xf32, #tpu.memory_space<hbm>> -> memref<2000000x64xf32, #tpu.memory_space<hbm>>
      tpu.wait_indirect_dma semaphore(%arg11 : memref<!tpu.dma_semaphore, #tpu.memory_space<semaphore_mem>>) src(%dma_wait3A_654 : memref<2000000x64xf32, #tpu.memory_space<hbm>>) dst(%dma_wait3A_648 : memref<128x64xf32, #tpu.memory_space<vmem>>)
      %dma_wait3A_655 = arith.constant 3 : i32
      %dma_wait3A_656 = arith.constant 0 : i32
      %dma_wait3A_657 = arith.constant 3 : i32
      %dma_wait3A_658 = arith.constant 0 : i32
      %dma_wait3A_659 = arith.constant 0 : i32
      %dma_wait3A_660 = tpu.memref_slice %arg6[%dma_wait3A_657, %dma_wait3A_658, %dma_wait3A_659] : memref<4x256x64xf32, #tpu.memory_space<vmem>> -> memref<1x128x64xf32, #tpu.memory_space<vmem>>
      %dma_wait3A_661 = tpu.memref_squeeze %dma_wait3A_660 : memref<1x128x64xf32, #tpu.memory_space<vmem>> -> memref<128x64xf32, #tpu.memory_space<vmem>>
      %dma_wait3A_662 = arith.constant 0 : i32
      %dma_wait3A_663 = tpu.memref_slice %arg5[%dma_wait3A_655, %dma_wait3A_656, %dma_wait3A_662] : memref<4x2x128xi32, #tpu.memory_space<vmem>> -> memref<1x1x128xi32, #tpu.memory_space<vmem>>
      %dma_wait3A_664 = tpu.memref_squeeze %dma_wait3A_663 : memref<1x1x128xi32, #tpu.memory_space<vmem>> -> memref<128xi32, #tpu.memory_space<vmem>>
      %dma_wait3A_665 = arith.constant 0 : i32
      %dma_wait3A_666 = arith.constant 0 : i32
      %dma_wait3A_667 = tpu.memref_slice %arg3[%dma_wait3A_665, %dma_wait3A_666] : memref<2000000x64xf32, #tpu.memory_space<hbm>> -> memref<2000000x64xf32, #tpu.memory_space<hbm>>
      tpu.wait_indirect_dma semaphore(%arg11 : memref<!tpu.dma_semaphore, #tpu.memory_space<semaphore_mem>>) src(%dma_wait3A_667 : memref<2000000x64xf32, #tpu.memory_space<hbm>>) dst(%dma_wait3A_661 : memref<128x64xf32, #tpu.memory_space<vmem>>)
      %add3A_668 = arith.constant 2 : i32
      %add3A_669 = arith.addi %add3A_641, %add3A_668 : i32
      %lt3A_670 = arith.constant 40 : i32
      %lt3A_671 = arith.cmpi slt, %add3A_669, %lt3A_670 : i32
      %convert_element_type3A_672 = arith.extui %lt3A_671 : i1 to i32
      %cond3A_673 = arith.constant 0 : i32
      %cond3A_674 = arith.cmpi ne, %convert_element_type3A_672, %cond3A_673 : i32
      scf.if %cond3A_674 {
        %add3A_753 = arith.constant 2 : i32
        %add3A_754 = arith.addi %add3A_641, %add3A_753 : i32
        %mul3A_755 = arith.constant 40 : i32
        %mul3A_756 = arith.muli %add3A, %mul3A_755 : i32
        %add3A_757 = arith.addi %mul3A_756, %add3A_754 : i32
        %jit3A_758 = arith.constant 64 : i32
        %div3A_759 = arith.divsi %add3A_757, %jit3A_758 : i32
        %sign3A_760 = arith.constant 0 : i32
        %sign3A_761 = arith.cmpi sgt, %add3A_757, %sign3A_760 : i32
        %sign3A_762 = arith.extui %sign3A_761 : i1 to i32
        %sign3A_763 = arith.constant 0 : i32
        %sign3A_764 = arith.cmpi slt, %add3A_757, %sign3A_763 : i32
        %sign3A_765 = arith.extui %sign3A_764 : i1 to i32
        %sign3A_766 = arith.subi %sign3A_762, %sign3A_765 : i32
        %sign3A_767 = arith.constant 0 : i32
        %sign3A_768 = arith.cmpi sgt, %jit3A_758, %sign3A_767 : i32
        %sign3A_769 = arith.extui %sign3A_768 : i1 to i32
        %sign3A_770 = arith.constant 0 : i32
        %sign3A_771 = arith.cmpi slt, %jit3A_758, %sign3A_770 : i32
        %sign3A_772 = arith.extui %sign3A_771 : i1 to i32
        %sign3A_773 = arith.subi %sign3A_769, %sign3A_772 : i32
        %ne3A_774 = arith.cmpi ne, %sign3A_766, %sign3A_773 : i32
        %rem3A_775 = arith.remsi %add3A_757, %jit3A_758 : i32
        %ne3A_776 = arith.constant 0 : i32
        %ne3A_777 = arith.cmpi ne, %rem3A_775, %ne3A_776 : i32
        %and3A_778 = arith.andi %ne3A_774, %ne3A_777 : i1
        %sub3A_779 = arith.constant 1 : i32
        %sub3A_780 = arith.subi %div3A_759, %sub3A_779 : i32
        %select_n3A_781 = arith.select %and3A_778, %sub3A_780, %div3A_759 : i32
        %jit3A_782 = arith.constant 64 : i32
        %eq3A_783 = arith.constant 0 : i32
        %eq3A_784 = arith.cmpi eq, %jit3A_782, %eq3A_783 : i32
        %jit3A_785 = arith.constant 1 : i32
        %select_n3A_786 = arith.select %eq3A_784, %jit3A_785, %jit3A_782 : i32
        %rem3A_787 = arith.remsi %add3A_757, %select_n3A_786 : i32
        %ne3A_788 = arith.constant 0 : i32
        %ne3A_789 = arith.cmpi ne, %rem3A_787, %ne3A_788 : i32
        %lt3A_790 = arith.constant 0 : i32
        %lt3A_791 = arith.cmpi slt, %rem3A_787, %lt3A_790 : i32
        %lt3A_792 = arith.constant 0 : i32
        %lt3A_793 = arith.cmpi slt, %select_n3A_786, %lt3A_792 : i32
        %ne3A_794 = arith.xori %lt3A_791, %lt3A_793 : i1
        %and3A_795 = arith.andi %ne3A_794, %ne3A_789 : i1
        %add3A_796 = arith.addi %rem3A_787, %select_n3A_786 : i32
        %select_n3A_797 = arith.select %and3A_795, %add3A_796, %rem3A_787 : i32
        %jit3A_798 = arith.constant 8 : i32
        %div3A_799 = arith.divsi %select_n3A_781, %jit3A_798 : i32
        %sign3A_800 = arith.constant 0 : i32
        %sign3A_801 = arith.cmpi sgt, %select_n3A_781, %sign3A_800 : i32
        %sign3A_802 = arith.extui %sign3A_801 : i1 to i32
        %sign3A_803 = arith.constant 0 : i32
        %sign3A_804 = arith.cmpi slt, %select_n3A_781, %sign3A_803 : i32
        %sign3A_805 = arith.extui %sign3A_804 : i1 to i32
        %sign3A_806 = arith.subi %sign3A_802, %sign3A_805 : i32
        %sign3A_807 = arith.constant 0 : i32
        %sign3A_808 = arith.cmpi sgt, %jit3A_798, %sign3A_807 : i32
        %sign3A_809 = arith.extui %sign3A_808 : i1 to i32
        %sign3A_810 = arith.constant 0 : i32
        %sign3A_811 = arith.cmpi slt, %jit3A_798, %sign3A_810 : i32
        %sign3A_812 = arith.extui %sign3A_811 : i1 to i32
        %sign3A_813 = arith.subi %sign3A_809, %sign3A_812 : i32
        %ne3A_814 = arith.cmpi ne, %sign3A_806, %sign3A_813 : i32
        %rem3A_815 = arith.remsi %select_n3A_781, %jit3A_798 : i32
        %ne3A_816 = arith.constant 0 : i32
        %ne3A_817 = arith.cmpi ne, %rem3A_815, %ne3A_816 : i32
        %and3A_818 = arith.andi %ne3A_814, %ne3A_817 : i1
        %sub3A_819 = arith.constant 1 : i32
        %sub3A_820 = arith.subi %div3A_799, %sub3A_819 : i32
        %select_n3A_821 = arith.select %and3A_818, %sub3A_820, %div3A_799 : i32
        %mul3A_822 = arith.constant 2 : i32
        %mul3A_823 = arith.muli %mul3A_822, %select_n3A_797 : i32
        %jit3A_824 = arith.constant 8 : i32
        %eq3A_825 = arith.constant 0 : i32
        %eq3A_826 = arith.cmpi eq, %jit3A_824, %eq3A_825 : i32
        %jit3A_827 = arith.constant 1 : i32
        %select_n3A_828 = arith.select %eq3A_826, %jit3A_827, %jit3A_824 : i32
        %rem3A_829 = arith.remsi %select_n3A_781, %select_n3A_828 : i32
        %ne3A_830 = arith.constant 0 : i32
        %ne3A_831 = arith.cmpi ne, %rem3A_829, %ne3A_830 : i32
        %lt3A_832 = arith.constant 0 : i32
        %lt3A_833 = arith.cmpi slt, %rem3A_829, %lt3A_832 : i32
        %lt3A_834 = arith.constant 0 : i32
        %lt3A_835 = arith.cmpi slt, %select_n3A_828, %lt3A_834 : i32
        %ne3A_836 = arith.xori %lt3A_833, %lt3A_835 : i1
        %and3A_837 = arith.andi %ne3A_836, %ne3A_831 : i1
        %add3A_838 = arith.addi %rem3A_829, %select_n3A_828 : i32
        %select_n3A_839 = arith.select %and3A_837, %add3A_838, %rem3A_829 : i32
        %run_scoped3A_840 = arith.constant 1 : i32
        "tpu.region"() ({
          %run_scoped3A_867 = tpu.sem_alloc : memref<!tpu.dma_semaphore, #tpu.memory_space<semaphore_mem>>
          %dma_start3A_868 = arith.constant 0 : i32
          %dma_start3A_869 = arith.constant 0 : i32
          %dma_start3A_870 = tpu.memref_slice %arg5[%run_scoped3A_840, %dma_start3A_868, %dma_start3A_869] : memref<4x2x128xi32, #tpu.memory_space<vmem>> -> memref<1x2x128xi32, #tpu.memory_space<vmem>>
          %dma_start3A_871 = tpu.memref_squeeze %dma_start3A_870 : memref<1x2x128xi32, #tpu.memory_space<vmem>> -> memref<2x128xi32, #tpu.memory_space<vmem>>
          %dma_start3A_872 = arith.constant 0 : i32
          %dma_start3A_873 = tpu.memref_slice %arg2[%select_n3A_821, %mul3A_823, %select_n3A_839, %dma_start3A_872] : memref<3x128x8x128xi32, #tpu.memory_space<hbm>> -> memref<1x2x1x128xi32, #tpu.memory_space<hbm>>
          %dma_start3A_874 = tpu.memref_squeeze %dma_start3A_873 : memref<1x2x1x128xi32, #tpu.memory_space<hbm>> -> memref<2x128xi32, #tpu.memory_space<hbm>>
          %dma_start3A_875 = arith.constant 0 : i32
          %dma_start3A_876 = arith.constant 0 : i32
          %dma_start3A_877 = tpu.memref_slice %arg5[%run_scoped3A_840, %dma_start3A_875, %dma_start3A_876] : memref<4x2x128xi32, #tpu.memory_space<vmem>> -> memref<1x2x128xi32, #tpu.memory_space<vmem>>
          %dma_start3A_878 = tpu.memref_squeeze %dma_start3A_877 : memref<1x2x128xi32, #tpu.memory_space<vmem>> -> memref<2x128xi32, #tpu.memory_space<vmem>>
          %dma_start3A_879 = arith.constant 0 : i32
          %dma_start3A_880 = tpu.memref_slice %arg2[%select_n3A_821, %mul3A_823, %select_n3A_839, %dma_start3A_879] : memref<3x128x8x128xi32, #tpu.memory_space<hbm>> -> memref<1x2x1x128xi32, #tpu.memory_space<hbm>>
          %dma_start3A_881 = tpu.memref_squeeze %dma_start3A_880 : memref<1x2x1x128xi32, #tpu.memory_space<hbm>> -> memref<2x128xi32, #tpu.memory_space<hbm>>
          tpu.enqueue_dma source(%dma_start3A_881 : memref<2x128xi32, #tpu.memory_space<hbm>>) target(%dma_start3A_878 : memref<2x128xi32, #tpu.memory_space<vmem>>) target_semaphore(%run_scoped3A_867 : memref<!tpu.dma_semaphore, #tpu.memory_space<semaphore_mem>>)
          %dma_wait3A_882 = arith.constant 0 : i32
          %dma_wait3A_883 = arith.constant 0 : i32
          %dma_wait3A_884 = tpu.memref_slice %arg5[%run_scoped3A_840, %dma_wait3A_882, %dma_wait3A_883] : memref<4x2x128xi32, #tpu.memory_space<vmem>> -> memref<1x2x128xi32, #tpu.memory_space<vmem>>
          %dma_wait3A_885 = tpu.memref_squeeze %dma_wait3A_884 : memref<1x2x128xi32, #tpu.memory_space<vmem>> -> memref<2x128xi32, #tpu.memory_space<vmem>>
          %dma_wait3A_886 = arith.constant 0 : i32
          %dma_wait3A_887 = tpu.memref_slice %arg2[%select_n3A_821, %mul3A_823, %select_n3A_839, %dma_wait3A_886] : memref<3x128x8x128xi32, #tpu.memory_space<hbm>> -> memref<1x2x1x128xi32, #tpu.memory_space<hbm>>
          %dma_wait3A_888 = tpu.memref_squeeze %dma_wait3A_887 : memref<1x2x1x128xi32, #tpu.memory_space<hbm>> -> memref<2x128xi32, #tpu.memory_space<hbm>>
          %dma_wait3A_889 = arith.constant 0 : i32
          %dma_wait3A_890 = arith.constant 0 : i32
          %dma_wait3A_891 = tpu.memref_slice %arg5[%run_scoped3A_840, %dma_wait3A_889, %dma_wait3A_890] : memref<4x2x128xi32, #tpu.memory_space<vmem>> -> memref<1x2x128xi32, #tpu.memory_space<vmem>>
          %dma_wait3A_892 = tpu.memref_squeeze %dma_wait3A_891 : memref<1x2x128xi32, #tpu.memory_space<vmem>> -> memref<2x128xi32, #tpu.memory_space<vmem>>
          %dma_wait3A_893 = arith.constant 0 : i32
          %dma_wait3A_894 = tpu.memref_slice %arg2[%select_n3A_821, %mul3A_823, %select_n3A_839, %dma_wait3A_893] : memref<3x128x8x128xi32, #tpu.memory_space<hbm>> -> memref<1x2x1x128xi32, #tpu.memory_space<hbm>>
          %dma_wait3A_895 = tpu.memref_squeeze %dma_wait3A_894 : memref<1x2x1x128xi32, #tpu.memory_space<hbm>> -> memref<2x128xi32, #tpu.memory_space<hbm>>
          tpu.wait_dma2 semaphore(%run_scoped3A_867 : memref<!tpu.dma_semaphore, #tpu.memory_space<semaphore_mem>>) src(%dma_wait3A_895 : memref<2x128xi32, #tpu.memory_space<hbm>>) dst(%dma_wait3A_892 : memref<2x128xi32, #tpu.memory_space<vmem>>)
          tpu.yield
        }) : () -> ()
        %dma_start3A_841 = arith.constant 1 : i32
        %dma_start3A_842 = arith.constant 0 : i32
        %dma_start3A_843 = arith.constant 1 : i32
        %dma_start3A_844 = arith.constant 0 : i32
        %dma_start3A_845 = arith.constant 0 : i32
        %dma_start3A_846 = tpu.memref_slice %arg6[%dma_start3A_843, %dma_start3A_844, %dma_start3A_845] : memref<4x256x64xf32, #tpu.memory_space<vmem>> -> memref<1x128x64xf32, #tpu.memory_space<vmem>>
        %dma_start3A_847 = tpu.memref_squeeze %dma_start3A_846 : memref<1x128x64xf32, #tpu.memory_space<vmem>> -> memref<128x64xf32, #tpu.memory_space<vmem>>
        %dma_start3A_848 = arith.constant 0 : i32
        %dma_start3A_849 = tpu.memref_slice %arg5[%dma_start3A_841, %dma_start3A_842, %dma_start3A_848] : memref<4x2x128xi32, #tpu.memory_space<vmem>> -> memref<1x1x128xi32, #tpu.memory_space<vmem>>
        %dma_start3A_850 = tpu.memref_squeeze %dma_start3A_849 : memref<1x1x128xi32, #tpu.memory_space<vmem>> -> memref<128xi32, #tpu.memory_space<vmem>>
        %dma_start3A_851 = arith.constant 0 : i32
        %dma_start3A_852 = arith.constant 0 : i32
        %dma_start3A_853 = tpu.memref_slice %arg3[%dma_start3A_851, %dma_start3A_852] : memref<2000000x64xf32, #tpu.memory_space<hbm>> -> memref<2000000x64xf32, #tpu.memory_space<hbm>>
        tpu.enqueue_indirect_dma source(%dma_start3A_853 : memref<2000000x64xf32, #tpu.memory_space<hbm>>) target(%dma_start3A_847 : memref<128x64xf32, #tpu.memory_space<vmem>>) offsets(%dma_start3A_850 : memref<128xi32, #tpu.memory_space<vmem>>) semaphore(%arg9 : memref<!tpu.dma_semaphore, #tpu.memory_space<semaphore_mem>>)
        %dma_start3A_854 = arith.constant 1 : i32
        %dma_start3A_855 = arith.constant 1 : i32
        %dma_start3A_856 = arith.constant 1 : i32
        %dma_start3A_857 = arith.constant 128 : i32
        %dma_start3A_858 = arith.constant 0 : i32
        %dma_start3A_859 = tpu.memref_slice %arg6[%dma_start3A_856, %dma_start3A_857, %dma_start3A_858] : memref<4x256x64xf32, #tpu.memory_space<vmem>> -> memref<1x128x64xf32, #tpu.memory_space<vmem>>
        %dma_start3A_860 = tpu.memref_squeeze %dma_start3A_859 : memref<1x128x64xf32, #tpu.memory_space<vmem>> -> memref<128x64xf32, #tpu.memory_space<vmem>>
        %dma_start3A_861 = arith.constant 0 : i32
        %dma_start3A_862 = tpu.memref_slice %arg5[%dma_start3A_854, %dma_start3A_855, %dma_start3A_861] : memref<4x2x128xi32, #tpu.memory_space<vmem>> -> memref<1x1x128xi32, #tpu.memory_space<vmem>>
        %dma_start3A_863 = tpu.memref_squeeze %dma_start3A_862 : memref<1x1x128xi32, #tpu.memory_space<vmem>> -> memref<128xi32, #tpu.memory_space<vmem>>
        %dma_start3A_864 = arith.constant 0 : i32
        %dma_start3A_865 = arith.constant 0 : i32
        %dma_start3A_866 = tpu.memref_slice %arg3[%dma_start3A_864, %dma_start3A_865] : memref<2000000x64xf32, #tpu.memory_space<hbm>> -> memref<2000000x64xf32, #tpu.memory_space<hbm>>
        tpu.enqueue_indirect_dma source(%dma_start3A_866 : memref<2000000x64xf32, #tpu.memory_space<hbm>>) target(%dma_start3A_860 : memref<128x64xf32, #tpu.memory_space<vmem>>) offsets(%dma_start3A_863 : memref<128xi32, #tpu.memory_space<vmem>>) semaphore(%arg9 : memref<!tpu.dma_semaphore, #tpu.memory_space<semaphore_mem>>)
      } else {
      }
      %ge3A_675 = arith.constant 2 : i32
      %ge3A_676 = arith.cmpi sge, %add3A_641, %ge3A_675 : i32
      %convert_element_type3A_677 = arith.extui %ge3A_676 : i1 to i32
      %cond3A_678 = arith.constant 0 : i32
      %cond3A_679 = arith.cmpi ne, %convert_element_type3A_677, %cond3A_678 : i32
      scf.if %cond3A_679 {
        %dma_wait3A_753 = arith.constant 1 : i32
        %dma_wait3A_754 = arith.constant 0 : i32
        %dma_wait3A_755 = arith.constant 0 : i32
        %dma_wait3A_756 = arith.constant 0 : i32
        %dma_wait3A_757 = arith.constant 0 : i32
        %dma_wait3A_758 = arith.constant 0 : i32
        %dma_wait3A_759 = tpu.memref_slice %arg7[%dma_wait3A_753, %dma_wait3A_755, %dma_wait3A_756, %dma_wait3A_757, %dma_wait3A_758] : memref<2x8x2x12x129xf32, #tpu.memory_space<vmem>> -> memref<1x8x2x8x128xf32, #tpu.memory_space<vmem>>
        %dma_wait3A_760 = tpu.memref_squeeze %dma_wait3A_759 : memref<1x8x2x8x128xf32, #tpu.memory_space<vmem>> -> memref<8x2x8x128xf32, #tpu.memory_space<vmem>>
        %dma_wait3A_761 = arith.constant 0 : i32
        %dma_wait3A_762 = arith.constant 0 : i32
        %dma_wait3A_763 = arith.constant 0 : i32
        %dma_wait3A_764 = arith.constant 0 : i32
        %dma_wait3A_765 = tpu.memref_slice %arg4[%dma_wait3A_754, %dma_wait3A_761, %dma_wait3A_762, %dma_wait3A_763, %dma_wait3A_764] : memref<20x8x128x8x128xf32, #tpu.memory_space<hbm>> -> memref<1x8x2x8x128xf32, #tpu.memory_space<hbm>>
        %dma_wait3A_766 = tpu.memref_squeeze %dma_wait3A_765 : memref<1x8x2x8x128xf32, #tpu.memory_space<hbm>> -> memref<8x2x8x128xf32, #tpu.memory_space<hbm>>
        %dma_wait3A_767 = arith.constant 0 : i32
        %dma_wait3A_768 = arith.constant 0 : i32
        %dma_wait3A_769 = arith.constant 0 : i32
        %dma_wait3A_770 = arith.constant 0 : i32
        %dma_wait3A_771 = tpu.memref_slice %arg4[%dma_wait3A_754, %dma_wait3A_767, %dma_wait3A_768, %dma_wait3A_769, %dma_wait3A_770] : memref<20x8x128x8x128xf32, #tpu.memory_space<hbm>> -> memref<1x8x2x8x128xf32, #tpu.memory_space<hbm>>
        %dma_wait3A_772 = tpu.memref_squeeze %dma_wait3A_771 : memref<1x8x2x8x128xf32, #tpu.memory_space<hbm>> -> memref<8x2x8x128xf32, #tpu.memory_space<hbm>>
        %dma_wait3A_773 = arith.constant 0 : i32
        %dma_wait3A_774 = arith.constant 0 : i32
        %dma_wait3A_775 = arith.constant 0 : i32
        %dma_wait3A_776 = arith.constant 0 : i32
        %dma_wait3A_777 = tpu.memref_slice %arg7[%dma_wait3A_753, %dma_wait3A_773, %dma_wait3A_774, %dma_wait3A_775, %dma_wait3A_776] : memref<2x8x2x12x129xf32, #tpu.memory_space<vmem>> -> memref<1x8x2x8x128xf32, #tpu.memory_space<vmem>>
        %dma_wait3A_778 = tpu.memref_squeeze %dma_wait3A_777 : memref<1x8x2x8x128xf32, #tpu.memory_space<vmem>> -> memref<8x2x8x128xf32, #tpu.memory_space<vmem>>
        tpu.wait_dma2 semaphore(%arg13 : memref<!tpu.dma_semaphore, #tpu.memory_space<semaphore_mem>>) src(%dma_wait3A_778 : memref<8x2x8x128xf32, #tpu.memory_space<vmem>>) dst(%dma_wait3A_772 : memref<8x2x8x128xf32, #tpu.memory_space<hbm>>)
      } else {
      }
      %broadcast_in_dim3A_680 = arith.constant 1 : i32
      %broadcast_in_dim3A_681 = vector.broadcast %broadcast_in_dim3A_680 : i32 to vector<16xi32>
      %parallel_loop3A_682 = arith.constant 0 : i32
      %parallel_loop3A_683 = arith.constant 128 : i32
      %parallel_loop3A_684 = arith.constant 1 : i32
      scf.for %parallel_loop3A_753 = %parallel_loop3A_682 to %parallel_loop3A_683 step %parallel_loop3A_684  : i32 {
        %parallel_loop3A_754 = vector.broadcast %parallel_loop3A_753 : i32 to vector<16xi32>
        %parallel_loop3A_755 = arith.constant 0 : i32
        %parallel_loop3A_756 = arith.addi %parallel_loop3A_753, %parallel_loop3A_755 : i32
        %parallel_loop3A_757 = arith.constant 0 : i32
        %parallel_loop3A_758 = vector.broadcast %parallel_loop3A_757 : i32 to vector<16xi32>
        %parallel_loop3A_759 = arith.constant 3 : i32
        %parallel_loop3A_760 = arith.index_cast %parallel_loop3A_759 : i32 to index
        %parallel_loop3A_761 = arith.index_cast %parallel_loop3A_756 : i32 to index
        %parallel_loop3A_762 = arith.constant 0 : index
        %parallel_loop3A_763 = tpu.vector_load %arg6[%parallel_loop3A_760, %parallel_loop3A_761, %parallel_loop3A_762] {strides = array<i32>} : memref<4x256x64xf32, #tpu.memory_space<vmem>>, vector<16xf32>,
        tpu.vector_store_idx %arg7[%broadcast_in_dim3A_681, %add3A_7, %parallel_loop3A_758, %and3A_2, %parallel_loop3A_754], %parallel_loop3A_763 : memref<2x8x2x12x129xf32, #tpu.memory_space<vmem>>[vector<16xi32>, vector<16xi32>, vector<16xi32>, vector<16xi32>, vector<16xi32>], vector<16xf32>,
        %parallel_loop3A_764 = arith.constant 3 : i32
        %parallel_loop3A_765 = arith.index_cast %parallel_loop3A_764 : i32 to index
        %parallel_loop3A_766 = arith.index_cast %parallel_loop3A_756 : i32 to index
        %parallel_loop3A_767 = arith.constant 16 : index
        %parallel_loop3A_768 = tpu.vector_load %arg6[%parallel_loop3A_765, %parallel_loop3A_766, %parallel_loop3A_767] {strides = array<i32>} : memref<4x256x64xf32, #tpu.memory_space<vmem>>, vector<16xf32>,
        tpu.vector_store_idx %arg7[%broadcast_in_dim3A_681, %add3A_13, %parallel_loop3A_758, %and3A_2, %parallel_loop3A_754], %parallel_loop3A_768 : memref<2x8x2x12x129xf32, #tpu.memory_space<vmem>>[vector<16xi32>, vector<16xi32>, vector<16xi32>, vector<16xi32>, vector<16xi32>], vector<16xf32>,
        %parallel_loop3A_769 = arith.constant 3 : i32
        %parallel_loop3A_770 = arith.index_cast %parallel_loop3A_769 : i32 to index
        %parallel_loop3A_771 = arith.index_cast %parallel_loop3A_756 : i32 to index
        %parallel_loop3A_772 = arith.constant 32 : index
        %parallel_loop3A_773 = tpu.vector_load %arg6[%parallel_loop3A_770, %parallel_loop3A_771, %parallel_loop3A_772] {strides = array<i32>} : memref<4x256x64xf32, #tpu.memory_space<vmem>>, vector<16xf32>,
        tpu.vector_store_idx %arg7[%broadcast_in_dim3A_681, %add3A_19, %parallel_loop3A_758, %and3A_2, %parallel_loop3A_754], %parallel_loop3A_773 : memref<2x8x2x12x129xf32, #tpu.memory_space<vmem>>[vector<16xi32>, vector<16xi32>, vector<16xi32>, vector<16xi32>, vector<16xi32>], vector<16xf32>,
        %parallel_loop3A_774 = arith.constant 3 : i32
        %parallel_loop3A_775 = arith.index_cast %parallel_loop3A_774 : i32 to index
        %parallel_loop3A_776 = arith.index_cast %parallel_loop3A_756 : i32 to index
        %parallel_loop3A_777 = arith.constant 48 : index
        %parallel_loop3A_778 = tpu.vector_load %arg6[%parallel_loop3A_775, %parallel_loop3A_776, %parallel_loop3A_777] {strides = array<i32>} : memref<4x256x64xf32, #tpu.memory_space<vmem>>, vector<16xf32>,
        tpu.vector_store_idx %arg7[%broadcast_in_dim3A_681, %add3A_25, %parallel_loop3A_758, %and3A_2, %parallel_loop3A_754], %parallel_loop3A_778 : memref<2x8x2x12x129xf32, #tpu.memory_space<vmem>>[vector<16xi32>, vector<16xi32>, vector<16xi32>, vector<16xi32>, vector<16xi32>], vector<16xf32>,
        %parallel_loop3A_779 = arith.constant 128 : i32
        %parallel_loop3A_780 = arith.addi %parallel_loop3A_753, %parallel_loop3A_779 : i32
        %parallel_loop3A_781 = arith.constant 1 : i32
        %parallel_loop3A_782 = vector.broadcast %parallel_loop3A_781 : i32 to vector<16xi32>
        %parallel_loop3A_783 = arith.constant 3 : i32
        %parallel_loop3A_784 = arith.index_cast %parallel_loop3A_783 : i32 to index
        %parallel_loop3A_785 = arith.index_cast %parallel_loop3A_780 : i32 to index
        %parallel_loop3A_786 = arith.constant 0 : index
        %parallel_loop3A_787 = tpu.vector_load %arg6[%parallel_loop3A_784, %parallel_loop3A_785, %parallel_loop3A_786] {strides = array<i32>} : memref<4x256x64xf32, #tpu.memory_space<vmem>>, vector<16xf32>,
        tpu.vector_store_idx %arg7[%broadcast_in_dim3A_681, %add3A_7, %parallel_loop3A_782, %and3A_2, %parallel_loop3A_754], %parallel_loop3A_787 : memref<2x8x2x12x129xf32, #tpu.memory_space<vmem>>[vector<16xi32>, vector<16xi32>, vector<16xi32>, vector<16xi32>, vector<16xi32>], vector<16xf32>,
        %parallel_loop3A_788 = arith.constant 3 : i32
        %parallel_loop3A_789 = arith.index_cast %parallel_loop3A_788 : i32 to index
        %parallel_loop3A_790 = arith.index_cast %parallel_loop3A_780 : i32 to index
        %parallel_loop3A_791 = arith.constant 16 : index
        %parallel_loop3A_792 = tpu.vector_load %arg6[%parallel_loop3A_789, %parallel_loop3A_790, %parallel_loop3A_791] {strides = array<i32>} : memref<4x256x64xf32, #tpu.memory_space<vmem>>, vector<16xf32>,
        tpu.vector_store_idx %arg7[%broadcast_in_dim3A_681, %add3A_13, %parallel_loop3A_782, %and3A_2, %parallel_loop3A_754], %parallel_loop3A_792 : memref<2x8x2x12x129xf32, #tpu.memory_space<vmem>>[vector<16xi32>, vector<16xi32>, vector<16xi32>, vector<16xi32>, vector<16xi32>], vector<16xf32>,
        %parallel_loop3A_793 = arith.constant 3 : i32
        %parallel_loop3A_794 = arith.index_cast %parallel_loop3A_793 : i32 to index
        %parallel_loop3A_795 = arith.index_cast %parallel_loop3A_780 : i32 to index
        %parallel_loop3A_796 = arith.constant 32 : index
        %parallel_loop3A_797 = tpu.vector_load %arg6[%parallel_loop3A_794, %parallel_loop3A_795, %parallel_loop3A_796] {strides = array<i32>} : memref<4x256x64xf32, #tpu.memory_space<vmem>>, vector<16xf32>,
        tpu.vector_store_idx %arg7[%broadcast_in_dim3A_681, %add3A_19, %parallel_loop3A_782, %and3A_2, %parallel_loop3A_754], %parallel_loop3A_797 : memref<2x8x2x12x129xf32, #tpu.memory_space<vmem>>[vector<16xi32>, vector<16xi32>, vector<16xi32>, vector<16xi32>, vector<16xi32>], vector<16xf32>,
        %parallel_loop3A_798 = arith.constant 3 : i32
        %parallel_loop3A_799 = arith.index_cast %parallel_loop3A_798 : i32 to index
        %parallel_loop3A_800 = arith.index_cast %parallel_loop3A_780 : i32 to index
        %parallel_loop3A_801 = arith.constant 48 : index
        %parallel_loop3A_802 = tpu.vector_load %arg6[%parallel_loop3A_799, %parallel_loop3A_800, %parallel_loop3A_801] {strides = array<i32>} : memref<4x256x64xf32, #tpu.memory_space<vmem>>, vector<16xf32>,
        tpu.vector_store_idx %arg7[%broadcast_in_dim3A_681, %add3A_25, %parallel_loop3A_782, %and3A_2, %parallel_loop3A_754], %parallel_loop3A_802 : memref<2x8x2x12x129xf32, #tpu.memory_space<vmem>>[vector<16xi32>, vector<16xi32>, vector<16xi32>, vector<16xi32>, vector<16xi32>], vector<16xf32>,
      } {sc.loop_unroll_factor = 4 : i64, sc.parallel_access}
      %mul3A_685 = arith.constant 40 : i32
      %mul3A_686 = arith.muli %add3A, %mul3A_685 : i32
      %add3A_687 = arith.addi %mul3A_686, %add3A_641 : i32
      %jit3A_688 = arith.constant 64 : i32
      %div3A_689 = arith.divsi %add3A_687, %jit3A_688 : i32
      %sign3A_690 = arith.constant 0 : i32
      %sign3A_691 = arith.cmpi sgt, %add3A_687, %sign3A_690 : i32
      %sign3A_692 = arith.extui %sign3A_691 : i1 to i32
      %sign3A_693 = arith.constant 0 : i32
      %sign3A_694 = arith.cmpi slt, %add3A_687, %sign3A_693 : i32
      %sign3A_695 = arith.extui %sign3A_694 : i1 to i32
      %sign3A_696 = arith.subi %sign3A_692, %sign3A_695 : i32
      %sign3A_697 = arith.constant 0 : i32
      %sign3A_698 = arith.cmpi sgt, %jit3A_688, %sign3A_697 : i32
      %sign3A_699 = arith.extui %sign3A_698 : i1 to i32
      %sign3A_700 = arith.constant 0 : i32
      %sign3A_701 = arith.cmpi slt, %jit3A_688, %sign3A_700 : i32
      %sign3A_702 = arith.extui %sign3A_701 : i1 to i32
      %sign3A_703 = arith.subi %sign3A_699, %sign3A_702 : i32
      %ne3A_704 = arith.cmpi ne, %sign3A_696, %sign3A_703 : i32
      %rem3A_705 = arith.remsi %add3A_687, %jit3A_688 : i32
      %ne3A_706 = arith.constant 0 : i32
      %ne3A_707 = arith.cmpi ne, %rem3A_705, %ne3A_706 : i32
      %and3A_708 = arith.andi %ne3A_704, %ne3A_707 : i1
      %sub3A_709 = arith.constant 1 : i32
      %sub3A_710 = arith.subi %div3A_689, %sub3A_709 : i32
      %select_n3A_711 = arith.select %and3A_708, %sub3A_710, %div3A_689 : i32
      %jit3A_712 = arith.constant 64 : i32
      %eq3A_713 = arith.constant 0 : i32
      %eq3A_714 = arith.cmpi eq, %jit3A_712, %eq3A_713 : i32
      %jit3A_715 = arith.constant 1 : i32
      %select_n3A_716 = arith.select %eq3A_714, %jit3A_715, %jit3A_712 : i32
      %rem3A_717 = arith.remsi %add3A_687, %select_n3A_716 : i32
      %ne3A_718 = arith.constant 0 : i32
      %ne3A_719 = arith.cmpi ne, %rem3A_717, %ne3A_718 : i32
      %lt3A_720 = arith.constant 0 : i32
      %lt3A_721 = arith.cmpi slt, %rem3A_717, %lt3A_720 : i32
      %lt3A_722 = arith.constant 0 : i32
      %lt3A_723 = arith.cmpi slt, %select_n3A_716, %lt3A_722 : i32
      %ne3A_724 = arith.xori %lt3A_721, %lt3A_723 : i1
      %and3A_725 = arith.andi %ne3A_724, %ne3A_719 : i1
      %add3A_726 = arith.addi %rem3A_717, %select_n3A_716 : i32
      %select_n3A_727 = arith.select %and3A_725, %add3A_726, %rem3A_717 : i32
      %mul3A_728 = arith.constant 2 : i32
      %mul3A_729 = arith.muli %mul3A_728, %select_n3A_727 : i32
      %dma_start3A_730 = arith.constant 1 : i32
      %dma_start3A_731 = arith.constant 0 : i32
      %dma_start3A_732 = arith.constant 0 : i32
      %dma_start3A_733 = arith.constant 0 : i32
      %dma_start3A_734 = arith.constant 0 : i32
      %dma_start3A_735 = tpu.memref_slice %arg7[%dma_start3A_730, %dma_start3A_731, %dma_start3A_732, %dma_start3A_733, %dma_start3A_734] : memref<2x8x2x12x129xf32, #tpu.memory_space<vmem>> -> memref<1x8x2x8x128xf32, #tpu.memory_space<vmem>>
      %dma_start3A_736 = tpu.memref_squeeze %dma_start3A_735 : memref<1x8x2x8x128xf32, #tpu.memory_space<vmem>> -> memref<8x2x8x128xf32, #tpu.memory_space<vmem>>
      %dma_start3A_737 = arith.constant 0 : i32
      %dma_start3A_738 = arith.constant 0 : i32
      %dma_start3A_739 = arith.constant 0 : i32
      %dma_start3A_740 = tpu.memref_slice %arg4[%select_n3A_711, %dma_start3A_737, %mul3A_729, %dma_start3A_738, %dma_start3A_739] : memref<20x8x128x8x128xf32, #tpu.memory_space<hbm>> -> memref<1x8x2x8x128xf32, #tpu.memory_space<hbm>>
      %dma_start3A_741 = tpu.memref_squeeze %dma_start3A_740 : memref<1x8x2x8x128xf32, #tpu.memory_space<hbm>> -> memref<8x2x8x128xf32, #tpu.memory_space<hbm>>
      %dma_start3A_742 = arith.constant 0 : i32
      %dma_start3A_743 = arith.constant 0 : i32
      %dma_start3A_744 = arith.constant 0 : i32
      %dma_start3A_745 = tpu.memref_slice %arg4[%select_n3A_711, %dma_start3A_742, %mul3A_729, %dma_start3A_743, %dma_start3A_744] : memref<20x8x128x8x128xf32, #tpu.memory_space<hbm>> -> memref<1x8x2x8x128xf32, #tpu.memory_space<hbm>>
      %dma_start3A_746 = tpu.memref_squeeze %dma_start3A_745 : memref<1x8x2x8x128xf32, #tpu.memory_space<hbm>> -> memref<8x2x8x128xf32, #tpu.memory_space<hbm>>
      %dma_start3A_747 = arith.constant 0 : i32
      %dma_start3A_748 = arith.constant 0 : i32
      %dma_start3A_749 = arith.constant 0 : i32
      %dma_start3A_750 = arith.constant 0 : i32
      %dma_start3A_751 = tpu.memref_slice %arg7[%dma_start3A_730, %dma_start3A_747, %dma_start3A_748, %dma_start3A_749, %dma_start3A_750] : memref<2x8x2x12x129xf32, #tpu.memory_space<vmem>> -> memref<1x8x2x8x128xf32, #tpu.memory_space<vmem>>
      %dma_start3A_752 = tpu.memref_squeeze %dma_start3A_751 : memref<1x8x2x8x128xf32, #tpu.memory_space<vmem>> -> memref<8x2x8x128xf32, #tpu.memory_space<vmem>>
      tpu.enqueue_dma source(%dma_start3A_752 : memref<8x2x8x128xf32, #tpu.memory_space<vmem>>) target(%dma_start3A_746 : memref<8x2x8x128xf32, #tpu.memory_space<hbm>>) target_semaphore(%arg13 : memref<!tpu.dma_semaphore, #tpu.memory_space<semaphore_mem>>)
    }
    %scan3A_245 = arith.constant 10 : i32
    %dma_wait3A = arith.constant 0 : i32
    %dma_wait3A_246 = arith.constant 0 : i32
    %dma_wait3A_247 = arith.constant 0 : i32
    %dma_wait3A_248 = arith.constant 0 : i32
    %dma_wait3A_249 = arith.constant 0 : i32
    %dma_wait3A_250 = arith.constant 0 : i32
    %dma_wait3A_251 = tpu.memref_slice %arg7[%dma_wait3A, %dma_wait3A_247, %dma_wait3A_248, %dma_wait3A_249, %dma_wait3A_250] : memref<2x8x2x12x129xf32, #tpu.memory_space<vmem>> -> memref<1x8x2x8x128xf32, #tpu.memory_space<vmem>>
    %dma_wait3A_252 = tpu.memref_squeeze %dma_wait3A_251 : memref<1x8x2x8x128xf32, #tpu.memory_space<vmem>> -> memref<8x2x8x128xf32, #tpu.memory_space<vmem>>
    %dma_wait3A_253 = arith.constant 0 : i32
    %dma_wait3A_254 = arith.constant 0 : i32
    %dma_wait3A_255 = arith.constant 0 : i32
    %dma_wait3A_256 = arith.constant 0 : i32
    %dma_wait3A_257 = tpu.memref_slice %arg4[%dma_wait3A_246, %dma_wait3A_253, %dma_wait3A_254, %dma_wait3A_255, %dma_wait3A_256] : memref<20x8x128x8x128xf32, #tpu.memory_space<hbm>> -> memref<1x8x2x8x128xf32, #tpu.memory_space<hbm>>
    %dma_wait3A_258 = tpu.memref_squeeze %dma_wait3A_257 : memref<1x8x2x8x128xf32, #tpu.memory_space<hbm>> -> memref<8x2x8x128xf32, #tpu.memory_space<hbm>>
    %dma_wait3A_259 = arith.constant 0 : i32
    %dma_wait3A_260 = arith.constant 0 : i32
    %dma_wait3A_261 = arith.constant 0 : i32
    %dma_wait3A_262 = arith.constant 0 : i32
    %dma_wait3A_263 = tpu.memref_slice %arg4[%dma_wait3A_246, %dma_wait3A_259, %dma_wait3A_260, %dma_wait3A_261, %dma_wait3A_262] : memref<20x8x128x8x128xf32, #tpu.memory_space<hbm>> -> memref<1x8x2x8x128xf32, #tpu.memory_space<hbm>>
    %dma_wait3A_264 = tpu.memref_squeeze %dma_wait3A_263 : memref<1x8x2x8x128xf32, #tpu.memory_space<hbm>> -> memref<8x2x8x128xf32, #tpu.memory_space<hbm>>
    %dma_wait3A_265 = arith.constant 0 : i32
    %dma_wait3A_266 = arith.constant 0 : i32
    %dma_wait3A_267 = arith.constant 0 : i32
    %dma_wait3A_268 = arith.constant 0 : i32
    %dma_wait3A_269 = tpu.memref_slice %arg7[%dma_wait3A, %dma_wait3A_265, %dma_wait3A_266, %dma_wait3A_267, %dma_wait3A_268] : memref<2x8x2x12x129xf32, #tpu.memory_space<vmem>> -> memref<1x8x2x8x128xf32, #tpu.memory_space<vmem>>
    %dma_wait3A_270 = tpu.memref_squeeze %dma_wait3A_269 : memref<1x8x2x8x128xf32, #tpu.memory_space<vmem>> -> memref<8x2x8x128xf32, #tpu.memory_space<vmem>>
    tpu.wait_dma2 semaphore(%arg12 : memref<!tpu.dma_semaphore, #tpu.memory_space<semaphore_mem>>) src(%dma_wait3A_270 : memref<8x2x8x128xf32, #tpu.memory_space<vmem>>) dst(%dma_wait3A_264 : memref<8x2x8x128xf32, #tpu.memory_space<hbm>>)
    %dma_wait3A_271 = arith.constant 1 : i32
    %dma_wait3A_272 = arith.constant 0 : i32
    %dma_wait3A_273 = arith.constant 0 : i32
    %dma_wait3A_274 = arith.constant 0 : i32
    %dma_wait3A_275 = arith.constant 0 : i32
    %dma_wait3A_276 = arith.constant 0 : i32
    %dma_wait3A_277 = tpu.memref_slice %arg7[%dma_wait3A_271, %dma_wait3A_273, %dma_wait3A_274, %dma_wait3A_275, %dma_wait3A_276] : memref<2x8x2x12x129xf32, #tpu.memory_space<vmem>> -> memref<1x8x2x8x128xf32, #tpu.memory_space<vmem>>
    %dma_wait3A_278 = tpu.memref_squeeze %dma_wait3A_277 : memref<1x8x2x8x128xf32, #tpu.memory_space<vmem>> -> memref<8x2x8x128xf32, #tpu.memory_space<vmem>>
    %dma_wait3A_279 = arith.constant 0 : i32
    %dma_wait3A_280 = arith.constant 0 : i32
    %dma_wait3A_281 = arith.constant 0 : i32
    %dma_wait3A_282 = arith.constant 0 : i32
    %dma_wait3A_283 = tpu.memref_slice %arg4[%dma_wait3A_272, %dma_wait3A_279, %dma_wait3A_280, %dma_wait3A_281, %dma_wait3A_282] : memref<20x8x128x8x128xf32, #tpu.memory_space<hbm>> -> memref<1x8x2x8x128xf32, #tpu.memory_space<hbm>>
    %dma_wait3A_284 = tpu.memref_squeeze %dma_wait3A_283 : memref<1x8x2x8x128xf32, #tpu.memory_space<hbm>> -> memref<8x2x8x128xf32, #tpu.memory_space<hbm>>
    %dma_wait3A_285 = arith.constant 0 : i32
    %dma_wait3A_286 = arith.constant 0 : i32
    %dma_wait3A_287 = arith.constant 0 : i32
    %dma_wait3A_288 = arith.constant 0 : i32
    %dma_wait3A_289 = tpu.memref_slice %arg4[%dma_wait3A_272, %dma_wait3A_285, %dma_wait3A_286, %dma_wait3A_287, %dma_wait3A_288] : memref<20x8x128x8x128xf32, #tpu.memory_space<hbm>> -> memref<1x8x2x8x128xf32, #tpu.memory_space<hbm>>
    %dma_wait3A_290 = tpu.memref_squeeze %dma_wait3A_289 : memref<1x8x2x8x128xf32, #tpu.memory_space<hbm>> -> memref<8x2x8x128xf32, #tpu.memory_space<hbm>>
    %dma_wait3A_291 = arith.constant 0 : i32
    %dma_wait3A_292 = arith.constant 0 : i32
    %dma_wait3A_293 = arith.constant 0 : i32
    %dma_wait3A_294 = arith.constant 0 : i32
    %dma_wait3A_295 = tpu.memref_slice %arg7[%dma_wait3A_271, %dma_wait3A_291, %dma_wait3A_292, %dma_wait3A_293, %dma_wait3A_294] : memref<2x8x2x12x129xf32, #tpu.memory_space<vmem>> -> memref<1x8x2x8x128xf32, #tpu.memory_space<vmem>>
    %dma_wait3A_296 = tpu.memref_squeeze %dma_wait3A_295 : memref<1x8x2x8x128xf32, #tpu.memory_space<vmem>> -> memref<8x2x8x128xf32, #tpu.memory_space<vmem>>
    tpu.wait_dma2 semaphore(%arg13 : memref<!tpu.dma_semaphore, #tpu.memory_space<semaphore_mem>>) src(%dma_wait3A_296 : memref<8x2x8x128xf32, #tpu.memory_space<vmem>>) dst(%dma_wait3A_290 : memref<8x2x8x128xf32, #tpu.memory_space<hbm>>)
    return
  }
}

</mosaic_0001>

<sc_bundles>
// kernel: kernel.3.cloned.1.call-start
scs
__scs_entry_jumppad:
0x0: {  	(pc) =	sbr.rel $0x88, $3  }
0x1: {  	(tag) =	ssettag $0x0;
	lr =	simm.s32 $0x1  }
0x2: {  	[smem:$0x3F9F] =	sst lr;
	_ =	strace $0xD0000000  }
0x3: {  	_ = 	snop  }
0x4: {  	_ = 	snop  }
0x5: {  	_ = 	snop  }
0x6: {  	_ = 	snop  }
0x7: {  	_ = 	snop  }
__scs_overlays_trampoline_lowered:
0x8: {  	[smem:$0x3FAE] =	sst s0  }
0x9: {  	[smem:$0x3FAF] =	sst s1  }
0xa: {  	[smem:$0x3FB0] =	sst s2  }
0xb: {  	[smem:$0x3FB1] =	sst s3  }
0xc: {  	[smem:$0x3FB2] =	sst s4  }
0xd: {  	[smem:$0x3FB3] =	sst s5  }
0xe: {  	[smem:$0x3FB4] =	sst s6  }
0xf: {  	[smem:$0x3FB5] =	sst s7  }
0x10: {  	[smem:$0x3FB6] =	sst s8  }
0x11: {  	[smem:$0x3FB7] =	sst s9;
	s0 =	simm.s32 @!p0 $0x0  }
0x12: {  	s1 =	sld [smem:$0x3F9D];
	s0 =	simm.s32 @p0 $0x1  }
0x13: {  	[smem:$0x3FB8] =	sst s0;
	s0 =	simm.s32 @!p1 $0x0  }
0x14: {  	s2 =	sld [smem:$0x3F9C];
	s0 =	simm.s32 @p1 $0x1  }
0x15: {  	[smem:$0x3FB9] =	sst s0;
	s0 =	simm.s32 @!p2 $0x0  }
0x16: {  	s3 =	sld [smem:$0x3FDB];
	s0 =	simm.s32 @p2 $0x1  }
0x17: {  	s4 =	simm.s32 $0x1BF5;
	[smem:$0x3FBB] =	sst s0  }
0x18: {  	s0 =	sld [smem:$0x3F9E];
	_ =	swait.ge [sflag:s4], $0x0  }
0x19: {  	s7 =	sld [smem:$0x3F9F]  }
0x1a: {  	s8 =	sadd.s32 $0xFFFFE003, lr  }
0x1b: {  	s9 =	sadd.s32 $0xFFFFFEF7, lr;
	s5 =	simm.s32 $0xFFFFFFFF;
	p2 =	slt.u32 s8, $0xFFFFF086  }
0x1c: {  	p1 =	slt.u32 s9, $0xF7A;
	s5 =	simm.s32 @!p2 $0x0  }
0x1d: {  	s5 =	simm.s32 @p1 $0x1;
	p0 =	seq.s32 s7, s2  }
0x1e: {  	s7 =	smul.u32 @!p0 $0xF7A, s2;
	p2 =	seq.s32 @!p0 s5, $0x0  }
0x1f: {  	s9 =	smul.u32 $0xF7A, s1;
	s8 =	simm.s32 @!p0 $0x1BF5;
	p2 =	por !p2, p0  }
0x20: {  	[sflag:s8] =	ssyncset.s32 @!p0 $0xFFFFF086;
	s6 =	sadd.s32 @!p0 s3, s7;
	s7 =	simm.s32 @!p0 $0x108  }
0x21: {  	s3 =	sadd.s32 s3, s9;
	s6 =	sadd.s32 @!p0 $0x88, s6;
	s7 =	simm.s32 @p2 $0x1082  }
0x22: {  	[simem:s7], [sflag:s8] =	dma.local @!p0 [hbm:s6], $0xF7A  }
0x23: {  	s9 =	sor.u32 $0xD0000000, s2;
	s6 =	simm.s32 $0x108;
	_ =	swait.ge @!p0 [sflag:s8], $0x0  }
0x24: {  	s3 =	sadd.s32 $0x88, s3;
	s6 =	simm.s32 @!p1 $0x1082;
	[sflag:s4] =	ssyncset.s32 $0xFFFFF086  }
0x25: {  	[simem:s6], [sflag:s4] =	dma.local [hbm:s3], $0xF7A  }
0x26: {  	[smem:$0x3F9F] =	sst s1;
	(tag) =	ssettag s2;
	_ =	strace s9  }
0x27: {  	s1 =	sld [smem:$0x3FAF]  }
0x28: {  	s2 =	sld [smem:$0x3FB0]  }
0x29: {  	s4 =	sld [smem:$0x3FB2]  }
0x2a: {  	p0 =	seq.s32 s5, $0x0;
	s5 =	sld [smem:$0x3FB3]  }
0x2b: {  	s6 =	sld [smem:$0x3FB4]  }
0x2c: {  	s7 =	sld [smem:$0x3FB5]  }
0x2d: {  	s3 =	simm.s32 $0x108;
	s8 =	sld [smem:$0x3FB6]  }
0x2e: {  	s3 =	simm.s32 @!p0 $0x1082;
	s9 =	sld [smem:$0x3FB7]  }
0x2f: {  	lr =	sadd.s32 s0, s3;
	s0 =	sld [smem:$0x3FAE]  }
0x30: {  	s3 =	sld [smem:$0x3FB1]  }
0x31: {  	[smem:$0x3FBA] =	sst s10  }
0x32: {  	s10 =	sld [smem:$0x3FB8];
	_ =	sdelay $0x3  }
0x33: {  	p0 =	seq.s32 s10, $0x1;
	s10 =	sld [smem:$0x3FBA];
	_ =	sdelay $0x3  }
0x34: {  	[smem:$0x3FBA] =	sst s10  }
0x35: {  	s10 =	sld [smem:$0x3FB9];
	_ =	sdelay $0x3  }
0x36: {  	p1 =	seq.s32 s10, $0x1;
	s10 =	sld [smem:$0x3FBA];
	_ =	sdelay $0x3  }
0x37: {  	[smem:$0x3FBA] =	sst s10  }
0x38: {  	s10 =	sld [smem:$0x3FBB]  }
0x39: {  	_ = 	snop;
	(pc) =	sbr.ind lr, $3  }
0x3a: {  	_ = 	snop  }
0x3b: {  	_ = 	snop  }
0x3c: {  	p2 =	seq.s32 s10, $0x1;
	s10 =	sld [smem:$0x3FBA]  }
0x3d: {  	_ =	shalt  }
0x3e: {  	_ =	shalt  }
0x3f: {  	_ =	shalt  }
0x40: {  	_ =	shalt  }
0x41: {  	_ =	shalt  }
0x42: {  	_ =	shalt  }
0x43: {  	_ =	shalt  }
0x44: {  	_ =	shalt  }
0x45: {  	_ =	shalt  }
0x46: {  	_ =	shalt  }
0x47: {  	_ =	shalt  }
0x48: {  	_ =	shalt  }
0x49: {  	_ =	shalt  }
0x4a: {  	_ =	shalt  }
0x4b: {  	_ =	shalt  }
0x4c: {  	_ =	shalt  }
0x4d: {  	_ =	shalt  }
0x4e: {  	_ =	shalt  }
0x4f: {  	_ =	shalt  }
0x50: {  	_ =	shalt  }
0x51: {  	_ =	shalt  }
0x52: {  	_ =	shalt  }
0x53: {  	_ =	shalt  }
0x54: {  	_ =	shalt  }
0x55: {  	_ =	shalt  }
0x56: {  	_ =	shalt  }
0x57: {  	_ =	shalt  }
0x58: {  	_ =	shalt  }
0x59: {  	_ =	shalt  }
0x5a: {  	_ =	shalt  }
0x5b: {  	_ =	shalt  }
0x5c: {  	_ =	shalt  }
0x5d: {  	_ =	shalt  }
0x5e: {  	_ =	shalt  }
0x5f: {  	_ =	shalt  }
0x60: {  	_ =	shalt  }
0x61: {  	_ =	shalt  }
0x62: {  	_ =	shalt  }
0x63: {  	_ =	shalt  }
0x64: {  	_ =	shalt  }
0x65: {  	_ =	shalt  }
0x66: {  	_ =	shalt  }
0x67: {  	_ =	shalt  }
0x68: {  	_ =	shalt  }
0x69: {  	_ =	shalt  }
0x6a: {  	_ =	shalt  }
0x6b: {  	_ =	shalt  }
0x6c: {  	_ =	shalt  }
0x6d: {  	_ =	shalt  }
0x6e: {  	_ =	shalt  }
0x6f: {  	_ =	shalt  }
0x70: {  	_ =	shalt  }
0x71: {  	_ =	shalt  }
0x72: {  	_ =	shalt  }
0x73: {  	_ =	shalt  }
0x74: {  	_ =	shalt  }
0x75: {  	_ =	shalt  }
0x76: {  	_ =	shalt  }
0x77: {  	_ =	shalt  }
0x78: {  	_ =	shalt  }
0x79: {  	_ =	shalt  }
0x7a: {  	_ =	shalt  }
0x7b: {  	_ =	shalt  }
0x7c: {  	_ =	shalt  }
0x7d: {  	_ =	shalt  }
0x7e: {  	_ =	shalt  }
0x7f: {  	_ =	shalt  }
0x80: {  	_ =	shalt  }
0x81: {  	_ =	shalt  }
0x82: {  	_ =	shalt  }
0x83: {  	_ =	shalt  }
0x84: {  	_ =	shalt  }
0x85: {  	_ =	shalt  }
0x86: {  	_ =	shalt  }
0x87: {  	_ =	shalt  }
.Lfunc_end0:
.L_simem_size_0:
called_computation.1_lowered:
.L_overlay_start_0:
0x88: {  	s2 =	sld [smem:$0x3FD9]  }
0x89: {  	s3 =	sld [smem:$0x3FFE];
	_ =	sdelay $0x1  }
0x8a: {  	s1 =	srdreg.scid  }
0x8b: {  	s0 =	sand.u32 $0x1, s1  }
0x8c: {  	s17 =	sshll.u32 s0, $0xA;
	s2 =	sadd.s32 s3, s2  }
0x8d: {  	s2 =	sadd.s32 s2, s17  }
0x8e: {  	[smem:$0x3FC6] =	sst s2  }
0x8f: {  	_ = 	snop  }
0x90: {  	s2 =	sld [smem:$0x3FD0];
	(tm) =	ssettm $0x1  }
0x91: {  	s18 =	sld [smem:$0x3FFB];
	_ =	sdelay $0x3  }
0x92: {  	_ =	strace s18  }
0x93: {  	s3 =	sld [smem:$0x3FFC];
	_ =	sdelay $0x3  }
0x94: {  	_ =	strace s3  }
0x95: {  	s3 =	sld [smem:$0x3FFD];
	_ =	sdelay $0x3  }
0x96: {  	_ =	strace s3  }
0x97: {  	_ =	strace $0x8FFFFFFF  }
0x98: {  	s19 =	sld [smem:$0x3FDB];
	_ =	sdelay $0x1  }
0x99: {  	s4 =	simm.s32 $_scs_section_size  }
0x9a: {  	s5 =	simm.s32 $_size__tile_overlayer_lowered;
	s6 =	simm.s32 $_tile_overlayer_lowered  }
0x9b: {  	s22 =	simm.s32 $0x1BFF;
	s21 =	sshll.u32 s6, $0x1;
	s3 =	sadd.s32 s4, s19  }
0x9c: {  	s7 =	simm.s32 $0x0;
	s20 =	sshll.u32 s5, $0x1;
	s5 =	sadd.s32 s21, s3  }
0x9d: {  	[timem:s7], [sflag:s22] =	dma.local [hbm:s5], s20  }
0x9e: {  	_ =	swait.ge [sflag:s22], s20  }
0x9f: {  	s4 =	ssub.s32 $0x0, s20;
	[sflag:s22] =	ssyncset.done $0x0  }
0xa0: {  	[sflag:s22] =	ssyncadd.s32 s4;
	_ =	sdelay $0x1  }
0xa1: {  	s23 =	simm.s32 $0x1B8B  }
0xa2: {  	_ =	swait.ge [sflag:s23], $0x1  }
0xa3: {  	[sflag:s23] =	ssyncset.done $0x0  }
0xa4: {  	s25 =	simm.s32 $0x1B8E;
	s24 =	sld [smem:$0x3FFE];
	[sflag:s23] =	ssyncadd.s32 $0xFFFFFFFF  }
0xa5: {  	s26 =	simm.s32 $execute0_lowered;
	[smem:$0x3FD2] =	sst s25  }
0xa6: {  	s5 =	sshll.u32 s26, $0x1;
	_ =	strace $0x80000049;
	[dreg:$0x1] =	wrdreg $0xFFFFFFFF  }
0xa7: {  	s28 =	simm.s32 $_size_execute0_lowered;
	s3 =	sadd.s32 s3, s5;
	[dreg:$0x0] =	wrdreg $0x0  }
0xa8: {  	s5 =	sshll.u32 s28, $0x1;
	[dreg:$0x2] =	wrdreg s3  }
0xa9: {  	[dreg:$0x3] =	wrdreg s5  }
0xaa: {  	[dreg:$0x4] =	wrdreg $0xC0  }
0xab: {  	_ =	task [dreg:s7], $0x5FFFF  }
0xac: {  	[dreg:$0x1] =	wrdreg $0xFFFFFFFF  }
0xad: {  	[dreg:$0x0] =	wrdreg $0x60  }
0xae: {  	[dreg:$0x2] =	wrdreg s24  }
0xaf: {  	[dreg:$0x3] =	wrdreg s2  }
0xb0: {  	[dreg:$0x4] =	wrdreg $0x9  }
0xb1: {  	_ =	task.clear_ibuf [dreg:s7], $0x5FFFF;
	_ =	strace $0x90000049  }
0xb2: {  	s29 =	simm.s32 $0x9;
	_ =	strace $0x8000004B  }
0xb3: {  	_ =	swait.ge [sflag:s29], $0x1  }
0xb4: {  	[sflag:s29] =	ssyncadd.s32 $0xFFFFFFFF  }
0xb5: {  	_ =	strace $0x9000004B  }
0xb6: {  	_ =	sfence  }
0xb7: {  	s30 =	sld [smem:$0x0];
	_ =	sdelay $0x2  }
0xb8: {  	s31 =	sshll.u32 s1, $0xD;
	s1 =	sshrl.u32 s1, $0x2  }
0xb9: {  	s3 =	sand.u32 $0x4000, s31;
	s1 =	sadd.s32 s1, s30  }
0xba: {  	s0 =	sor.u32 s3, s0;
	s1 =	sshll.u32 s1, $0x11  }
0xbb: {  	s0 =	sor.u32 s1, s0  }
0xbc: {  	s0 =	sadd.s32 $0x8F2B, s0  }
0xbd: {  	[sflag:s0] =	ssyncadd.remote.s32 $0x1  }
0xbe: {  	_ =	sfence.sel $0xFFFF  }
0xbf: {  	[dreg:$0x0] =	wrdreg $0xFFFFFFFF;
	(pc) =	sbr.abs _section_cstart, $3  }
0xc0: {  	[dreg:$0x1] =	wrdreg $0xFFFFFFFF  }
0xc1: {  	_ =	task.clear_ibuf [dreg:s7], $0x2FFFF;
	_ =	strace $0x9FFFFFFF  }
0xc2: {  	(tm) =	ssettm $0x7FFFFFFF  }
0xc3: {  	_ =	shalt  }
tec
execute0_lowered:
.L_overlay_start_1:
0x0: {  	(tag) =	ssettag $0x1  }
0x1: {  	v0 =	vimm.s32 $0x1078  }
0x2: {  	vm14 =	vcmask $0x300;
	vm13 =	vcmask $0x704;
	vm12 =	vcmask $0xB08  }
0x3: {  	vm11 =	vcmask $0xF0C;
	vm10 =	vcmask $0x1310;
	vm9 =	vcmask $0x1714  }
0x4: {  	vm8 =	vcmask $0x1B18;
	vm7 =	vcmask $0x1F1C;
	vm6 =	vcmask $0x2320  }
0x5: {  	vm5 =	vcmask $0x2724;
	vm4 =	vcmask $0x2B28;
	vm3 =	vcmask $0x2F2C  }
0x6: {  	vm2 =	vcmask $0x3330;
	vm1 =	vcmask $0x3734;
	vm0 =	vcmask $0x3B38  }
0x7: {  	v1 =	vimm.s32 $0x29F8;
	v2 =	vimm.s32 $0x4378;
	v3 =	vimm.s32 $0x5CF8  }
0x8: {  	v4 =	vimm.s32 $0x16D8;
	v5 =	vimm.s32 $0x3058;
	v6 =	vimm.s32 $0x49D8  }
0x9: {  	v7 =	vimm.s32 $0x6358;
	v8 =	vimm.s32 $0x7678;
	v9 =	vimm.s32 $0x8FF8  }
0xa: {  	v10 =	vimm.s32 $0xA978;
	v11 =	vimm.s32 $0xC2F8;
	v12 =	vimm.s32 $0x7CD8  }
0xb: {  	v13 =	vimm.s32 $0x9658;
	v14 =	vimm.s32 $0xAFD8;
	v15 =	vimm.s32 $0xC958  }
0xc: {  	v0 =	vsel vm14, $0x0, v0;
	v1 =	vsel vm14, $0x1980, v1;
	v2 =	vsel vm14, $0x3300, v2  }
0xd: {  	v3 =	vsel vm14, $0x4C80, v3;
	v4 =	vsel vm14, $0x660, v4;
	v5 =	vsel vm14, $0x1FE0, v5  }
0xe: {  	v6 =	vsel vm14, $0x3960, v6;
	v7 =	vsel vm14, $0x52E0, v7;
	v8 =	vsel vm14, $0x6600, v8  }
0xf: {  	v9 =	vsel vm14, $0x7F80, v9;
	v10 =	vsel vm14, $0x9900, v10;
	v11 =	vsel vm14, $0xB280, v11  }
0x10: {  	v12 =	vsel vm14, $0x6C60, v12;
	v13 =	vsel vm14, $0x85E0, v13;
	v14 =	vsel vm14, $0x9F60, v14  }
0x11: {  	v15 =	vsel vm14, $0xB8E0, v15;
	v0 =	vsel vm13, $0x88, v0;
	v1 =	vsel vm13, $0x1A08, v1  }
0x12: {  	v2 =	vsel vm13, $0x3388, v2;
	v3 =	vsel vm13, $0x4D08, v3;
	v4 =	vsel vm13, $0x6E8, v4  }
0x13: {  	v5 =	vsel vm13, $0x2068, v5;
	v6 =	vsel vm13, $0x39E8, v6;
	v7 =	vsel vm13, $0x5368, v7  }
0x14: {  	v8 =	vsel vm13, $0x6688, v8;
	v9 =	vsel vm13, $0x8008, v9;
	v10 =	vsel vm13, $0x9988, v10  }
0x15: {  	v11 =	vsel vm13, $0xB308, v11;
	v12 =	vsel vm13, $0x6CE8, v12;
	v13 =	vsel vm13, $0x8668, v13  }
0x16: {  	v14 =	vsel vm13, $0x9FE8, v14;
	v15 =	vsel vm13, $0xB968, v15;
	v0 =	vsel vm12, $0x110, v0  }
0x17: {  	v1 =	vsel vm12, $0x1A90, v1;
	v2 =	vsel vm12, $0x3410, v2;
	v3 =	vsel vm12, $0x4D90, v3  }
0x18: {  	v4 =	vsel vm12, $0x770, v4;
	v5 =	vsel vm12, $0x20F0, v5;
	v6 =	vsel vm12, $0x3A70, v6  }
0x19: {  	v7 =	vsel vm12, $0x53F0, v7;
	v8 =	vsel vm12, $0x6710, v8;
	v9 =	vsel vm12, $0x8090, v9  }
0x1a: {  	v10 =	vsel vm12, $0x9A10, v10;
	v11 =	vsel vm12, $0xB390, v11;
	v12 =	vsel vm12, $0x6D70, v12  }
0x1b: {  	v13 =	vsel vm12, $0x86F0, v13;
	v14 =	vsel vm12, $0xA070, v14;
	v15 =	vsel vm12, $0xB9F0, v15  }
0x1c: {  	v0 =	vsel vm11, $0x198, v0;
	v1 =	vsel vm11, $0x1B18, v1;
	v2 =	vsel vm11, $0x3498, v2  }
0x1d: {  	v3 =	vsel vm11, $0x4E18, v3;
	v4 =	vsel vm11, $0x7F8, v4;
	v5 =	vsel vm11, $0x2178, v5  }
0x1e: {  	v6 =	vsel vm11, $0x3AF8, v6;
	v7 =	vsel vm11, $0x5478, v7;
	v8 =	vsel vm11, $0x6798, v8  }
0x1f: {  	v9 =	vsel vm11, $0x8118, v9;
	v10 =	vsel vm11, $0x9A98, v10;
	v11 =	vsel vm11, $0xB418, v11  }
0x20: {  	v12 =	vsel vm11, $0x6DF8, v12;
	v13 =	vsel vm11, $0x8778, v13;
	v14 =	vsel vm11, $0xA0F8, v14  }
0x21: {  	v15 =	vsel vm11, $0xBA78, v15;
	v0 =	vsel vm10, $0x220, v0;
	v1 =	vsel vm10, $0x1BA0, v1  }
0x22: {  	v2 =	vsel vm10, $0x3520, v2;
	v3 =	vsel vm10, $0x4EA0, v3;
	v4 =	vsel vm10, $0x880, v4  }
0x23: {  	v5 =	vsel vm10, $0x2200, v5;
	v6 =	vsel vm10, $0x3B80, v6;
	v7 =	vsel vm10, $0x5500, v7  }
0x24: {  	v8 =	vsel vm10, $0x6820, v8;
	v9 =	vsel vm10, $0x81A0, v9;
	v10 =	vsel vm10, $0x9B20, v10  }
0x25: {  	v11 =	vsel vm10, $0xB4A0, v11;
	v12 =	vsel vm10, $0x6E80, v12;
	v13 =	vsel vm10, $0x8800, v13  }
0x26: {  	v14 =	vsel vm10, $0xA180, v14;
	v15 =	vsel vm10, $0xBB00, v15;
	v0 =	vsel vm9, $0x2A8, v0  }
0x27: {  	v1 =	vsel vm9, $0x1C28, v1;
	v2 =	vsel vm9, $0x35A8, v2;
	v3 =	vsel vm9, $0x4F28, v3  }
0x28: {  	v4 =	vsel vm9, $0x908, v4;
	v5 =	vsel vm9, $0x2288, v5;
	v6 =	vsel vm9, $0x3C08, v6  }
0x29: {  	v7 =	vsel vm9, $0x5588, v7;
	v8 =	vsel vm9, $0x68A8, v8;
	v9 =	vsel vm9, $0x8228, v9  }
0x2a: {  	v10 =	vsel vm9, $0x9BA8, v10;
	v11 =	vsel vm9, $0xB528, v11;
	v12 =	vsel vm9, $0x6F08, v12  }
0x2b: {  	v13 =	vsel vm9, $0x8888, v13;
	v14 =	vsel vm9, $0xA208, v14;
	v15 =	vsel vm9, $0xBB88, v15  }
0x2c: {  	v0 =	vsel vm8, $0x330, v0;
	v1 =	vsel vm8, $0x1CB0, v1;
	v2 =	vsel vm8, $0x3630, v2  }
0x2d: {  	v3 =	vsel vm8, $0x4FB0, v3;
	v4 =	vsel vm8, $0x990, v4;
	v5 =	vsel vm8, $0x2310, v5  }
0x2e: {  	v6 =	vsel vm8, $0x3C90, v6;
	v7 =	vsel vm8, $0x5610, v7;
	v8 =	vsel vm8, $0x6930, v8  }
0x2f: {  	v9 =	vsel vm8, $0x82B0, v9;
	v10 =	vsel vm8, $0x9C30, v10;
	v11 =	vsel vm8, $0xB5B0, v11  }
0x30: {  	v12 =	vsel vm8, $0x6F90, v12;
	v13 =	vsel vm8, $0x8910, v13;
	v14 =	vsel vm8, $0xA290, v14  }
0x31: {  	v15 =	vsel vm8, $0xBC10, v15;
	v0 =	vsel vm7, $0x3B8, v0;
	v1 =	vsel vm7, $0x1D38, v1  }
0x32: {  	v2 =	vsel vm7, $0x36B8, v2;
	v3 =	vsel vm7, $0x5038, v3;
	v4 =	vsel vm7, $0xA18, v4  }
0x33: {  	v5 =	vsel vm7, $0x2398, v5;
	v6 =	vsel vm7, $0x3D18, v6;
	v7 =	vsel vm7, $0x5698, v7  }
0x34: {  	v8 =	vsel vm7, $0x69B8, v8;
	v9 =	vsel vm7, $0x8338, v9;
	v10 =	vsel vm7, $0x9CB8, v10  }
0x35: {  	v11 =	vsel vm7, $0xB638, v11;
	v12 =	vsel vm7, $0x7018, v12;
	v13 =	vsel vm7, $0x8998, v13  }
0x36: {  	v14 =	vsel vm7, $0xA318, v14;
	v15 =	vsel vm7, $0xBC98, v15;
	v0 =	vsel vm6, $0xCC0, v0  }
0x37: {  	v1 =	vsel vm6, $0x2640, v1;
	v2 =	vsel vm6, $0x3FC0, v2;
	v3 =	vsel vm6, $0x5940, v3  }
0x38: {  	v4 =	vsel vm6, $0x1320, v4;
	v5 =	vsel vm6, $0x2CA0, v5;
	v6 =	vsel vm6, $0x4620, v6  }
0x39: {  	v7 =	vsel vm6, $0x5FA0, v7;
	v8 =	vsel vm6, $0x72C0, v8;
	v9 =	vsel vm6, $0x8C40, v9  }
0x3a: {  	v10 =	vsel vm6, $0xA5C0, v10;
	v11 =	vsel vm6, $0xBF40, v11;
	v12 =	vsel vm6, $0x7920, v12  }
0x3b: {  	v13 =	vsel vm6, $0x92A0, v13;
	v14 =	vsel vm6, $0xAC20, v14;
	v15 =	vsel vm6, $0xC5A0, v15  }
0x3c: {  	v0 =	vsel vm5, $0xD48, v0;
	v1 =	vsel vm5, $0x26C8, v1;
	v2 =	vsel vm5, $0x4048, v2  }
0x3d: {  	v3 =	vsel vm5, $0x59C8, v3;
	v4 =	vsel vm5, $0x13A8, v4;
	v5 =	vsel vm5, $0x2D28, v5  }
0x3e: {  	v6 =	vsel vm5, $0x46A8, v6;
	v7 =	vsel vm5, $0x6028, v7;
	v8 =	vsel vm5, $0x7348, v8  }
0x3f: {  	v9 =	vsel vm5, $0x8CC8, v9;
	v10 =	vsel vm5, $0xA648, v10;
	v11 =	vsel vm5, $0xBFC8, v11  }
0x40: {  	v12 =	vsel vm5, $0x79A8, v12;
	v13 =	vsel vm5, $0x9328, v13;
	v14 =	vsel vm5, $0xACA8, v14  }
0x41: {  	v15 =	vsel vm5, $0xC628, v15;
	v0 =	vsel vm4, $0xDD0, v0;
	v1 =	vsel vm4, $0x2750, v1  }
0x42: {  	v2 =	vsel vm4, $0x40D0, v2;
	v3 =	vsel vm4, $0x5A50, v3;
	v4 =	vsel vm4, $0x1430, v4  }
0x43: {  	v5 =	vsel vm4, $0x2DB0, v5;
	v6 =	vsel vm4, $0x4730, v6;
	v7 =	vsel vm4, $0x60B0, v7  }
0x44: {  	v8 =	vsel vm4, $0x73D0, v8;
	v9 =	vsel vm4, $0x8D50, v9;
	v10 =	vsel vm4, $0xA6D0, v10  }
0x45: {  	v11 =	vsel vm4, $0xC050, v11;
	v12 =	vsel vm4, $0x7A30, v12;
	v13 =	vsel vm4, $0x93B0, v13  }
0x46: {  	v14 =	vsel vm4, $0xAD30, v14;
	v15 =	vsel vm4, $0xC6B0, v15;
	v0 =	vsel vm3, $0xE58, v0  }
0x47: {  	v1 =	vsel vm3, $0x27D8, v1;
	v2 =	vsel vm3, $0x4158, v2;
	v3 =	vsel vm3, $0x5AD8, v3  }
0x48: {  	v4 =	vsel vm3, $0x14B8, v4;
	v5 =	vsel vm3, $0x2E38, v5;
	v6 =	vsel vm3, $0x47B8, v6  }
0x49: {  	v7 =	vsel vm3, $0x6138, v7;
	v8 =	vsel vm3, $0x7458, v8;
	v9 =	vsel vm3, $0x8DD8, v9  }
0x4a: {  	v10 =	vsel vm3, $0xA758, v10;
	v11 =	vsel vm3, $0xC0D8, v11;
	v12 =	vsel vm3, $0x7AB8, v12  }
0x4b: {  	v13 =	vsel vm3, $0x9438, v13;
	v14 =	vsel vm3, $0xADB8, v14;
	v15 =	vsel vm3, $0xC738, v15  }
0x4c: {  	s0 =	srdreg.scid;
	s6 =	rddreg [dreg:$0x0];
	v0 =	vsel vm2, $0xEE0, v0;
	v1 =	vsel vm2, $0x2860, v1;
	v2 =	vsel vm2, $0x41E0, v2  }
0x4d: {  	s1 =	stileid.u32;
	s2 =	rddreg [dreg:$0x1];
	v3 =	vsel vm2, $0x5B60, v3;
	v4 =	vsel vm2, $0x1540, v4;
	v5 =	vsel vm2, $0x2EC0, v5  }
0x4e: {  	s3 =	simm.s32 $0x0;
	s12 =	simm.s32 $0x80;
	s13 =	simm.s32 $0x400;
	v6 =	vsel vm2, $0x4840, v6;
	v7 =	vsel vm2, $0x61C0, v7;
	v8 =	vsel vm2, $0x74E0, v8  }
0x4f: {  	s14 =	simm.s32 $0x7;
	s20 =	simm.s32 $0x1;
	s21 =	simm.s32 $0x200;
	v9 =	vsel vm2, $0x8E60, v9;
	v10 =	vsel vm2, $0xA7E0, v10;
	v11 =	vsel vm2, $0xC160, v11  }
0x50: {  	s25 =	simm.s32 $0x10400;
	s0 =	sand.u32 $0x1, s0;
	s1 =	sshll.u32 s1, $0x1;
	v12 =	vsel vm2, $0x7B40, v12;
	v13 =	vsel vm2, $0x94C0, v13;
	v14 =	vsel vm2, $0xAE40, v14  }
0x51: {  	s26 =	simm.s32 $0x2;
	s28 =	simm.s32 $0x300;
	s1 =	sor.u32 s0, s1;
	v15 =	vsel vm2, $0xC7C0, v15;
	v0 =	vsel vm1, $0xF68, v0;
	v1 =	vsel vm1, $0x28E8, v1  }
0x52: {  	s15 =	simm.s32 $0x4;
	s17 =	simm.s32 $0x6;
	s4 =	smul.u32 $0x2800, s1;
	v2 =	vsel vm1, $0x4268, v2;
	v3 =	vsel vm1, $0x5BE8, v3;
	v4 =	vsel vm1, $0x15C8, v4  }
0x53: {  	[smem:$0x7FF] =	sst s3;
	s0 =	ssub.s32 $0x2, s0;
	s5 =	smul.u32 $0x14000, s1;
	v5 =	vsel vm1, $0x2F48, v5;
	v6 =	vsel vm1, $0x48C8, v6;
	v7 =	vsel vm1, $0x6248, v7  }
0x54: {  	_ =	strace $0x8000004A;
	s7 =	smul.u32 $0x50, s1;
	s8 =	sshrl.u32 s0, $0x1;
	v8 =	vsel vm1, $0x7568, v8;
	v9 =	vsel vm1, $0x8EE8, v9;
	v10 =	vsel vm1, $0xA868, v10  }
0x55: {  	s0 =	ssub.s32 s0, s8;
	s4 =	sand.u32 $0x60000, s4;
	s5 =	sand.u32 $0x1C000, s5;
	v11 =	vsel vm1, $0xC1E8, v11;
	v12 =	vsel vm1, $0x7BC8, v12;
	v13 =	vsel vm1, $0x9548, v13  }
0x56: {  	s8 =	simm.s32 $0x0;
	s29 =	sand.u32 $0x380, s7;
	s4 =	sor.u32 s5, s4;
	v14 =	vsel vm1, $0xAEC8, v14;
	v15 =	vsel vm1, $0xC848, v15;
	v0 =	vsel vm0, $0xFF0, v0  }
0x57: {  	s7 =	sadd.s32 $0xF4EE00, s6;
	s0 =	smax.u32 s0, $0x1;
	s5 =	sor.u32 s29, s4;
	v1 =	vsel vm0, $0x2970, v1;
	v2 =	vsel vm0, $0x42F0, v2;
	v3 =	vsel vm0, $0x5C70, v3  }
0x58: {  	s4 =	sadd.s32 $0xF42E00, s6;
	s30 =	sshrl.u32 s5, $0x3;
	s5 =	smul.u32 $0x28, s1;
	v4 =	vsel vm0, $0x1650, v4;
	v5 =	vsel vm0, $0x2FD0, v5;
	v6 =	vsel vm0, $0x4950, v6  }
0x59: {  	[dreg:$0x5] =	wrdreg s0;
	s0 =	simm.s32 $0x5;
	s31 =	sadd.s32 s4, s30;
	v7 =	vsel vm0, $0x62D0, v7;
	v8 =	vsel vm0, $0x75F0, v8;
	v9 =	vsel vm0, $0x8F70, v9  }
0x5a: {  	[dreg:$0x3] =	wrdreg s31;
	s1 =	sadd.s32 $0x100, s31;
	s9 =	sor.u32 $0x4, s5;
	v10 =	vsel vm0, $0xA8F0, v10;
	v11 =	vsel vm0, $0xC270, v11;
	v12 =	vsel vm0, $0x7C50, v12  }
0x5b: {  	s10 =	sor.u32 $0x5, s5;
	[dreg:$0x4] =	wrdreg s1;
	s1 =	simm.s32 $0x3;
	v13 =	vsel vm0, $0x95D0, v13;
	v14 =	vsel vm0, $0xAF50, v14;
	v15 =	vsel vm0, $0xC8D0, v15  }
.LBB2_1:
0x5c: {  	[dreg:$0x6] =	wrdreg s8  }
0x5d: {  	s6 =	rddreg [dreg:$0x3]  }
0x5e: {  	[tilespmem:s3], [sflag:$0x7] =	stream.strided.gather [hbm4b:s6+s12], $0x100, s13, s12, $0x38;
	[tilespmem:$0x1D000] =	vst v63  }
0x5f: {  	_ =	swait.ge [sflag:s14], $0x100  }
0x60: {  	[sflag:s14] =	ssyncset.done $0x0  }
0x61: {  	[sflag:s14] =	ssyncadd.s32 $0xFFFFFF00  }
0x62: {  	[tilespmem:s13], [sflag:$0x1] =	stream.indirect.gather [hbm4b:s7+s12], $0x40, s3, s12, $0xb8;
	[tilespmem:$0x1D000] =	vst v63  }
0x63: {  	s22 =	simm.s32 $0x2400  }
0x64: {  	[tilespmem:s22], [sflag:$0x1] =	stream.indirect.gather [hbm4b:s7+s12], $0x40, s12, s12, $0xb8;
	[tilespmem:$0x1D000] =	vst v63  }
0x65: {  	s24 =	simm.s32 $0x100;
	s23 =	rddreg [dreg:$0x4]  }
0x66: {  	[tilespmem:s24], [sflag:$0x7] =	stream.strided.gather [hbm4b:s23+s12], $0x100, s13, s12, $0x38;
	[tilespmem:$0x1D000] =	vst v63  }
0x67: {  	_ =	swait.ge [sflag:s14], $0x100  }
0x68: {  	[sflag:s14] =	ssyncset.done $0x0  }
0x69: {  	s29 =	simm.s32 $0x4400;
	[sflag:s14] =	ssyncadd.s32 $0xFFFFFF00  }
0x6a: {  	[tilespmem:s29], [sflag:$0x2] =	stream.indirect.gather [hbm4b:s7+s12], $0x40, s24, s12, $0xb8;
	[tilespmem:$0x1D000] =	vst v63  }
0x6b: {  	s30 =	simm.s32 $0x180;
	s31 =	simm.s32 $0x6400;
	s19 =	simm.s32 $0x0  }
0x6c: {  	[tilespmem:s31], [sflag:$0x2] =	stream.indirect.gather [hbm4b:s7+s12], $0x40, s30, s12, $0xb8;
	[tilespmem:$0x1D000] =	vst v63  }
.LBB2_2:
0x6d: {  	s16 =	sshll.u32 s19, $0x2  }
0x6e: {  	s8 =	sadd.s32 s16, s5  }
0x6f: {  	_ =	swait.ge [sflag:s20], $0x2000;
	s11 =	sadd.s32 $0x2, s8  }
0x70: {  	[sflag:s20] =	ssyncset.done $0x0;
	s18 =	sshll.u32 s11, $0x8;
	s6 =	sshll.u32 s11, $0xB  }
0x71: {  	s11 =	sshll.u32 s11, $0x1;
	s22 =	sand.u32 $0x7FFE0000, s18;
	s23 =	sand.u32 $0x1F000, s6  }
0x72: {  	[sflag:s20] =	ssyncadd.s32 $0xFFFFE000;
	s11 =	sand.u32 $0x380, s11;
	s22 =	sor.u32 s23, s22  }
0x73: {  	_ =	swait.ge [sflag:s20], $0x2000;
	s11 =	sor.u32 s11, s22  }
0x74: {  	[sflag:s20] =	ssyncset.done $0x0;
	s11 =	sshrl.u32 s11, $0x3  }
0x75: {  	[sflag:s20] =	ssyncadd.s32 $0xFFFFE000;
	s11 =	sadd.s32 s4, s11  }
0x76: {  	[tilespmem:s21], [sflag:$0x7] =	stream.strided.gather [hbm4b:s11+s12], $0x100, s13, s12, $0x38;
	[tilespmem:$0x1D000] =	vst v63  }
0x77: {  	_ =	swait.ge [sflag:s14], $0x100  }
0x78: {  	[sflag:s14] =	ssyncset.done $0x0  }
0x79: {  	s24 =	simm.s32 $0x8400;
	p0 =	seq.s32 s19, $0x0;
	[sflag:s14] =	ssyncadd.s32 $0xFFFFFF00  }
0x7a: {  	[tilespmem:s24], [sflag:$0x3] =	stream.indirect.gather [hbm4b:s7+s12], $0x40, s21, s12, $0xb8;
	[tilespmem:$0x1D000] =	vst v63  }
0x7b: {  	s30 =	simm.s32 $0x280;
	s31 =	simm.s32 $0xA400;
	s11 =	simm.s32 @!p0 $0x5  }
0x7c: {  	[tilespmem:s31], [sflag:$0x3] =	stream.indirect.gather [hbm4b:s7+s12], $0x40, s30, s12, $0xb8;
	[tilespmem:$0x1D000] =	vst v63  }
0x7d: {  	s23 =	simm.s32 $0x3;
	_ =	swait.ge @!p0 [sflag:s11], $0x4000  }
0x7e: {  	v16 =	vmov s23;
	s24 =	simm.s32 $0x0;
	[sflag:s11] =	ssyncset.done @!p0 $0x0  }
0x7f: {  	s22 =	simm.s32 $0x2400;
	v23 =	vand.u32 $0x7F, v16;
	v17 =	vmov s24;
	[sflag:s11] =	ssyncadd.s32 @!p0 $0xFFFFC000  }
0x80: {  	v20 =	vand.u32 $0x7C, v17;
	v17 =	vadd.s32 v0, v23;
	v16 =	vld [tilespmem:s22+$0xFFFFE0C0]  }
0x81: {  	s30 =	simm.s32 $0x1;
	v19 =	vadd.s32 v0, v20;
	v18 =	vld [tilespmem:s22+$0xFFFFE000]  }
0x82: {  	s31 =	simm.s32 $0x2;
	v21 =	vmov s30  }
0x83: {  	v22 =	vand.u32 $0x7D, v21;
	v21 =	vmov s31  }
0x84: {  	v25 =	vadd.s32 v0, v22;
	v21 =	vand.u32 $0x7E, v21;
	v24 =	vld [tilespmem:s22+$0xFFFFE040]  }
0x85: {  	v26 =	vld [tilespmem:s22+$0xFFFFE080];
	v27 =	vadd.s32 v0, v21;
	[tilespmem:v17+s25+$0x0] =	vst.idx.msk $0xffff, v16  }
0x86: {  	[tilespmem:v19+s25+$0x0] =	vst.idx.msk $0xffff, v18;
	v17 =	vadd.s32 v1, v23;
	v16 =	vld [tilespmem:s22+$0xFFFFE0D0]  }
0x87: {  	v19 =	vadd.s32 v1, v20;
	v18 =	vld [tilespmem:s22+$0xFFFFE010];
	_ =	sdelay $0x1  }
0x88: {  	[tilespmem:v25+s25+$0x0] =	vst.idx.msk $0xffff, v24  }
0x89: {  	v25 =	vadd.s32 v1, v22;
	[tilespmem:v27+s25+$0x0] =	vst.idx.msk $0xffff, v26;
	v24 =	vld [tilespmem:s22+$0xFFFFE050]  }
0x8a: {  	v27 =	vadd.s32 v1, v21;
	v26 =	vld [tilespmem:s22+$0xFFFFE090];
	[tilespmem:v17+s25+$0x0] =	vst.idx.msk $0xffff, v16  }
0x8b: {  	[tilespmem:v19+s25+$0x0] =	vst.idx.msk $0xffff, v18;
	v17 =	vadd.s32 v2, v23;
	v16 =	vld [tilespmem:s22+$0xFFFFE0E0]  }
0x8c: {  	v19 =	vadd.s32 v2, v20;
	v18 =	vld [tilespmem:s22+$0xFFFFE020];
	_ =	sdelay $0x1  }
0x8d: {  	[tilespmem:v25+s25+$0x0] =	vst.idx.msk $0xffff, v24  }
0x8e: {  	v25 =	vadd.s32 v2, v22;
	[tilespmem:v27+s25+$0x0] =	vst.idx.msk $0xffff, v26;
	v24 =	vld [tilespmem:s22+$0xFFFFE060]  }
0x8f: {  	v27 =	vadd.s32 v2, v21;
	v26 =	vld [tilespmem:s22+$0xFFFFE0A0];
	[tilespmem:v17+s25+$0x0] =	vst.idx.msk $0xffff, v16  }
0x90: {  	[tilespmem:v19+s25+$0x0] =	vst.idx.msk $0xffff, v18;
	v17 =	vadd.s32 v3, v23;
	v16 =	vld [tilespmem:s22+$0xFFFFE0F0]  }
0x91: {  	v19 =	vadd.s32 v3, v20;
	v18 =	vld [tilespmem:s22+$0xFFFFE030];
	_ =	sdelay $0x1  }
0x92: {  	[tilespmem:v25+s25+$0x0] =	vst.idx.msk $0xffff, v24  }
0x93: {  	v25 =	vadd.s32 v3, v22;
	[tilespmem:v27+s25+$0x0] =	vst.idx.msk $0xffff, v26;
	v24 =	vld [tilespmem:s22+$0xFFFFE070]  }
0x94: {  	v27 =	vadd.s32 v3, v21;
	v26 =	vld [tilespmem:s22+$0xFFFFE0B0];
	[tilespmem:v17+s25+$0x0] =	vst.idx.msk $0xffff, v16  }
0x95: {  	[tilespmem:v19+s25+$0x0] =	vst.idx.msk $0xffff, v18;
	v17 =	vadd.s32 v4, v23;
	v16 =	vld [tilespmem:s22+$0xC0]  }
0x96: {  	v19 =	vadd.s32 v4, v20;
	v18 =	vld [tilespmem:s22+$0x0];
	_ =	sdelay $0x1  }
0x97: {  	[tilespmem:v25+s25+$0x0] =	vst.idx.msk $0xffff, v24  }
0x98: {  	v25 =	vadd.s32 v4, v22;
	[tilespmem:v27+s25+$0x0] =	vst.idx.msk $0xffff, v26;
	v24 =	vld [tilespmem:s22+$0x40]  }
0x99: {  	s23 =	simm.s32 $0x7;
	v27 =	vadd.s32 v4, v21;
	v26 =	vld [tilespmem:s22+$0x80];
	[tilespmem:v17+s25+$0x0] =	vst.idx.msk $0xffff, v16  }
0x9a: {  	v29 =	vadd.s32 v5, v23;
	s24 =	simm.s32 $0x4;
	v16 =	vmov s23;
	[tilespmem:v19+s25+$0x0] =	vst.idx.msk $0xffff, v18;
	v28 =	vld [tilespmem:s22+$0xD0]  }
0x9b: {  	s30 =	simm.s32 $0x5;
	v31 =	vadd.s32 v5, v20;
	s11 =	simm.s32 $0x2500;
	v17 =	vmov s24;
	v19 =	vand.u32 $0x7F, v16;
	v30 =	vld [tilespmem:s22+$0x10]  }
0x9c: {  	s31 =	simm.s32 $0x6;
	v32 =	vld [tilespmem:s11+$0xFFFFE0C0];
	v16 =	vand.u32 $0x7C, v17;
	v17 =	vmov s30;
	v33 =	vadd.s32 v0, v19  }
0x9d: {  	[tilespmem:v25+s25+$0x0] =	vst.idx.msk $0xffff, v24;
	v24 =	vld [tilespmem:s11+$0xFFFFE000];
	v25 =	vadd.s32 v0, v16;
	v18 =	vand.u32 $0x7D, v17;
	v17 =	vmov s31  }
0x9e: {  	[tilespmem:v27+s25+$0x0] =	vst.idx.msk $0xffff, v26;
	v26 =	vld [tilespmem:s11+$0xFFFFE040];
	v27 =	vadd.s32 v0, v18;
	v17 =	vand.u32 $0x7E, v17  }
0x9f: {  	v34 =	vld [tilespmem:s11+$0xFFFFE080];
	v35 =	vadd.s32 v0, v17;
	[tilespmem:v29+s25+$0x0] =	vst.idx.msk $0xffff, v28  }
0xa0: {  	[tilespmem:v31+s25+$0x0] =	vst.idx.msk $0xffff, v30;
	v29 =	vadd.s32 v6, v23;
	v28 =	vld [tilespmem:s22+$0xE0]  }
0xa1: {  	v30 =	vld [tilespmem:s22+$0x50];
	v31 =	vadd.s32 v5, v22;
	[tilespmem:v33+s25+$0x0] =	vst.idx.msk $0xffff, v32  }
0xa2: {  	[tilespmem:v25+s25+$0x0] =	vst.idx.msk $0xffff, v24;
	v25 =	vadd.s32 v1, v19;
	v24 =	vld [tilespmem:s11+$0xFFFFE0D0]  }
0xa3: {  	v55 =	vadd.s32 v1, v16;
	v54 =	vld [tilespmem:s11+$0xFFFFE010];
	[tilespmem:v27+s25+$0x0] =	vst.idx.msk $0xffff, v26  }
0xa4: {  	v27 =	vadd.s32 v1, v18;
	v26 =	vld [tilespmem:s11+$0xFFFFE050];
	[tilespmem:v35+s25+$0x0] =	vst.idx.msk $0xffff, v34  }
0xa5: {  	v56 =	vadd.s32 v1, v17;
	v34 =	vld [tilespmem:s11+$0xFFFFE090];
	[tilespmem:v29+s25+$0x0] =	vst.idx.msk $0xffff, v28  }
0xa6: {  	v23 =	vadd.s32 v7, v23;
	[tilespmem:v31+s25+$0x0] =	vst.idx.msk $0xffff, v30;
	v28 =	vld [tilespmem:s22+$0xF0]  }
0xa7: {  	[tilespmem:v25+s25+$0x0] =	vst.idx.msk $0xffff, v24;
	v24 =	vld [tilespmem:s22+$0x90];
	v25 =	vadd.s32 v5, v21  }
0xa8: {  	v30 =	vadd.s32 v2, v19;
	[tilespmem:v55+s25+$0x0] =	vst.idx.msk $0xffff, v54;
	v29 =	vld [tilespmem:s11+$0xFFFFE0E0]  }
0xa9: {  	v57 =	vadd.s32 v2, v16;
	v31 =	vld [tilespmem:s11+$0xFFFFE020];
	[tilespmem:v27+s25+$0x0] =	vst.idx.msk $0xffff, v26  }
0xaa: {  	v27 =	vadd.s32 v2, v18;
	v26 =	vld [tilespmem:s11+$0xFFFFE060];
	[tilespmem:v56+s25+$0x0] =	vst.idx.msk $0xffff, v34  }
0xab: {  	v59 =	vadd.s32 v2, v17;
	v58 =	vld [tilespmem:s11+$0xFFFFE0A0];
	[tilespmem:v23+s25+$0x0] =	vst.idx.msk $0xffff, v28  }
0xac: {  	v23 =	vld [tilespmem:s22+$0x60];
	v28 =	vadd.s32 v6, v22;
	[tilespmem:v25+s25+$0x0] =	vst.idx.msk $0xffff, v24  }
0xad: {  	v25 =	vadd.s32 v6, v21;
	[tilespmem:v30+s25+$0x0] =	vst.idx.msk $0xffff, v29;
	v24 =	vld [tilespmem:s22+$0xA0]  }
0xae: {  	[tilespmem:v57+s25+$0x0] =	vst.idx.msk $0xffff, v31;
	v30 =	vadd.s32 v3, v19;
	v29 =	vld [tilespmem:s11+$0xFFFFE0F0]  }
0xaf: {  	v60 =	vadd.s32 v3, v16;
	v31 =	vld [tilespmem:s11+$0xFFFFE030];
	[tilespmem:v27+s25+$0x0] =	vst.idx.msk $0xffff, v26  }
0xb0: {  	v27 =	vadd.s32 v3, v18;
	v26 =	vld [tilespmem:s11+$0xFFFFE070];
	[tilespmem:v59+s25+$0x0] =	vst.idx.msk $0xffff, v58  }
0xb1: {  	v61 =	vadd.s32 v3, v17;
	v33 =	vld [tilespmem:s11+$0xFFFFE0B0];
	[tilespmem:v28+s25+$0x0] =	vst.idx.msk $0xffff, v23  }
0xb2: {  	v62 =	vadd.s32 v6, v20;
	v23 =	vld [tilespmem:s22+$0x20];
	[tilespmem:v25+s25+$0x0] =	vst.idx.msk $0xffff, v24  }
0xb3: {  	v22 =	vadd.s32 v7, v22;
	v24 =	vld [tilespmem:s22+$0x70];
	[tilespmem:v30+s25+$0x0] =	vst.idx.msk $0xffff, v29  }
0xb4: {  	v63 =	vadd.s32 v4, v19;
	[tilespmem:v60+s25+$0x0] =	vst.idx.msk $0xffff, v31;
	v31 =	vld [tilespmem:s11+$0xC0]  }
0xb5: {  	v30 =	vadd.s32 v4, v16;
	v28 =	vld [tilespmem:s11+$0x0];
	[tilespmem:v27+s25+$0x0] =	vst.idx.msk $0xffff, v26  }
0xb6: {  	v29 =	vadd.s32 v4, v18;
	v26 =	vld [tilespmem:s11+$0x40];
	[tilespmem:v61+s25+$0x0] =	vst.idx.msk $0xffff, v33  }
0xb7: {  	v27 =	vadd.s32 v4, v17;
	v25 =	vld [tilespmem:s11+$0x80];
	[tilespmem:v62+s25+$0x0] =	vst.idx.msk $0xffff, v23  }
0xb8: {  	s29 =	simm.s32 $0xB;
	v21 =	vadd.s32 v7, v21;
	[tilespmem:v22+s25+$0x0] =	vst.idx.msk $0xffff, v24;
	v22 =	vld [tilespmem:s22+$0xB0]  }
0xb9: {  	s23 =	simm.s32 $0x8;
	s24 =	simm.s32 $0xC;
	v23 =	vld [tilespmem:s22+$0x30];
	v24 =	vadd.s32 v7, v20;
	s22 =	simm.s32 $0x2500;
	[tilespmem:v63+s25+$0x0] =	vst.idx.msk $0xffff, v31  }
.LBB2_3:
0xba: {  	p1 =	slt.u32 s24, $0x7C;
	v20 =	vmov s29;
	[tilespmem:v30+s25+$0x0] =	vst.idx.msk $0xffff, v28;
	v28 =	vld [tilespmem:s11+$0xD0];
	v30 =	vadd.s32 v5, v19  }
0xbb: {  	v31 =	vmov s23;
	s29 =	sadd.s32 $0x1, s23;
	v34 =	vadd.s32 v5, v16;
	s11 =	sadd.s32 $0x100, s11;
	v32 =	vand.u32 $0x7F, v20;
	v33 =	vld [tilespmem:s22+$0x10];
	[tilespmem:v29+s25+$0x0] =	vst.idx.msk $0xffff, v26  }
0xbc: {  	v20 =	vand.u32 $0x7C, v31;
	v26 =	vmov s29;
	s29 =	sadd.s32 $0x2, s23;
	s23 =	smov.u32 s24;
	v29 =	vld [tilespmem:s11+$0xFFFFE0C0];
	v31 =	vadd.s32 v0, v32;
	[tilespmem:v27+s25+$0x0] =	vst.idx.msk $0xffff, v25  }
0xbd: {  	v27 =	vadd.s32 v0, v20;
	v26 =	vand.u32 $0x7D, v26;
	v35 =	vmov s29;
	v25 =	vld [tilespmem:s11+$0xFFFFE000];
	[tilespmem:v21+s25+$0x0] =	vst.idx.msk $0xffff, v22  }
0xbe: {  	v22 =	vadd.s32 v0, v26;
	v35 =	vand.u32 $0x7E, v35;
	v21 =	vld [tilespmem:s11+$0xFFFFE040];
	[tilespmem:v24+s25+$0x0] =	vst.idx.msk $0xffff, v23  }
0xbf: {  	v24 =	vadd.s32 v0, v35;
	v23 =	vld [tilespmem:s11+$0xFFFFE080];
	[tilespmem:v30+s25+$0x0] =	vst.idx.msk $0xffff, v28  }
0xc0: {  	v30 =	vadd.s32 v6, v19;
	[tilespmem:v34+s25+$0x0] =	vst.idx.msk $0xffff, v33;
	v28 =	vld [tilespmem:s22+$0xE0]  }
0xc1: {  	[tilespmem:v31+s25+$0x0] =	vst.idx.msk $0xffff, v29;
	v29 =	vld [tilespmem:s22+$0x50];
	v31 =	vadd.s32 v5, v18  }
0xc2: {  	[tilespmem:v27+s25+$0x0] =	vst.idx.msk $0xffff, v25;
	v25 =	vld [tilespmem:s11+$0xFFFFE0D0];
	v27 =	vadd.s32 v1, v32  }
0xc3: {  	v34 =	vadd.s32 v1, v20;
	v33 =	vld [tilespmem:s11+$0xFFFFE010];
	[tilespmem:v22+s25+$0x0] =	vst.idx.msk $0xffff, v21  }
0xc4: {  	v22 =	vadd.s32 v1, v26;
	v21 =	vld [tilespmem:s11+$0xFFFFE050];
	[tilespmem:v24+s25+$0x0] =	vst.idx.msk $0xffff, v23  }
0xc5: {  	v24 =	vadd.s32 v1, v35;
	v23 =	vld [tilespmem:s11+$0xFFFFE090];
	[tilespmem:v30+s25+$0x0] =	vst.idx.msk $0xffff, v28  }
0xc6: {  	[tilespmem:v31+s25+$0x0] =	vst.idx.msk $0xffff, v29;
	v28 =	vld [tilespmem:s22+$0xF0];
	v29 =	vadd.s32 v7, v19;
	v19 =	vmov v32  }
0xc7: {  	[tilespmem:v27+s25+$0x0] =	vst.idx.msk $0xffff, v25;
	v25 =	vld [tilespmem:s22+$0x90];
	v27 =	vadd.s32 v5, v17  }
0xc8: {  	v31 =	vadd.s32 v2, v19;
	[tilespmem:v34+s25+$0x0] =	vst.idx.msk $0xffff, v33;
	v30 =	vld [tilespmem:s11+$0xFFFFE0E0]  }
0xc9: {  	v33 =	vadd.s32 v2, v20;
	v32 =	vld [tilespmem:s11+$0xFFFFE020];
	[tilespmem:v22+s25+$0x0] =	vst.idx.msk $0xffff, v21  }
0xca: {  	v22 =	vadd.s32 v2, v26;
	v21 =	vld [tilespmem:s11+$0xFFFFE060];
	[tilespmem:v24+s25+$0x0] =	vst.idx.msk $0xffff, v23  }
0xcb: {  	v24 =	vadd.s32 v2, v35;
	v23 =	vld [tilespmem:s11+$0xFFFFE0A0];
	[tilespmem:v29+s25+$0x0] =	vst.idx.msk $0xffff, v28  }
0xcc: {  	v29 =	vadd.s32 v6, v18;
	v28 =	vld [tilespmem:s22+$0x60];
	[tilespmem:v27+s25+$0x0] =	vst.idx.msk $0xffff, v25  }
0xcd: {  	v27 =	vadd.s32 v6, v17;
	[tilespmem:v31+s25+$0x0] =	vst.idx.msk $0xffff, v30;
	v25 =	vld [tilespmem:s22+$0xA0]  }
0xce: {  	v31 =	vadd.s32 v3, v19;
	[tilespmem:v33+s25+$0x0] =	vst.idx.msk $0xffff, v32;
	v30 =	vld [tilespmem:s11+$0xFFFFE0F0]  }
0xcf: {  	v33 =	vadd.s32 v3, v20;
	v32 =	vld [tilespmem:s11+$0xFFFFE030];
	[tilespmem:v22+s25+$0x0] =	vst.idx.msk $0xffff, v21  }
0xd0: {  	v22 =	vadd.s32 v3, v26;
	v21 =	vld [tilespmem:s11+$0xFFFFE070];
	[tilespmem:v24+s25+$0x0] =	vst.idx.msk $0xffff, v23  }
0xd1: {  	v24 =	vadd.s32 v3, v35;
	v23 =	vld [tilespmem:s11+$0xFFFFE0B0];
	[tilespmem:v29+s25+$0x0] =	vst.idx.msk $0xffff, v28  }
0xd2: {  	v36 =	vadd.s32 v6, v16;
	v34 =	vld [tilespmem:s22+$0x20];
	[tilespmem:v27+s25+$0x0] =	vst.idx.msk $0xffff, v25  }
0xd3: {  	v37 =	vadd.s32 v7, v18;
	v18 =	vmov v26;
	[tilespmem:v31+s25+$0x0] =	vst.idx.msk $0xffff, v30;
	v31 =	vld [tilespmem:s22+$0x70]  }
0xd4: {  	[tilespmem:v33+s25+$0x0] =	vst.idx.msk $0xffff, v32;
	v32 =	vld [tilespmem:s11+$0xC0];
	v33 =	vadd.s32 v4, v19  }
.Ltmp0:
0xd5: {  	v30 =	vadd.s32 v4, v20;
	v28 =	vld [tilespmem:s11+$0x0];
	[tilespmem:v22+s25+$0x0] =	vst.idx.msk $0xffff, v21;
	(pc) =	sbr.rel @p1 .LBB2_3-.Ltmp0, $4  }
0xd6: {  	v29 =	vadd.s32 v4, v18;
	v26 =	vld [tilespmem:s11+$0x40];
	[tilespmem:v24+s25+$0x0] =	vst.idx.msk $0xffff, v23  }
0xd7: {  	v27 =	vadd.s32 v4, v35;
	v25 =	vld [tilespmem:s11+$0x80];
	[tilespmem:v36+s25+$0x0] =	vst.idx.msk $0xffff, v34  }
0xd8: {  	v21 =	vadd.s32 v7, v17;
	v17 =	vmov v35;
	[tilespmem:v37+s25+$0x0] =	vst.idx.msk $0xffff, v31;
	v22 =	vld [tilespmem:s22+$0xB0]  }
0xd9: {  	s24 =	sadd.s32 $0x4, s24;
	s29 =	sadd.s32 $0x3, s23;
	v24 =	vadd.s32 v7, v16;
	v16 =	vmov v20;
	[tilespmem:v33+s25+$0x0] =	vst.idx.msk $0xffff, v32;
	v23 =	vld [tilespmem:s22+$0x30];
	s22 =	smov.u32 s11  }
0xda: {  	_ =	sdelay $0x1  }
0xdb: {  	v20 =	vmov s29  }
0xdc: {  	s29 =	sadd.s32 $0x1, s23;
	s24 =	sadd.s32 $0x100, s11;
	v35 =	vmov s23;
	v20 =	vand.u32 $0x7F, v20  }
0xdd: {  	[tilespmem:v30+s25+$0x0] =	vst.idx.msk $0xffff, v28;
	v31 =	vmov s29;
	s29 =	sadd.s32 $0x2, s23;
	v32 =	vld [tilespmem:s24+$0xFFFFE0C0];
	v28 =	vand.u32 $0x7C, v35;
	v33 =	vadd.s32 v0, v20  }
0xde: {  	v57 =	vld [tilespmem:s24+$0xFFFFE000];
	v31 =	vand.u32 $0x7D, v31;
	v34 =	vmov s29;
	v58 =	vadd.s32 v0, v28  }
0xdf: {  	v36 =	vld [tilespmem:s24+$0xFFFFE040];
	v37 =	vadd.s32 v0, v31;
	v34 =	vand.u32 $0x7E, v34  }
0xe0: {  	v55 =	vld [tilespmem:s24+$0xFFFFE080];
	[tilespmem:v29+s25+$0x0] =	vst.idx.msk $0xffff, v26;
	v56 =	vadd.s32 v0, v34  }
0xe1: {  	[tilespmem:v27+s25+$0x0] =	vst.idx.msk $0xffff, v25  }
0xe2: {  	[tilespmem:v33+s25+$0x0] =	vst.idx.msk $0xffff, v32  }
0xe3: {  	v60 =	vadd.s32 v1, v20;
	[tilespmem:v58+s25+$0x0] =	vst.idx.msk $0xffff, v57;
	v59 =	vld [tilespmem:s24+$0xFFFFE0D0]  }
0xe4: {  	v38 =	vadd.s32 v1, v28;
	[tilespmem:v37+s25+$0x0] =	vst.idx.msk $0xffff, v36;
	v37 =	vld [tilespmem:s24+$0xFFFFE010]  }
0xe5: {  	v62 =	vadd.s32 v1, v31;
	v61 =	vld [tilespmem:s24+$0xFFFFE050];
	[tilespmem:v56+s25+$0x0] =	vst.idx.msk $0xffff, v55  }
0xe6: {  	[tilespmem:v21+s25+$0x0] =	vst.idx.msk $0xffff, v22;
	v36 =	vadd.s32 v1, v34;
	v63 =	vld [tilespmem:s24+$0xFFFFE090]  }
0xe7: {  	v39 =	vld [tilespmem:s11+$0xD0];
	v40 =	vadd.s32 v5, v19;
	[tilespmem:v24+s25+$0x0] =	vst.idx.msk $0xffff, v23  }
0xe8: {  	v42 =	vadd.s32 v5, v16;
	v41 =	vld [tilespmem:s22+$0x10];
	[tilespmem:v60+s25+$0x0] =	vst.idx.msk $0xffff, v59  }
0xe9: {  	v43 =	vadd.s32 v2, v20;
	[tilespmem:v38+s25+$0x0] =	vst.idx.msk $0xffff, v37;
	v25 =	vld [tilespmem:s24+$0xFFFFE0E0]  }
0xea: {  	v48 =	vadd.s32 v2, v28;
	[tilespmem:v62+s25+$0x0] =	vst.idx.msk $0xffff, v61;
	v47 =	vld [tilespmem:s24+$0xFFFFE020]  }
0xeb: {  	v44 =	vadd.s32 v2, v31;
	v32 =	vld [tilespmem:s24+$0xFFFFE060];
	[tilespmem:v36+s25+$0x0] =	vst.idx.msk $0xffff, v63  }
0xec: {  	v46 =	vadd.s32 v2, v34;
	[tilespmem:v40+s25+$0x0] =	vst.idx.msk $0xffff, v39;
	v45 =	vld [tilespmem:s24+$0xFFFFE0A0]  }
0xed: {  	v52 =	vadd.s32 v5, v18;
	v51 =	vld [tilespmem:s22+$0x50];
	[tilespmem:v42+s25+$0x0] =	vst.idx.msk $0xffff, v41  }
0xee: {  	v50 =	vadd.s32 v6, v19;
	v49 =	vld [tilespmem:s22+$0xE0];
	[tilespmem:v43+s25+$0x0] =	vst.idx.msk $0xffff, v25  }
0xef: {  	v53 =	vadd.s32 v3, v20;
	[tilespmem:v48+s25+$0x0] =	vst.idx.msk $0xffff, v47;
	v25 =	vld [tilespmem:s24+$0xFFFFE0F0]  }
0xf0: {  	v57 =	vadd.s32 v3, v28;
	[tilespmem:v44+s25+$0x0] =	vst.idx.msk $0xffff, v32;
	v56 =	vld [tilespmem:s24+$0xFFFFE030]  }
0xf1: {  	v54 =	vadd.s32 v3, v31;
	v32 =	vld [tilespmem:s24+$0xFFFFE070];
	[tilespmem:v46+s25+$0x0] =	vst.idx.msk $0xffff, v45  }
0xf2: {  	[tilespmem:v52+s25+$0x0] =	vst.idx.msk $0xffff, v51;
	v55 =	vadd.s32 v3, v34;
	v21 =	vld [tilespmem:s24+$0xFFFFE0B0]  }
0xf3: {  	v40 =	vadd.s32 v6, v18;
	v39 =	vld [tilespmem:s22+$0x60];
	[tilespmem:v50+s25+$0x0] =	vst.idx.msk $0xffff, v49  }
0xf4: {  	v60 =	vld [tilespmem:s22+$0x90];
	v61 =	vadd.s32 v5, v17;
	[tilespmem:v53+s25+$0x0] =	vst.idx.msk $0xffff, v25  }
0xf5: {  	v62 =	vadd.s32 v4, v20;
	[tilespmem:v57+s25+$0x0] =	vst.idx.msk $0xffff, v56;
	v25 =	vld [tilespmem:s24+$0xC0]  }
0xf6: {  	v38 =	vadd.s32 v4, v28;
	[tilespmem:v54+s25+$0x0] =	vst.idx.msk $0xffff, v32;
	v37 =	vld [tilespmem:s24+$0x0]  }
0xf7: {  	v63 =	vadd.s32 v4, v31;
	v32 =	vld [tilespmem:s24+$0x40];
	[tilespmem:v55+s25+$0x0] =	vst.idx.msk $0xffff, v21  }
0xf8: {  	[tilespmem:v40+s25+$0x0] =	vst.idx.msk $0xffff, v39;
	v36 =	vadd.s32 v4, v34;
	v21 =	vld [tilespmem:s24+$0x80]  }
0xf9: {  	v49 =	vld [tilespmem:s22+$0x20];
	v50 =	vadd.s32 v6, v16;
	[tilespmem:v61+s25+$0x0] =	vst.idx.msk $0xffff, v60  }
0xfa: {  	v41 =	vadd.s32 v6, v17;
	v29 =	vld [tilespmem:s22+$0xA0];
	[tilespmem:v62+s25+$0x0] =	vst.idx.msk $0xffff, v25  }
0xfb: {  	v42 =	vadd.s32 v5, v20;
	[tilespmem:v38+s25+$0x0] =	vst.idx.msk $0xffff, v37;
	v25 =	vld [tilespmem:s24+$0xD0]  }
0xfc: {  	v48 =	vadd.s32 v5, v28;
	[tilespmem:v63+s25+$0x0] =	vst.idx.msk $0xffff, v32;
	v47 =	vld [tilespmem:s24+$0x10]  }
0xfd: {  	v44 =	vadd.s32 v5, v31;
	[tilespmem:v36+s25+$0x0] =	vst.idx.msk $0xffff, v21;
	v43 =	vld [tilespmem:s24+$0x50]  }
0xfe: {  	[tilespmem:v50+s25+$0x0] =	vst.idx.msk $0xffff, v49;
	v46 =	vadd.s32 v5, v34;
	v45 =	vld [tilespmem:s24+$0x90]  }
0xff: {  	v58 =	vld [tilespmem:s22+$0xF0];
	v59 =	vadd.s32 v7, v19;
	[tilespmem:v41+s25+$0x0] =	vst.idx.msk $0xffff, v29  }
0x100: {  	v17 =	vadd.s32 v7, v17;
	v57 =	vld [tilespmem:s22+$0xB0];
	[tilespmem:v42+s25+$0x0] =	vst.idx.msk $0xffff, v25  }
0x101: {  	v53 =	vadd.s32 v6, v20;
	[tilespmem:v48+s25+$0x0] =	vst.idx.msk $0xffff, v47;
	v25 =	vld [tilespmem:s24+$0xE0]  }
0x102: {  	v56 =	vadd.s32 v6, v28;
	[tilespmem:v44+s25+$0x0] =	vst.idx.msk $0xffff, v43;
	v24 =	vld [tilespmem:s24+$0x20]  }
0x103: {  	v54 =	vadd.s32 v6, v31;
	v21 =	vld [tilespmem:s24+$0x60];
	[tilespmem:v46+s25+$0x0] =	vst.idx.msk $0xffff, v45  }
0x104: {  	[tilespmem:v59+s25+$0x0] =	vst.idx.msk $0xffff, v58;
	v55 =	vadd.s32 v6, v34;
	v19 =	vld [tilespmem:s24+$0xA0]  }
0x105: {  	v52 =	vadd.s32 v7, v18;
	v51 =	vld [tilespmem:s22+$0x70];
	[tilespmem:v17+s25+$0x0] =	vst.idx.msk $0xffff, v57  }
0x106: {  	v16 =	vadd.s32 v7, v16;
	v58 =	vld [tilespmem:s22+$0x30];
	[tilespmem:v53+s25+$0x0] =	vst.idx.msk $0xffff, v25  }
0x107: {  	v20 =	vadd.s32 v7, v20;
	[tilespmem:v56+s25+$0x0] =	vst.idx.msk $0xffff, v24;
	v25 =	vld [tilespmem:s24+$0xF0]  }
0x108: {  	v63 =	vadd.s32 v7, v28;
	[tilespmem:v54+s25+$0x0] =	vst.idx.msk $0xffff, v21;
	v17 =	vld [tilespmem:s24+$0x30]  }
0x109: {  	v60 =	vadd.s32 v7, v31;
	[tilespmem:v55+s25+$0x0] =	vst.idx.msk $0xffff, v19;
	v59 =	vld [tilespmem:s24+$0x70]  }
0x10a: {  	[tilespmem:v52+s25+$0x0] =	vst.idx.msk $0xffff, v51;
	v62 =	vadd.s32 v7, v34;
	v61 =	vld [tilespmem:s24+$0xB0]  }
0x10b: {  	[tilespmem:v16+s25+$0x0] =	vst.idx.msk $0xffff, v58;
	s24 =	sadd.s32 s5, s16  }
0x10c: {  	s31 =	sshll.u32 s24, $0x8;
	[tilespmem:v20+s25+$0x0] =	vst.idx.msk $0xffff, v25  }
0x10d: {  	s11 =	sshll.u32 s24, $0xB;
	s22 =	sand.u32 $0x3C00, s31;
	[tilespmem:v63+s25+$0x0] =	vst.idx.msk $0xffff, v17  }
0x10e: {  	s11 =	sand.u32 $0xFFE0000, s11;
	s22 =	sadd.s32 s2, s22;
	[tilespmem:v60+s25+$0x0] =	vst.idx.msk $0xffff, v59  }
0x10f: {  	s23 =	simm.s32 $0x10400;
	s22 =	sadd.s32 s11, s22;
	[tilespmem:v62+s25+$0x0] =	vst.idx.msk $0xffff, v61  }
0x110: {  	[hbm4b:s22+s3] =	stream.linear.scatter [tilespmem:s23], [sflag:$0x5], $0x80, $0x38;
	[tilespmem:$0x1D000] =	vst v63  }
0x111: {  	s24 =	simm.s32 $0x10488;
	s31 =	sadd.s32 $0x10, s22  }
0x112: {  	[hbm4b:s31+s3] =	stream.linear.scatter [tilespmem:s24], [sflag:$0x5], $0x80, $0x38;
	[tilespmem:$0x1D000] =	vst v63  }
0x113: {  	s24 =	simm.s32 $0x10510;
	s31 =	sadd.s32 $0x20, s22  }
0x114: {  	[hbm4b:s31+s3] =	stream.linear.scatter [tilespmem:s24], [sflag:$0x5], $0x80, $0x38;
	[tilespmem:$0x1D000] =	vst v63  }
0x115: {  	s24 =	simm.s32 $0x10598;
	s31 =	sadd.s32 $0x30, s22  }
0x116: {  	[hbm4b:s31+s3] =	stream.linear.scatter [tilespmem:s24], [sflag:$0x5], $0x80, $0x38;
	[tilespmem:$0x1D000] =	vst v63  }
0x117: {  	s24 =	simm.s32 $0x10620;
	s31 =	sadd.s32 $0x40, s22  }
0x118: {  	[hbm4b:s31+s3] =	stream.linear.scatter [tilespmem:s24], [sflag:$0x5], $0x80, $0x38;
	[tilespmem:$0x1D000] =	vst v63  }
0x119: {  	s24 =	simm.s32 $0x106A8;
	s31 =	sadd.s32 $0x50, s22  }
0x11a: {  	[hbm4b:s31+s3] =	stream.linear.scatter [tilespmem:s24], [sflag:$0x5], $0x80, $0x38;
	[tilespmem:$0x1D000] =	vst v63  }
0x11b: {  	s24 =	simm.s32 $0x10730;
	s31 =	sadd.s32 $0x60, s22  }
0x11c: {  	[hbm4b:s31+s3] =	stream.linear.scatter [tilespmem:s24], [sflag:$0x5], $0x80, $0x38;
	[tilespmem:$0x1D000] =	vst v63  }
0x11d: {  	s24 =	simm.s32 $0x107B8;
	s31 =	sadd.s32 $0x70, s22  }
0x11e: {  	[hbm4b:s31+s3] =	stream.linear.scatter [tilespmem:s24], [sflag:$0x5], $0x80, $0x38;
	[tilespmem:$0x1D000] =	vst v63  }
0x11f: {  	s24 =	simm.s32 $0x10A60;
	s31 =	sadd.s32 $0x80, s22  }
0x120: {  	[hbm4b:s31+s3] =	stream.linear.scatter [tilespmem:s24], [sflag:$0x5], $0x80, $0x38;
	[tilespmem:$0x1D000] =	vst v63  }
0x121: {  	s24 =	simm.s32 $0x10AE8;
	s31 =	sadd.s32 $0x90, s22  }
0x122: {  	[hbm4b:s31+s3] =	stream.linear.scatter [tilespmem:s24], [sflag:$0x5], $0x80, $0x38;
	[tilespmem:$0x1D000] =	vst v63  }
0x123: {  	s29 =	simm.s32 $0x6600;
	s24 =	simm.s32 $0x10B70;
	s31 =	sadd.s32 $0xA0, s22  }
0x124: {  	[hbm4b:s31+s3] =	stream.linear.scatter [tilespmem:s24], [sflag:$0x5], $0x80, $0x38;
	[tilespmem:$0x1D000] =	vst v63  }
0x125: {  	s11 =	simm.s32 $0xCC0;
	s24 =	simm.s32 $0x10BF8;
	s31 =	sadd.s32 $0xB0, s22  }
0x126: {  	[hbm4b:s31+s3] =	stream.linear.scatter [tilespmem:s24], [sflag:$0x5], $0x80, $0x38;
	[tilespmem:$0x1D000] =	vst v63  }
0x127: {  	s30 =	sadd.s32 $0xF0, s22;
	s24 =	simm.s32 $0x10C80;
	s31 =	sadd.s32 $0xC0, s22  }
0x128: {  	[hbm4b:s31+s3] =	stream.linear.scatter [tilespmem:s24], [sflag:$0x5], $0x80, $0x38;
	[tilespmem:$0x1D000] =	vst v63  }
0x129: {  	s23 =	simm.s32 $0x10E18;
	s24 =	simm.s32 $0x10D08;
	s31 =	sadd.s32 $0xD0, s22  }
0x12a: {  	[hbm4b:s31+s3] =	stream.linear.scatter [tilespmem:s24], [sflag:$0x5], $0x80, $0x38;
	[tilespmem:$0x1D000] =	vst v63  }
0x12b: {  	s24 =	simm.s32 $0x10D90;
	s31 =	sadd.s32 $0xE0, s22;
	s22 =	sadd.s32 $0x4000, s22  }
0x12c: {  	[hbm4b:s31+s3] =	stream.linear.scatter [tilespmem:s24], [sflag:$0x5], $0x80, $0x38;
	[tilespmem:$0x1D000] =	vst v63  }
.LBB2_5:
0x12d: {  	[hbm4b:s30+s3] =	stream.linear.scatter [tilespmem:s23], [sflag:$0x5], $0x80, $0x38;
	[tilespmem:$0x1D000] =	vst v63  }
0x12e: {  	s23 =	smov.u32 s11;
	s11 =	smov.u32 s29  }
0x12f: {  	s24 =	sadd.s32 $0x3300, s29;
	s11 =	sshra.s32 s11, $0x2;
	s30 =	sadd.s32 $0x10400, s23  }
0x130: {  	[hbm4b:s22+s3] =	stream.linear.scatter [tilespmem:s30], [sflag:$0x5], $0x80, $0x38;
	[tilespmem:$0x1D000] =	vst v63  }
0x131: {  	p1 =	sne.s32 s29, $0x16500;
	s29 =	sadd.s32 $0x10488, s23;
	s30 =	sadd.s32 $0x10, s22  }
0x132: {  	[hbm4b:s30+s3] =	stream.linear.scatter [tilespmem:s29], [sflag:$0x5], $0x80, $0x38;
	[tilespmem:$0x1D000] =	vst v63  }
0x133: {  	s29 =	sadd.s32 $0x10510, s23;
	s30 =	sadd.s32 $0x20, s22  }
0x134: {  	[hbm4b:s30+s3] =	stream.linear.scatter [tilespmem:s29], [sflag:$0x5], $0x80, $0x38;
	[tilespmem:$0x1D000] =	vst v63  }
0x135: {  	s29 =	sadd.s32 $0x10598, s23;
	s30 =	sadd.s32 $0x30, s22  }
0x136: {  	[hbm4b:s30+s3] =	stream.linear.scatter [tilespmem:s29], [sflag:$0x5], $0x80, $0x38;
	[tilespmem:$0x1D000] =	vst v63  }
0x137: {  	s29 =	sadd.s32 $0x10620, s23;
	s30 =	sadd.s32 $0x40, s22  }
0x138: {  	[hbm4b:s30+s3] =	stream.linear.scatter [tilespmem:s29], [sflag:$0x5], $0x80, $0x38;
	[tilespmem:$0x1D000] =	vst v63  }
0x139: {  	s29 =	sadd.s32 $0x106A8, s23;
	s30 =	sadd.s32 $0x50, s22  }
0x13a: {  	[hbm4b:s30+s3] =	stream.linear.scatter [tilespmem:s29], [sflag:$0x5], $0x80, $0x38;
	[tilespmem:$0x1D000] =	vst v63  }
0x13b: {  	s29 =	sadd.s32 $0x10730, s23;
	s30 =	sadd.s32 $0x60, s22  }
0x13c: {  	[hbm4b:s30+s3] =	stream.linear.scatter [tilespmem:s29], [sflag:$0x5], $0x80, $0x38;
	[tilespmem:$0x1D000] =	vst v63  }
0x13d: {  	s29 =	sadd.s32 $0x107B8, s23;
	s30 =	sadd.s32 $0x70, s22  }
0x13e: {  	[hbm4b:s30+s3] =	stream.linear.scatter [tilespmem:s29], [sflag:$0x5], $0x80, $0x38;
	[tilespmem:$0x1D000] =	vst v63  }
0x13f: {  	s29 =	sadd.s32 $0x10A60, s23;
	s30 =	sadd.s32 $0x80, s22  }
0x140: {  	[hbm4b:s30+s3] =	stream.linear.scatter [tilespmem:s29], [sflag:$0x5], $0x80, $0x38;
	[tilespmem:$0x1D000] =	vst v63  }
0x141: {  	s29 =	sadd.s32 $0x10AE8, s23;
	s30 =	sadd.s32 $0x90, s22  }
0x142: {  	[hbm4b:s30+s3] =	stream.linear.scatter [tilespmem:s29], [sflag:$0x5], $0x80, $0x38;
	[tilespmem:$0x1D000] =	vst v63  }
0x143: {  	s29 =	sadd.s32 $0x10B70, s23;
	s30 =	sadd.s32 $0xA0, s22  }
0x144: {  	[hbm4b:s30+s3] =	stream.linear.scatter [tilespmem:s29], [sflag:$0x5], $0x80, $0x38;
	[tilespmem:$0x1D000] =	vst v63  }
0x145: {  	s29 =	sadd.s32 $0x10BF8, s23;
	s30 =	sadd.s32 $0xB0, s22  }
0x146: {  	[hbm4b:s30+s3] =	stream.linear.scatter [tilespmem:s29], [sflag:$0x5], $0x80, $0x38;
	[tilespmem:$0x1D000] =	vst v63  }
0x147: {  	s29 =	sadd.s32 $0x10C80, s23;
	s30 =	sadd.s32 $0xC0, s22  }
0x148: {  	[hbm4b:s30+s3] =	stream.linear.scatter [tilespmem:s29], [sflag:$0x5], $0x80, $0x38;
	[tilespmem:$0x1D000] =	vst v63  }
.Ltmp1:
0x149: {  	s29 =	sadd.s32 $0x10D08, s23;
	s30 =	sadd.s32 $0xD0, s22;
	(pc) =	sbr.rel @p1 .LBB2_5-.Ltmp1, $4  }
0x14a: {  	[hbm4b:s30+s3] =	stream.linear.scatter [tilespmem:s29], [sflag:$0x5], $0x80, $0x38;
	[tilespmem:$0x1D000] =	vst v63  }
0x14b: {  	s29 =	sadd.s32 $0x10D90, s23;
	s30 =	sadd.s32 $0xE0, s22;
	s23 =	sadd.s32 $0x10E18, s23  }
0x14c: {  	[hbm4b:s30+s3] =	stream.linear.scatter [tilespmem:s29], [sflag:$0x5], $0x80, $0x38;
	[tilespmem:$0x1D000] =	vst v63  }
0x14d: {  	s30 =	sadd.s32 $0xF0, s22;
	s22 =	sadd.s32 $0x4000, s22;
	s29 =	smov.u32 s24  }
0x14e: {  	[hbm4b:s30+s3] =	stream.linear.scatter [tilespmem:s23], [sflag:$0x5], $0x80, $0x38;
	[tilespmem:$0x1D000] =	vst v63  }
0x14f: {  	s24 =	sadd.s32 $0x10400, s11  }
0x150: {  	[hbm4b:s22+s3] =	stream.linear.scatter [tilespmem:s24], [sflag:$0x5], $0x80, $0x38;
	[tilespmem:$0x1D000] =	vst v63  }
0x151: {  	s23 =	sadd.s32 $0x10488, s11;
	s24 =	sadd.s32 $0x10, s22  }
0x152: {  	[hbm4b:s24+s3] =	stream.linear.scatter [tilespmem:s23], [sflag:$0x5], $0x80, $0x38;
	[tilespmem:$0x1D000] =	vst v63  }
0x153: {  	s23 =	sadd.s32 $0x10510, s11;
	s24 =	sadd.s32 $0x20, s22  }
0x154: {  	[hbm4b:s24+s3] =	stream.linear.scatter [tilespmem:s23], [sflag:$0x5], $0x80, $0x38;
	[tilespmem:$0x1D000] =	vst v63  }
0x155: {  	s23 =	sadd.s32 $0x10598, s11;
	s24 =	sadd.s32 $0x30, s22  }
0x156: {  	[hbm4b:s24+s3] =	stream.linear.scatter [tilespmem:s23], [sflag:$0x5], $0x80, $0x38;
	[tilespmem:$0x1D000] =	vst v63  }
0x157: {  	s23 =	sadd.s32 $0x10620, s11;
	s24 =	sadd.s32 $0x40, s22  }
0x158: {  	[hbm4b:s24+s3] =	stream.linear.scatter [tilespmem:s23], [sflag:$0x5], $0x80, $0x38;
	[tilespmem:$0x1D000] =	vst v63  }
0x159: {  	s23 =	sadd.s32 $0x106A8, s11;
	s24 =	sadd.s32 $0x50, s22  }
0x15a: {  	[hbm4b:s24+s3] =	stream.linear.scatter [tilespmem:s23], [sflag:$0x5], $0x80, $0x38;
	[tilespmem:$0x1D000] =	vst v63  }
0x15b: {  	s23 =	sadd.s32 $0x10730, s11;
	s24 =	sadd.s32 $0x60, s22  }
0x15c: {  	[hbm4b:s24+s3] =	stream.linear.scatter [tilespmem:s23], [sflag:$0x5], $0x80, $0x38;
	[tilespmem:$0x1D000] =	vst v63  }
0x15d: {  	s23 =	sadd.s32 $0x107B8, s11;
	s24 =	sadd.s32 $0x70, s22  }
0x15e: {  	[hbm4b:s24+s3] =	stream.linear.scatter [tilespmem:s23], [sflag:$0x5], $0x80, $0x38;
	[tilespmem:$0x1D000] =	vst v63  }
0x15f: {  	s23 =	sadd.s32 $0x10A60, s11;
	s24 =	sadd.s32 $0x80, s22  }
0x160: {  	[hbm4b:s24+s3] =	stream.linear.scatter [tilespmem:s23], [sflag:$0x5], $0x80, $0x38;
	[tilespmem:$0x1D000] =	vst v63  }
0x161: {  	s23 =	sadd.s32 $0x10AE8, s11;
	s24 =	sadd.s32 $0x90, s22  }
0x162: {  	[hbm4b:s24+s3] =	stream.linear.scatter [tilespmem:s23], [sflag:$0x5], $0x80, $0x38;
	[tilespmem:$0x1D000] =	vst v63  }
0x163: {  	s23 =	sadd.s32 $0x10B70, s11;
	s24 =	sadd.s32 $0xA0, s22  }
0x164: {  	[hbm4b:s24+s3] =	stream.linear.scatter [tilespmem:s23], [sflag:$0x5], $0x80, $0x38;
	[tilespmem:$0x1D000] =	vst v63  }
0x165: {  	s23 =	sadd.s32 $0x10BF8, s11;
	s24 =	sadd.s32 $0xB0, s22  }
0x166: {  	[hbm4b:s24+s3] =	stream.linear.scatter [tilespmem:s23], [sflag:$0x5], $0x80, $0x38;
	[tilespmem:$0x1D000] =	vst v63  }
0x167: {  	s23 =	sadd.s32 $0x10C80, s11;
	s24 =	sadd.s32 $0xC0, s22  }
0x168: {  	[hbm4b:s24+s3] =	stream.linear.scatter [tilespmem:s23], [sflag:$0x5], $0x80, $0x38;
	[tilespmem:$0x1D000] =	vst v63  }
0x169: {  	s23 =	sadd.s32 $0x10D08, s11;
	s24 =	sadd.s32 $0xD0, s22  }
0x16a: {  	[hbm4b:s24+s3] =	stream.linear.scatter [tilespmem:s23], [sflag:$0x5], $0x80, $0x38;
	[tilespmem:$0x1D000] =	vst v63  }
0x16b: {  	s23 =	sadd.s32 $0x10D90, s11;
	s24 =	sadd.s32 $0xE0, s22  }
0x16c: {  	[hbm4b:s24+s3] =	stream.linear.scatter [tilespmem:s23], [sflag:$0x5], $0x80, $0x38;
	[tilespmem:$0x1D000] =	vst v63  }
0x16d: {  	s23 =	sadd.s32 $0xF0, s22;
	s22 =	sadd.s32 $0x3, s8  }
0x16e: {  	s24 =	sadd.s32 $0x10E18, s11;
	s11 =	sshll.u32 s22, $0x8  }
0x16f: {  	[hbm4b:s23+s3] =	stream.linear.scatter [tilespmem:s24], [sflag:$0x5], $0x80, $0x38;
	[tilespmem:$0x1D000] =	vst v63  }
0x170: {  	s8 =	sshll.u32 s22, $0xB;
	s22 =	sshll.u32 s22, $0x1;
	_ =	swait.ge [sflag:s26], $0x2000  }
0x171: {  	s23 =	sand.u32 $0x7FFE0000, s11;
	s24 =	sand.u32 $0x1F800, s8;
	[sflag:s26] =	ssyncset.done $0x0  }
0x172: {  	s22 =	sand.u32 $0x380, s22;
	s23 =	sor.u32 s24, s23;
	[sflag:s26] =	ssyncadd.s32 $0xFFFFE000  }
0x173: {  	s22 =	sor.u32 s22, s23;
	_ =	swait.ge [sflag:s26], $0x2000  }
0x174: {  	s22 =	sshrl.u32 s22, $0x3;
	[sflag:s26] =	ssyncset.done $0x0  }
0x175: {  	s22 =	sadd.s32 s4, s22;
	[sflag:s26] =	ssyncadd.s32 $0xFFFFE000  }
0x176: {  	[tilespmem:s28], [sflag:$0x7] =	stream.strided.gather [hbm4b:s22+s12], $0x100, s13, s12, $0x38;
	[tilespmem:$0x1D000] =	vst v63  }
0x177: {  	_ =	swait.ge [sflag:s14], $0x100  }
0x178: {  	[sflag:s14] =	ssyncset.done $0x0  }
0x179: {  	s24 =	simm.s32 $0xC400;
	[sflag:s14] =	ssyncadd.s32 $0xFFFFFF00  }
0x17a: {  	[tilespmem:s24], [sflag:$0x4] =	stream.indirect.gather [hbm4b:s7+s12], $0x40, s28, s12, $0xb8;
	[tilespmem:$0x1D000] =	vst v63  }
0x17b: {  	s23 =	simm.s32 $0x380;
	s22 =	simm.s32 @!p0 $0x6;
	s24 =	simm.s32 $0xE400  }
0x17c: {  	[tilespmem:s24], [sflag:$0x4] =	stream.indirect.gather [hbm4b:s7+s12], $0x40, s23, s12, $0xb8;
	[tilespmem:$0x1D000] =	vst v63  }
0x17d: {  	s24 =	simm.s32 $0x3;
	_ =	swait.ge @!p0 [sflag:s22], $0x4000  }
0x17e: {  	s29 =	simm.s32 $0x0;
	v16 =	vmov s24;
	[sflag:s22] =	ssyncset.done @!p0 $0x0  }
0x17f: {  	v17 =	vmov s29;
	s24 =	simm.s32 $0x4400;
	v23 =	vand.u32 $0x7F, v16;
	[sflag:s22] =	ssyncadd.s32 @!p0 $0xFFFFC000  }
0x180: {  	v20 =	vand.u32 $0x7C, v17;
	v17 =	vadd.s32 v8, v23;
	v16 =	vld [tilespmem:s24+$0xC0]  }
0x181: {  	v19 =	vadd.s32 v8, v20;
	s23 =	simm.s32 $0x1;
	v18 =	vld [tilespmem:s24+$0x0]  }
0x182: {  	v21 =	vmov s23;
	s23 =	simm.s32 $0x2  }
0x183: {  	v22 =	vand.u32 $0x7D, v21;
	v21 =	vmov s23  }
0x184: {  	v25 =	vadd.s32 v8, v22;
	v21 =	vand.u32 $0x7E, v21;
	v24 =	vld [tilespmem:s24+$0x40]  }
0x185: {  	v26 =	vld [tilespmem:s24+$0x80];
	v27 =	vadd.s32 v8, v21;
	[tilespmem:v17+s25+$0x0] =	vst.idx.msk $0xffff, v16  }
0x186: {  	[tilespmem:v19+s25+$0x0] =	vst.idx.msk $0xffff, v18;
	v17 =	vadd.s32 v9, v23;
	v16 =	vld [tilespmem:s24+$0xD0]  }
0x187: {  	v19 =	vadd.s32 v9, v20;
	v18 =	vld [tilespmem:s24+$0x10];
	_ =	sdelay $0x1  }
0x188: {  	[tilespmem:v25+s25+$0x0] =	vst.idx.msk $0xffff, v24  }
0x189: {  	v25 =	vadd.s32 v9, v22;
	[tilespmem:v27+s25+$0x0] =	vst.idx.msk $0xffff, v26;
	v24 =	vld [tilespmem:s24+$0x50]  }
0x18a: {  	v27 =	vadd.s32 v9, v21;
	v26 =	vld [tilespmem:s24+$0x90];
	[tilespmem:v17+s25+$0x0] =	vst.idx.msk $0xffff, v16  }
0x18b: {  	[tilespmem:v19+s25+$0x0] =	vst.idx.msk $0xffff, v18;
	v17 =	vadd.s32 v10, v23;
	v16 =	vld [tilespmem:s24+$0xE0]  }
0x18c: {  	v19 =	vadd.s32 v10, v20;
	v18 =	vld [tilespmem:s24+$0x20];
	_ =	sdelay $0x1  }
0x18d: {  	[tilespmem:v25+s25+$0x0] =	vst.idx.msk $0xffff, v24  }
0x18e: {  	v25 =	vadd.s32 v10, v22;
	[tilespmem:v27+s25+$0x0] =	vst.idx.msk $0xffff, v26;
	v24 =	vld [tilespmem:s24+$0x60]  }
0x18f: {  	v27 =	vadd.s32 v10, v21;
	v26 =	vld [tilespmem:s24+$0xA0];
	[tilespmem:v17+s25+$0x0] =	vst.idx.msk $0xffff, v16  }
0x190: {  	[tilespmem:v19+s25+$0x0] =	vst.idx.msk $0xffff, v18;
	v17 =	vadd.s32 v11, v23;
	v16 =	vld [tilespmem:s24+$0xF0]  }
0x191: {  	v19 =	vadd.s32 v11, v20;
	v18 =	vld [tilespmem:s24+$0x30];
	_ =	sdelay $0x1  }
0x192: {  	[tilespmem:v25+s25+$0x0] =	vst.idx.msk $0xffff, v24  }
0x193: {  	v25 =	vadd.s32 v11, v22;
	[tilespmem:v27+s25+$0x0] =	vst.idx.msk $0xffff, v26;
	v24 =	vld [tilespmem:s24+$0x70]  }
0x194: {  	v27 =	vadd.s32 v11, v21;
	v26 =	vld [tilespmem:s24+$0xB0];
	[tilespmem:v17+s25+$0x0] =	vst.idx.msk $0xffff, v16  }
0x195: {  	[tilespmem:v19+s25+$0x0] =	vst.idx.msk $0xffff, v18;
	v17 =	vadd.s32 v12, v23;
	v16 =	vld [tilespmem:s24+$0x20C0]  }
0x196: {  	v19 =	vadd.s32 v12, v20;
	v18 =	vld [tilespmem:s24+$0x2000];
	_ =	sdelay $0x1  }
0x197: {  	[tilespmem:v25+s25+$0x0] =	vst.idx.msk $0xffff, v24  }
0x198: {  	v25 =	vadd.s32 v12, v22;
	[tilespmem:v27+s25+$0x0] =	vst.idx.msk $0xffff, v26;
	v24 =	vld [tilespmem:s24+$0x2040]  }
0x199: {  	s22 =	simm.s32 $0x7;
	v27 =	vadd.s32 v12, v21;
	v26 =	vld [tilespmem:s24+$0x2080];
	[tilespmem:v17+s25+$0x0] =	vst.idx.msk $0xffff, v16  }
0x19a: {  	s23 =	simm.s32 $0x4;
	v29 =	vadd.s32 v13, v23;
	v16 =	vmov s22;
	[tilespmem:v19+s25+$0x0] =	vst.idx.msk $0xffff, v18;
	v28 =	vld [tilespmem:s24+$0x20D0]  }
0x19b: {  	v31 =	vadd.s32 v13, v20;
	v17 =	vmov s23;
	s22 =	simm.s32 $0x5;
	s23 =	simm.s32 $0x4500;
	v19 =	vand.u32 $0x7F, v16;
	v30 =	vld [tilespmem:s24+$0x2010]  }
0x19c: {  	v16 =	vand.u32 $0x7C, v17;
	v17 =	vmov s22;
	s22 =	simm.s32 $0x6;
	v32 =	vld [tilespmem:s23+$0xC0];
	v33 =	vadd.s32 v8, v19  }
0x19d: {  	[tilespmem:v25+s25+$0x0] =	vst.idx.msk $0xffff, v24;
	v24 =	vld [tilespmem:s23+$0x0];
	v25 =	vadd.s32 v8, v16;
	v18 =	vand.u32 $0x7D, v17;
	v17 =	vmov s22  }
0x19e: {  	[tilespmem:v27+s25+$0x0] =	vst.idx.msk $0xffff, v26;
	v26 =	vld [tilespmem:s23+$0x40];
	v27 =	vadd.s32 v8, v18;
	v17 =	vand.u32 $0x7E, v17  }
0x19f: {  	v34 =	vld [tilespmem:s23+$0x80];
	v35 =	vadd.s32 v8, v17;
	[tilespmem:v29+s25+$0x0] =	vst.idx.msk $0xffff, v28  }
0x1a0: {  	[tilespmem:v31+s25+$0x0] =	vst.idx.msk $0xffff, v30;
	v29 =	vadd.s32 v14, v23;
	v28 =	vld [tilespmem:s24+$0x20E0]  }
0x1a1: {  	v30 =	vld [tilespmem:s24+$0x2050];
	v31 =	vadd.s32 v13, v22;
	[tilespmem:v33+s25+$0x0] =	vst.idx.msk $0xffff, v32  }
0x1a2: {  	[tilespmem:v25+s25+$0x0] =	vst.idx.msk $0xffff, v24;
	v25 =	vadd.s32 v9, v19;
	v24 =	vld [tilespmem:s23+$0xD0]  }
0x1a3: {  	v55 =	vadd.s32 v9, v16;
	v54 =	vld [tilespmem:s23+$0x10];
	[tilespmem:v27+s25+$0x0] =	vst.idx.msk $0xffff, v26  }
0x1a4: {  	v27 =	vadd.s32 v9, v18;
	v26 =	vld [tilespmem:s23+$0x50];
	[tilespmem:v35+s25+$0x0] =	vst.idx.msk $0xffff, v34  }
0x1a5: {  	v56 =	vadd.s32 v9, v17;
	v34 =	vld [tilespmem:s23+$0x90];
	[tilespmem:v29+s25+$0x0] =	vst.idx.msk $0xffff, v28  }
0x1a6: {  	v23 =	vadd.s32 v15, v23;
	[tilespmem:v31+s25+$0x0] =	vst.idx.msk $0xffff, v30;
	v28 =	vld [tilespmem:s24+$0x20F0]  }
0x1a7: {  	[tilespmem:v25+s25+$0x0] =	vst.idx.msk $0xffff, v24;
	v24 =	vld [tilespmem:s24+$0x2090];
	v25 =	vadd.s32 v13, v21  }
0x1a8: {  	v30 =	vadd.s32 v10, v19;
	[tilespmem:v55+s25+$0x0] =	vst.idx.msk $0xffff, v54;
	v29 =	vld [tilespmem:s23+$0xE0]  }
0x1a9: {  	v57 =	vadd.s32 v10, v16;
	v31 =	vld [tilespmem:s23+$0x20];
	[tilespmem:v27+s25+$0x0] =	vst.idx.msk $0xffff, v26  }
0x1aa: {  	v27 =	vadd.s32 v10, v18;
	v26 =	vld [tilespmem:s23+$0x60];
	[tilespmem:v56+s25+$0x0] =	vst.idx.msk $0xffff, v34  }
0x1ab: {  	v59 =	vadd.s32 v10, v17;
	v58 =	vld [tilespmem:s23+$0xA0];
	[tilespmem:v23+s25+$0x0] =	vst.idx.msk $0xffff, v28  }
0x1ac: {  	v23 =	vld [tilespmem:s24+$0x2060];
	v28 =	vadd.s32 v14, v22;
	[tilespmem:v25+s25+$0x0] =	vst.idx.msk $0xffff, v24  }
0x1ad: {  	v25 =	vadd.s32 v14, v21;
	[tilespmem:v30+s25+$0x0] =	vst.idx.msk $0xffff, v29;
	v24 =	vld [tilespmem:s24+$0x20A0]  }
0x1ae: {  	[tilespmem:v57+s25+$0x0] =	vst.idx.msk $0xffff, v31;
	v30 =	vadd.s32 v11, v19;
	v29 =	vld [tilespmem:s23+$0xF0]  }
0x1af: {  	v60 =	vadd.s32 v11, v16;
	v31 =	vld [tilespmem:s23+$0x30];
	[tilespmem:v27+s25+$0x0] =	vst.idx.msk $0xffff, v26  }
0x1b0: {  	v27 =	vadd.s32 v11, v18;
	v26 =	vld [tilespmem:s23+$0x70];
	[tilespmem:v59+s25+$0x0] =	vst.idx.msk $0xffff, v58  }
0x1b1: {  	v61 =	vadd.s32 v11, v17;
	v33 =	vld [tilespmem:s23+$0xB0];
	[tilespmem:v28+s25+$0x0] =	vst.idx.msk $0xffff, v23  }
0x1b2: {  	v62 =	vadd.s32 v14, v20;
	v23 =	vld [tilespmem:s24+$0x2020];
	[tilespmem:v25+s25+$0x0] =	vst.idx.msk $0xffff, v24  }
0x1b3: {  	v22 =	vadd.s32 v15, v22;
	v24 =	vld [tilespmem:s24+$0x2070];
	[tilespmem:v30+s25+$0x0] =	vst.idx.msk $0xffff, v29  }
0x1b4: {  	v63 =	vadd.s32 v12, v19;
	[tilespmem:v60+s25+$0x0] =	vst.idx.msk $0xffff, v31;
	v31 =	vld [tilespmem:s23+$0x20C0]  }
0x1b5: {  	v30 =	vadd.s32 v12, v16;
	v28 =	vld [tilespmem:s23+$0x2000];
	[tilespmem:v27+s25+$0x0] =	vst.idx.msk $0xffff, v26  }
0x1b6: {  	v29 =	vadd.s32 v12, v18;
	v26 =	vld [tilespmem:s23+$0x2040];
	[tilespmem:v61+s25+$0x0] =	vst.idx.msk $0xffff, v33  }
0x1b7: {  	v27 =	vadd.s32 v12, v17;
	v25 =	vld [tilespmem:s23+$0x2080];
	[tilespmem:v62+s25+$0x0] =	vst.idx.msk $0xffff, v23  }
0x1b8: {  	s31 =	simm.s32 $0xB;
	s30 =	simm.s32 $0xC;
	v21 =	vadd.s32 v15, v21;
	[tilespmem:v22+s25+$0x0] =	vst.idx.msk $0xffff, v24;
	v22 =	vld [tilespmem:s24+$0x20B0]  }
0x1b9: {  	s29 =	simm.s32 $0x8;
	s22 =	sor.u32 $0x1, s16;
	v23 =	vld [tilespmem:s24+$0x2030];
	v24 =	vadd.s32 v15, v20;
	s24 =	simm.s32 $0x4500;
	[tilespmem:v63+s25+$0x0] =	vst.idx.msk $0xffff, v31  }
.LBB2_7:
0x1ba: {  	p0 =	slt.u32 s30, $0x7C;
	v20 =	vmov s31;
	[tilespmem:v30+s25+$0x0] =	vst.idx.msk $0xffff, v28;
	v28 =	vld [tilespmem:s23+$0x20D0];
	v30 =	vadd.s32 v13, v19  }
0x1bb: {  	v31 =	vmov s29;
	s31 =	sadd.s32 $0x1, s29;
	v34 =	vadd.s32 v13, v16;
	s23 =	sadd.s32 $0x100, s23;
	v32 =	vand.u32 $0x7F, v20;
	v33 =	vld [tilespmem:s24+$0x2010];
	[tilespmem:v29+s25+$0x0] =	vst.idx.msk $0xffff, v26  }
0x1bc: {  	v20 =	vand.u32 $0x7C, v31;
	v26 =	vmov s31;
	s31 =	sadd.s32 $0x2, s29;
	s29 =	smov.u32 s30;
	v29 =	vld [tilespmem:s23+$0xC0];
	v31 =	vadd.s32 v8, v32;
	[tilespmem:v27+s25+$0x0] =	vst.idx.msk $0xffff, v25  }
0x1bd: {  	v27 =	vadd.s32 v8, v20;
	v26 =	vand.u32 $0x7D, v26;
	v35 =	vmov s31;
	v25 =	vld [tilespmem:s23+$0x0];
	[tilespmem:v21+s25+$0x0] =	vst.idx.msk $0xffff, v22  }
0x1be: {  	v22 =	vadd.s32 v8, v26;
	v35 =	vand.u32 $0x7E, v35;
	v21 =	vld [tilespmem:s23+$0x40];
	[tilespmem:v24+s25+$0x0] =	vst.idx.msk $0xffff, v23  }
0x1bf: {  	v24 =	vadd.s32 v8, v35;
	v23 =	vld [tilespmem:s23+$0x80];
	[tilespmem:v30+s25+$0x0] =	vst.idx.msk $0xffff, v28  }
0x1c0: {  	v30 =	vadd.s32 v14, v19;
	[tilespmem:v34+s25+$0x0] =	vst.idx.msk $0xffff, v33;
	v28 =	vld [tilespmem:s24+$0x20E0]  }
0x1c1: {  	[tilespmem:v31+s25+$0x0] =	vst.idx.msk $0xffff, v29;
	v29 =	vld [tilespmem:s24+$0x2050];
	v31 =	vadd.s32 v13, v18  }
0x1c2: {  	[tilespmem:v27+s25+$0x0] =	vst.idx.msk $0xffff, v25;
	v25 =	vld [tilespmem:s23+$0xD0];
	v27 =	vadd.s32 v9, v32  }
0x1c3: {  	v34 =	vadd.s32 v9, v20;
	v33 =	vld [tilespmem:s23+$0x10];
	[tilespmem:v22+s25+$0x0] =	vst.idx.msk $0xffff, v21  }
0x1c4: {  	v22 =	vadd.s32 v9, v26;
	v21 =	vld [tilespmem:s23+$0x50];
	[tilespmem:v24+s25+$0x0] =	vst.idx.msk $0xffff, v23  }
0x1c5: {  	v24 =	vadd.s32 v9, v35;
	v23 =	vld [tilespmem:s23+$0x90];
	[tilespmem:v30+s25+$0x0] =	vst.idx.msk $0xffff, v28  }
0x1c6: {  	[tilespmem:v31+s25+$0x0] =	vst.idx.msk $0xffff, v29;
	v28 =	vld [tilespmem:s24+$0x20F0];
	v29 =	vadd.s32 v15, v19;
	v19 =	vmov v32  }
0x1c7: {  	[tilespmem:v27+s25+$0x0] =	vst.idx.msk $0xffff, v25;
	v25 =	vld [tilespmem:s24+$0x2090];
	v27 =	vadd.s32 v13, v17  }
0x1c8: {  	v31 =	vadd.s32 v10, v19;
	[tilespmem:v34+s25+$0x0] =	vst.idx.msk $0xffff, v33;
	v30 =	vld [tilespmem:s23+$0xE0]  }
0x1c9: {  	v33 =	vadd.s32 v10, v20;
	v32 =	vld [tilespmem:s23+$0x20];
	[tilespmem:v22+s25+$0x0] =	vst.idx.msk $0xffff, v21  }
0x1ca: {  	v22 =	vadd.s32 v10, v26;
	v21 =	vld [tilespmem:s23+$0x60];
	[tilespmem:v24+s25+$0x0] =	vst.idx.msk $0xffff, v23  }
0x1cb: {  	v24 =	vadd.s32 v10, v35;
	v23 =	vld [tilespmem:s23+$0xA0];
	[tilespmem:v29+s25+$0x0] =	vst.idx.msk $0xffff, v28  }
0x1cc: {  	v29 =	vadd.s32 v14, v18;
	v28 =	vld [tilespmem:s24+$0x2060];
	[tilespmem:v27+s25+$0x0] =	vst.idx.msk $0xffff, v25  }
0x1cd: {  	v27 =	vadd.s32 v14, v17;
	[tilespmem:v31+s25+$0x0] =	vst.idx.msk $0xffff, v30;
	v25 =	vld [tilespmem:s24+$0x20A0]  }
0x1ce: {  	v31 =	vadd.s32 v11, v19;
	[tilespmem:v33+s25+$0x0] =	vst.idx.msk $0xffff, v32;
	v30 =	vld [tilespmem:s23+$0xF0]  }
0x1cf: {  	v33 =	vadd.s32 v11, v20;
	v32 =	vld [tilespmem:s23+$0x30];
	[tilespmem:v22+s25+$0x0] =	vst.idx.msk $0xffff, v21  }
0x1d0: {  	v22 =	vadd.s32 v11, v26;
	v21 =	vld [tilespmem:s23+$0x70];
	[tilespmem:v24+s25+$0x0] =	vst.idx.msk $0xffff, v23  }
0x1d1: {  	v24 =	vadd.s32 v11, v35;
	v23 =	vld [tilespmem:s23+$0xB0];
	[tilespmem:v29+s25+$0x0] =	vst.idx.msk $0xffff, v28  }
0x1d2: {  	v36 =	vadd.s32 v14, v16;
	v34 =	vld [tilespmem:s24+$0x2020];
	[tilespmem:v27+s25+$0x0] =	vst.idx.msk $0xffff, v25  }
0x1d3: {  	v37 =	vadd.s32 v15, v18;
	v18 =	vmov v26;
	[tilespmem:v31+s25+$0x0] =	vst.idx.msk $0xffff, v30;
	v31 =	vld [tilespmem:s24+$0x2070]  }
0x1d4: {  	[tilespmem:v33+s25+$0x0] =	vst.idx.msk $0xffff, v32;
	v32 =	vld [tilespmem:s23+$0x20C0];
	v33 =	vadd.s32 v12, v19  }
.Ltmp2:
0x1d5: {  	v30 =	vadd.s32 v12, v20;
	v28 =	vld [tilespmem:s23+$0x2000];
	[tilespmem:v22+s25+$0x0] =	vst.idx.msk $0xffff, v21;
	(pc) =	sbr.rel @p0 .LBB2_7-.Ltmp2, $4  }
0x1d6: {  	v29 =	vadd.s32 v12, v18;
	v26 =	vld [tilespmem:s23+$0x2040];
	[tilespmem:v24+s25+$0x0] =	vst.idx.msk $0xffff, v23  }
0x1d7: {  	v27 =	vadd.s32 v12, v35;
	v25 =	vld [tilespmem:s23+$0x2080];
	[tilespmem:v36+s25+$0x0] =	vst.idx.msk $0xffff, v34  }
0x1d8: {  	v21 =	vadd.s32 v15, v17;
	v17 =	vmov v35;
	[tilespmem:v37+s25+$0x0] =	vst.idx.msk $0xffff, v31;
	v22 =	vld [tilespmem:s24+$0x20B0]  }
0x1d9: {  	s30 =	sadd.s32 $0x4, s30;
	s31 =	sadd.s32 $0x3, s29;
	v24 =	vadd.s32 v15, v16;
	v16 =	vmov v20;
	[tilespmem:v33+s25+$0x0] =	vst.idx.msk $0xffff, v32;
	v23 =	vld [tilespmem:s24+$0x2030];
	s24 =	smov.u32 s23  }
0x1da: {  	_ =	sdelay $0x1  }
0x1db: {  	v20 =	vmov s31  }
0x1dc: {  	s31 =	sadd.s32 $0x1, s29;
	s30 =	sadd.s32 $0x100, s23;
	v35 =	vmov s29;
	v20 =	vand.u32 $0x7F, v20  }
0x1dd: {  	[tilespmem:v30+s25+$0x0] =	vst.idx.msk $0xffff, v28;
	v31 =	vmov s31;
	s31 =	sadd.s32 $0x2, s29;
	v33 =	vld [tilespmem:s30+$0xC0];
	v28 =	vand.u32 $0x7C, v35;
	v34 =	vadd.s32 v8, v20  }
0x1de: {  	v57 =	vld [tilespmem:s30+$0x0];
	v32 =	vmov s31;
	v31 =	vand.u32 $0x7D, v31;
	v58 =	vadd.s32 v8, v28  }
0x1df: {  	v36 =	vld [tilespmem:s30+$0x40];
	v37 =	vadd.s32 v8, v31;
	v32 =	vand.u32 $0x7E, v32  }
0x1e0: {  	v55 =	vld [tilespmem:s30+$0x80];
	[tilespmem:v29+s25+$0x0] =	vst.idx.msk $0xffff, v26;
	v56 =	vadd.s32 v8, v32  }
0x1e1: {  	[tilespmem:v27+s25+$0x0] =	vst.idx.msk $0xffff, v25  }
0x1e2: {  	[tilespmem:v34+s25+$0x0] =	vst.idx.msk $0xffff, v33  }
0x1e3: {  	v60 =	vadd.s32 v9, v20;
	[tilespmem:v58+s25+$0x0] =	vst.idx.msk $0xffff, v57;
	v59 =	vld [tilespmem:s30+$0xD0]  }
0x1e4: {  	v38 =	vadd.s32 v9, v28;
	[tilespmem:v37+s25+$0x0] =	vst.idx.msk $0xffff, v36;
	v37 =	vld [tilespmem:s30+$0x10]  }
0x1e5: {  	v62 =	vadd.s32 v9, v31;
	v61 =	vld [tilespmem:s30+$0x50];
	[tilespmem:v56+s25+$0x0] =	vst.idx.msk $0xffff, v55  }
0x1e6: {  	[tilespmem:v21+s25+$0x0] =	vst.idx.msk $0xffff, v22;
	v36 =	vadd.s32 v9, v32;
	v63 =	vld [tilespmem:s30+$0x90]  }
0x1e7: {  	v39 =	vld [tilespmem:s23+$0x20D0];
	v40 =	vadd.s32 v13, v19;
	[tilespmem:v24+s25+$0x0] =	vst.idx.msk $0xffff, v23  }
0x1e8: {  	v42 =	vadd.s32 v13, v16;
	v41 =	vld [tilespmem:s24+$0x2010];
	[tilespmem:v60+s25+$0x0] =	vst.idx.msk $0xffff, v59  }
0x1e9: {  	v43 =	vadd.s32 v10, v20;
	[tilespmem:v38+s25+$0x0] =	vst.idx.msk $0xffff, v37;
	v25 =	vld [tilespmem:s30+$0xE0]  }
0x1ea: {  	v48 =	vadd.s32 v10, v28;
	[tilespmem:v62+s25+$0x0] =	vst.idx.msk $0xffff, v61;
	v47 =	vld [tilespmem:s30+$0x20]  }
0x1eb: {  	v44 =	vadd.s32 v10, v31;
	v33 =	vld [tilespmem:s30+$0x60];
	[tilespmem:v36+s25+$0x0] =	vst.idx.msk $0xffff, v63  }
0x1ec: {  	v46 =	vadd.s32 v10, v32;
	[tilespmem:v40+s25+$0x0] =	vst.idx.msk $0xffff, v39;
	v45 =	vld [tilespmem:s30+$0xA0]  }
0x1ed: {  	v52 =	vadd.s32 v13, v18;
	v51 =	vld [tilespmem:s24+$0x2050];
	[tilespmem:v42+s25+$0x0] =	vst.idx.msk $0xffff, v41  }
0x1ee: {  	v50 =	vadd.s32 v14, v19;
	v49 =	vld [tilespmem:s24+$0x20E0];
	[tilespmem:v43+s25+$0x0] =	vst.idx.msk $0xffff, v25  }
0x1ef: {  	v53 =	vadd.s32 v11, v20;
	[tilespmem:v48+s25+$0x0] =	vst.idx.msk $0xffff, v47;
	v25 =	vld [tilespmem:s30+$0xF0]  }
0x1f0: {  	v57 =	vadd.s32 v11, v28;
	[tilespmem:v44+s25+$0x0] =	vst.idx.msk $0xffff, v33;
	v56 =	vld [tilespmem:s30+$0x30]  }
0x1f1: {  	v54 =	vadd.s32 v11, v31;
	v33 =	vld [tilespmem:s30+$0x70];
	[tilespmem:v46+s25+$0x0] =	vst.idx.msk $0xffff, v45  }
0x1f2: {  	[tilespmem:v52+s25+$0x0] =	vst.idx.msk $0xffff, v51;
	v55 =	vadd.s32 v11, v32;
	v21 =	vld [tilespmem:s30+$0xB0]  }
0x1f3: {  	v40 =	vadd.s32 v14, v18;
	v39 =	vld [tilespmem:s24+$0x2060];
	[tilespmem:v50+s25+$0x0] =	vst.idx.msk $0xffff, v49  }
0x1f4: {  	v60 =	vld [tilespmem:s24+$0x2090];
	v61 =	vadd.s32 v13, v17;
	[tilespmem:v53+s25+$0x0] =	vst.idx.msk $0xffff, v25  }
0x1f5: {  	v62 =	vadd.s32 v12, v20;
	[tilespmem:v57+s25+$0x0] =	vst.idx.msk $0xffff, v56;
	v25 =	vld [tilespmem:s30+$0x20C0]  }
0x1f6: {  	v38 =	vadd.s32 v12, v28;
	[tilespmem:v54+s25+$0x0] =	vst.idx.msk $0xffff, v33;
	v37 =	vld [tilespmem:s30+$0x2000]  }
0x1f7: {  	v63 =	vadd.s32 v12, v31;
	v33 =	vld [tilespmem:s30+$0x2040];
	[tilespmem:v55+s25+$0x0] =	vst.idx.msk $0xffff, v21  }
0x1f8: {  	[tilespmem:v40+s25+$0x0] =	vst.idx.msk $0xffff, v39;
	v36 =	vadd.s32 v12, v32;
	v21 =	vld [tilespmem:s30+$0x2080]  }
0x1f9: {  	v49 =	vld [tilespmem:s24+$0x2020];
	v50 =	vadd.s32 v14, v16;
	[tilespmem:v61+s25+$0x0] =	vst.idx.msk $0xffff, v60  }
0x1fa: {  	v41 =	vadd.s32 v14, v17;
	v29 =	vld [tilespmem:s24+$0x20A0];
	[tilespmem:v62+s25+$0x0] =	vst.idx.msk $0xffff, v25  }
0x1fb: {  	v42 =	vadd.s32 v13, v20;
	[tilespmem:v38+s25+$0x0] =	vst.idx.msk $0xffff, v37;
	v25 =	vld [tilespmem:s30+$0x20D0]  }
0x1fc: {  	v48 =	vadd.s32 v13, v28;
	[tilespmem:v63+s25+$0x0] =	vst.idx.msk $0xffff, v33;
	v47 =	vld [tilespmem:s30+$0x2010]  }
0x1fd: {  	v44 =	vadd.s32 v13, v31;
	[tilespmem:v36+s25+$0x0] =	vst.idx.msk $0xffff, v21;
	v43 =	vld [tilespmem:s30+$0x2050]  }
0x1fe: {  	[tilespmem:v50+s25+$0x0] =	vst.idx.msk $0xffff, v49;
	v46 =	vadd.s32 v13, v32;
	v45 =	vld [tilespmem:s30+$0x2090]  }
0x1ff: {  	v58 =	vld [tilespmem:s24+$0x20F0];
	v59 =	vadd.s32 v15, v19;
	[tilespmem:v41+s25+$0x0] =	vst.idx.msk $0xffff, v29  }
0x200: {  	v17 =	vadd.s32 v15, v17;
	v57 =	vld [tilespmem:s24+$0x20B0];
	[tilespmem:v42+s25+$0x0] =	vst.idx.msk $0xffff, v25  }
0x201: {  	v53 =	vadd.s32 v14, v20;
	[tilespmem:v48+s25+$0x0] =	vst.idx.msk $0xffff, v47;
	v25 =	vld [tilespmem:s30+$0x20E0]  }
0x202: {  	v56 =	vadd.s32 v14, v28;
	[tilespmem:v44+s25+$0x0] =	vst.idx.msk $0xffff, v43;
	v24 =	vld [tilespmem:s30+$0x2020]  }
0x203: {  	v54 =	vadd.s32 v14, v31;
	v21 =	vld [tilespmem:s30+$0x2060];
	[tilespmem:v46+s25+$0x0] =	vst.idx.msk $0xffff, v45  }
0x204: {  	[tilespmem:v59+s25+$0x0] =	vst.idx.msk $0xffff, v58;
	v55 =	vadd.s32 v14, v32;
	v19 =	vld [tilespmem:s30+$0x20A0]  }
0x205: {  	v52 =	vadd.s32 v15, v18;
	v51 =	vld [tilespmem:s24+$0x2070];
	[tilespmem:v17+s25+$0x0] =	vst.idx.msk $0xffff, v57  }
0x206: {  	v16 =	vadd.s32 v15, v16;
	v58 =	vld [tilespmem:s24+$0x2030];
	[tilespmem:v53+s25+$0x0] =	vst.idx.msk $0xffff, v25  }
0x207: {  	v20 =	vadd.s32 v15, v20;
	[tilespmem:v56+s25+$0x0] =	vst.idx.msk $0xffff, v24;
	v25 =	vld [tilespmem:s30+$0x20F0]  }
0x208: {  	v63 =	vadd.s32 v15, v28;
	[tilespmem:v54+s25+$0x0] =	vst.idx.msk $0xffff, v21;
	v17 =	vld [tilespmem:s30+$0x2030]  }
0x209: {  	v60 =	vadd.s32 v15, v31;
	[tilespmem:v55+s25+$0x0] =	vst.idx.msk $0xffff, v19;
	v59 =	vld [tilespmem:s30+$0x2070]  }
0x20a: {  	[tilespmem:v52+s25+$0x0] =	vst.idx.msk $0xffff, v51;
	v62 =	vadd.s32 v15, v32;
	v61 =	vld [tilespmem:s30+$0x20B0]  }
0x20b: {  	s22 =	sadd.s32 s5, s22;
	[tilespmem:v16+s25+$0x0] =	vst.idx.msk $0xffff, v58  }
0x20c: {  	s24 =	sshll.u32 s22, $0x8;
	[tilespmem:v20+s25+$0x0] =	vst.idx.msk $0xffff, v25  }
0x20d: {  	s22 =	sshll.u32 s22, $0xB;
	s23 =	sand.u32 $0x3D00, s24;
	[tilespmem:v63+s25+$0x0] =	vst.idx.msk $0xffff, v17  }
0x20e: {  	s22 =	sand.u32 $0xFFE0000, s22;
	s23 =	sadd.s32 s2, s23;
	[tilespmem:v60+s25+$0x0] =	vst.idx.msk $0xffff, v59  }
0x20f: {  	s29 =	simm.s32 $0x16A00;
	s23 =	sadd.s32 s22, s23;
	[tilespmem:v62+s25+$0x0] =	vst.idx.msk $0xffff, v61  }
0x210: {  	[hbm4b:s23+s3] =	stream.linear.scatter [tilespmem:s29], [sflag:$0x6], $0x80, $0x38;
	[tilespmem:$0x1D000] =	vst v63  }
0x211: {  	s24 =	simm.s32 $0x16A88;
	s29 =	sadd.s32 $0x10, s23  }
0x212: {  	[hbm4b:s29+s3] =	stream.linear.scatter [tilespmem:s24], [sflag:$0x6], $0x80, $0x38;
	[tilespmem:$0x1D000] =	vst v63  }
0x213: {  	s24 =	simm.s32 $0x16B10;
	s29 =	sadd.s32 $0x20, s23  }
0x214: {  	[hbm4b:s29+s3] =	stream.linear.scatter [tilespmem:s24], [sflag:$0x6], $0x80, $0x38;
	[tilespmem:$0x1D000] =	vst v63  }
0x215: {  	s24 =	simm.s32 $0x16B98;
	s29 =	sadd.s32 $0x30, s23  }
0x216: {  	[hbm4b:s29+s3] =	stream.linear.scatter [tilespmem:s24], [sflag:$0x6], $0x80, $0x38;
	[tilespmem:$0x1D000] =	vst v63  }
0x217: {  	s24 =	simm.s32 $0x16C20;
	s29 =	sadd.s32 $0x40, s23  }
0x218: {  	[hbm4b:s29+s3] =	stream.linear.scatter [tilespmem:s24], [sflag:$0x6], $0x80, $0x38;
	[tilespmem:$0x1D000] =	vst v63  }
0x219: {  	s24 =	simm.s32 $0x16CA8;
	s29 =	sadd.s32 $0x50, s23  }
0x21a: {  	[hbm4b:s29+s3] =	stream.linear.scatter [tilespmem:s24], [sflag:$0x6], $0x80, $0x38;
	[tilespmem:$0x1D000] =	vst v63  }
0x21b: {  	s24 =	simm.s32 $0x16D30;
	s29 =	sadd.s32 $0x60, s23  }
0x21c: {  	[hbm4b:s29+s3] =	stream.linear.scatter [tilespmem:s24], [sflag:$0x6], $0x80, $0x38;
	[tilespmem:$0x1D000] =	vst v63  }
0x21d: {  	s24 =	simm.s32 $0x16DB8;
	s29 =	sadd.s32 $0x70, s23  }
0x21e: {  	[hbm4b:s29+s3] =	stream.linear.scatter [tilespmem:s24], [sflag:$0x6], $0x80, $0x38;
	[tilespmem:$0x1D000] =	vst v63  }
0x21f: {  	s24 =	simm.s32 $0x17060;
	s29 =	sadd.s32 $0x80, s23  }
0x220: {  	[hbm4b:s29+s3] =	stream.linear.scatter [tilespmem:s24], [sflag:$0x6], $0x80, $0x38;
	[tilespmem:$0x1D000] =	vst v63  }
0x221: {  	s24 =	simm.s32 $0x170E8;
	s29 =	sadd.s32 $0x90, s23  }
0x222: {  	[hbm4b:s29+s3] =	stream.linear.scatter [tilespmem:s24], [sflag:$0x6], $0x80, $0x38;
	[tilespmem:$0x1D000] =	vst v63  }
0x223: {  	s24 =	simm.s32 $0x17170;
	s29 =	sadd.s32 $0xA0, s23  }
0x224: {  	[hbm4b:s29+s3] =	stream.linear.scatter [tilespmem:s24], [sflag:$0x6], $0x80, $0x38;
	[tilespmem:$0x1D000] =	vst v63  }
0x225: {  	s24 =	simm.s32 $0x171F8;
	s29 =	sadd.s32 $0xB0, s23  }
0x226: {  	[hbm4b:s29+s3] =	stream.linear.scatter [tilespmem:s24], [sflag:$0x6], $0x80, $0x38;
	[tilespmem:$0x1D000] =	vst v63  }
0x227: {  	s24 =	simm.s32 $0x17280;
	s29 =	sadd.s32 $0xC0, s23  }
0x228: {  	[hbm4b:s29+s3] =	stream.linear.scatter [tilespmem:s24], [sflag:$0x6], $0x80, $0x38;
	[tilespmem:$0x1D000] =	vst v63  }
0x229: {  	s22 =	simm.s32 $0xCC0;
	s24 =	simm.s32 $0x17308;
	s29 =	sadd.s32 $0xD0, s23  }
0x22a: {  	[hbm4b:s29+s3] =	stream.linear.scatter [tilespmem:s24], [sflag:$0x6], $0x80, $0x38;
	[tilespmem:$0x1D000] =	vst v63  }
0x22b: {  	s31 =	sadd.s32 $0xF0, s23;
	s24 =	simm.s32 $0x17390;
	s29 =	sadd.s32 $0xE0, s23  }
0x22c: {  	[hbm4b:s29+s3] =	stream.linear.scatter [tilespmem:s24], [sflag:$0x6], $0x80, $0x38;
	[tilespmem:$0x1D000] =	vst v63  }
0x22d: {  	s30 =	simm.s32 $0x6600;
	s23 =	sadd.s32 $0x4000, s23;
	s24 =	simm.s32 $0x17418  }
.LBB2_9:
0x22e: {  	[hbm4b:s31+s3] =	stream.linear.scatter [tilespmem:s24], [sflag:$0x6], $0x80, $0x38;
	[tilespmem:$0x1D000] =	vst v63  }
0x22f: {  	s24 =	smov.u32 s22;
	s22 =	smov.u32 s30  }
0x230: {  	s29 =	sadd.s32 $0x3300, s30;
	s22 =	sshra.s32 s22, $0x2;
	s31 =	sadd.s32 $0x16A00, s24  }
0x231: {  	[hbm4b:s23+s3] =	stream.linear.scatter [tilespmem:s31], [sflag:$0x6], $0x80, $0x38;
	[tilespmem:$0x1D000] =	vst v63  }
0x232: {  	p0 =	sne.s32 s30, $0x16500;
	s30 =	sadd.s32 $0x16A88, s24;
	s31 =	sadd.s32 $0x10, s23  }
0x233: {  	[hbm4b:s31+s3] =	stream.linear.scatter [tilespmem:s30], [sflag:$0x6], $0x80, $0x38;
	[tilespmem:$0x1D000] =	vst v63  }
0x234: {  	s30 =	sadd.s32 $0x16B10, s24;
	s31 =	sadd.s32 $0x20, s23  }
0x235: {  	[hbm4b:s31+s3] =	stream.linear.scatter [tilespmem:s30], [sflag:$0x6], $0x80, $0x38;
	[tilespmem:$0x1D000] =	vst v63  }
0x236: {  	s30 =	sadd.s32 $0x16B98, s24;
	s31 =	sadd.s32 $0x30, s23  }
0x237: {  	[hbm4b:s31+s3] =	stream.linear.scatter [tilespmem:s30], [sflag:$0x6], $0x80, $0x38;
	[tilespmem:$0x1D000] =	vst v63  }
0x238: {  	s30 =	sadd.s32 $0x16C20, s24;
	s31 =	sadd.s32 $0x40, s23  }
0x239: {  	[hbm4b:s31+s3] =	stream.linear.scatter [tilespmem:s30], [sflag:$0x6], $0x80, $0x38;
	[tilespmem:$0x1D000] =	vst v63  }
0x23a: {  	s30 =	sadd.s32 $0x16CA8, s24;
	s31 =	sadd.s32 $0x50, s23  }
0x23b: {  	[hbm4b:s31+s3] =	stream.linear.scatter [tilespmem:s30], [sflag:$0x6], $0x80, $0x38;
	[tilespmem:$0x1D000] =	vst v63  }
0x23c: {  	s30 =	sadd.s32 $0x16D30, s24;
	s31 =	sadd.s32 $0x60, s23  }
0x23d: {  	[hbm4b:s31+s3] =	stream.linear.scatter [tilespmem:s30], [sflag:$0x6], $0x80, $0x38;
	[tilespmem:$0x1D000] =	vst v63  }
0x23e: {  	s30 =	sadd.s32 $0x16DB8, s24;
	s31 =	sadd.s32 $0x70, s23  }
0x23f: {  	[hbm4b:s31+s3] =	stream.linear.scatter [tilespmem:s30], [sflag:$0x6], $0x80, $0x38;
	[tilespmem:$0x1D000] =	vst v63  }
0x240: {  	s30 =	sadd.s32 $0x17060, s24;
	s31 =	sadd.s32 $0x80, s23  }
0x241: {  	[hbm4b:s31+s3] =	stream.linear.scatter [tilespmem:s30], [sflag:$0x6], $0x80, $0x38;
	[tilespmem:$0x1D000] =	vst v63  }
0x242: {  	s30 =	sadd.s32 $0x170E8, s24;
	s31 =	sadd.s32 $0x90, s23  }
0x243: {  	[hbm4b:s31+s3] =	stream.linear.scatter [tilespmem:s30], [sflag:$0x6], $0x80, $0x38;
	[tilespmem:$0x1D000] =	vst v63  }
0x244: {  	s30 =	sadd.s32 $0x17170, s24;
	s31 =	sadd.s32 $0xA0, s23  }
0x245: {  	[hbm4b:s31+s3] =	stream.linear.scatter [tilespmem:s30], [sflag:$0x6], $0x80, $0x38;
	[tilespmem:$0x1D000] =	vst v63  }
0x246: {  	s30 =	sadd.s32 $0x171F8, s24;
	s31 =	sadd.s32 $0xB0, s23  }
0x247: {  	[hbm4b:s31+s3] =	stream.linear.scatter [tilespmem:s30], [sflag:$0x6], $0x80, $0x38;
	[tilespmem:$0x1D000] =	vst v63  }
0x248: {  	s30 =	sadd.s32 $0x17280, s24;
	s31 =	sadd.s32 $0xC0, s23  }
0x249: {  	[hbm4b:s31+s3] =	stream.linear.scatter [tilespmem:s30], [sflag:$0x6], $0x80, $0x38;
	[tilespmem:$0x1D000] =	vst v63  }
.Ltmp3:
0x24a: {  	s30 =	sadd.s32 $0x17308, s24;
	s31 =	sadd.s32 $0xD0, s23;
	(pc) =	sbr.rel @p0 .LBB2_9-.Ltmp3, $4  }
0x24b: {  	[hbm4b:s31+s3] =	stream.linear.scatter [tilespmem:s30], [sflag:$0x6], $0x80, $0x38;
	[tilespmem:$0x1D000] =	vst v63  }
0x24c: {  	s30 =	sadd.s32 $0x17390, s24;
	s31 =	sadd.s32 $0xE0, s23;
	s24 =	sadd.s32 $0x17418, s24  }
0x24d: {  	[hbm4b:s31+s3] =	stream.linear.scatter [tilespmem:s30], [sflag:$0x6], $0x80, $0x38;
	[tilespmem:$0x1D000] =	vst v63  }
0x24e: {  	s31 =	sadd.s32 $0xF0, s23;
	s23 =	sadd.s32 $0x4000, s23;
	s30 =	smov.u32 s29  }
0x24f: {  	[hbm4b:s31+s3] =	stream.linear.scatter [tilespmem:s24], [sflag:$0x6], $0x80, $0x38;
	[tilespmem:$0x1D000] =	vst v63  }
0x250: {  	s31 =	sadd.s32 $0x16A00, s22  }
0x251: {  	[hbm4b:s23+s3] =	stream.linear.scatter [tilespmem:s31], [sflag:$0x6], $0x80, $0x38;
	[tilespmem:$0x1D000] =	vst v63  }
0x252: {  	s29 =	sadd.s32 $0x10, s23;
	s31 =	sadd.s32 $0x16A88, s22  }
0x253: {  	[hbm4b:s29+s3] =	stream.linear.scatter [tilespmem:s31], [sflag:$0x6], $0x80, $0x38;
	[tilespmem:$0x1D000] =	vst v63  }
0x254: {  	s31 =	sadd.s32 $0x16B10, s22;
	s29 =	sadd.s32 $0x20, s23  }
0x255: {  	[hbm4b:s29+s3] =	stream.linear.scatter [tilespmem:s31], [sflag:$0x6], $0x80, $0x38;
	[tilespmem:$0x1D000] =	vst v63  }
0x256: {  	s31 =	sadd.s32 $0x16B98, s22;
	s29 =	sadd.s32 $0x30, s23  }
0x257: {  	[hbm4b:s29+s3] =	stream.linear.scatter [tilespmem:s31], [sflag:$0x6], $0x80, $0x38;
	[tilespmem:$0x1D000] =	vst v63  }
0x258: {  	s31 =	sadd.s32 $0x16C20, s22;
	s29 =	sadd.s32 $0x40, s23  }
0x259: {  	[hbm4b:s29+s3] =	stream.linear.scatter [tilespmem:s31], [sflag:$0x6], $0x80, $0x38;
	[tilespmem:$0x1D000] =	vst v63  }
0x25a: {  	s31 =	sadd.s32 $0x16CA8, s22;
	s29 =	sadd.s32 $0x50, s23  }
0x25b: {  	[hbm4b:s29+s3] =	stream.linear.scatter [tilespmem:s31], [sflag:$0x6], $0x80, $0x38;
	[tilespmem:$0x1D000] =	vst v63  }
0x25c: {  	s31 =	sadd.s32 $0x16D30, s22;
	s29 =	sadd.s32 $0x60, s23  }
0x25d: {  	[hbm4b:s29+s3] =	stream.linear.scatter [tilespmem:s31], [sflag:$0x6], $0x80, $0x38;
	[tilespmem:$0x1D000] =	vst v63  }
0x25e: {  	s31 =	sadd.s32 $0x16DB8, s22;
	s29 =	sadd.s32 $0x70, s23  }
0x25f: {  	[hbm4b:s29+s3] =	stream.linear.scatter [tilespmem:s31], [sflag:$0x6], $0x80, $0x38;
	[tilespmem:$0x1D000] =	vst v63  }
0x260: {  	s31 =	sadd.s32 $0x17060, s22;
	s29 =	sadd.s32 $0x80, s23  }
0x261: {  	[hbm4b:s29+s3] =	stream.linear.scatter [tilespmem:s31], [sflag:$0x6], $0x80, $0x38;
	[tilespmem:$0x1D000] =	vst v63  }
0x262: {  	s31 =	sadd.s32 $0x170E8, s22;
	s29 =	sadd.s32 $0x90, s23  }
0x263: {  	[hbm4b:s29+s3] =	stream.linear.scatter [tilespmem:s31], [sflag:$0x6], $0x80, $0x38;
	[tilespmem:$0x1D000] =	vst v63  }
0x264: {  	s31 =	sadd.s32 $0x17170, s22;
	s29 =	sadd.s32 $0xA0, s23  }
0x265: {  	[hbm4b:s29+s3] =	stream.linear.scatter [tilespmem:s31], [sflag:$0x6], $0x80, $0x38;
	[tilespmem:$0x1D000] =	vst v63  }
0x266: {  	s31 =	sadd.s32 $0x171F8, s22;
	s29 =	sadd.s32 $0xB0, s23  }
0x267: {  	[hbm4b:s29+s3] =	stream.linear.scatter [tilespmem:s31], [sflag:$0x6], $0x80, $0x38;
	[tilespmem:$0x1D000] =	vst v63  }
0x268: {  	s24 =	sadd.s32 $0x17418, s22;
	s31 =	sadd.s32 $0x17280, s22;
	s29 =	sadd.s32 $0xC0, s23  }
0x269: {  	[hbm4b:s29+s3] =	stream.linear.scatter [tilespmem:s31], [sflag:$0x6], $0x80, $0x38;
	[tilespmem:$0x1D000] =	vst v63  }
0x26a: {  	p0 =	seq.s32 s19, $0x9;
	s31 =	sadd.s32 $0x17308, s22;
	s29 =	sadd.s32 $0xD0, s23  }
0x26b: {  	[hbm4b:s29+s3] =	stream.linear.scatter [tilespmem:s31], [sflag:$0x6], $0x80, $0x38;
	[tilespmem:$0x1D000] =	vst v63  }
0x26c: {  	s31 =	sadd.s32 $0x17390, s22;
	s29 =	sadd.s32 $0xE0, s23;
	s22 =	sadd.s32 @!p0 s16, s9  }
0x26d: {  	[hbm4b:s29+s3] =	stream.linear.scatter [tilespmem:s31], [sflag:$0x6], $0x80, $0x38;
	[tilespmem:$0x1D000] =	vst v63  }
0x26e: {  	s31 =	sadd.s32 $0xF0, s23;
	s23 =	sshll.u32 @!p0 s22, $0x8  }
0x26f: {  	[hbm4b:s31+s3] =	stream.linear.scatter [tilespmem:s24], [sflag:$0x6], $0x80, $0x38;
	[tilespmem:$0x1D000] =	vst v63  }
0x270: {  	s23 =	sand.u32 @!p0 $0x7FFE0000, s23;
	s24 =	sshll.u32 @!p0 s22, $0xB;
	_ =	swait.ge [sflag:s1], $0x2000  }
0x271: {  	s22 =	sshll.u32 @!p0 s22, $0x1;
	s24 =	sand.u32 @!p0 $0x1E000, s24;
	[sflag:s1] =	ssyncset.done $0x0  }
0x272: {  	s22 =	sand.u32 @!p0 $0x380, s22;
	s23 =	sor.u32 @!p0 s24, s23;
	[sflag:s1] =	ssyncadd.s32 $0xFFFFE000  }
0x273: {  	s29 =	simm.s32 @!p0 $0x0;
	s22 =	sor.u32 @!p0 s22, s23;
	_ =	swait.ge [sflag:s1], $0x2000  }
0x274: {  	s24 =	simm.s32 @!p0 $0x400;
	s22 =	sshrl.u32 @!p0 s22, $0x3;
	[sflag:s1] =	ssyncset.done $0x0  }
0x275: {  	s23 =	simm.s32 @!p0 $0x80;
	s22 =	sadd.s32 @!p0 s4, s22;
	[sflag:s1] =	ssyncadd.s32 $0xFFFFE000  }
0x276: {  	[tilespmem:s29], [sflag:$0x7] =	stream.strided.gather @!p0 [hbm4b:s22+s23], $0x100, s24, s23, $0x38;
	[tilespmem:$0x1D000] =	vst v63  }
0x277: {  	s22 =	simm.s32 @!p0 $0x7  }
0x278: {  	_ =	swait.ge @!p0 [sflag:s22], $0x100  }
0x279: {  	[sflag:s22] =	ssyncset.done @!p0 $0x0  }
0x27a: {  	[sflag:s22] =	ssyncadd.s32 @!p0 $0xFFFFFF00  }
0x27b: {  	[tilespmem:s24], [sflag:$0x1] =	stream.indirect.gather @!p0 [hbm4b:s7+s23], $0x40, s29, s23, $0xb8;
	[tilespmem:$0x1D000] =	vst v63  }
0x27c: {  	s22 =	simm.s32 @!p0 $0x2400  }
0x27d: {  	[tilespmem:s22], [sflag:$0x1] =	stream.indirect.gather @!p0 [hbm4b:s7+s23], $0x40, s23, s23, $0xb8;
	[tilespmem:$0x1D000] =	vst v63  }
0x27e: {  	s24 =	simm.s32 $0x3;
	_ =	swait.ge [sflag:s0], $0x4000  }
0x27f: {  	s31 =	simm.s32 $0x0;
	v16 =	vmov s24;
	[sflag:s0] =	ssyncset.done $0x0  }
0x280: {  	v17 =	vmov s31;
	s23 =	simm.s32 $0x8400;
	v23 =	vand.u32 $0x7F, v16;
	[sflag:s0] =	ssyncadd.s32 $0xFFFFC000  }
0x281: {  	v20 =	vand.u32 $0x7C, v17;
	v17 =	vadd.s32 v0, v23;
	v16 =	vld [tilespmem:s23+$0xC0]  }
0x282: {  	v19 =	vadd.s32 v0, v20;
	s24 =	simm.s32 $0x1;
	v18 =	vld [tilespmem:s23+$0x0]  }
0x283: {  	s31 =	simm.s32 $0x2;
	v21 =	vmov s24  }
0x284: {  	v22 =	vand.u32 $0x7D, v21;
	v21 =	vmov s31  }
0x285: {  	v25 =	vadd.s32 v0, v22;
	v21 =	vand.u32 $0x7E, v21;
	v24 =	vld [tilespmem:s23+$0x40]  }
0x286: {  	v27 =	vadd.s32 v0, v21;
	v26 =	vld [tilespmem:s23+$0x80];
	[tilespmem:v17+s25+$0x0] =	vst.idx.msk $0xffff, v16  }
0x287: {  	[tilespmem:v19+s25+$0x0] =	vst.idx.msk $0xffff, v18;
	v17 =	vadd.s32 v1, v23;
	v16 =	vld [tilespmem:s23+$0xD0]  }
0x288: {  	v19 =	vadd.s32 v1, v20;
	v18 =	vld [tilespmem:s23+$0x10];
	_ =	sdelay $0x1  }
0x289: {  	[tilespmem:v25+s25+$0x0] =	vst.idx.msk $0xffff, v24  }
0x28a: {  	v25 =	vadd.s32 v1, v22;
	[tilespmem:v27+s25+$0x0] =	vst.idx.msk $0xffff, v26;
	v24 =	vld [tilespmem:s23+$0x50]  }
0x28b: {  	v27 =	vadd.s32 v1, v21;
	v26 =	vld [tilespmem:s23+$0x90];
	[tilespmem:v17+s25+$0x0] =	vst.idx.msk $0xffff, v16  }
0x28c: {  	[tilespmem:v19+s25+$0x0] =	vst.idx.msk $0xffff, v18;
	v17 =	vadd.s32 v2, v23;
	v16 =	vld [tilespmem:s23+$0xE0]  }
0x28d: {  	v19 =	vadd.s32 v2, v20;
	v18 =	vld [tilespmem:s23+$0x20];
	_ =	sdelay $0x1  }
0x28e: {  	[tilespmem:v25+s25+$0x0] =	vst.idx.msk $0xffff, v24  }
0x28f: {  	v25 =	vadd.s32 v2, v22;
	[tilespmem:v27+s25+$0x0] =	vst.idx.msk $0xffff, v26;
	v24 =	vld [tilespmem:s23+$0x60]  }
0x290: {  	v27 =	vadd.s32 v2, v21;
	v26 =	vld [tilespmem:s23+$0xA0];
	[tilespmem:v17+s25+$0x0] =	vst.idx.msk $0xffff, v16  }
0x291: {  	[tilespmem:v19+s25+$0x0] =	vst.idx.msk $0xffff, v18;
	v17 =	vadd.s32 v3, v23;
	v16 =	vld [tilespmem:s23+$0xF0]  }
0x292: {  	v19 =	vadd.s32 v3, v20;
	v18 =	vld [tilespmem:s23+$0x30];
	_ =	sdelay $0x1  }
0x293: {  	[tilespmem:v25+s25+$0x0] =	vst.idx.msk $0xffff, v24  }
0x294: {  	v25 =	vadd.s32 v3, v22;
	[tilespmem:v27+s25+$0x0] =	vst.idx.msk $0xffff, v26;
	v24 =	vld [tilespmem:s23+$0x70]  }
0x295: {  	v27 =	vadd.s32 v3, v21;
	v26 =	vld [tilespmem:s23+$0xB0];
	[tilespmem:v17+s25+$0x0] =	vst.idx.msk $0xffff, v16  }
0x296: {  	[tilespmem:v19+s25+$0x0] =	vst.idx.msk $0xffff, v18;
	v17 =	vadd.s32 v4, v23;
	v16 =	vld [tilespmem:s23+$0x20C0]  }
0x297: {  	v19 =	vadd.s32 v4, v20;
	v18 =	vld [tilespmem:s23+$0x2000];
	_ =	sdelay $0x1  }
0x298: {  	[tilespmem:v25+s25+$0x0] =	vst.idx.msk $0xffff, v24  }
0x299: {  	v25 =	vadd.s32 v4, v22;
	[tilespmem:v27+s25+$0x0] =	vst.idx.msk $0xffff, v26;
	v24 =	vld [tilespmem:s23+$0x2040]  }
0x29a: {  	s24 =	simm.s32 $0x7;
	v27 =	vadd.s32 v4, v21;
	v26 =	vld [tilespmem:s23+$0x2080];
	[tilespmem:v17+s25+$0x0] =	vst.idx.msk $0xffff, v16  }
0x29b: {  	s31 =	simm.s32 $0x4;
	v29 =	vadd.s32 v5, v23;
	v16 =	vmov s24;
	[tilespmem:v19+s25+$0x0] =	vst.idx.msk $0xffff, v18;
	v28 =	vld [tilespmem:s23+$0x20D0]  }
0x29c: {  	v31 =	vadd.s32 v5, v20;
	s22 =	simm.s32 $0x8500;
	v17 =	vmov s31;
	s31 =	simm.s32 $0x5;
	v19 =	vand.u32 $0x7F, v16;
	v30 =	vld [tilespmem:s23+$0x2010]  }
0x29d: {  	v32 =	vld [tilespmem:s22+$0xC0];
	v16 =	vand.u32 $0x7C, v17;
	v17 =	vmov s31;
	s31 =	simm.s32 $0x6;
	v33 =	vadd.s32 v0, v19  }
0x29e: {  	[tilespmem:v25+s25+$0x0] =	vst.idx.msk $0xffff, v24;
	v24 =	vld [tilespmem:s22+$0x0];
	v25 =	vadd.s32 v0, v16;
	v18 =	vand.u32 $0x7D, v17;
	v17 =	vmov s31  }
0x29f: {  	[tilespmem:v27+s25+$0x0] =	vst.idx.msk $0xffff, v26;
	v26 =	vld [tilespmem:s22+$0x40];
	v27 =	vadd.s32 v0, v18;
	v17 =	vand.u32 $0x7E, v17  }
0x2a0: {  	v34 =	vld [tilespmem:s22+$0x80];
	v35 =	vadd.s32 v0, v17;
	[tilespmem:v29+s25+$0x0] =	vst.idx.msk $0xffff, v28  }
0x2a1: {  	[tilespmem:v31+s25+$0x0] =	vst.idx.msk $0xffff, v30;
	v29 =	vadd.s32 v6, v23;
	v28 =	vld [tilespmem:s23+$0x20E0]  }
0x2a2: {  	v30 =	vld [tilespmem:s23+$0x2050];
	v31 =	vadd.s32 v5, v22;
	[tilespmem:v33+s25+$0x0] =	vst.idx.msk $0xffff, v32  }
0x2a3: {  	[tilespmem:v25+s25+$0x0] =	vst.idx.msk $0xffff, v24;
	v25 =	vadd.s32 v1, v19;
	v24 =	vld [tilespmem:s22+$0xD0]  }
0x2a4: {  	v55 =	vadd.s32 v1, v16;
	v54 =	vld [tilespmem:s22+$0x10];
	[tilespmem:v27+s25+$0x0] =	vst.idx.msk $0xffff, v26  }
0x2a5: {  	v27 =	vadd.s32 v1, v18;
	v26 =	vld [tilespmem:s22+$0x50];
	[tilespmem:v35+s25+$0x0] =	vst.idx.msk $0xffff, v34  }
0x2a6: {  	v56 =	vadd.s32 v1, v17;
	v34 =	vld [tilespmem:s22+$0x90];
	[tilespmem:v29+s25+$0x0] =	vst.idx.msk $0xffff, v28  }
0x2a7: {  	v23 =	vadd.s32 v7, v23;
	[tilespmem:v31+s25+$0x0] =	vst.idx.msk $0xffff, v30;
	v28 =	vld [tilespmem:s23+$0x20F0]  }
0x2a8: {  	[tilespmem:v25+s25+$0x0] =	vst.idx.msk $0xffff, v24;
	v24 =	vld [tilespmem:s23+$0x2090];
	v25 =	vadd.s32 v5, v21  }
0x2a9: {  	v30 =	vadd.s32 v2, v19;
	[tilespmem:v55+s25+$0x0] =	vst.idx.msk $0xffff, v54;
	v29 =	vld [tilespmem:s22+$0xE0]  }
0x2aa: {  	v57 =	vadd.s32 v2, v16;
	v31 =	vld [tilespmem:s22+$0x20];
	[tilespmem:v27+s25+$0x0] =	vst.idx.msk $0xffff, v26  }
0x2ab: {  	v27 =	vadd.s32 v2, v18;
	v26 =	vld [tilespmem:s22+$0x60];
	[tilespmem:v56+s25+$0x0] =	vst.idx.msk $0xffff, v34  }
0x2ac: {  	v59 =	vadd.s32 v2, v17;
	v58 =	vld [tilespmem:s22+$0xA0];
	[tilespmem:v23+s25+$0x0] =	vst.idx.msk $0xffff, v28  }
0x2ad: {  	v23 =	vld [tilespmem:s23+$0x2060];
	v28 =	vadd.s32 v6, v22;
	[tilespmem:v25+s25+$0x0] =	vst.idx.msk $0xffff, v24  }
0x2ae: {  	v25 =	vadd.s32 v6, v21;
	[tilespmem:v30+s25+$0x0] =	vst.idx.msk $0xffff, v29;
	v24 =	vld [tilespmem:s23+$0x20A0]  }
0x2af: {  	[tilespmem:v57+s25+$0x0] =	vst.idx.msk $0xffff, v31;
	v30 =	vadd.s32 v3, v19;
	v29 =	vld [tilespmem:s22+$0xF0]  }
0x2b0: {  	v60 =	vadd.s32 v3, v16;
	v31 =	vld [tilespmem:s22+$0x30];
	[tilespmem:v27+s25+$0x0] =	vst.idx.msk $0xffff, v26  }
0x2b1: {  	v27 =	vadd.s32 v3, v18;
	v26 =	vld [tilespmem:s22+$0x70];
	[tilespmem:v59+s25+$0x0] =	vst.idx.msk $0xffff, v58  }
0x2b2: {  	v61 =	vadd.s32 v3, v17;
	v33 =	vld [tilespmem:s22+$0xB0];
	[tilespmem:v28+s25+$0x0] =	vst.idx.msk $0xffff, v23  }
0x2b3: {  	v62 =	vadd.s32 v6, v20;
	v23 =	vld [tilespmem:s23+$0x2020];
	[tilespmem:v25+s25+$0x0] =	vst.idx.msk $0xffff, v24  }
0x2b4: {  	v22 =	vadd.s32 v7, v22;
	v24 =	vld [tilespmem:s23+$0x2070];
	[tilespmem:v30+s25+$0x0] =	vst.idx.msk $0xffff, v29  }
0x2b5: {  	v63 =	vadd.s32 v4, v19;
	[tilespmem:v60+s25+$0x0] =	vst.idx.msk $0xffff, v31;
	v31 =	vld [tilespmem:s22+$0x20C0]  }
0x2b6: {  	v30 =	vadd.s32 v4, v16;
	v28 =	vld [tilespmem:s22+$0x2000];
	[tilespmem:v27+s25+$0x0] =	vst.idx.msk $0xffff, v26  }
0x2b7: {  	v29 =	vadd.s32 v4, v18;
	v26 =	vld [tilespmem:s22+$0x2040];
	[tilespmem:v61+s25+$0x0] =	vst.idx.msk $0xffff, v33  }
0x2b8: {  	v27 =	vadd.s32 v4, v17;
	v25 =	vld [tilespmem:s22+$0x2080];
	[tilespmem:v62+s25+$0x0] =	vst.idx.msk $0xffff, v23  }
0x2b9: {  	s30 =	simm.s32 $0xB;
	v21 =	vadd.s32 v7, v21;
	[tilespmem:v22+s25+$0x0] =	vst.idx.msk $0xffff, v24;
	v22 =	vld [tilespmem:s23+$0x20B0]  }
0x2ba: {  	s29 =	simm.s32 $0xC;
	s24 =	simm.s32 $0x8;
	v23 =	vld [tilespmem:s23+$0x2030];
	v24 =	vadd.s32 v7, v20;
	s23 =	simm.s32 $0x8500;
	[tilespmem:v63+s25+$0x0] =	vst.idx.msk $0xffff, v31  }
.LBB2_11:
0x2bb: {  	p1 =	slt.u32 s29, $0x7C;
	v20 =	vmov s30;
	[tilespmem:v30+s25+$0x0] =	vst.idx.msk $0xffff, v28;
	v28 =	vld [tilespmem:s22+$0x20D0];
	v30 =	vadd.s32 v5, v19  }
0x2bc: {  	v31 =	vmov s24;
	s30 =	sadd.s32 $0x1, s24;
	v34 =	vadd.s32 v5, v16;
	s22 =	sadd.s32 $0x100, s22;
	v32 =	vand.u32 $0x7F, v20;
	v33 =	vld [tilespmem:s23+$0x2010];
	[tilespmem:v29+s25+$0x0] =	vst.idx.msk $0xffff, v26  }
0x2bd: {  	v20 =	vand.u32 $0x7C, v31;
	v26 =	vmov s30;
	s30 =	sadd.s32 $0x2, s24;
	s24 =	smov.u32 s29;
	v29 =	vld [tilespmem:s22+$0xC0];
	v31 =	vadd.s32 v0, v32;
	[tilespmem:v27+s25+$0x0] =	vst.idx.msk $0xffff, v25  }
0x2be: {  	v27 =	vadd.s32 v0, v20;
	v26 =	vand.u32 $0x7D, v26;
	v35 =	vmov s30;
	v25 =	vld [tilespmem:s22+$0x0];
	[tilespmem:v21+s25+$0x0] =	vst.idx.msk $0xffff, v22  }
0x2bf: {  	v22 =	vadd.s32 v0, v26;
	v35 =	vand.u32 $0x7E, v35;
	v21 =	vld [tilespmem:s22+$0x40];
	[tilespmem:v24+s25+$0x0] =	vst.idx.msk $0xffff, v23  }
0x2c0: {  	v24 =	vadd.s32 v0, v35;
	v23 =	vld [tilespmem:s22+$0x80];
	[tilespmem:v30+s25+$0x0] =	vst.idx.msk $0xffff, v28  }
0x2c1: {  	v30 =	vadd.s32 v6, v19;
	[tilespmem:v34+s25+$0x0] =	vst.idx.msk $0xffff, v33;
	v28 =	vld [tilespmem:s23+$0x20E0]  }
0x2c2: {  	[tilespmem:v31+s25+$0x0] =	vst.idx.msk $0xffff, v29;
	v29 =	vld [tilespmem:s23+$0x2050];
	v31 =	vadd.s32 v5, v18  }
0x2c3: {  	[tilespmem:v27+s25+$0x0] =	vst.idx.msk $0xffff, v25;
	v25 =	vld [tilespmem:s22+$0xD0];
	v27 =	vadd.s32 v1, v32  }
0x2c4: {  	v34 =	vadd.s32 v1, v20;
	v33 =	vld [tilespmem:s22+$0x10];
	[tilespmem:v22+s25+$0x0] =	vst.idx.msk $0xffff, v21  }
0x2c5: {  	v22 =	vadd.s32 v1, v26;
	v21 =	vld [tilespmem:s22+$0x50];
	[tilespmem:v24+s25+$0x0] =	vst.idx.msk $0xffff, v23  }
0x2c6: {  	v24 =	vadd.s32 v1, v35;
	v23 =	vld [tilespmem:s22+$0x90];
	[tilespmem:v30+s25+$0x0] =	vst.idx.msk $0xffff, v28  }
0x2c7: {  	[tilespmem:v31+s25+$0x0] =	vst.idx.msk $0xffff, v29;
	v28 =	vld [tilespmem:s23+$0x20F0];
	v29 =	vadd.s32 v7, v19;
	v19 =	vmov v32  }
0x2c8: {  	[tilespmem:v27+s25+$0x0] =	vst.idx.msk $0xffff, v25;
	v25 =	vld [tilespmem:s23+$0x2090];
	v27 =	vadd.s32 v5, v17  }
0x2c9: {  	v31 =	vadd.s32 v2, v19;
	[tilespmem:v34+s25+$0x0] =	vst.idx.msk $0xffff, v33;
	v30 =	vld [tilespmem:s22+$0xE0]  }
0x2ca: {  	v33 =	vadd.s32 v2, v20;
	v32 =	vld [tilespmem:s22+$0x20];
	[tilespmem:v22+s25+$0x0] =	vst.idx.msk $0xffff, v21  }
0x2cb: {  	v22 =	vadd.s32 v2, v26;
	v21 =	vld [tilespmem:s22+$0x60];
	[tilespmem:v24+s25+$0x0] =	vst.idx.msk $0xffff, v23  }
0x2cc: {  	v24 =	vadd.s32 v2, v35;
	v23 =	vld [tilespmem:s22+$0xA0];
	[tilespmem:v29+s25+$0x0] =	vst.idx.msk $0xffff, v28  }
0x2cd: {  	v29 =	vadd.s32 v6, v18;
	v28 =	vld [tilespmem:s23+$0x2060];
	[tilespmem:v27+s25+$0x0] =	vst.idx.msk $0xffff, v25  }
0x2ce: {  	v27 =	vadd.s32 v6, v17;
	[tilespmem:v31+s25+$0x0] =	vst.idx.msk $0xffff, v30;
	v25 =	vld [tilespmem:s23+$0x20A0]  }
0x2cf: {  	v31 =	vadd.s32 v3, v19;
	[tilespmem:v33+s25+$0x0] =	vst.idx.msk $0xffff, v32;
	v30 =	vld [tilespmem:s22+$0xF0]  }
0x2d0: {  	v33 =	vadd.s32 v3, v20;
	v32 =	vld [tilespmem:s22+$0x30];
	[tilespmem:v22+s25+$0x0] =	vst.idx.msk $0xffff, v21  }
0x2d1: {  	v22 =	vadd.s32 v3, v26;
	v21 =	vld [tilespmem:s22+$0x70];
	[tilespmem:v24+s25+$0x0] =	vst.idx.msk $0xffff, v23  }
0x2d2: {  	v24 =	vadd.s32 v3, v35;
	v23 =	vld [tilespmem:s22+$0xB0];
	[tilespmem:v29+s25+$0x0] =	vst.idx.msk $0xffff, v28  }
0x2d3: {  	v36 =	vadd.s32 v6, v16;
	v34 =	vld [tilespmem:s23+$0x2020];
	[tilespmem:v27+s25+$0x0] =	vst.idx.msk $0xffff, v25  }
0x2d4: {  	v37 =	vadd.s32 v7, v18;
	v18 =	vmov v26;
	[tilespmem:v31+s25+$0x0] =	vst.idx.msk $0xffff, v30;
	v31 =	vld [tilespmem:s23+$0x2070]  }
0x2d5: {  	[tilespmem:v33+s25+$0x0] =	vst.idx.msk $0xffff, v32;
	v32 =	vld [tilespmem:s22+$0x20C0];
	v33 =	vadd.s32 v4, v19  }
.Ltmp4:
0x2d6: {  	v30 =	vadd.s32 v4, v20;
	v28 =	vld [tilespmem:s22+$0x2000];
	[tilespmem:v22+s25+$0x0] =	vst.idx.msk $0xffff, v21;
	(pc) =	sbr.rel @p1 .LBB2_11-.Ltmp4, $4  }
0x2d7: {  	v29 =	vadd.s32 v4, v18;
	v26 =	vld [tilespmem:s22+$0x2040];
	[tilespmem:v24+s25+$0x0] =	vst.idx.msk $0xffff, v23  }
0x2d8: {  	v27 =	vadd.s32 v4, v35;
	v25 =	vld [tilespmem:s22+$0x2080];
	[tilespmem:v36+s25+$0x0] =	vst.idx.msk $0xffff, v34  }
0x2d9: {  	v21 =	vadd.s32 v7, v17;
	v17 =	vmov v35;
	[tilespmem:v37+s25+$0x0] =	vst.idx.msk $0xffff, v31;
	v22 =	vld [tilespmem:s23+$0x20B0]  }
0x2da: {  	s29 =	sadd.s32 $0x4, s29;
	s30 =	sadd.s32 $0x3, s24;
	v24 =	vadd.s32 v7, v16;
	v16 =	vmov v20;
	[tilespmem:v33+s25+$0x0] =	vst.idx.msk $0xffff, v32;
	v23 =	vld [tilespmem:s23+$0x2030];
	s23 =	smov.u32 s22  }
0x2db: {  	_ =	sdelay $0x1  }
0x2dc: {  	v20 =	vmov s30  }
0x2dd: {  	s31 =	sadd.s32 $0x1, s24;
	s29 =	sadd.s32 $0x100, s22;
	v35 =	vmov s24;
	v20 =	vand.u32 $0x7F, v20  }
0x2de: {  	[tilespmem:v30+s25+$0x0] =	vst.idx.msk $0xffff, v28;
	v31 =	vmov s31;
	s31 =	sadd.s32 $0x2, s24;
	v33 =	vld [tilespmem:s29+$0xC0];
	v28 =	vand.u32 $0x7C, v35;
	v34 =	vadd.s32 v0, v20  }
0x2df: {  	v57 =	vld [tilespmem:s29+$0x0];
	v32 =	vmov s31;
	v31 =	vand.u32 $0x7D, v31;
	v58 =	vadd.s32 v0, v28  }
0x2e0: {  	v36 =	vld [tilespmem:s29+$0x40];
	v37 =	vadd.s32 v0, v31;
	v32 =	vand.u32 $0x7E, v32  }
0x2e1: {  	v55 =	vld [tilespmem:s29+$0x80];
	[tilespmem:v29+s25+$0x0] =	vst.idx.msk $0xffff, v26;
	v56 =	vadd.s32 v0, v32  }
0x2e2: {  	[tilespmem:v27+s25+$0x0] =	vst.idx.msk $0xffff, v25  }
0x2e3: {  	[tilespmem:v34+s25+$0x0] =	vst.idx.msk $0xffff, v33  }
0x2e4: {  	v60 =	vadd.s32 v1, v20;
	[tilespmem:v58+s25+$0x0] =	vst.idx.msk $0xffff, v57;
	v59 =	vld [tilespmem:s29+$0xD0]  }
0x2e5: {  	v38 =	vadd.s32 v1, v28;
	[tilespmem:v37+s25+$0x0] =	vst.idx.msk $0xffff, v36;
	v37 =	vld [tilespmem:s29+$0x10]  }
0x2e6: {  	v62 =	vadd.s32 v1, v31;
	v61 =	vld [tilespmem:s29+$0x50];
	[tilespmem:v56+s25+$0x0] =	vst.idx.msk $0xffff, v55  }
0x2e7: {  	[tilespmem:v21+s25+$0x0] =	vst.idx.msk $0xffff, v22;
	v36 =	vadd.s32 v1, v32;
	v63 =	vld [tilespmem:s29+$0x90]  }
0x2e8: {  	v39 =	vld [tilespmem:s22+$0x20D0];
	v40 =	vadd.s32 v5, v19;
	[tilespmem:v24+s25+$0x0] =	vst.idx.msk $0xffff, v23  }
0x2e9: {  	v42 =	vadd.s32 v5, v16;
	v41 =	vld [tilespmem:s23+$0x2010];
	[tilespmem:v60+s25+$0x0] =	vst.idx.msk $0xffff, v59  }
0x2ea: {  	v43 =	vadd.s32 v2, v20;
	[tilespmem:v38+s25+$0x0] =	vst.idx.msk $0xffff, v37;
	v25 =	vld [tilespmem:s29+$0xE0]  }
0x2eb: {  	v48 =	vadd.s32 v2, v28;
	[tilespmem:v62+s25+$0x0] =	vst.idx.msk $0xffff, v61;
	v47 =	vld [tilespmem:s29+$0x20]  }
0x2ec: {  	v44 =	vadd.s32 v2, v31;
	v33 =	vld [tilespmem:s29+$0x60];
	[tilespmem:v36+s25+$0x0] =	vst.idx.msk $0xffff, v63  }
0x2ed: {  	v46 =	vadd.s32 v2, v32;
	[tilespmem:v40+s25+$0x0] =	vst.idx.msk $0xffff, v39;
	v45 =	vld [tilespmem:s29+$0xA0]  }
0x2ee: {  	v52 =	vadd.s32 v5, v18;
	v51 =	vld [tilespmem:s23+$0x2050];
	[tilespmem:v42+s25+$0x0] =	vst.idx.msk $0xffff, v41  }
0x2ef: {  	v50 =	vadd.s32 v6, v19;
	v49 =	vld [tilespmem:s23+$0x20E0];
	[tilespmem:v43+s25+$0x0] =	vst.idx.msk $0xffff, v25  }
0x2f0: {  	v53 =	vadd.s32 v3, v20;
	[tilespmem:v48+s25+$0x0] =	vst.idx.msk $0xffff, v47;
	v25 =	vld [tilespmem:s29+$0xF0]  }
0x2f1: {  	v57 =	vadd.s32 v3, v28;
	[tilespmem:v44+s25+$0x0] =	vst.idx.msk $0xffff, v33;
	v56 =	vld [tilespmem:s29+$0x30]  }
0x2f2: {  	v54 =	vadd.s32 v3, v31;
	v33 =	vld [tilespmem:s29+$0x70];
	[tilespmem:v46+s25+$0x0] =	vst.idx.msk $0xffff, v45  }
0x2f3: {  	[tilespmem:v52+s25+$0x0] =	vst.idx.msk $0xffff, v51;
	v55 =	vadd.s32 v3, v32;
	v21 =	vld [tilespmem:s29+$0xB0]  }
0x2f4: {  	v40 =	vadd.s32 v6, v18;
	v39 =	vld [tilespmem:s23+$0x2060];
	[tilespmem:v50+s25+$0x0] =	vst.idx.msk $0xffff, v49  }
0x2f5: {  	v60 =	vld [tilespmem:s23+$0x2090];
	v61 =	vadd.s32 v5, v17;
	[tilespmem:v53+s25+$0x0] =	vst.idx.msk $0xffff, v25  }
0x2f6: {  	v62 =	vadd.s32 v4, v20;
	[tilespmem:v57+s25+$0x0] =	vst.idx.msk $0xffff, v56;
	v25 =	vld [tilespmem:s29+$0x20C0]  }
0x2f7: {  	v38 =	vadd.s32 v4, v28;
	[tilespmem:v54+s25+$0x0] =	vst.idx.msk $0xffff, v33;
	v37 =	vld [tilespmem:s29+$0x2000]  }
0x2f8: {  	v63 =	vadd.s32 v4, v31;
	v33 =	vld [tilespmem:s29+$0x2040];
	[tilespmem:v55+s25+$0x0] =	vst.idx.msk $0xffff, v21  }
0x2f9: {  	[tilespmem:v40+s25+$0x0] =	vst.idx.msk $0xffff, v39;
	v36 =	vadd.s32 v4, v32;
	v21 =	vld [tilespmem:s29+$0x2080]  }
0x2fa: {  	v49 =	vld [tilespmem:s23+$0x2020];
	v50 =	vadd.s32 v6, v16;
	[tilespmem:v61+s25+$0x0] =	vst.idx.msk $0xffff, v60  }
0x2fb: {  	v41 =	vadd.s32 v6, v17;
	v29 =	vld [tilespmem:s23+$0x20A0];
	[tilespmem:v62+s25+$0x0] =	vst.idx.msk $0xffff, v25  }
0x2fc: {  	v42 =	vadd.s32 v5, v20;
	[tilespmem:v38+s25+$0x0] =	vst.idx.msk $0xffff, v37;
	v25 =	vld [tilespmem:s29+$0x20D0]  }
0x2fd: {  	v48 =	vadd.s32 v5, v28;
	[tilespmem:v63+s25+$0x0] =	vst.idx.msk $0xffff, v33;
	v47 =	vld [tilespmem:s29+$0x2010]  }
0x2fe: {  	v44 =	vadd.s32 v5, v31;
	[tilespmem:v36+s25+$0x0] =	vst.idx.msk $0xffff, v21;
	v43 =	vld [tilespmem:s29+$0x2050]  }
0x2ff: {  	[tilespmem:v50+s25+$0x0] =	vst.idx.msk $0xffff, v49;
	v46 =	vadd.s32 v5, v32;
	v45 =	vld [tilespmem:s29+$0x2090]  }
0x300: {  	v58 =	vld [tilespmem:s23+$0x20F0];
	v59 =	vadd.s32 v7, v19;
	[tilespmem:v41+s25+$0x0] =	vst.idx.msk $0xffff, v29  }
0x301: {  	v17 =	vadd.s32 v7, v17;
	v57 =	vld [tilespmem:s23+$0x20B0];
	[tilespmem:v42+s25+$0x0] =	vst.idx.msk $0xffff, v25  }
0x302: {  	v53 =	vadd.s32 v6, v20;
	[tilespmem:v48+s25+$0x0] =	vst.idx.msk $0xffff, v47;
	v25 =	vld [tilespmem:s29+$0x20E0]  }
0x303: {  	v56 =	vadd.s32 v6, v28;
	[tilespmem:v44+s25+$0x0] =	vst.idx.msk $0xffff, v43;
	v24 =	vld [tilespmem:s29+$0x2020]  }
0x304: {  	v54 =	vadd.s32 v6, v31;
	v21 =	vld [tilespmem:s29+$0x2060];
	[tilespmem:v46+s25+$0x0] =	vst.idx.msk $0xffff, v45  }
0x305: {  	[tilespmem:v59+s25+$0x0] =	vst.idx.msk $0xffff, v58;
	v55 =	vadd.s32 v6, v32;
	v19 =	vld [tilespmem:s29+$0x20A0]  }
0x306: {  	v52 =	vadd.s32 v7, v18;
	v51 =	vld [tilespmem:s23+$0x2070];
	[tilespmem:v17+s25+$0x0] =	vst.idx.msk $0xffff, v57  }
0x307: {  	v16 =	vadd.s32 v7, v16;
	v58 =	vld [tilespmem:s23+$0x2030];
	[tilespmem:v53+s25+$0x0] =	vst.idx.msk $0xffff, v25  }
0x308: {  	v20 =	vadd.s32 v7, v20;
	[tilespmem:v56+s25+$0x0] =	vst.idx.msk $0xffff, v24;
	v25 =	vld [tilespmem:s29+$0x20F0]  }
0x309: {  	v63 =	vadd.s32 v7, v28;
	[tilespmem:v54+s25+$0x0] =	vst.idx.msk $0xffff, v21;
	v17 =	vld [tilespmem:s29+$0x2030]  }
0x30a: {  	v60 =	vadd.s32 v7, v31;
	[tilespmem:v55+s25+$0x0] =	vst.idx.msk $0xffff, v19;
	v59 =	vld [tilespmem:s29+$0x2070]  }
0x30b: {  	[tilespmem:v52+s25+$0x0] =	vst.idx.msk $0xffff, v51;
	v62 =	vadd.s32 v7, v32;
	v61 =	vld [tilespmem:s29+$0x20B0]  }
0x30c: {  	[tilespmem:v16+s25+$0x0] =	vst.idx.msk $0xffff, v58  }
0x30d: {  	[tilespmem:v20+s25+$0x0] =	vst.idx.msk $0xffff, v25  }
0x30e: {  	s18 =	sand.u32 $0x3E00, s18;
	[tilespmem:v63+s25+$0x0] =	vst.idx.msk $0xffff, v17  }
0x30f: {  	s6 =	sand.u32 $0xFFE0000, s6;
	s18 =	sadd.s32 s2, s18;
	[tilespmem:v60+s25+$0x0] =	vst.idx.msk $0xffff, v59  }
0x310: {  	s22 =	simm.s32 $0x10400;
	s18 =	sadd.s32 s6, s18;
	[tilespmem:v62+s25+$0x0] =	vst.idx.msk $0xffff, v61  }
0x311: {  	[hbm4b:s18+s3] =	stream.linear.scatter [tilespmem:s22], [sflag:$0x5], $0x80, $0x38;
	[tilespmem:$0x1D000] =	vst v63  }
0x312: {  	s24 =	sadd.s32 $0x10, s18;
	s23 =	simm.s32 $0x10488  }
0x313: {  	[hbm4b:s24+s3] =	stream.linear.scatter [tilespmem:s23], [sflag:$0x5], $0x80, $0x38;
	[tilespmem:$0x1D000] =	vst v63  }
0x314: {  	s30 =	simm.s32 $0x10510;
	s31 =	sadd.s32 $0x20, s18  }
0x315: {  	[hbm4b:s31+s3] =	stream.linear.scatter [tilespmem:s30], [sflag:$0x5], $0x80, $0x38;
	[tilespmem:$0x1D000] =	vst v63  }
0x316: {  	s23 =	simm.s32 $0x10598;
	s24 =	sadd.s32 $0x30, s18  }
0x317: {  	[hbm4b:s24+s3] =	stream.linear.scatter [tilespmem:s23], [sflag:$0x5], $0x80, $0x38;
	[tilespmem:$0x1D000] =	vst v63  }
0x318: {  	s30 =	simm.s32 $0x10620;
	s31 =	sadd.s32 $0x40, s18  }
0x319: {  	[hbm4b:s31+s3] =	stream.linear.scatter [tilespmem:s30], [sflag:$0x5], $0x80, $0x38;
	[tilespmem:$0x1D000] =	vst v63  }
0x31a: {  	s23 =	simm.s32 $0x106A8;
	s24 =	sadd.s32 $0x50, s18  }
0x31b: {  	[hbm4b:s24+s3] =	stream.linear.scatter [tilespmem:s23], [sflag:$0x5], $0x80, $0x38;
	[tilespmem:$0x1D000] =	vst v63  }
0x31c: {  	s30 =	simm.s32 $0x10730;
	s31 =	sadd.s32 $0x60, s18  }
0x31d: {  	[hbm4b:s31+s3] =	stream.linear.scatter [tilespmem:s30], [sflag:$0x5], $0x80, $0x38;
	[tilespmem:$0x1D000] =	vst v63  }
0x31e: {  	s23 =	simm.s32 $0x107B8;
	s24 =	sadd.s32 $0x70, s18  }
0x31f: {  	[hbm4b:s24+s3] =	stream.linear.scatter [tilespmem:s23], [sflag:$0x5], $0x80, $0x38;
	[tilespmem:$0x1D000] =	vst v63  }
0x320: {  	s30 =	simm.s32 $0x10A60;
	s31 =	sadd.s32 $0x80, s18  }
0x321: {  	[hbm4b:s31+s3] =	stream.linear.scatter [tilespmem:s30], [sflag:$0x5], $0x80, $0x38;
	[tilespmem:$0x1D000] =	vst v63  }
0x322: {  	s23 =	simm.s32 $0x10AE8;
	s24 =	sadd.s32 $0x90, s18  }
0x323: {  	[hbm4b:s24+s3] =	stream.linear.scatter [tilespmem:s23], [sflag:$0x5], $0x80, $0x38;
	[tilespmem:$0x1D000] =	vst v63  }
0x324: {  	s6 =	simm.s32 $0xCC0;
	s30 =	simm.s32 $0x10B70;
	s31 =	sadd.s32 $0xA0, s18  }
0x325: {  	[hbm4b:s31+s3] =	stream.linear.scatter [tilespmem:s30], [sflag:$0x5], $0x80, $0x38;
	[tilespmem:$0x1D000] =	vst v63  }
0x326: {  	s29 =	sadd.s32 $0xF0, s18;
	s23 =	simm.s32 $0x10BF8;
	s24 =	sadd.s32 $0xB0, s18  }
0x327: {  	[hbm4b:s24+s3] =	stream.linear.scatter [tilespmem:s23], [sflag:$0x5], $0x80, $0x38;
	[tilespmem:$0x1D000] =	vst v63  }
0x328: {  	s22 =	simm.s32 $0x10E18;
	s30 =	simm.s32 $0x10C80;
	s31 =	sadd.s32 $0xC0, s18  }
0x329: {  	[hbm4b:s31+s3] =	stream.linear.scatter [tilespmem:s30], [sflag:$0x5], $0x80, $0x38;
	[tilespmem:$0x1D000] =	vst v63  }
0x32a: {  	s23 =	simm.s32 $0x10D08;
	s24 =	sadd.s32 $0xD0, s18;
	s30 =	simm.s32 $0x10D90  }
0x32b: {  	[hbm4b:s24+s3] =	stream.linear.scatter [tilespmem:s23], [sflag:$0x5], $0x80, $0x38;
	[tilespmem:$0x1D000] =	vst v63  }
0x32c: {  	s31 =	sadd.s32 $0xE0, s18;
	s18 =	sadd.s32 $0x4000, s18;
	s24 =	simm.s32 $0x6600  }
0x32d: {  	[hbm4b:s31+s3] =	stream.linear.scatter [tilespmem:s30], [sflag:$0x5], $0x80, $0x38;
	[tilespmem:$0x1D000] =	vst v63  }
.LBB2_13:
0x32e: {  	[hbm4b:s29+s3] =	stream.linear.scatter [tilespmem:s22], [sflag:$0x5], $0x80, $0x38;
	[tilespmem:$0x1D000] =	vst v63  }
0x32f: {  	s22 =	smov.u32 s6;
	s6 =	smov.u32 s24  }
0x330: {  	s23 =	sadd.s32 $0x3300, s24;
	s6 =	sshra.s32 s6, $0x2;
	s29 =	sadd.s32 $0x10400, s22  }
0x331: {  	[hbm4b:s18+s3] =	stream.linear.scatter [tilespmem:s29], [sflag:$0x5], $0x80, $0x38;
	[tilespmem:$0x1D000] =	vst v63  }
0x332: {  	p1 =	sne.s32 s24, $0x16500;
	s24 =	sadd.s32 $0x10488, s22;
	s29 =	sadd.s32 $0x10, s18  }
0x333: {  	[hbm4b:s29+s3] =	stream.linear.scatter [tilespmem:s24], [sflag:$0x5], $0x80, $0x38;
	[tilespmem:$0x1D000] =	vst v63  }
0x334: {  	s24 =	sadd.s32 $0x10510, s22;
	s29 =	sadd.s32 $0x20, s18  }
0x335: {  	[hbm4b:s29+s3] =	stream.linear.scatter [tilespmem:s24], [sflag:$0x5], $0x80, $0x38;
	[tilespmem:$0x1D000] =	vst v63  }
0x336: {  	s24 =	sadd.s32 $0x10598, s22;
	s29 =	sadd.s32 $0x30, s18  }
0x337: {  	[hbm4b:s29+s3] =	stream.linear.scatter [tilespmem:s24], [sflag:$0x5], $0x80, $0x38;
	[tilespmem:$0x1D000] =	vst v63  }
0x338: {  	s24 =	sadd.s32 $0x10620, s22;
	s29 =	sadd.s32 $0x40, s18  }
0x339: {  	[hbm4b:s29+s3] =	stream.linear.scatter [tilespmem:s24], [sflag:$0x5], $0x80, $0x38;
	[tilespmem:$0x1D000] =	vst v63  }
0x33a: {  	s24 =	sadd.s32 $0x106A8, s22;
	s29 =	sadd.s32 $0x50, s18  }
0x33b: {  	[hbm4b:s29+s3] =	stream.linear.scatter [tilespmem:s24], [sflag:$0x5], $0x80, $0x38;
	[tilespmem:$0x1D000] =	vst v63  }
0x33c: {  	s24 =	sadd.s32 $0x10730, s22;
	s29 =	sadd.s32 $0x60, s18  }
0x33d: {  	[hbm4b:s29+s3] =	stream.linear.scatter [tilespmem:s24], [sflag:$0x5], $0x80, $0x38;
	[tilespmem:$0x1D000] =	vst v63  }
0x33e: {  	s24 =	sadd.s32 $0x107B8, s22;
	s29 =	sadd.s32 $0x70, s18  }
0x33f: {  	[hbm4b:s29+s3] =	stream.linear.scatter [tilespmem:s24], [sflag:$0x5], $0x80, $0x38;
	[tilespmem:$0x1D000] =	vst v63  }
0x340: {  	s24 =	sadd.s32 $0x10A60, s22;
	s29 =	sadd.s32 $0x80, s18  }
0x341: {  	[hbm4b:s29+s3] =	stream.linear.scatter [tilespmem:s24], [sflag:$0x5], $0x80, $0x38;
	[tilespmem:$0x1D000] =	vst v63  }
0x342: {  	s24 =	sadd.s32 $0x10AE8, s22;
	s29 =	sadd.s32 $0x90, s18  }
0x343: {  	[hbm4b:s29+s3] =	stream.linear.scatter [tilespmem:s24], [sflag:$0x5], $0x80, $0x38;
	[tilespmem:$0x1D000] =	vst v63  }
0x344: {  	s24 =	sadd.s32 $0x10B70, s22;
	s29 =	sadd.s32 $0xA0, s18  }
0x345: {  	[hbm4b:s29+s3] =	stream.linear.scatter [tilespmem:s24], [sflag:$0x5], $0x80, $0x38;
	[tilespmem:$0x1D000] =	vst v63  }
0x346: {  	s24 =	sadd.s32 $0x10BF8, s22;
	s29 =	sadd.s32 $0xB0, s18  }
0x347: {  	[hbm4b:s29+s3] =	stream.linear.scatter [tilespmem:s24], [sflag:$0x5], $0x80, $0x38;
	[tilespmem:$0x1D000] =	vst v63  }
0x348: {  	s24 =	sadd.s32 $0x10C80, s22;
	s29 =	sadd.s32 $0xC0, s18  }
0x349: {  	[hbm4b:s29+s3] =	stream.linear.scatter [tilespmem:s24], [sflag:$0x5], $0x80, $0x38;
	[tilespmem:$0x1D000] =	vst v63  }
.Ltmp5:
0x34a: {  	s24 =	sadd.s32 $0x10D08, s22;
	s29 =	sadd.s32 $0xD0, s18;
	(pc) =	sbr.rel @p1 .LBB2_13-.Ltmp5, $4  }
0x34b: {  	[hbm4b:s29+s3] =	stream.linear.scatter [tilespmem:s24], [sflag:$0x5], $0x80, $0x38;
	[tilespmem:$0x1D000] =	vst v63  }
0x34c: {  	s24 =	sadd.s32 $0x10D90, s22;
	s29 =	sadd.s32 $0xE0, s18;
	s22 =	sadd.s32 $0x10E18, s22  }
0x34d: {  	[hbm4b:s29+s3] =	stream.linear.scatter [tilespmem:s24], [sflag:$0x5], $0x80, $0x38;
	[tilespmem:$0x1D000] =	vst v63  }
0x34e: {  	s29 =	sadd.s32 $0xF0, s18;
	s18 =	sadd.s32 $0x4000, s18;
	s24 =	smov.u32 s23  }
0x34f: {  	[hbm4b:s29+s3] =	stream.linear.scatter [tilespmem:s22], [sflag:$0x5], $0x80, $0x38;
	[tilespmem:$0x1D000] =	vst v63  }
0x350: {  	s24 =	sadd.s32 $0x10400, s6  }
0x351: {  	[hbm4b:s18+s3] =	stream.linear.scatter [tilespmem:s24], [sflag:$0x5], $0x80, $0x38;
	[tilespmem:$0x1D000] =	vst v63  }
0x352: {  	s29 =	sadd.s32 $0x10488, s6;
	s23 =	sadd.s32 $0x10, s18  }
0x353: {  	[hbm4b:s23+s3] =	stream.linear.scatter [tilespmem:s29], [sflag:$0x5], $0x80, $0x38;
	[tilespmem:$0x1D000] =	vst v63  }
0x354: {  	s30 =	sadd.s32 $0x10510, s6;
	s31 =	sadd.s32 $0x20, s18  }
0x355: {  	[hbm4b:s31+s3] =	stream.linear.scatter [tilespmem:s30], [sflag:$0x5], $0x80, $0x38;
	[tilespmem:$0x1D000] =	vst v63  }
0x356: {  	s24 =	sadd.s32 $0x10598, s6;
	s29 =	sadd.s32 $0x30, s18  }
0x357: {  	[hbm4b:s29+s3] =	stream.linear.scatter [tilespmem:s24], [sflag:$0x5], $0x80, $0x38;
	[tilespmem:$0x1D000] =	vst v63  }
0x358: {  	s30 =	sadd.s32 $0x10620, s6;
	s31 =	sadd.s32 $0x40, s18  }
0x359: {  	[hbm4b:s31+s3] =	stream.linear.scatter [tilespmem:s30], [sflag:$0x5], $0x80, $0x38;
	[tilespmem:$0x1D000] =	vst v63  }
0x35a: {  	s24 =	sadd.s32 $0x106A8, s6;
	s29 =	sadd.s32 $0x50, s18  }
0x35b: {  	[hbm4b:s29+s3] =	stream.linear.scatter [tilespmem:s24], [sflag:$0x5], $0x80, $0x38;
	[tilespmem:$0x1D000] =	vst v63  }
0x35c: {  	s30 =	sadd.s32 $0x10730, s6;
	s31 =	sadd.s32 $0x60, s18  }
0x35d: {  	[hbm4b:s31+s3] =	stream.linear.scatter [tilespmem:s30], [sflag:$0x5], $0x80, $0x38;
	[tilespmem:$0x1D000] =	vst v63  }
0x35e: {  	s24 =	sadd.s32 $0x107B8, s6;
	s29 =	sadd.s32 $0x70, s18  }
0x35f: {  	[hbm4b:s29+s3] =	stream.linear.scatter [tilespmem:s24], [sflag:$0x5], $0x80, $0x38;
	[tilespmem:$0x1D000] =	vst v63  }
0x360: {  	s30 =	sadd.s32 $0x10A60, s6;
	s31 =	sadd.s32 $0x80, s18  }
0x361: {  	[hbm4b:s31+s3] =	stream.linear.scatter [tilespmem:s30], [sflag:$0x5], $0x80, $0x38;
	[tilespmem:$0x1D000] =	vst v63  }
0x362: {  	s24 =	sadd.s32 $0x10AE8, s6;
	s29 =	sadd.s32 $0x90, s18  }
0x363: {  	[hbm4b:s29+s3] =	stream.linear.scatter [tilespmem:s24], [sflag:$0x5], $0x80, $0x38;
	[tilespmem:$0x1D000] =	vst v63  }
0x364: {  	s30 =	sadd.s32 $0x10B70, s6;
	s31 =	sadd.s32 $0xA0, s18  }
0x365: {  	[hbm4b:s31+s3] =	stream.linear.scatter [tilespmem:s30], [sflag:$0x5], $0x80, $0x38;
	[tilespmem:$0x1D000] =	vst v63  }
0x366: {  	s24 =	sadd.s32 $0x10BF8, s6;
	s29 =	sadd.s32 $0xB0, s18  }
0x367: {  	[hbm4b:s29+s3] =	stream.linear.scatter [tilespmem:s24], [sflag:$0x5], $0x80, $0x38;
	[tilespmem:$0x1D000] =	vst v63  }
0x368: {  	s30 =	sadd.s32 $0x10C80, s6;
	s31 =	sadd.s32 $0xC0, s18  }
0x369: {  	[hbm4b:s31+s3] =	stream.linear.scatter [tilespmem:s30], [sflag:$0x5], $0x80, $0x38;
	[tilespmem:$0x1D000] =	vst v63  }
0x36a: {  	s24 =	sadd.s32 $0x10D08, s6;
	s29 =	sadd.s32 $0xD0, s18;
	s30 =	sadd.s32 $0x10D90, s6  }
0x36b: {  	[hbm4b:s29+s3] =	stream.linear.scatter [tilespmem:s24], [sflag:$0x5], $0x80, $0x38;
	[tilespmem:$0x1D000] =	vst v63  }
0x36c: {  	s31 =	sadd.s32 $0xE0, s18;
	s24 =	sadd.s32 $0x10E18, s6;
	s6 =	sadd.s32 @!p0 s16, s10  }
0x36d: {  	[hbm4b:s31+s3] =	stream.linear.scatter [tilespmem:s30], [sflag:$0x5], $0x80, $0x38;
	[tilespmem:$0x1D000] =	vst v63  }
0x36e: {  	s29 =	sadd.s32 $0xF0, s18;
	s16 =	sshll.u32 @!p0 s6, $0x8  }
0x36f: {  	[hbm4b:s29+s3] =	stream.linear.scatter [tilespmem:s24], [sflag:$0x5], $0x80, $0x38;
	[tilespmem:$0x1D000] =	vst v63  }
0x370: {  	s18 =	sshll.u32 @!p0 s6, $0xB;
	s6 =	sshll.u32 @!p0 s6, $0x1;
	_ =	swait.ge [sflag:s15], $0x2000  }
0x371: {  	s16 =	sand.u32 @!p0 $0x7FFE0000, s16;
	s18 =	sand.u32 @!p0 $0x1E800, s18;
	[sflag:s15] =	ssyncset.done $0x0  }
0x372: {  	s6 =	sand.u32 @!p0 $0x380, s6;
	s16 =	sor.u32 @!p0 s18, s16;
	[sflag:s15] =	ssyncadd.s32 $0xFFFFE000  }
0x373: {  	s22 =	simm.s32 @!p0 $0x100;
	s6 =	sor.u32 @!p0 s6, s16;
	_ =	swait.ge [sflag:s15], $0x2000  }
0x374: {  	s18 =	simm.s32 @!p0 $0x400;
	s6 =	sshrl.u32 @!p0 s6, $0x3;
	[sflag:s15] =	ssyncset.done $0x0  }
0x375: {  	s16 =	simm.s32 @!p0 $0x80;
	s6 =	sadd.s32 @!p0 s4, s6;
	[sflag:s15] =	ssyncadd.s32 $0xFFFFE000  }
0x376: {  	[tilespmem:s22], [sflag:$0x7] =	stream.strided.gather @!p0 [hbm4b:s6+s16], $0x100, s18, s16, $0x38;
	[tilespmem:$0x1D000] =	vst v63  }
0x377: {  	s6 =	simm.s32 @!p0 $0x7  }
0x378: {  	_ =	swait.ge @!p0 [sflag:s6], $0x100  }
0x379: {  	[sflag:s6] =	ssyncset.done @!p0 $0x0  }
0x37a: {  	[sflag:s6] =	ssyncadd.s32 @!p0 $0xFFFFFF00;
	s6 =	simm.s32 @!p0 $0x4400  }
0x37b: {  	[tilespmem:s6], [sflag:$0x2] =	stream.indirect.gather @!p0 [hbm4b:s7+s16], $0x40, s22, s16, $0xb8;
	[tilespmem:$0x1D000] =	vst v63  }
0x37c: {  	s18 =	simm.s32 @!p0 $0x6400;
	s6 =	simm.s32 @!p0 $0x180  }
0x37d: {  	[tilespmem:s18], [sflag:$0x2] =	stream.indirect.gather @!p0 [hbm4b:s7+s16], $0x40, s6, s16, $0xb8;
	[tilespmem:$0x1D000] =	vst v63  }
0x37e: {  	s30 =	simm.s32 $0x3;
	_ =	swait.ge [sflag:s17], $0x4000  }
0x37f: {  	s31 =	simm.s32 $0x0;
	v16 =	vmov s30;
	[sflag:s17] =	ssyncset.done $0x0  }
0x380: {  	v17 =	vmov s31;
	v23 =	vand.u32 $0x7F, v16;
	s16 =	simm.s32 $0xC400;
	[sflag:s17] =	ssyncadd.s32 $0xFFFFC000  }
0x381: {  	v20 =	vand.u32 $0x7C, v17;
	v17 =	vadd.s32 v8, v23;
	v16 =	vld [tilespmem:s16+$0xC0]  }
0x382: {  	v19 =	vadd.s32 v8, v20;
	s22 =	simm.s32 $0x1;
	v18 =	vld [tilespmem:s16+$0x0]  }
0x383: {  	s23 =	simm.s32 $0x2;
	v21 =	vmov s22  }
0x384: {  	v22 =	vand.u32 $0x7D, v21;
	v21 =	vmov s23  }
0x385: {  	v25 =	vadd.s32 v8, v22;
	v21 =	vand.u32 $0x7E, v21;
	v24 =	vld [tilespmem:s16+$0x40]  }
0x386: {  	v27 =	vadd.s32 v8, v21;
	v26 =	vld [tilespmem:s16+$0x80];
	[tilespmem:v17+s25+$0x0] =	vst.idx.msk $0xffff, v16  }
0x387: {  	[tilespmem:v19+s25+$0x0] =	vst.idx.msk $0xffff, v18;
	v17 =	vadd.s32 v9, v23;
	v16 =	vld [tilespmem:s16+$0xD0]  }
0x388: {  	v19 =	vadd.s32 v9, v20;
	v18 =	vld [tilespmem:s16+$0x10];
	_ =	sdelay $0x1  }
0x389: {  	[tilespmem:v25+s25+$0x0] =	vst.idx.msk $0xffff, v24  }
0x38a: {  	v25 =	vadd.s32 v9, v22;
	[tilespmem:v27+s25+$0x0] =	vst.idx.msk $0xffff, v26;
	v24 =	vld [tilespmem:s16+$0x50]  }
0x38b: {  	v27 =	vadd.s32 v9, v21;
	v26 =	vld [tilespmem:s16+$0x90];
	[tilespmem:v17+s25+$0x0] =	vst.idx.msk $0xffff, v16  }
0x38c: {  	[tilespmem:v19+s25+$0x0] =	vst.idx.msk $0xffff, v18;
	v17 =	vadd.s32 v10, v23;
	v16 =	vld [tilespmem:s16+$0xE0]  }
0x38d: {  	v19 =	vadd.s32 v10, v20;
	v18 =	vld [tilespmem:s16+$0x20];
	_ =	sdelay $0x1  }
0x38e: {  	[tilespmem:v25+s25+$0x0] =	vst.idx.msk $0xffff, v24  }
0x38f: {  	v25 =	vadd.s32 v10, v22;
	[tilespmem:v27+s25+$0x0] =	vst.idx.msk $0xffff, v26;
	v24 =	vld [tilespmem:s16+$0x60]  }
0x390: {  	v27 =	vadd.s32 v10, v21;
	v26 =	vld [tilespmem:s16+$0xA0];
	[tilespmem:v17+s25+$0x0] =	vst.idx.msk $0xffff, v16  }
0x391: {  	[tilespmem:v19+s25+$0x0] =	vst.idx.msk $0xffff, v18;
	v17 =	vadd.s32 v11, v23;
	v16 =	vld [tilespmem:s16+$0xF0]  }
0x392: {  	v19 =	vadd.s32 v11, v20;
	v18 =	vld [tilespmem:s16+$0x30];
	_ =	sdelay $0x1  }
0x393: {  	[tilespmem:v25+s25+$0x0] =	vst.idx.msk $0xffff, v24  }
0x394: {  	v25 =	vadd.s32 v11, v22;
	[tilespmem:v27+s25+$0x0] =	vst.idx.msk $0xffff, v26;
	v24 =	vld [tilespmem:s16+$0x70]  }
0x395: {  	v27 =	vadd.s32 v11, v21;
	v26 =	vld [tilespmem:s16+$0xB0];
	[tilespmem:v17+s25+$0x0] =	vst.idx.msk $0xffff, v16  }
0x396: {  	[tilespmem:v19+s25+$0x0] =	vst.idx.msk $0xffff, v18;
	v17 =	vadd.s32 v12, v23;
	v16 =	vld [tilespmem:s16+$0x20C0]  }
0x397: {  	v19 =	vadd.s32 v12, v20;
	v18 =	vld [tilespmem:s16+$0x2000];
	_ =	sdelay $0x1  }
0x398: {  	[tilespmem:v25+s25+$0x0] =	vst.idx.msk $0xffff, v24  }
0x399: {  	v25 =	vadd.s32 v12, v22;
	[tilespmem:v27+s25+$0x0] =	vst.idx.msk $0xffff, v26;
	v24 =	vld [tilespmem:s16+$0x2040]  }
0x39a: {  	s24 =	simm.s32 $0x7;
	v27 =	vadd.s32 v12, v21;
	v26 =	vld [tilespmem:s16+$0x2080];
	[tilespmem:v17+s25+$0x0] =	vst.idx.msk $0xffff, v16  }
0x39b: {  	s29 =	simm.s32 $0x4;
	v29 =	vadd.s32 v13, v23;
	v16 =	vmov s24;
	[tilespmem:v19+s25+$0x0] =	vst.idx.msk $0xffff, v18;
	v28 =	vld [tilespmem:s16+$0x20D0]  }
0x39c: {  	s30 =	simm.s32 $0x5;
	v31 =	vadd.s32 v13, v20;
	s6 =	simm.s32 $0xC500;
	v17 =	vmov s29;
	v19 =	vand.u32 $0x7F, v16;
	v30 =	vld [tilespmem:s16+$0x2010]  }
0x39d: {  	s31 =	simm.s32 $0x6;
	v32 =	vld [tilespmem:s6+$0xC0];
	v16 =	vand.u32 $0x7C, v17;
	v17 =	vmov s30;
	v33 =	vadd.s32 v8, v19  }
0x39e: {  	[tilespmem:v25+s25+$0x0] =	vst.idx.msk $0xffff, v24;
	v24 =	vld [tilespmem:s6+$0x0];
	v25 =	vadd.s32 v8, v16;
	v18 =	vand.u32 $0x7D, v17;
	v17 =	vmov s31  }
0x39f: {  	[tilespmem:v27+s25+$0x0] =	vst.idx.msk $0xffff, v26;
	v26 =	vld [tilespmem:s6+$0x40];
	v27 =	vadd.s32 v8, v18;
	v17 =	vand.u32 $0x7E, v17  }
0x3a0: {  	v34 =	vld [tilespmem:s6+$0x80];
	v35 =	vadd.s32 v8, v17;
	[tilespmem:v29+s25+$0x0] =	vst.idx.msk $0xffff, v28  }
0x3a1: {  	[tilespmem:v31+s25+$0x0] =	vst.idx.msk $0xffff, v30;
	v29 =	vadd.s32 v14, v23;
	v28 =	vld [tilespmem:s16+$0x20E0]  }
0x3a2: {  	v30 =	vld [tilespmem:s16+$0x2050];
	v31 =	vadd.s32 v13, v22;
	[tilespmem:v33+s25+$0x0] =	vst.idx.msk $0xffff, v32  }
0x3a3: {  	[tilespmem:v25+s25+$0x0] =	vst.idx.msk $0xffff, v24;
	v25 =	vadd.s32 v9, v19;
	v24 =	vld [tilespmem:s6+$0xD0]  }
0x3a4: {  	v55 =	vadd.s32 v9, v16;
	v54 =	vld [tilespmem:s6+$0x10];
	[tilespmem:v27+s25+$0x0] =	vst.idx.msk $0xffff, v26  }
0x3a5: {  	v27 =	vadd.s32 v9, v18;
	v26 =	vld [tilespmem:s6+$0x50];
	[tilespmem:v35+s25+$0x0] =	vst.idx.msk $0xffff, v34  }
0x3a6: {  	v56 =	vadd.s32 v9, v17;
	v34 =	vld [tilespmem:s6+$0x90];
	[tilespmem:v29+s25+$0x0] =	vst.idx.msk $0xffff, v28  }
0x3a7: {  	v23 =	vadd.s32 v15, v23;
	[tilespmem:v31+s25+$0x0] =	vst.idx.msk $0xffff, v30;
	v28 =	vld [tilespmem:s16+$0x20F0]  }
0x3a8: {  	[tilespmem:v25+s25+$0x0] =	vst.idx.msk $0xffff, v24;
	v24 =	vld [tilespmem:s16+$0x2090];
	v25 =	vadd.s32 v13, v21  }
0x3a9: {  	v30 =	vadd.s32 v10, v19;
	[tilespmem:v55+s25+$0x0] =	vst.idx.msk $0xffff, v54;
	v29 =	vld [tilespmem:s6+$0xE0]  }
0x3aa: {  	v57 =	vadd.s32 v10, v16;
	v31 =	vld [tilespmem:s6+$0x20];
	[tilespmem:v27+s25+$0x0] =	vst.idx.msk $0xffff, v26  }
0x3ab: {  	v27 =	vadd.s32 v10, v18;
	v26 =	vld [tilespmem:s6+$0x60];
	[tilespmem:v56+s25+$0x0] =	vst.idx.msk $0xffff, v34  }
0x3ac: {  	v59 =	vadd.s32 v10, v17;
	v58 =	vld [tilespmem:s6+$0xA0];
	[tilespmem:v23+s25+$0x0] =	vst.idx.msk $0xffff, v28  }
0x3ad: {  	v23 =	vld [tilespmem:s16+$0x2060];
	v28 =	vadd.s32 v14, v22;
	[tilespmem:v25+s25+$0x0] =	vst.idx.msk $0xffff, v24  }
0x3ae: {  	v25 =	vadd.s32 v14, v21;
	[tilespmem:v30+s25+$0x0] =	vst.idx.msk $0xffff, v29;
	v24 =	vld [tilespmem:s16+$0x20A0]  }
0x3af: {  	[tilespmem:v57+s25+$0x0] =	vst.idx.msk $0xffff, v31;
	v30 =	vadd.s32 v11, v19;
	v29 =	vld [tilespmem:s6+$0xF0]  }
0x3b0: {  	v60 =	vadd.s32 v11, v16;
	v31 =	vld [tilespmem:s6+$0x30];
	[tilespmem:v27+s25+$0x0] =	vst.idx.msk $0xffff, v26  }
0x3b1: {  	v27 =	vadd.s32 v11, v18;
	v26 =	vld [tilespmem:s6+$0x70];
	[tilespmem:v59+s25+$0x0] =	vst.idx.msk $0xffff, v58  }
0x3b2: {  	v61 =	vadd.s32 v11, v17;
	v33 =	vld [tilespmem:s6+$0xB0];
	[tilespmem:v28+s25+$0x0] =	vst.idx.msk $0xffff, v23  }
0x3b3: {  	v62 =	vadd.s32 v14, v20;
	v23 =	vld [tilespmem:s16+$0x2020];
	[tilespmem:v25+s25+$0x0] =	vst.idx.msk $0xffff, v24  }
0x3b4: {  	v22 =	vadd.s32 v15, v22;
	v24 =	vld [tilespmem:s16+$0x2070];
	[tilespmem:v30+s25+$0x0] =	vst.idx.msk $0xffff, v29  }
0x3b5: {  	v63 =	vadd.s32 v12, v19;
	[tilespmem:v60+s25+$0x0] =	vst.idx.msk $0xffff, v31;
	v31 =	vld [tilespmem:s6+$0x20C0]  }
0x3b6: {  	v30 =	vadd.s32 v12, v16;
	v28 =	vld [tilespmem:s6+$0x2000];
	[tilespmem:v27+s25+$0x0] =	vst.idx.msk $0xffff, v26  }
0x3b7: {  	v29 =	vadd.s32 v12, v18;
	v26 =	vld [tilespmem:s6+$0x2040];
	[tilespmem:v61+s25+$0x0] =	vst.idx.msk $0xffff, v33  }
0x3b8: {  	v27 =	vadd.s32 v12, v17;
	v25 =	vld [tilespmem:s6+$0x2080];
	[tilespmem:v62+s25+$0x0] =	vst.idx.msk $0xffff, v23  }
0x3b9: {  	s22 =	simm.s32 $0xC;
	v21 =	vadd.s32 v15, v21;
	[tilespmem:v22+s25+$0x0] =	vst.idx.msk $0xffff, v24;
	v22 =	vld [tilespmem:s16+$0x20B0]  }
0x3ba: {  	s18 =	simm.s32 $0x8;
	s23 =	simm.s32 $0xB;
	v23 =	vld [tilespmem:s16+$0x2030];
	v24 =	vadd.s32 v15, v20;
	s16 =	simm.s32 $0xC500;
	[tilespmem:v63+s25+$0x0] =	vst.idx.msk $0xffff, v31  }
.LBB2_15:
0x3bb: {  	p0 =	slt.u32 s22, $0x7C;
	v20 =	vmov s23;
	[tilespmem:v30+s25+$0x0] =	vst.idx.msk $0xffff, v28;
	v28 =	vld [tilespmem:s6+$0x20D0];
	v30 =	vadd.s32 v13, v19  }
0x3bc: {  	v31 =	vmov s18;
	s23 =	sadd.s32 $0x1, s18;
	v34 =	vadd.s32 v13, v16;
	s6 =	sadd.s32 $0x100, s6;
	v32 =	vand.u32 $0x7F, v20;
	v33 =	vld [tilespmem:s16+$0x2010];
	[tilespmem:v29+s25+$0x0] =	vst.idx.msk $0xffff, v26  }
0x3bd: {  	v20 =	vand.u32 $0x7C, v31;
	v26 =	vmov s23;
	s23 =	sadd.s32 $0x2, s18;
	s18 =	smov.u32 s22;
	v29 =	vld [tilespmem:s6+$0xC0];
	v31 =	vadd.s32 v8, v32;
	[tilespmem:v27+s25+$0x0] =	vst.idx.msk $0xffff, v25  }
0x3be: {  	v27 =	vadd.s32 v8, v20;
	v26 =	vand.u32 $0x7D, v26;
	v35 =	vmov s23;
	v25 =	vld [tilespmem:s6+$0x0];
	[tilespmem:v21+s25+$0x0] =	vst.idx.msk $0xffff, v22  }
0x3bf: {  	v22 =	vadd.s32 v8, v26;
	v35 =	vand.u32 $0x7E, v35;
	v21 =	vld [tilespmem:s6+$0x40];
	[tilespmem:v24+s25+$0x0] =	vst.idx.msk $0xffff, v23  }
0x3c0: {  	v24 =	vadd.s32 v8, v35;
	v23 =	vld [tilespmem:s6+$0x80];
	[tilespmem:v30+s25+$0x0] =	vst.idx.msk $0xffff, v28  }
0x3c1: {  	v30 =	vadd.s32 v14, v19;
	[tilespmem:v34+s25+$0x0] =	vst.idx.msk $0xffff, v33;
	v28 =	vld [tilespmem:s16+$0x20E0]  }
0x3c2: {  	[tilespmem:v31+s25+$0x0] =	vst.idx.msk $0xffff, v29;
	v29 =	vld [tilespmem:s16+$0x2050];
	v31 =	vadd.s32 v13, v18  }
0x3c3: {  	[tilespmem:v27+s25+$0x0] =	vst.idx.msk $0xffff, v25;
	v25 =	vld [tilespmem:s6+$0xD0];
	v27 =	vadd.s32 v9, v32  }
0x3c4: {  	v34 =	vadd.s32 v9, v20;
	v33 =	vld [tilespmem:s6+$0x10];
	[tilespmem:v22+s25+$0x0] =	vst.idx.msk $0xffff, v21  }
0x3c5: {  	v22 =	vadd.s32 v9, v26;
	v21 =	vld [tilespmem:s6+$0x50];
	[tilespmem:v24+s25+$0x0] =	vst.idx.msk $0xffff, v23  }
0x3c6: {  	v24 =	vadd.s32 v9, v35;
	v23 =	vld [tilespmem:s6+$0x90];
	[tilespmem:v30+s25+$0x0] =	vst.idx.msk $0xffff, v28  }
0x3c7: {  	[tilespmem:v31+s25+$0x0] =	vst.idx.msk $0xffff, v29;
	v28 =	vld [tilespmem:s16+$0x20F0];
	v29 =	vadd.s32 v15, v19;
	v19 =	vmov v32  }
0x3c8: {  	[tilespmem:v27+s25+$0x0] =	vst.idx.msk $0xffff, v25;
	v25 =	vld [tilespmem:s16+$0x2090];
	v27 =	vadd.s32 v13, v17  }
0x3c9: {  	v31 =	vadd.s32 v10, v19;
	[tilespmem:v34+s25+$0x0] =	vst.idx.msk $0xffff, v33;
	v30 =	vld [tilespmem:s6+$0xE0]  }
0x3ca: {  	v33 =	vadd.s32 v10, v20;
	v32 =	vld [tilespmem:s6+$0x20];
	[tilespmem:v22+s25+$0x0] =	vst.idx.msk $0xffff, v21  }
0x3cb: {  	v22 =	vadd.s32 v10, v26;
	v21 =	vld [tilespmem:s6+$0x60];
	[tilespmem:v24+s25+$0x0] =	vst.idx.msk $0xffff, v23  }
0x3cc: {  	v24 =	vadd.s32 v10, v35;
	v23 =	vld [tilespmem:s6+$0xA0];
	[tilespmem:v29+s25+$0x0] =	vst.idx.msk $0xffff, v28  }
0x3cd: {  	v29 =	vadd.s32 v14, v18;
	v28 =	vld [tilespmem:s16+$0x2060];
	[tilespmem:v27+s25+$0x0] =	vst.idx.msk $0xffff, v25  }
0x3ce: {  	v27 =	vadd.s32 v14, v17;
	[tilespmem:v31+s25+$0x0] =	vst.idx.msk $0xffff, v30;
	v25 =	vld [tilespmem:s16+$0x20A0]  }
0x3cf: {  	v31 =	vadd.s32 v11, v19;
	[tilespmem:v33+s25+$0x0] =	vst.idx.msk $0xffff, v32;
	v30 =	vld [tilespmem:s6+$0xF0]  }
0x3d0: {  	v33 =	vadd.s32 v11, v20;
	v32 =	vld [tilespmem:s6+$0x30];
	[tilespmem:v22+s25+$0x0] =	vst.idx.msk $0xffff, v21  }
0x3d1: {  	v22 =	vadd.s32 v11, v26;
	v21 =	vld [tilespmem:s6+$0x70];
	[tilespmem:v24+s25+$0x0] =	vst.idx.msk $0xffff, v23  }
0x3d2: {  	v24 =	vadd.s32 v11, v35;
	v23 =	vld [tilespmem:s6+$0xB0];
	[tilespmem:v29+s25+$0x0] =	vst.idx.msk $0xffff, v28  }
0x3d3: {  	v36 =	vadd.s32 v14, v16;
	v34 =	vld [tilespmem:s16+$0x2020];
	[tilespmem:v27+s25+$0x0] =	vst.idx.msk $0xffff, v25  }
0x3d4: {  	v37 =	vadd.s32 v15, v18;
	v18 =	vmov v26;
	[tilespmem:v31+s25+$0x0] =	vst.idx.msk $0xffff, v30;
	v31 =	vld [tilespmem:s16+$0x2070]  }
0x3d5: {  	[tilespmem:v33+s25+$0x0] =	vst.idx.msk $0xffff, v32;
	v32 =	vld [tilespmem:s6+$0x20C0];
	v33 =	vadd.s32 v12, v19  }
.Ltmp6:
0x3d6: {  	v30 =	vadd.s32 v12, v20;
	v28 =	vld [tilespmem:s6+$0x2000];
	[tilespmem:v22+s25+$0x0] =	vst.idx.msk $0xffff, v21;
	(pc) =	sbr.rel @p0 .LBB2_15-.Ltmp6, $4  }
0x3d7: {  	v29 =	vadd.s32 v12, v18;
	v26 =	vld [tilespmem:s6+$0x2040];
	[tilespmem:v24+s25+$0x0] =	vst.idx.msk $0xffff, v23  }
0x3d8: {  	v27 =	vadd.s32 v12, v35;
	v25 =	vld [tilespmem:s6+$0x2080];
	[tilespmem:v36+s25+$0x0] =	vst.idx.msk $0xffff, v34  }
0x3d9: {  	v21 =	vadd.s32 v15, v17;
	v17 =	vmov v35;
	[tilespmem:v37+s25+$0x0] =	vst.idx.msk $0xffff, v31;
	v22 =	vld [tilespmem:s16+$0x20B0]  }
0x3da: {  	s22 =	sadd.s32 $0x4, s22;
	s23 =	sadd.s32 $0x3, s18;
	v24 =	vadd.s32 v15, v16;
	v16 =	vmov v20;
	[tilespmem:v33+s25+$0x0] =	vst.idx.msk $0xffff, v32;
	v23 =	vld [tilespmem:s16+$0x2030];
	s16 =	smov.u32 s6  }
0x3db: {  	_ =	sdelay $0x1  }
0x3dc: {  	v20 =	vmov s23  }
0x3dd: {  	s30 =	sadd.s32 $0x1, s18;
	s22 =	sadd.s32 $0x100, s6;
	v35 =	vmov s18;
	v20 =	vand.u32 $0x7F, v20  }
0x3de: {  	s31 =	sadd.s32 $0x2, s18;
	[tilespmem:v30+s25+$0x0] =	vst.idx.msk $0xffff, v28;
	v31 =	vmov s30;
	v33 =	vld [tilespmem:s22+$0xC0];
	v28 =	vand.u32 $0x7C, v35;
	v34 =	vadd.s32 v8, v20  }
0x3df: {  	v32 =	vmov s31;
	v57 =	vld [tilespmem:s22+$0x0];
	v31 =	vand.u32 $0x7D, v31;
	v58 =	vadd.s32 v8, v28  }
0x3e0: {  	v36 =	vld [tilespmem:s22+$0x40];
	v32 =	vand.u32 $0x7E, v32;
	v37 =	vadd.s32 v8, v31  }
0x3e1: {  	v55 =	vld [tilespmem:s22+$0x80];
	[tilespmem:v29+s25+$0x0] =	vst.idx.msk $0xffff, v26;
	v56 =	vadd.s32 v8, v32  }
0x3e2: {  	[tilespmem:v27+s25+$0x0] =	vst.idx.msk $0xffff, v25  }
0x3e3: {  	[tilespmem:v34+s25+$0x0] =	vst.idx.msk $0xffff, v33  }
0x3e4: {  	v60 =	vadd.s32 v9, v20;
	[tilespmem:v58+s25+$0x0] =	vst.idx.msk $0xffff, v57;
	v59 =	vld [tilespmem:s22+$0xD0]  }
0x3e5: {  	v38 =	vadd.s32 v9, v28;
	[tilespmem:v37+s25+$0x0] =	vst.idx.msk $0xffff, v36;
	v37 =	vld [tilespmem:s22+$0x10]  }
0x3e6: {  	v62 =	vadd.s32 v9, v31;
	[tilespmem:v56+s25+$0x0] =	vst.idx.msk $0xffff, v55;
	v61 =	vld [tilespmem:s22+$0x50]  }
0x3e7: {  	[tilespmem:v21+s25+$0x0] =	vst.idx.msk $0xffff, v22;
	v36 =	vadd.s32 v9, v32;
	v63 =	vld [tilespmem:s22+$0x90]  }
0x3e8: {  	v39 =	vld [tilespmem:s6+$0x20D0];
	v40 =	vadd.s32 v13, v19;
	[tilespmem:v24+s25+$0x0] =	vst.idx.msk $0xffff, v23  }
0x3e9: {  	v42 =	vadd.s32 v13, v16;
	v41 =	vld [tilespmem:s16+$0x2010];
	[tilespmem:v60+s25+$0x0] =	vst.idx.msk $0xffff, v59  }
0x3ea: {  	v43 =	vadd.s32 v10, v20;
	[tilespmem:v38+s25+$0x0] =	vst.idx.msk $0xffff, v37;
	v25 =	vld [tilespmem:s22+$0xE0]  }
0x3eb: {  	v48 =	vadd.s32 v10, v28;
	[tilespmem:v62+s25+$0x0] =	vst.idx.msk $0xffff, v61;
	v47 =	vld [tilespmem:s22+$0x20]  }
0x3ec: {  	v44 =	vadd.s32 v10, v31;
	[tilespmem:v36+s25+$0x0] =	vst.idx.msk $0xffff, v63;
	v33 =	vld [tilespmem:s22+$0x60]  }
0x3ed: {  	v46 =	vadd.s32 v10, v32;
	[tilespmem:v40+s25+$0x0] =	vst.idx.msk $0xffff, v39;
	v45 =	vld [tilespmem:s22+$0xA0]  }
0x3ee: {  	v52 =	vadd.s32 v13, v18;
	v51 =	vld [tilespmem:s16+$0x2050];
	[tilespmem:v42+s25+$0x0] =	vst.idx.msk $0xffff, v41  }
0x3ef: {  	v50 =	vadd.s32 v14, v19;
	v49 =	vld [tilespmem:s16+$0x20E0];
	[tilespmem:v43+s25+$0x0] =	vst.idx.msk $0xffff, v25  }
0x3f0: {  	v53 =	vadd.s32 v11, v20;
	[tilespmem:v48+s25+$0x0] =	vst.idx.msk $0xffff, v47;
	v25 =	vld [tilespmem:s22+$0xF0]  }
0x3f1: {  	v57 =	vadd.s32 v11, v28;
	[tilespmem:v44+s25+$0x0] =	vst.idx.msk $0xffff, v33;
	v56 =	vld [tilespmem:s22+$0x30]  }
0x3f2: {  	v54 =	vadd.s32 v11, v31;
	[tilespmem:v46+s25+$0x0] =	vst.idx.msk $0xffff, v45;
	v33 =	vld [tilespmem:s22+$0x70]  }
0x3f3: {  	[tilespmem:v52+s25+$0x0] =	vst.idx.msk $0xffff, v51;
	v55 =	vadd.s32 v11, v32;
	v21 =	vld [tilespmem:s22+$0xB0]  }
0x3f4: {  	v40 =	vadd.s32 v14, v18;
	v39 =	vld [tilespmem:s16+$0x2060];
	[tilespmem:v50+s25+$0x0] =	vst.idx.msk $0xffff, v49  }
0x3f5: {  	v60 =	vld [tilespmem:s16+$0x2090];
	v61 =	vadd.s32 v13, v17;
	[tilespmem:v53+s25+$0x0] =	vst.idx.msk $0xffff, v25  }
0x3f6: {  	v62 =	vadd.s32 v12, v20;
	[tilespmem:v57+s25+$0x0] =	vst.idx.msk $0xffff, v56;
	v25 =	vld [tilespmem:s22+$0x20C0]  }
0x3f7: {  	v38 =	vadd.s32 v12, v28;
	[tilespmem:v54+s25+$0x0] =	vst.idx.msk $0xffff, v33;
	v37 =	vld [tilespmem:s22+$0x2000]  }
0x3f8: {  	v63 =	vadd.s32 v12, v31;
	[tilespmem:v55+s25+$0x0] =	vst.idx.msk $0xffff, v21;
	v33 =	vld [tilespmem:s22+$0x2040]  }
0x3f9: {  	[tilespmem:v40+s25+$0x0] =	vst.idx.msk $0xffff, v39;
	v36 =	vadd.s32 v12, v32;
	v21 =	vld [tilespmem:s22+$0x2080]  }
0x3fa: {  	v49 =	vld [tilespmem:s16+$0x2020];
	v50 =	vadd.s32 v14, v16;
	[tilespmem:v61+s25+$0x0] =	vst.idx.msk $0xffff, v60  }
0x3fb: {  	v41 =	vadd.s32 v14, v17;
	v29 =	vld [tilespmem:s16+$0x20A0];
	[tilespmem:v62+s25+$0x0] =	vst.idx.msk $0xffff, v25  }
0x3fc: {  	v42 =	vadd.s32 v13, v20;
	[tilespmem:v38+s25+$0x0] =	vst.idx.msk $0xffff, v37;
	v25 =	vld [tilespmem:s22+$0x20D0]  }
0x3fd: {  	v48 =	vadd.s32 v13, v28;
	[tilespmem:v63+s25+$0x0] =	vst.idx.msk $0xffff, v33;
	v47 =	vld [tilespmem:s22+$0x2010]  }
0x3fe: {  	v44 =	vadd.s32 v13, v31;
	[tilespmem:v36+s25+$0x0] =	vst.idx.msk $0xffff, v21;
	v43 =	vld [tilespmem:s22+$0x2050]  }
0x3ff: {  	[tilespmem:v50+s25+$0x0] =	vst.idx.msk $0xffff, v49;
	v46 =	vadd.s32 v13, v32;
	v45 =	vld [tilespmem:s22+$0x2090]  }
0x400: {  	v58 =	vld [tilespmem:s16+$0x20F0];
	v59 =	vadd.s32 v15, v19;
	[tilespmem:v41+s25+$0x0] =	vst.idx.msk $0xffff, v29  }
0x401: {  	v17 =	vadd.s32 v15, v17;
	v57 =	vld [tilespmem:s16+$0x20B0];
	[tilespmem:v42+s25+$0x0] =	vst.idx.msk $0xffff, v25  }
0x402: {  	v53 =	vadd.s32 v14, v20;
	[tilespmem:v48+s25+$0x0] =	vst.idx.msk $0xffff, v47;
	v25 =	vld [tilespmem:s22+$0x20E0]  }
0x403: {  	v56 =	vadd.s32 v14, v28;
	[tilespmem:v44+s25+$0x0] =	vst.idx.msk $0xffff, v43;
	v24 =	vld [tilespmem:s22+$0x2020]  }
0x404: {  	v54 =	vadd.s32 v14, v31;
	[tilespmem:v46+s25+$0x0] =	vst.idx.msk $0xffff, v45;
	v21 =	vld [tilespmem:s22+$0x2060]  }
0x405: {  	[tilespmem:v59+s25+$0x0] =	vst.idx.msk $0xffff, v58;
	v55 =	vadd.s32 v14, v32;
	v19 =	vld [tilespmem:s22+$0x20A0]  }
0x406: {  	v52 =	vadd.s32 v15, v18;
	v51 =	vld [tilespmem:s16+$0x2070];
	[tilespmem:v17+s25+$0x0] =	vst.idx.msk $0xffff, v57  }
0x407: {  	v16 =	vadd.s32 v15, v16;
	v58 =	vld [tilespmem:s16+$0x2030];
	[tilespmem:v53+s25+$0x0] =	vst.idx.msk $0xffff, v25  }
0x408: {  	v20 =	vadd.s32 v15, v20;
	[tilespmem:v56+s25+$0x0] =	vst.idx.msk $0xffff, v24;
	v25 =	vld [tilespmem:s22+$0x20F0]  }
0x409: {  	v63 =	vadd.s32 v15, v28;
	[tilespmem:v54+s25+$0x0] =	vst.idx.msk $0xffff, v21;
	v17 =	vld [tilespmem:s22+$0x2030]  }
0x40a: {  	v60 =	vadd.s32 v15, v31;
	[tilespmem:v55+s25+$0x0] =	vst.idx.msk $0xffff, v19;
	v59 =	vld [tilespmem:s22+$0x2070]  }
0x40b: {  	[tilespmem:v52+s25+$0x0] =	vst.idx.msk $0xffff, v51;
	v62 =	vadd.s32 v15, v32;
	v61 =	vld [tilespmem:s22+$0x20B0]  }
0x40c: {  	[tilespmem:v16+s25+$0x0] =	vst.idx.msk $0xffff, v58  }
0x40d: {  	[tilespmem:v20+s25+$0x0] =	vst.idx.msk $0xffff, v25  }
0x40e: {  	s22 =	sand.u32 $0x3F00, s11;
	[tilespmem:v63+s25+$0x0] =	vst.idx.msk $0xffff, v17  }
0x40f: {  	s8 =	sand.u32 $0xFFE0000, s8;
	s6 =	sadd.s32 s2, s22;
	[tilespmem:v60+s25+$0x0] =	vst.idx.msk $0xffff, v59  }
0x410: {  	s23 =	simm.s32 $0x16A00;
	s8 =	sadd.s32 s8, s6;
	[tilespmem:v62+s25+$0x0] =	vst.idx.msk $0xffff, v61  }
0x411: {  	[hbm4b:s8+s3] =	stream.linear.scatter [tilespmem:s23], [sflag:$0x6], $0x80, $0x38;
	[tilespmem:$0x1D000] =	vst v63  }
0x412: {  	s24 =	simm.s32 $0x16A88;
	s29 =	sadd.s32 $0x10, s8  }
0x413: {  	[hbm4b:s29+s3] =	stream.linear.scatter [tilespmem:s24], [sflag:$0x6], $0x80, $0x38;
	[tilespmem:$0x1D000] =	vst v63  }
0x414: {  	s30 =	simm.s32 $0x16B10;
	s31 =	sadd.s32 $0x20, s8  }
0x415: {  	[hbm4b:s31+s3] =	stream.linear.scatter [tilespmem:s30], [sflag:$0x6], $0x80, $0x38;
	[tilespmem:$0x1D000] =	vst v63  }
0x416: {  	s16 =	simm.s32 $0x16B98;
	s18 =	sadd.s32 $0x30, s8  }
0x417: {  	[hbm4b:s18+s3] =	stream.linear.scatter [tilespmem:s16], [sflag:$0x6], $0x80, $0x38;
	[tilespmem:$0x1D000] =	vst v63  }
0x418: {  	s22 =	simm.s32 $0x16C20;
	s23 =	sadd.s32 $0x40, s8  }
0x419: {  	[hbm4b:s23+s3] =	stream.linear.scatter [tilespmem:s22], [sflag:$0x6], $0x80, $0x38;
	[tilespmem:$0x1D000] =	vst v63  }
0x41a: {  	s24 =	simm.s32 $0x16CA8;
	s29 =	sadd.s32 $0x50, s8  }
0x41b: {  	[hbm4b:s29+s3] =	stream.linear.scatter [tilespmem:s24], [sflag:$0x6], $0x80, $0x38;
	[tilespmem:$0x1D000] =	vst v63  }
0x41c: {  	s30 =	simm.s32 $0x16D30;
	s31 =	sadd.s32 $0x60, s8  }
0x41d: {  	[hbm4b:s31+s3] =	stream.linear.scatter [tilespmem:s30], [sflag:$0x6], $0x80, $0x38;
	[tilespmem:$0x1D000] =	vst v63  }
0x41e: {  	s16 =	simm.s32 $0x16DB8;
	s18 =	sadd.s32 $0x70, s8  }
0x41f: {  	[hbm4b:s18+s3] =	stream.linear.scatter [tilespmem:s16], [sflag:$0x6], $0x80, $0x38;
	[tilespmem:$0x1D000] =	vst v63  }
0x420: {  	s22 =	simm.s32 $0x17060;
	s23 =	sadd.s32 $0x80, s8  }
0x421: {  	[hbm4b:s23+s3] =	stream.linear.scatter [tilespmem:s22], [sflag:$0x6], $0x80, $0x38;
	[tilespmem:$0x1D000] =	vst v63  }
0x422: {  	s24 =	simm.s32 $0x170E8;
	s29 =	sadd.s32 $0x90, s8  }
0x423: {  	[hbm4b:s29+s3] =	stream.linear.scatter [tilespmem:s24], [sflag:$0x6], $0x80, $0x38;
	[tilespmem:$0x1D000] =	vst v63  }
0x424: {  	s11 =	simm.s32 $0x17418;
	s30 =	simm.s32 $0x17170;
	s31 =	sadd.s32 $0xA0, s8  }
0x425: {  	[hbm4b:s31+s3] =	stream.linear.scatter [tilespmem:s30], [sflag:$0x6], $0x80, $0x38;
	[tilespmem:$0x1D000] =	vst v63  }
0x426: {  	s6 =	simm.s32 $0xCC0;
	s16 =	simm.s32 $0x171F8;
	s18 =	sadd.s32 $0xB0, s8  }
0x427: {  	[hbm4b:s18+s3] =	stream.linear.scatter [tilespmem:s16], [sflag:$0x6], $0x80, $0x38;
	[tilespmem:$0x1D000] =	vst v63  }
0x428: {  	s22 =	simm.s32 $0x17280;
	s23 =	sadd.s32 $0xC0, s8;
	s24 =	simm.s32 $0x17308  }
0x429: {  	[hbm4b:s23+s3] =	stream.linear.scatter [tilespmem:s22], [sflag:$0x6], $0x80, $0x38;
	[tilespmem:$0x1D000] =	vst v63  }
0x42a: {  	s29 =	sadd.s32 $0xD0, s8;
	s30 =	simm.s32 $0x17390;
	s31 =	sadd.s32 $0xE0, s8  }
0x42b: {  	[hbm4b:s29+s3] =	stream.linear.scatter [tilespmem:s24], [sflag:$0x6], $0x80, $0x38;
	[tilespmem:$0x1D000] =	vst v63  }
0x42c: {  	s18 =	simm.s32 $0x6600;
	s22 =	sadd.s32 $0xF0, s8;
	s8 =	sadd.s32 $0x4000, s8  }
0x42d: {  	[hbm4b:s31+s3] =	stream.linear.scatter [tilespmem:s30], [sflag:$0x6], $0x80, $0x38;
	[tilespmem:$0x1D000] =	vst v63  }
.LBB2_17:
0x42e: {  	[hbm4b:s22+s3] =	stream.linear.scatter [tilespmem:s11], [sflag:$0x6], $0x80, $0x38;
	[tilespmem:$0x1D000] =	vst v63  }
0x42f: {  	s11 =	smov.u32 s6;
	s6 =	smov.u32 s18  }
0x430: {  	s16 =	sadd.s32 $0x3300, s18;
	s6 =	sshra.s32 s6, $0x2;
	s22 =	sadd.s32 $0x16A00, s11  }
0x431: {  	[hbm4b:s8+s3] =	stream.linear.scatter [tilespmem:s22], [sflag:$0x6], $0x80, $0x38;
	[tilespmem:$0x1D000] =	vst v63  }
0x432: {  	p0 =	sne.s32 s18, $0x16500;
	s18 =	sadd.s32 $0x16A88, s11;
	s22 =	sadd.s32 $0x10, s8  }
0x433: {  	[hbm4b:s22+s3] =	stream.linear.scatter [tilespmem:s18], [sflag:$0x6], $0x80, $0x38;
	[tilespmem:$0x1D000] =	vst v63  }
0x434: {  	s18 =	sadd.s32 $0x16B10, s11;
	s22 =	sadd.s32 $0x20, s8  }
0x435: {  	[hbm4b:s22+s3] =	stream.linear.scatter [tilespmem:s18], [sflag:$0x6], $0x80, $0x38;
	[tilespmem:$0x1D000] =	vst v63  }
0x436: {  	s18 =	sadd.s32 $0x16B98, s11;
	s22 =	sadd.s32 $0x30, s8  }
0x437: {  	[hbm4b:s22+s3] =	stream.linear.scatter [tilespmem:s18], [sflag:$0x6], $0x80, $0x38;
	[tilespmem:$0x1D000] =	vst v63  }
0x438: {  	s18 =	sadd.s32 $0x16C20, s11;
	s22 =	sadd.s32 $0x40, s8  }
0x439: {  	[hbm4b:s22+s3] =	stream.linear.scatter [tilespmem:s18], [sflag:$0x6], $0x80, $0x38;
	[tilespmem:$0x1D000] =	vst v63  }
0x43a: {  	s18 =	sadd.s32 $0x16CA8, s11;
	s22 =	sadd.s32 $0x50, s8  }
0x43b: {  	[hbm4b:s22+s3] =	stream.linear.scatter [tilespmem:s18], [sflag:$0x6], $0x80, $0x38;
	[tilespmem:$0x1D000] =	vst v63  }
0x43c: {  	s18 =	sadd.s32 $0x16D30, s11;
	s22 =	sadd.s32 $0x60, s8  }
0x43d: {  	[hbm4b:s22+s3] =	stream.linear.scatter [tilespmem:s18], [sflag:$0x6], $0x80, $0x38;
	[tilespmem:$0x1D000] =	vst v63  }
0x43e: {  	s18 =	sadd.s32 $0x16DB8, s11;
	s22 =	sadd.s32 $0x70, s8  }
0x43f: {  	[hbm4b:s22+s3] =	stream.linear.scatter [tilespmem:s18], [sflag:$0x6], $0x80, $0x38;
	[tilespmem:$0x1D000] =	vst v63  }
0x440: {  	s18 =	sadd.s32 $0x17060, s11;
	s22 =	sadd.s32 $0x80, s8  }
0x441: {  	[hbm4b:s22+s3] =	stream.linear.scatter [tilespmem:s18], [sflag:$0x6], $0x80, $0x38;
	[tilespmem:$0x1D000] =	vst v63  }
0x442: {  	s18 =	sadd.s32 $0x170E8, s11;
	s22 =	sadd.s32 $0x90, s8  }
0x443: {  	[hbm4b:s22+s3] =	stream.linear.scatter [tilespmem:s18], [sflag:$0x6], $0x80, $0x38;
	[tilespmem:$0x1D000] =	vst v63  }
0x444: {  	s18 =	sadd.s32 $0x17170, s11;
	s22 =	sadd.s32 $0xA0, s8  }
0x445: {  	[hbm4b:s22+s3] =	stream.linear.scatter [tilespmem:s18], [sflag:$0x6], $0x80, $0x38;
	[tilespmem:$0x1D000] =	vst v63  }
0x446: {  	s18 =	sadd.s32 $0x171F8, s11;
	s22 =	sadd.s32 $0xB0, s8  }
0x447: {  	[hbm4b:s22+s3] =	stream.linear.scatter [tilespmem:s18], [sflag:$0x6], $0x80, $0x38;
	[tilespmem:$0x1D000] =	vst v63  }
0x448: {  	s18 =	sadd.s32 $0x17280, s11;
	s22 =	sadd.s32 $0xC0, s8  }
0x449: {  	[hbm4b:s22+s3] =	stream.linear.scatter [tilespmem:s18], [sflag:$0x6], $0x80, $0x38;
	[tilespmem:$0x1D000] =	vst v63  }
.Ltmp7:
0x44a: {  	s18 =	sadd.s32 $0x17308, s11;
	s22 =	sadd.s32 $0xD0, s8;
	(pc) =	sbr.rel @p0 .LBB2_17-.Ltmp7, $4  }
0x44b: {  	[hbm4b:s22+s3] =	stream.linear.scatter [tilespmem:s18], [sflag:$0x6], $0x80, $0x38;
	[tilespmem:$0x1D000] =	vst v63  }
0x44c: {  	s18 =	sadd.s32 $0x17390, s11;
	s22 =	sadd.s32 $0xE0, s8;
	s11 =	sadd.s32 $0x17418, s11  }
0x44d: {  	[hbm4b:s22+s3] =	stream.linear.scatter [tilespmem:s18], [sflag:$0x6], $0x80, $0x38;
	[tilespmem:$0x1D000] =	vst v63  }
0x44e: {  	s22 =	sadd.s32 $0xF0, s8;
	s8 =	sadd.s32 $0x4000, s8;
	s18 =	smov.u32 s16  }
0x44f: {  	[hbm4b:s22+s3] =	stream.linear.scatter [tilespmem:s11], [sflag:$0x6], $0x80, $0x38;
	[tilespmem:$0x1D000] =	vst v63  }
0x450: {  	s22 =	sadd.s32 $0x16A00, s6  }
0x451: {  	[hbm4b:s8+s3] =	stream.linear.scatter [tilespmem:s22], [sflag:$0x6], $0x80, $0x38;
	[tilespmem:$0x1D000] =	vst v63  }
0x452: {  	s23 =	sadd.s32 $0x16A88, s6;
	s16 =	sadd.s32 $0x10, s8  }
0x453: {  	[hbm4b:s16+s3] =	stream.linear.scatter [tilespmem:s23], [sflag:$0x6], $0x80, $0x38;
	[tilespmem:$0x1D000] =	vst v63  }
0x454: {  	s24 =	sadd.s32 $0x16B10, s6;
	s29 =	sadd.s32 $0x20, s8  }
0x455: {  	[hbm4b:s29+s3] =	stream.linear.scatter [tilespmem:s24], [sflag:$0x6], $0x80, $0x38;
	[tilespmem:$0x1D000] =	vst v63  }
0x456: {  	s30 =	sadd.s32 $0x16B98, s6;
	s31 =	sadd.s32 $0x30, s8  }
0x457: {  	[hbm4b:s31+s3] =	stream.linear.scatter [tilespmem:s30], [sflag:$0x6], $0x80, $0x38;
	[tilespmem:$0x1D000] =	vst v63  }
0x458: {  	s18 =	sadd.s32 $0x40, s8;
	s16 =	sadd.s32 $0x16C20, s6  }
0x459: {  	[hbm4b:s18+s3] =	stream.linear.scatter [tilespmem:s16], [sflag:$0x6], $0x80, $0x38;
	[tilespmem:$0x1D000] =	vst v63  }
0x45a: {  	s22 =	sadd.s32 $0x16CA8, s6;
	s23 =	sadd.s32 $0x50, s8  }
0x45b: {  	[hbm4b:s23+s3] =	stream.linear.scatter [tilespmem:s22], [sflag:$0x6], $0x80, $0x38;
	[tilespmem:$0x1D000] =	vst v63  }
0x45c: {  	s24 =	sadd.s32 $0x16D30, s6;
	s29 =	sadd.s32 $0x60, s8  }
0x45d: {  	[hbm4b:s29+s3] =	stream.linear.scatter [tilespmem:s24], [sflag:$0x6], $0x80, $0x38;
	[tilespmem:$0x1D000] =	vst v63  }
0x45e: {  	s30 =	sadd.s32 $0x16DB8, s6;
	s31 =	sadd.s32 $0x70, s8  }
0x45f: {  	[hbm4b:s31+s3] =	stream.linear.scatter [tilespmem:s30], [sflag:$0x6], $0x80, $0x38;
	[tilespmem:$0x1D000] =	vst v63  }
0x460: {  	s16 =	sadd.s32 $0x17060, s6;
	s18 =	sadd.s32 $0x80, s8  }
0x461: {  	[hbm4b:s18+s3] =	stream.linear.scatter [tilespmem:s16], [sflag:$0x6], $0x80, $0x38;
	[tilespmem:$0x1D000] =	vst v63  }
0x462: {  	s22 =	sadd.s32 $0x170E8, s6;
	s23 =	sadd.s32 $0x90, s8  }
0x463: {  	[hbm4b:s23+s3] =	stream.linear.scatter [tilespmem:s22], [sflag:$0x6], $0x80, $0x38;
	[tilespmem:$0x1D000] =	vst v63  }
0x464: {  	s24 =	sadd.s32 $0x17170, s6;
	s29 =	sadd.s32 $0xA0, s8  }
0x465: {  	[hbm4b:s29+s3] =	stream.linear.scatter [tilespmem:s24], [sflag:$0x6], $0x80, $0x38;
	[tilespmem:$0x1D000] =	vst v63  }
0x466: {  	s30 =	sadd.s32 $0x171F8, s6;
	s31 =	sadd.s32 $0xB0, s8  }
0x467: {  	[hbm4b:s31+s3] =	stream.linear.scatter [tilespmem:s30], [sflag:$0x6], $0x80, $0x38;
	[tilespmem:$0x1D000] =	vst v63  }
0x468: {  	s19 =	sadd.s32 $0x1, s19;
	s16 =	sadd.s32 $0x17280, s6;
	s18 =	sadd.s32 $0xC0, s8  }
0x469: {  	[hbm4b:s18+s3] =	stream.linear.scatter [tilespmem:s16], [sflag:$0x6], $0x80, $0x38;
	[tilespmem:$0x1D000] =	vst v63  }
0x46a: {  	p0 =	sne.s32 s19, $0xA;
	s22 =	sadd.s32 $0x17308, s6;
	s23 =	sadd.s32 $0xD0, s8  }
0x46b: {  	[hbm4b:s23+s3] =	stream.linear.scatter [tilespmem:s22], [sflag:$0x6], $0x80, $0x38;
	[tilespmem:$0x1D000] =	vst v63  }
.Ltmp8:
0x46c: {  	_ = 	snop;
	(pc) =	sbr.rel @p0 .LBB2_2-.Ltmp8, $4  }
0x46d: {  	s24 =	sadd.s32 $0x17390, s6;
	s29 =	sadd.s32 $0xE0, s8  }
0x46e: {  	[hbm4b:s29+s3] =	stream.linear.scatter [tilespmem:s24], [sflag:$0x6], $0x80, $0x38;
	[tilespmem:$0x1D000] =	vst v63  }
0x46f: {  	s30 =	sadd.s32 $0x17418, s6;
	s31 =	sadd.s32 $0xF0, s8  }
0x470: {  	[hbm4b:s31+s3] =	stream.linear.scatter [tilespmem:s30], [sflag:$0x6], $0x80, $0x38;
	[tilespmem:$0x1D000] =	vst v63  }
0x471: {  	_ =	swait.ge [sflag:s0], $0x4000  }
0x472: {  	[sflag:s0] =	ssyncset.done $0x0  }
0x473: {  	[sflag:s0] =	ssyncadd.s32 $0xFFFFC000  }
0x474: {  	_ =	swait.ge [sflag:s17], $0x4000  }
0x475: {  	s8 =	rddreg [dreg:$0x6]  }
0x476: {  	s6 =	rddreg [dreg:$0x5];
	s8 =	sadd.s32 $0x1, s8  }
0x477: {  	p0 =	sne.s32 s8, s6  }
.Ltmp9:
0x478: {  	_ = 	snop;
	(pc) =	sbr.rel @p0 .LBB2_1-.Ltmp9, $3  }
0x479: {  	_ =	sdelay $0x1  }
0x47a: {  	[sflag:s17] =	ssyncset.done $0x0  }
0x47b: {  	[sflag:s17] =	ssyncadd.s32 $0xFFFFC000  }
0x47c: {  	_ =	sfence.sel $0x180000  }
0x47d: {  	[bflag:$0x0] =	sbarrier.arrive $0xFFFF  }
0x47e: {  	_ =	strace $0x9000004A  }
0x47f: {  	s0 =	stileid.u32;
	[bflag:$0x2] =	sbarrier.arrive $0xFFFF  }
0x480: {  	p0 =	sne.s32 s0, $0x0;
	s0 =	rddreg [dreg:$0x2]  }
0x481: {  	s0 =	sadd.s32 @!p0 $0x100000, s0  }
0x482: {  	[sflag:s0] =	ssyncadd.tile.s32 @!p0 $0x1;
	_ =	shalt  }
.Lfunc_end2:
_tile_overlayer_lowered:
.L_overlay_start_2:
0x483: {  	(tag) =	ssettag $0x2  }
0x484: {  	s0 =	rddreg [dreg:$0x0];
	s2 =	stileid.u32  }
0x485: {  	s1 =	rddreg [dreg:$0x1];
	p0 =	sne.s32 s2, $0x0  }
0x486: {  	s3 =	rddreg [dreg:$0x2];
	[bflag:$0x3] =	sbarrier.arrive $0xFFFF;
	s2 =	simm.s32 @!p0 $0x1C07  }
0x487: {  	[timem:s3], [sflag:s2] =	dma.local @!p0 [hbm:s0], s1  }
0x488: {  	s0 =	simm.s32 @!p0 $0x7  }
0x489: {  	_ =	swait.ge @!p0 [sflag:s0], s1  }
0x48a: {  	s1 =	ssub.s32 @!p0 $0x0, s1;
	[sflag:s0] =	ssyncset.done @!p0 $0x0  }
0x48b: {  	[sflag:s0] =	ssyncadd.s32 @!p0 s1  }
0x48c: {  	[bflag:$0x3] =	sbarrier.arrive $0xFFFF  }
0x48d: {  	_ =	shalt  }

// kernel: sparse-core-data-format-call.cloned.1.call-start
scs
called_computation_lowered:
.L_overlay_start_0:
0x0: {  	s2 =	sld [smem:$0x3FD9]  }
0x1: {  	s3 =	sld [smem:$0x3FFE];
	_ =	sdelay $0x1  }
0x2: {  	s1 =	srdreg.scid  }
0x3: {  	s0 =	sand.u32 $0x1, s1  }
0x4: {  	s18 =	sshll.u32 s0, $0xA;
	s2 =	sadd.s32 s3, s2  }
0x5: {  	s2 =	sadd.s32 s2, s18  }
0x6: {  	[smem:$0x3FC6] =	sst s2  }
0x7: {  	_ = 	snop  }
0x8: {  	s2 =	sld [smem:$0x3FC8];
	(tm) =	ssettm $0x1  }
0x9: {  	s19 =	sld [smem:$0x3FFB];
	_ =	sdelay $0x3  }
0xa: {  	_ =	strace s19  }
0xb: {  	s3 =	sld [smem:$0x3FFC];
	_ =	sdelay $0x3  }
0xc: {  	_ =	strace s3  }
0xd: {  	s3 =	sld [smem:$0x3FFD];
	_ =	sdelay $0x3  }
0xe: {  	_ =	strace s3  }
0xf: {  	_ =	strace $0x8FFFFFFF  }
0x10: {  	s20 =	sld [smem:$0x3FDB];
	_ =	sdelay $0x1  }
0x11: {  	s4 =	simm.s32 $_scs_section_size  }
0x12: {  	s5 =	simm.s32 $_size__tile_overlayer_lowered;
	s6 =	simm.s32 $_tile_overlayer_lowered  }
0x13: {  	s23 =	simm.s32 $0x1BFF;
	s22 =	sshll.u32 s6, $0x1;
	s3 =	sadd.s32 s4, s20  }
0x14: {  	s7 =	simm.s32 $0x0;
	s21 =	sshll.u32 s5, $0x1;
	s5 =	sadd.s32 s22, s3  }
0x15: {  	[timem:s7], [sflag:s23] =	dma.local [hbm:s5], s21  }
0x16: {  	_ =	swait.ge [sflag:s23], s21  }
0x17: {  	s4 =	ssub.s32 $0x0, s21;
	[sflag:s23] =	ssyncset.done $0x0  }
0x18: {  	[sflag:s23] =	ssyncadd.s32 s4;
	_ =	sdelay $0x1  }
0x19: {  	s24 =	simm.s32 $0x1B8B  }
0x1a: {  	_ =	swait.ge [sflag:s24], $0x1  }
0x1b: {  	[sflag:s24] =	ssyncset.done $0x0  }
0x1c: {  	s26 =	simm.s32 $0x1B8E;
	s25 =	sld [smem:$0x3FFE];
	[sflag:s24] =	ssyncadd.s32 $0xFFFFFFFF  }
0x1d: {  	s27 =	simm.s32 $execute0_lowered;
	[smem:$0x3FD2] =	sst s26  }
0x1e: {  	s5 =	sshll.u32 s27, $0x1;
	_ =	strace $0x80000046;
	[dreg:$0x1] =	wrdreg $0xFFFFFFFF  }
0x1f: {  	s28 =	simm.s32 $_size_execute0_lowered;
	s3 =	sadd.s32 s3, s5;
	[dreg:$0x0] =	wrdreg $0x0  }
0x20: {  	s5 =	sshll.u32 s28, $0x1;
	[dreg:$0x2] =	wrdreg s3  }
0x21: {  	[dreg:$0x3] =	wrdreg s5  }
0x22: {  	[dreg:$0x4] =	wrdreg $0xC0  }
0x23: {  	_ =	task [dreg:s7], $0x5FFFF  }
0x24: {  	[dreg:$0x1] =	wrdreg $0xFFFFFFFF  }
0x25: {  	[dreg:$0x0] =	wrdreg $0x60  }
0x26: {  	[dreg:$0x2] =	wrdreg s2  }
0x27: {  	[dreg:$0x3] =	wrdreg s25  }
0x28: {  	[dreg:$0x4] =	wrdreg $0x9  }
0x29: {  	_ =	task.clear_ibuf [dreg:s7], $0x5FFFF;
	_ =	strace $0x90000046  }
0x2a: {  	s29 =	simm.s32 $0x9;
	_ =	strace $0x80000048  }
0x2b: {  	_ =	swait.ge [sflag:s29], $0x1  }
0x2c: {  	[sflag:s29] =	ssyncadd.s32 $0xFFFFFFFF  }
0x2d: {  	_ =	strace $0x90000048  }
0x2e: {  	_ =	sfence  }
0x2f: {  	s30 =	sld [smem:$0x0];
	_ =	sdelay $0x2  }
0x30: {  	s31 =	sshll.u32 s1, $0xD;
	s1 =	sshrl.u32 s1, $0x2  }
0x31: {  	s3 =	sand.u32 $0x4000, s31;
	s1 =	sadd.s32 s1, s30  }
0x32: {  	s0 =	sor.u32 s3, s0;
	s1 =	sshll.u32 s1, $0x11  }
0x33: {  	s0 =	sor.u32 s1, s0  }
0x34: {  	s0 =	sadd.s32 $0x8F2B, s0  }
0x35: {  	[sflag:s0] =	ssyncadd.remote.s32 $0x1  }
0x36: {  	_ =	sfence.sel $0xFFFF  }
0x37: {  	[dreg:$0x0] =	wrdreg $0xFFFFFFFF;
	(pc) =	sbr.abs _section_cstart, $3  }
0x38: {  	[dreg:$0x1] =	wrdreg $0xFFFFFFFF  }
0x39: {  	_ =	task.clear_ibuf [dreg:s7], $0x2FFFF;
	_ =	strace $0x9FFFFFFF  }
0x3a: {  	(tm) =	ssettm $0x7FFFFFFF  }
0x3b: {  	_ =	shalt  }
tec
execute0_lowered:
.L_overlay_start_1:
0x0: {  	(tag) =	ssettag $0x1  }
0x1: {  	s0 =	srdreg.scid;
	s2 =	rddreg [dreg:$0x0]  }
0x2: {  	s5 =	rddreg [dreg:$0x1];
	s1 =	stileid.u32  }
0x3: {  	s4 =	simm.s32 $0x1;
	s6 =	simm.s32 $0x2;
	s15 =	simm.s32 $0x0  }
0x4: {  	p0 =	por $0x0, $0x0;
	s8 =	simm.s32 $0x80;
	s0 =	sshll.u32 s0, $0x4  }
0x5: {  	s14 =	simm.s32 $0x0;
	s9 =	simm.s32 $0x0;
	s3 =	sand.u32 $0x10, s0  }
.Ltmp0:
0x6: {  	s10 =	simm.s32 $0x0;
	s3 =	sor.u32 s1, s3;
	(pc) =	sbr.rel .LBB1_1-.Ltmp0, $4  }
0x7: {  	s0 =	rddreg [dreg:$0x2];
	_ =	strace $0x80000047;
	s3 =	sshll.u32 s3, $0x7  }
0x8: {  	s12 =	simm.s32 $0x0;
	[sflag:s4] =	ssyncpa.u1 $0x0;
	s7 =	ssub.s32 $0xF4200, s3  }
0x9: {  	s13 =	simm.s32 $0x0;
	[sflag:s6] =	ssyncpa.u1 $0x0;
	s6 =	sshrl.u32 s7, $0xC  }
0xa: {  	s5 =	sadd.s32 $0xA00, s5;
	s11 =	smov.u32 s3;
	s7 =	sadd.s32 $0x2, s6  }
.LBB1_5:
0xb: {  	p1 =	slt.u32 s13, $0x2  }
0xc: {  	s17 =	smov.u32 s15;
	p2 =	sgt.s32 @!p1 s15, $0xF41C0;
	s16 =	sshra.s32 @!p1 s15, $0x1F  }
0xd: {  	p3 =	sgt.s32 @!p1 s14, $0x40;
	s18 =	sshra.s32 @!p1 s14, $0x1F;
	p2 =	por !p2, p1  }
0xe: {  	s15 =	sand.u32 @!p1 s16, s15;
	p3 =	por !p3, p1;
	s16 =	smov.u32 s14  }
0xf: {  	s14 =	sand.u32 @!p1 s18, s14;
	s17 =	simm.s32 @p2 $0xF41C0;
	s16 =	simm.s32 @p3 $0x40  }
0x10: {  	s15 =	ssub.s32 @!p1 s17, s15;
	s14 =	ssub.s32 @!p1 s16, s14  }
0x11: {  	s18 =	smov.u32 s12;
	s16 =	sadd.s32 @!p1 $0xFFF0BE40, s15;
	s17 =	sadd.s32 @!p1 $0xFFFFFFC0, s14  }
0x12: {  	s15 =	ssub.s32 @!p1 $0xF4240, s15;
	p2 =	sgt.s32 @!p1 s16, $0x7F;
	p3 =	sgt.s32 @!p1 s17, $0x3F  }
0x13: {  	s14 =	ssub.s32 @!p1 $0x80, s14;
	p2 =	por !p2, p1;
	p3 =	por !p3, p1  }
0x14: {  	s16 =	sadd.s32 $0x1000, s11;
	s15 =	simm.s32 @!p2 $0x0;
	s14 =	simm.s32 @!p3 $0x0  }
0x15: {  	p2 =	sgt.s32 s16, $0xF423F;
	s14 =	smul.u32 @!p1 s14, s15;
	s15 =	sadd.s32 $0x40, s12  }
0x16: {  	s18 =	smov.u32 @p2 s15  }
0x17: {  	s16 =	smov.u32 @p2 s3;
	p2 =	sgt.s32 s18, $0x3F  }
0x18: {  	s18 =	simm.s32 @p2 $0x0;
	p2 =	sne.s32 s13, s7  }
.Ltmp1:
0x19: {  	p0 =	por !p0, !p0;
	s17 =	simm.s32 @!p1 $0x2;
	(pc) =	sbr.rel @!p2 .LBB1_6-.Ltmp1, $4  }
0x1a: {  	s15 =	smov.u32 s9;
	s9 =	smov.u32 s11;
	s14 =	sand.u32 @!p1 $0x3FFFFFFF, s14  }
0x1b: {  	s11 =	smov.u32 s16;
	_ =	swait.ge @!p1 [sflag:s17], s14;
	s19 =	ssub.s32 @!p1 $0x0, s14  }
0x1c: {  	s14 =	smov.u32 s10;
	s13 =	sadd.s32 $0x1, s13;
	[sflag:s17] =	ssyncset.done @!p1 $0x0  }
0x1d: {  	s10 =	smov.u32 s12;
	s12 =	smov.u32 s18;
	[sflag:s17] =	ssyncadd.s32 @!p1 s19  }
.LBB1_1:
0x1e: {  	p1 =	sgt.u32 s13, s6  }
0x1f: {  	s16 =	sshrl.u32 @!p1 s12, $0x3  }
0x20: {  	s17 =	sshll.u32 @!p1 s11, $0x3;
	s16 =	smul.u32 @!p1 $0x7A1400, s16  }
0x21: {  	s18 =	sshll.u32 @!p1 s12, $0x7;
	s17 =	sand.u32 @!p1 $0xFFFFFC00, s17  }
0x22: {  	s16 =	sadd.s32 @!p1 s16, s17;
	s17 =	sand.u32 @!p1 $0x380, s18  }
0x23: {  	s18 =	sand.u32 @!p1 $0x7F, s11;
	s16 =	sor.u32 @!p1 s17, s16  }
0x24: {  	s17 =	sor.u32 @!p1 s18, s16  }
0x25: {  	s18 =	smulhi.u32 @!p1 $0x218D6287, s17;
	_ =	sdelay $0x1  }
0x26: {  	s16 =	smulhi.u32 @!p1 $0x218D6287, s16;
	s18 =	sshrl.u32 @!p1 s18, $0x11  }
0x27: {  	s18 =	smul.u32 @!p1 $0xF4280, s18  }
0x28: {  	s19 =	sxor.u32 @!p1 $0xFFFFFFFF, s13;
	s16 =	sshrl.u32 @!p1 s16, $0x11  }
0x29: {  	s19 =	sshll.u32 @!p1 s19, $0xD;
	s16 =	sand.u32 @!p1 $0x3F, s16;
	s17 =	ssub.s32 @!p1 s17, s18  }
0x2a: {  	s16 =	smul.u32 @!p1 $0x1E850, s16;
	s18 =	sshrl.u32 @!p1 s17, $0x3;
	s17 =	sand.u32 @!p1 $0x7, s17  }
0x2b: {  	s19 =	sand.u32 @!p1 $0x2000, s19;
	s18 =	sadd.s32 @!p1 s2, s18;
	s17 =	sshll.u32 @!p1 s17, $0x12  }
0x2c: {  	s16 =	sadd.s32 @!p1 s16, s18;
	s17 =	sor.u32 @!p1 $0x400, s17;
	s18 =	simm.s32 @!p1 $0x7A1400  }
0x2d: {  	[tilespmem:s19], [sflag:$0x1] =	stream.strided.gather @!p1 [hbm4b:s16+s17], $0x2000, s18, s17, $0x38;
	[tilespmem:$0x8100] =	vst v63  }
0x2e: {  	p1 =	seq.s32 s13, $0x0  }
0x2f: {  	p2 =	sge.u32 @!p1 s13, s7  }
0x30: {  	p1 =	por p1, p2  }
.Ltmp2:
0x31: {  	_ = 	snop;
	(pc) =	sbr.rel @p1 .LBB1_5-.Ltmp2, $1  }
0x32: {  	_ =	sdelay $0x3  }
0x33: {  	s16 =	simm.s32 $0x1  }
0x34: {  	_ =	swait.ge [sflag:s4], $0x2000;
	s16 =	simm.s32 @!p0 $0x0  }
0x35: {  	[sflag:s4] =	ssyncset.done $0x0;
	s17 =	sshll.u32 s16, $0xD  }
0x36: {  	[sflag:s4] =	ssyncadd.s32 $0xFFFFE000;
	s17 =	sor.u32 $0x40, s17  }
0x37: {  	s16 =	smul.u32 $0x8200, s16;
	v0 =	vld [tilespmem:s17+$0x30]  }
0x38: {  	v1 =	vld [tilespmem:s17+$0xFFFFFFD0]  }
0x39: {  	s16 =	sshrl.u32 s16, $0x2;
	v5 =	vld [tilespmem:s17+$0xFFFFFFE0]  }
0x3a: {  	v6 =	vld [tilespmem:s17+$0xFFFFFFF0];
	s19 =	sor.u32 $0x4000, s16  }
0x3b: {  	s31 =	sand.u32 $0x1, s13;
	v4 =	vld [tilespmem:s17+$0x0];
	s18 =	sadd.s32 $0x0, s19  }
0x3c: {  	v3 =	vld [tilespmem:s17+$0x10];
	s16 =	smul.u32 $0x8200, s31;
	[tilespmem:s18+$0x1C70 ss:$0x41] =	vst.msk $0xffff, v0  }
0x3d: {  	v2 =	vld [tilespmem:s17+$0x20];
	[tilespmem:s18+$0x410 ss:$0x41] =	vst.msk $0xffff, v1  }
0x3e: {  	s16 =	sshrl.u32 s16, $0x2;
	v1 =	vld [tilespmem:s17+$0xFFFFFFC0];
	[tilespmem:s18+$0x820 ss:$0x41] =	vst.msk $0xffff, v5;
	s17 =	sadd.s32 $0x80, s17  }
0x3f: {  	s20 =	simm.s32 $0x4;
	s21 =	simm.s32 $0x8;
	s16 =	sor.u32 $0x4000, s16;
	[tilespmem:s18+$0xC30 ss:$0x41] =	vst.msk $0xffff, v6;
	v0 =	vld [tilespmem:s17+$0x30]  }
.LBB1_3:
0x40: {  	p1 =	sne.s32 s21, $0xFC;
	v5 =	vld [tilespmem:s17+$0xFFFFFFD0];
	[tilespmem:s18+$0x1040 ss:$0x41] =	vst.msk $0xffff, v4  }
0x41: {  	v6 =	vld [tilespmem:s17+$0xFFFFFFE0];
	[tilespmem:s18+$0x1450 ss:$0x41] =	vst.msk $0xffff, v3  }
0x42: {  	s22 =	sshra.s32 s20, $0x2;
	s20 =	smov.u32 s21;
	v7 =	vld [tilespmem:s17+$0xFFFFFFF0];
	[tilespmem:s18+$0x1860 ss:$0x41] =	vst.msk $0xffff, v2  }
.Ltmp3:
0x43: {  	v4 =	vld [tilespmem:s17+$0x0];
	[tilespmem:s18+$0x0 ss:$0x41] =	vst.msk $0xffff, v1;
	s18 =	sadd.s32 s22, s19;
	(pc) =	sbr.rel @p1 .LBB1_3-.Ltmp3, $4  }
0x44: {  	v3 =	vld [tilespmem:s17+$0x10];
	[tilespmem:s18+$0x1C70 ss:$0x41] =	vst.msk $0xffff, v0  }
0x45: {  	[tilespmem:s18+$0x410 ss:$0x41] =	vst.msk $0xffff, v5;
	v2 =	vld [tilespmem:s17+$0x20]  }
0x46: {  	v1 =	vld [tilespmem:s17+$0xFFFFFFC0];
	[tilespmem:s18+$0x820 ss:$0x41] =	vst.msk $0xffff, v6;
	s17 =	sadd.s32 $0x80, s17  }
0x47: {  	s21 =	sadd.s32 $0x4, s21;
	v0 =	vld [tilespmem:s17+$0x30];
	[tilespmem:s18+$0xC30 ss:$0x41] =	vst.msk $0xffff, v7  }
0x48: {  	s21 =	sshll.u32 s9, $0x7;
	s22 =	sshll.u32 s10, $0x3;
	s20 =	sshra.s32 s20, $0x2  }
0x49: {  	p1 =	sgt.s32 s9, $0xF41C0;
	s30 =	sshra.s32 s9, $0x1F;
	s25 =	sshra.s32 s10, $0x1F  }
0x4a: {  	v5 =	vld [tilespmem:s17+$0xFFFFFFD0];
	s28 =	sshrl.u32 s10, $0x3;
	s23 =	sand.u32 $0xFFFFFC00, s21;
	s22 =	sand.u32 $0xFFFFFC00, s22  }
0x4b: {  	[tilespmem:s18+$0x1040 ss:$0x41] =	vst.msk $0xffff, v4;
	v58 =	vld [tilespmem:s17+$0xFFFFFFE0];
	s21 =	sand.u32 $0x380, s21;
	s19 =	sadd.s32 s20, s19;
	s22 =	sadd.s32 s22, s23  }
0x4c: {  	v59 =	vld [tilespmem:s17+$0xFFFFFFF0];
	[tilespmem:s18+$0x1450 ss:$0x41] =	vst.msk $0xffff, v3;
	s29 =	sor.u32 s21, s22;
	s21 =	smov.u32 s9;
	s22 =	sand.u32 s30, s9  }
0x4d: {  	v60 =	vld [tilespmem:s17+$0x0];
	[tilespmem:s18+$0x1860 ss:$0x41] =	vst.msk $0xffff, v2;
	s30 =	sand.u32 $0x7, s10;
	s20 =	sshrl.u32 s29, $0x7;
	s21 =	simm.s32 @!p1 $0xF41C0  }
0x4e: {  	v61 =	vld [tilespmem:s17+$0x10];
	[tilespmem:s18+$0x0 ss:$0x41] =	vst.msk $0xffff, v1;
	p1 =	sgt.s32 s10, $0x40;
	s24 =	ssub.s32 s21, s22;
	s21 =	smov.u32 s10  }
0x4f: {  	v62 =	vld [tilespmem:s17+$0x20];
	[tilespmem:s19+$0x1C70 ss:$0x41] =	vst.msk $0xffff, v0;
	s31 =	smulhi.u32 $0x218DEF5, s20;
	s22 =	sand.u32 s25, s10;
	s21 =	simm.s32 @!p1 $0x40  }
0x50: {  	v63 =	vld [tilespmem:s17+$0xFFFFFFC0];
	[tilespmem:s19+$0x410 ss:$0x41] =	vst.msk $0xffff, v5;
	s26 =	sadd.s32 $0xFFF0BE40, s24;
	s17 =	ssub.s32 $0xF4240, s24;
	s21 =	ssub.s32 s21, s22  }
0x51: {  	[tilespmem:s19+$0x820 ss:$0x41] =	vst.msk $0xffff, v58;
	s23 =	sshrl.u32 s31, $0xD;
	p1 =	sgt.s32 s26, $0x7F;
	s27 =	sadd.s32 $0xFFFFFFC0, s21  }
0x52: {  	[tilespmem:s19+$0xC30 ss:$0x41] =	vst.msk $0xffff, v59;
	s23 =	smul.u32 $0xF4240, s23;
	s18 =	ssub.s32 $0x80, s21;
	p2 =	sgt.s32 s27, $0x3F  }
.Ltmp4:
0x53: {  	[tilespmem:s19+$0x1040 ss:$0x41] =	vst.msk $0xffff, v60;
	s17 =	simm.s32 @p1 $0x0;
	s18 =	simm.s32 @p2 $0x0;
	(pc) =	sbr.rel .LBB1_5-.Ltmp4, $4  }
0x54: {  	s29 =	sand.u32 $0xF, s28;
	[tilespmem:s19+$0x1450 ss:$0x41] =	vst.msk $0xffff, v61;
	s20 =	ssub.s32 s20, s23;
	s17 =	smul.u32 s18, s17  }
0x55: {  	[tilespmem:s19+$0x1860 ss:$0x41] =	vst.msk $0xffff, v62;
	s21 =	sshll.u32 s30, $0x12;
	s20 =	sshll.u32 s20, $0x4;
	s18 =	sadd.s32 s5, s29  }
0x56: {  	[tilespmem:s19+$0x0 ss:$0x41] =	vst.msk $0xffff, v63;
	s31 =	sor.u32 $0x40, s21;
	s18 =	sadd.s32 s20, s18;
	s17 =	sand.u32 $0x3FFFFFFF, s17  }
0x57: {  	[hbm4b:s18+s31] =	stream.strided.scatter [tilespmem:s16], [sflag:$0x2], s17, s8, s31, $0x18;
	[tilespmem:$0x8100] =	vst v63  }
.LBB1_6:
0x58: {  	_ =	sfence.sel $0x180000  }
0x59: {  	s2 =	simm.s32 $0x1;
	[bflag:$0x0] =	sbarrier.arrive $0xFFFF  }
0x5a: {  	s31 =	simm.s32 $0x2;
	[sflag:s2] =	ssyncpa.u1 $0x1  }
0x5b: {  	[sflag:s31] =	ssyncpa.u1 $0x1  }
0x5c: {  	p0 =	sne.s32 s1, $0x0;
	_ =	strace $0x90000047  }
0x5d: {  	s0 =	sadd.s32 @!p0 $0x100000, s0;
	[bflag:$0x2] =	sbarrier.arrive $0xFFFF  }
0x5e: {  	[sflag:s0] =	ssyncadd.tile.s32 @!p0 $0x1;
	_ =	shalt  }
.Lfunc_end1:
_tile_overlayer_lowered:
.L_overlay_start_2:
0x5f: {  	(tag) =	ssettag $0x2  }
0x60: {  	s0 =	rddreg [dreg:$0x0];
	s2 =	stileid.u32  }
0x61: {  	s1 =	rddreg [dreg:$0x1];
	p0 =	sne.s32 s2, $0x0  }
0x62: {  	s3 =	rddreg [dreg:$0x2];
	[bflag:$0x3] =	sbarrier.arrive $0xFFFF;
	s2 =	simm.s32 @!p0 $0x1C01  }
0x63: {  	[timem:s3], [sflag:s2] =	dma.local @!p0 [hbm:s0], s1  }
0x64: {  	s0 =	simm.s32 @!p0 $0x1  }
0x65: {  	_ =	swait.ge @!p0 [sflag:s0], s1  }
0x66: {  	s1 =	ssub.s32 @!p0 $0x0, s1;
	[sflag:s0] =	ssyncset.done @!p0 $0x0  }
0x67: {  	[sflag:s0] =	ssyncadd.s32 @!p0 s1  }
0x68: {  	[bflag:$0x3] =	sbarrier.arrive $0xFFFF  }
0x69: {  	_ =	shalt  }

</sc_bundles>
